<compile_context>
chip_gen: v7x
topology: tpu7x:2x2x1
jax: 0.10.2.dev20260603
libtpu: 0.0.44.dev20260713+nightly
codegen_flags: <defaults>
</compile_context>

<pallas_src>
import functools

import jax
import jax.numpy as jnp
from jax import lax
from jax.experimental import pallas as pl
from jax.experimental.pallas import tpu as pltpu
from jax.experimental.pallas import tpu_sc as plsc

_VOCAB = 1000000
_DIM = 32
_BATCH = 4096
_NNZ = 204800

_NW = 32
_SEG_PER_W = _BATCH // _NW
_CHUNK = 1024
_SUB = 128
_ACC_ROWS = _SEG_PER_W + 2

_NCOL = 7813
_BB = 1344
_GB = 6
_NCOLP = _GB * _BB
_VPAD = _NCOL * 128



def _detile_body(in_ref, out_ref):
    x = in_ref[...]
    out_ref[...] = jnp.concatenate(
        [x[:, 128 * j:128 * (j + 1)] for j in range(_BB)], axis=0)


def _detile(params):
    return pl.pallas_call(
        _detile_body,
        grid=(4, _GB),
        in_specs=[pl.BlockSpec((8, _BB * 128), lambda a, g: (a, g))],
        out_specs=pl.BlockSpec((_BB * 8, 128), lambda a, g: (a * _GB + g, 0)),
        out_shape=jax.ShapeDtypeStruct((_NCOLP * 4 * 8, 128), jnp.float32),
    )(params.T)



def _shuffle_body(ts_hbm, out_hbm, tile_ref, row_ref, isem, osem):
    wid = lax.axis_index("c") * 16 + lax.axis_index("s")
    nblk = jnp.where(wid < _NCOL - 244 * _NW, 245, 244)
    lane = lax.broadcasted_iota(jnp.int32, (16,), 0)

    def fire_in(k, buf):
        b = wid + k * _NW
        for a in range(4):
            pltpu.make_async_copy(
                ts_hbm.at[pl.ds(pl.multiple_of((a * _NCOLP + b) * 8, 8), 8),
                          :],
                tile_ref.at[buf, pl.ds(8 * a, 8), pl.ds(0, 128)],
                isem).start()

    @pl.when(nblk > 0)
    def _():
        fire_in(0, 0)

    def block(k, _):
        b = wid + k * _NW
        buf = k % 2

        @pl.when(k + 1 < nblk)
        def _():
            fire_in(k + 1, 1 - buf)

        for a in range(4):
            pltpu.make_async_copy(
                ts_hbm.at[pl.ds(pl.multiple_of((a * _NCOLP + b) * 8, 8), 8),
                          :],
                tile_ref.at[buf, pl.ds(8 * a, 8), pl.ds(0, 128)],
                isem).wait()

        @pl.when(k >= 2)
        def _():
            b2 = wid + (k - 2) * _NW
            pltpu.make_async_copy(
                row_ref.at[buf],
                out_hbm.at[pl.ds(b2 * 128 * _DIM, 128 * _DIM)], osem).wait()

        def vgroup(g, _):
            for h in range(2):
                vs = [g * 16 + h * 8 + jj for jj in range(8)]
                los = [plsc.load_gather(
                    tile_ref.at[buf], [lane, jnp.full((16,), v, jnp.int32)])
                    for v in vs]
                his = [plsc.load_gather(
                    tile_ref.at[buf],
                    [lane + 16, jnp.full((16,), v, jnp.int32)])
                    for v in vs]
                for jj, v in enumerate(vs):
                    row_ref[buf, pl.ds(v * _DIM, 16)] = los[jj]
                    row_ref[buf, pl.ds(v * _DIM + 16, 16)] = his[jj]
            return 0

        lax.fori_loop(0, 8, vgroup, 0)
        pltpu.make_async_copy(
            row_ref.at[buf],
            out_hbm.at[pl.ds(b * 128 * _DIM, 128 * _DIM)], osem).start()
        return 0

    lax.fori_loop(0, nblk, block, 0)

    def drain(k, _):
        @pl.when(k >= jnp.maximum(nblk - 2, 0))
        def _():
            b2 = wid + k * _NW
            pltpu.make_async_copy(
                row_ref.at[k % 2],
                out_hbm.at[pl.ds(b2 * 128 * _DIM, 128 * _DIM)], osem).wait()
        return 0

    lax.fori_loop(0, nblk, drain, 0)


def _shuffle(ts):
    k = functools.partial(
        pl.kernel,
        out_type=jax.ShapeDtypeStruct((_VPAD * _DIM,), jnp.float32),
        mesh=plsc.VectorSubcoreMesh(core_axis_name="c", subcore_axis_name="s"),
        compiler_params=pltpu.CompilerParams(use_tc_tiling_on_sc=False,
                                             needs_layout_passes=False),
        scratch_types=[
            pltpu.VMEM((2, 32, 129), jnp.float32),
            pltpu.VMEM((2, 128 * _DIM), jnp.float32),
            pltpu.SemaphoreType.DMA,
            pltpu.SemaphoreType.DMA,
        ],
    )(_shuffle_body)
    return k(ts)


@jax.jit
def _relayout(params):
    return _shuffle(_detile(params))



def _sel16(v, k):
    s = v[0]
    for j in range(1, 16):
        s = jnp.where(k == j, v[j], s)
    return s


def _lower_bound(seg_hbm, probe_ref, target):

    def body(_, carry):
        lo, hi = carry
        m = (lo + hi) // 2
        m8 = pl.multiple_of(jnp.minimum(m & ~7, _NNZ - 16), 8)
        pltpu.sync_copy(seg_hbm.at[pl.ds(m8, 16)], probe_ref)
        v = _sel16(probe_ref[pl.ds(0, 16)], m - m8)
        lt = v < target
        lo = jnp.where(lt, m + 1, lo)
        hi = jnp.where(lt, hi, m)
        return lo, hi

    lo, _ = lax.fori_loop(0, 18, body, (jnp.int32(0), jnp.int32(_NNZ)))
    return lo


def _gather_body(ids_hbm, seg_hbm, table_hbm, out_hbm,
                 probe_ref, idx_ref, segv_ref, rows_ref,
                 acc_ref, cnt_ref, sem):
    wid = lax.axis_index("c") * 16 + lax.axis_index("s")
    seg_base = wid * _SEG_PER_W
    lane = lax.broadcasted_iota(jnp.int32, (16,), 0)

    def zero_acc(k, _):
        acc_ref[pl.ds(k * 16, 16)] = jnp.zeros((16,), jnp.float32)
        return 0

    lax.fori_loop(0, (_ACC_ROWS * _DIM) // 16, zero_acc, 0)

    def zero_cnt(k, _):
        cnt_ref[k] = 0.0
        return 0

    lax.fori_loop(0, _ACC_ROWS, zero_cnt, 0)

    start = _lower_bound(seg_hbm, probe_ref, seg_base)
    end = _lower_bound(seg_hbm, probe_ref, seg_base + _SEG_PER_W)

    a0 = start & ~7
    e8 = (end + 7) & ~7
    nchunks = (e8 - a0 + _CHUNK - 1) // _CHUNK

    def chunk_body(t, _):
        logical = a0 + t * _CHUNK
        p = pl.multiple_of(
            jnp.minimum(logical, _NNZ - _CHUNK), 8)
        d = logical - p
        m = jnp.minimum(_CHUNK, e8 - logical)

        pltpu.sync_copy(ids_hbm.at[pl.ds(p, _CHUNK)], idx_ref)
        pltpu.sync_copy(seg_hbm.at[pl.ds(p, _CHUNK)], segv_ref)

        copies = []
        for j in range(_CHUNK // _SUB):
            copies.append(pltpu.make_async_copy(
                table_hbm.at[idx_ref.at[pl.ds(j * _SUB, _SUB)]],
                rows_ref.at[pl.ds(j * _SUB, _SUB), :],
                sem,
            ))
        for c in copies:
            c.start()
        for c in copies:
            c.wait()

        def accum(g, _):
            base = pl.multiple_of(g * 16, 16)
            sv = segv_ref[pl.ds(base, 16)]
            pos = base + lane
            ok = (pos >= d) & (pos < d + m)
            rv = jnp.clip(jnp.where(ok, sv - seg_base, -1), -1, _SEG_PER_W) + 1
            offv = rv * _DIM
            for j in range(16):
                off = offv[j]
                acc_ref[pl.ds(off, 16)] = (
                    acc_ref[pl.ds(off, 16)] + rows_ref[base + j, pl.ds(0, 16)])
                acc_ref[pl.ds(off + 16, 16)] = (
                    acc_ref[pl.ds(off + 16, 16)]
                    + rows_ref[base + j, pl.ds(16, 16)])
                r = rv[j]
                cnt_ref[r] = cnt_ref[r] + 1.0
            return 0

        lax.fori_loop(d // 16, (d + m + 15) // 16, accum, 0)
        return 0

    lax.fori_loop(0, nchunks, chunk_body, 0)

    def finalize(r, _):
        c = cnt_ref[r + 1]
        denom = jnp.maximum(jnp.full((16,), c, jnp.float32), 1.0)
        off = (r + 1) * _DIM
        acc_ref[pl.ds(off, 16)] = acc_ref[pl.ds(off, 16)] / denom
        acc_ref[pl.ds(off + 16, 16)] = acc_ref[pl.ds(off + 16, 16)] / denom
        return 0

    lax.fori_loop(0, _SEG_PER_W, finalize, 0)

    pltpu.sync_copy(acc_ref.at[pl.ds(_DIM, _SEG_PER_W * _DIM)],
                    out_hbm.at[pl.ds(seg_base * _DIM, _SEG_PER_W * _DIM)])


@jax.jit
def _run(ids, segment_ids, params):
    table = _relayout(params)
    k = functools.partial(
        pl.kernel,
        out_type=jax.ShapeDtypeStruct((_BATCH * _DIM,), jnp.float32),
        mesh=plsc.VectorSubcoreMesh(core_axis_name="c", subcore_axis_name="s"),
        compiler_params=pltpu.CompilerParams(use_tc_tiling_on_sc=False),
        scratch_types=[
            pltpu.VMEM((16,), jnp.int32),
            pltpu.VMEM((_CHUNK,), jnp.int32),
            pltpu.VMEM((_CHUNK,), jnp.int32),
            pltpu.VMEM((_CHUNK, _DIM), jnp.float32),
            pltpu.VMEM((_ACC_ROWS * _DIM,), jnp.float32),
            pltpu.SMEM((_ACC_ROWS,), jnp.float32),
            pltpu.SemaphoreType.DMA,
        ],
    )(_gather_body)
    out = k(ids, segment_ids, table.reshape(_VPAD, _DIM))
    return out.reshape(_BATCH, _DIM)


def kernel(ids, segment_ids, params):
    return _run(ids, segment_ids, params)

# --- scband reference (transcript-rebuilt; emitter-appended) ---
"""Pipeline reference for scband-tfsparse-embedding-76828374991706 (READ-ONLY COPY).

The authoritative reference and input builder live on the scoring server;
editing this copy changes nothing except your own understanding.
"""

import jax, jax.numpy as jnp
import numpy as np

VOCAB = 1000000
EMBED_DIM = 32
BATCH = 4096
TOTAL_NNZ = 204800


def setup_inputs(seed: int = 0) -> dict:
    key = jax.random.key(seed)
    k1, k2, k3 = jax.random.split(key, 3)
    # sparse ids: values of the SparseTensor (flattened), in-range for the table
    ids = jax.random.randint(k1, (TOTAL_NNZ,), 0, VOCAB, dtype=jnp.int32)
    # row indices of the SparseTensor (segment ids per value), sorted as TF requires
    segment_ids = jnp.sort(jax.random.randint(k2, (TOTAL_NNZ,), 0, BATCH, dtype=jnp.int32))
    # learned parameter: the embedding table (concat of init_tensors)
    params = jax.random.normal(k3, (VOCAB, EMBED_DIM), dtype=jnp.float32) * 0.05
    return {"ids": ids, "segment_ids": segment_ids, "params": params}


def reference(ids, segment_ids, params):
    # tf.nn.embedding_lookup_sparse(params, sp_ids, sp_weights=None, combiner='mean')
    # == gather rows, then per-row mean over the ids present in that row.
    gathered = jnp.take(params, ids, axis=0)  # [nnz, d]
    sums = jax.ops.segment_sum(gathered, segment_ids, num_segments=BATCH)  # [B, d]
    counts = jax.ops.segment_sum(
        jnp.ones((ids.shape[0], 1), dtype=params.dtype), segment_ids, num_segments=BATCH
    )  # [B, 1]
    out = sums / jnp.maximum(counts, 1.0)
    return out.astype(jnp.float32)

if __name__ == "__main__":
    import jax
    _d = setup_inputs()
    print(jax.jit(kernel)(*tuple(_d.values())))

</pallas_src>

<mosaic_0001>
#map = affine_map<(d0, d1) -> (0, 0)>
#map1 = affine_map<(d0, d1) -> (0)>
module attributes {stable_mosaic.version = 14 : i64} {
  func.func @_shuffle_body(%arg0: i32, %arg1: i32, %arg2: memref<258048x128xf32, #tpu.memory_space<hbm>>, %arg3: memref<32002048xf32, #tpu.memory_space<hbm>>, %arg4: memref<2x32x129xf32, #tpu.memory_space<vmem>>, %arg5: memref<2x4096xf32, #tpu.memory_space<vmem>>, %arg6: memref<!tpu.dma_semaphore, #tpu.memory_space<semaphore_mem>>, %arg7: memref<!tpu.dma_semaphore, #tpu.memory_space<semaphore_mem>>) attributes {dimension_semantics = [#tpu.dimension_semantics<core_parallel>, #tpu.dimension_semantics<subcore_parallel>], iteration_bounds = array<i64: 2, 16>, scalar_prefetch = 0 : i64, scratch_operands = 4 : i64, tpu.core_type = #tpu.core_type<sc_vector_subcore>, window_params = [{transform_indices = #map}, {transform_indices = #map1}]} {
    %mul3A = arith.constant 16 : i32
    %mul3A_0 = arith.muli %arg0, %mul3A : i32
    %add3A = arith.addi %mul3A_0, %arg1 : i32
    %lt3A = arith.constant 5 : i32
    %lt3A_1 = arith.cmpi slt, %add3A, %lt3A : i32
    %jit3A = arith.constant 245 : i32
    %jit3A_2 = arith.constant 244 : i32
    %select_n3A = arith.select %lt3A_1, %jit3A, %jit3A_2 : i32
    %iota3A = tpu.iota {dimensions = array<i32: 0>} : vector<16xi32>
    %gt3A = arith.constant 0 : i32
    %gt3A_3 = arith.cmpi sgt, %select_n3A, %gt3A : i32
    %convert_element_type3A = arith.extui %gt3A_3 : i1 to i32
    %cond3A = arith.constant 0 : i32
    %cond3A_4 = arith.cmpi ne, %convert_element_type3A, %cond3A : i32
    scf.if %cond3A_4 {
      %add3A_28 = arith.constant 0 : i32
      %add3A_29 = arith.addi %add3A, %add3A_28 : i32
      %add3A_30 = arith.constant 0 : i32
      %add3A_31 = arith.addi %add3A_30, %add3A_29 : i32
      %mul3A_32 = arith.constant 8 : i32
      %mul3A_33 = arith.muli %add3A_31, %mul3A_32 : i32
      %multiple_of3A = tpu.assume_multiple %mul3A_33, 8 : i32
      %dma_start3A = arith.constant 0 : i32
      %dma_start3A_34 = arith.constant 0 : i32
      %dma_start3A_35 = arith.constant 0 : i32
      %dma_start3A_36 = tpu.memref_slice %arg4[%dma_start3A, %dma_start3A_34, %dma_start3A_35] : memref<2x32x129xf32, #tpu.memory_space<vmem>> -> memref<1x8x128xf32, #tpu.memory_space<vmem>>
      %dma_start3A_37 = tpu.memref_squeeze %dma_start3A_36 : memref<1x8x128xf32, #tpu.memory_space<vmem>> -> memref<8x128xf32, #tpu.memory_space<vmem>>
      %dma_start3A_38 = arith.constant 0 : i32
      %dma_start3A_39 = tpu.memref_slice %arg2[%multiple_of3A, %dma_start3A_38] : memref<258048x128xf32, #tpu.memory_space<hbm>> -> memref<8x128xf32, #tpu.memory_space<hbm>>
      %dma_start3A_40 = arith.constant 0 : i32
      %dma_start3A_41 = arith.constant 0 : i32
      %dma_start3A_42 = tpu.memref_slice %arg4[%dma_start3A, %dma_start3A_40, %dma_start3A_41] : memref<2x32x129xf32, #tpu.memory_space<vmem>> -> memref<1x8x128xf32, #tpu.memory_space<vmem>>
      %dma_start3A_43 = tpu.memref_squeeze %dma_start3A_42 : memref<1x8x128xf32, #tpu.memory_space<vmem>> -> memref<8x128xf32, #tpu.memory_space<vmem>>
      %dma_start3A_44 = arith.constant 0 : i32
      %dma_start3A_45 = tpu.memref_slice %arg2[%multiple_of3A, %dma_start3A_44] : memref<258048x128xf32, #tpu.memory_space<hbm>> -> memref<8x128xf32, #tpu.memory_space<hbm>>
      tpu.enqueue_dma source(%dma_start3A_45 : memref<8x128xf32, #tpu.memory_space<hbm>>) target(%dma_start3A_43 : memref<8x128xf32, #tpu.memory_space<vmem>>) target_semaphore(%arg6 : memref<!tpu.dma_semaphore, #tpu.memory_space<semaphore_mem>>)
      %add3A_46 = arith.constant 8064 : i32
      %add3A_47 = arith.addi %add3A_46, %add3A_29 : i32
      %mul3A_48 = arith.constant 8 : i32
      %mul3A_49 = arith.muli %add3A_47, %mul3A_48 : i32
      %multiple_of3A_50 = tpu.assume_multiple %mul3A_49, 8 : i32
      %dma_start3A_51 = arith.constant 0 : i32
      %dma_start3A_52 = arith.constant 8 : i32
      %dma_start3A_53 = arith.constant 0 : i32
      %dma_start3A_54 = tpu.memref_slice %arg4[%dma_start3A_51, %dma_start3A_52, %dma_start3A_53] : memref<2x32x129xf32, #tpu.memory_space<vmem>> -> memref<1x8x128xf32, #tpu.memory_space<vmem>>
      %dma_start3A_55 = tpu.memref_squeeze %dma_start3A_54 : memref<1x8x128xf32, #tpu.memory_space<vmem>> -> memref<8x128xf32, #tpu.memory_space<vmem>>
      %dma_start3A_56 = arith.constant 0 : i32
      %dma_start3A_57 = tpu.memref_slice %arg2[%multiple_of3A_50, %dma_start3A_56] : memref<258048x128xf32, #tpu.memory_space<hbm>> -> memref<8x128xf32, #tpu.memory_space<hbm>>
      %dma_start3A_58 = arith.constant 8 : i32
      %dma_start3A_59 = arith.constant 0 : i32
      %dma_start3A_60 = tpu.memref_slice %arg4[%dma_start3A_51, %dma_start3A_58, %dma_start3A_59] : memref<2x32x129xf32, #tpu.memory_space<vmem>> -> memref<1x8x128xf32, #tpu.memory_space<vmem>>
      %dma_start3A_61 = tpu.memref_squeeze %dma_start3A_60 : memref<1x8x128xf32, #tpu.memory_space<vmem>> -> memref<8x128xf32, #tpu.memory_space<vmem>>
      %dma_start3A_62 = arith.constant 0 : i32
      %dma_start3A_63 = tpu.memref_slice %arg2[%multiple_of3A_50, %dma_start3A_62] : memref<258048x128xf32, #tpu.memory_space<hbm>> -> memref<8x128xf32, #tpu.memory_space<hbm>>
      tpu.enqueue_dma source(%dma_start3A_63 : memref<8x128xf32, #tpu.memory_space<hbm>>) target(%dma_start3A_61 : memref<8x128xf32, #tpu.memory_space<vmem>>) target_semaphore(%arg6 : memref<!tpu.dma_semaphore, #tpu.memory_space<semaphore_mem>>)
      %add3A_64 = arith.constant 16128 : i32
      %add3A_65 = arith.addi %add3A_64, %add3A_29 : i32
      %mul3A_66 = arith.constant 8 : i32
      %mul3A_67 = arith.muli %add3A_65, %mul3A_66 : i32
      %multiple_of3A_68 = tpu.assume_multiple %mul3A_67, 8 : i32
      %dma_start3A_69 = arith.constant 0 : i32
      %dma_start3A_70 = arith.constant 16 : i32
      %dma_start3A_71 = arith.constant 0 : i32
      %dma_start3A_72 = tpu.memref_slice %arg4[%dma_start3A_69, %dma_start3A_70, %dma_start3A_71] : memref<2x32x129xf32, #tpu.memory_space<vmem>> -> memref<1x8x128xf32, #tpu.memory_space<vmem>>
      %dma_start3A_73 = tpu.memref_squeeze %dma_start3A_72 : memref<1x8x128xf32, #tpu.memory_space<vmem>> -> memref<8x128xf32, #tpu.memory_space<vmem>>
      %dma_start3A_74 = arith.constant 0 : i32
      %dma_start3A_75 = tpu.memref_slice %arg2[%multiple_of3A_68, %dma_start3A_74] : memref<258048x128xf32, #tpu.memory_space<hbm>> -> memref<8x128xf32, #tpu.memory_space<hbm>>
      %dma_start3A_76 = arith.constant 16 : i32
      %dma_start3A_77 = arith.constant 0 : i32
      %dma_start3A_78 = tpu.memref_slice %arg4[%dma_start3A_69, %dma_start3A_76, %dma_start3A_77] : memref<2x32x129xf32, #tpu.memory_space<vmem>> -> memref<1x8x128xf32, #tpu.memory_space<vmem>>
      %dma_start3A_79 = tpu.memref_squeeze %dma_start3A_78 : memref<1x8x128xf32, #tpu.memory_space<vmem>> -> memref<8x128xf32, #tpu.memory_space<vmem>>
      %dma_start3A_80 = arith.constant 0 : i32
      %dma_start3A_81 = tpu.memref_slice %arg2[%multiple_of3A_68, %dma_start3A_80] : memref<258048x128xf32, #tpu.memory_space<hbm>> -> memref<8x128xf32, #tpu.memory_space<hbm>>
      tpu.enqueue_dma source(%dma_start3A_81 : memref<8x128xf32, #tpu.memory_space<hbm>>) target(%dma_start3A_79 : memref<8x128xf32, #tpu.memory_space<vmem>>) target_semaphore(%arg6 : memref<!tpu.dma_semaphore, #tpu.memory_space<semaphore_mem>>)
      %add3A_82 = arith.constant 24192 : i32
      %add3A_83 = arith.addi %add3A_82, %add3A_29 : i32
      %mul3A_84 = arith.constant 8 : i32
      %mul3A_85 = arith.muli %add3A_83, %mul3A_84 : i32
      %multiple_of3A_86 = tpu.assume_multiple %mul3A_85, 8 : i32
      %dma_start3A_87 = arith.constant 0 : i32
      %dma_start3A_88 = arith.constant 24 : i32
      %dma_start3A_89 = arith.constant 0 : i32
      %dma_start3A_90 = tpu.memref_slice %arg4[%dma_start3A_87, %dma_start3A_88, %dma_start3A_89] : memref<2x32x129xf32, #tpu.memory_space<vmem>> -> memref<1x8x128xf32, #tpu.memory_space<vmem>>
      %dma_start3A_91 = tpu.memref_squeeze %dma_start3A_90 : memref<1x8x128xf32, #tpu.memory_space<vmem>> -> memref<8x128xf32, #tpu.memory_space<vmem>>
      %dma_start3A_92 = arith.constant 0 : i32
      %dma_start3A_93 = tpu.memref_slice %arg2[%multiple_of3A_86, %dma_start3A_92] : memref<258048x128xf32, #tpu.memory_space<hbm>> -> memref<8x128xf32, #tpu.memory_space<hbm>>
      %dma_start3A_94 = arith.constant 24 : i32
      %dma_start3A_95 = arith.constant 0 : i32
      %dma_start3A_96 = tpu.memref_slice %arg4[%dma_start3A_87, %dma_start3A_94, %dma_start3A_95] : memref<2x32x129xf32, #tpu.memory_space<vmem>> -> memref<1x8x128xf32, #tpu.memory_space<vmem>>
      %dma_start3A_97 = tpu.memref_squeeze %dma_start3A_96 : memref<1x8x128xf32, #tpu.memory_space<vmem>> -> memref<8x128xf32, #tpu.memory_space<vmem>>
      %dma_start3A_98 = arith.constant 0 : i32
      %dma_start3A_99 = tpu.memref_slice %arg2[%multiple_of3A_86, %dma_start3A_98] : memref<258048x128xf32, #tpu.memory_space<hbm>> -> memref<8x128xf32, #tpu.memory_space<hbm>>
      tpu.enqueue_dma source(%dma_start3A_99 : memref<8x128xf32, #tpu.memory_space<hbm>>) target(%dma_start3A_97 : memref<8x128xf32, #tpu.memory_space<vmem>>) target_semaphore(%arg6 : memref<!tpu.dma_semaphore, #tpu.memory_space<semaphore_mem>>)
    } else {
    }
    %while3A = arith.constant 0 : i32
    %while3A_5 = arith.constant 0 : i32
    %while3A_6 = arith.subi %select_n3A, %while3A : i32
    %while3A_7 = arith.addi %while3A, %while3A_6 : i32
    %while3A_8 = arith.constant 1 : i32
    %while3A_9 = arith.divsi %while3A_6, %while3A_8 : i32
    %while3A_10 = arith.muli %while3A_9, %while3A_8 : i32
    %while3A_11 = arith.addi %while3A, %while3A_10 : i32
    %while3A_12 = arith.constant 1 : i32
    %while3A_13 = scf.for %while3A_28 = %while3A to %while3A_11 step %while3A_12 iter_args(%while3A_29 = %while3A_5) -> (i32)  : i32 {
      %mul3A_30 = arith.constant 32 : i32
      %mul3A_31 = arith.muli %while3A_28, %mul3A_30 : i32
      %add3A_32 = arith.addi %add3A, %mul3A_31 : i32
      %jit3A_33 = arith.constant 2 : i32
      %eq3A = arith.constant 0 : i32
      %eq3A_34 = arith.cmpi eq, %jit3A_33, %eq3A : i32
      %jit3A_35 = arith.constant 1 : i32
      %select_n3A_36 = arith.select %eq3A_34, %jit3A_35, %jit3A_33 : i32
      %rem3A = arith.remsi %while3A_28, %select_n3A_36 : i32
      %ne3A = arith.constant 0 : i32
      %ne3A_37 = arith.cmpi ne, %rem3A, %ne3A : i32
      %lt3A_38 = arith.constant 0 : i32
      %lt3A_39 = arith.cmpi slt, %rem3A, %lt3A_38 : i32
      %lt3A_40 = arith.constant 0 : i32
      %lt3A_41 = arith.cmpi slt, %select_n3A_36, %lt3A_40 : i32
      %ne3A_42 = arith.xori %lt3A_39, %lt3A_41 : i1
      %and3A = arith.andi %ne3A_42, %ne3A_37 : i1
      %add3A_43 = arith.addi %rem3A, %select_n3A_36 : i32
      %select_n3A_44 = arith.select %and3A, %add3A_43, %rem3A : i32
      %add3A_45 = arith.constant 1 : i32
      %add3A_46 = arith.addi %while3A_28, %add3A_45 : i32
      %lt3A_47 = arith.cmpi slt, %add3A_46, %select_n3A : i32
      %convert_element_type3A_48 = arith.extui %lt3A_47 : i1 to i32
      %cond3A_49 = arith.constant 0 : i32
      %cond3A_50 = arith.cmpi ne, %convert_element_type3A_48, %cond3A_49 : i32
      scf.if %cond3A_50 {
        %add3A_139 = arith.constant 1 : i32
        %add3A_140 = arith.addi %while3A_28, %add3A_139 : i32
        %sub3A = arith.constant 1 : i32
        %sub3A_141 = arith.subi %sub3A, %select_n3A_44 : i32
        %mul3A_142 = arith.constant 32 : i32
        %mul3A_143 = arith.muli %add3A_140, %mul3A_142 : i32
        %add3A_144 = arith.addi %add3A, %mul3A_143 : i32
        %add3A_145 = arith.constant 0 : i32
        %add3A_146 = arith.addi %add3A_145, %add3A_144 : i32
        %mul3A_147 = arith.constant 8 : i32
        %mul3A_148 = arith.muli %add3A_146, %mul3A_147 : i32
        %multiple_of3A_149 = tpu.assume_multiple %mul3A_148, 8 : i32
        %dma_start3A_150 = arith.constant 0 : i32
        %dma_start3A_151 = arith.constant 0 : i32
        %dma_start3A_152 = tpu.memref_slice %arg4[%sub3A_141, %dma_start3A_150, %dma_start3A_151] : memref<2x32x129xf32, #tpu.memory_space<vmem>> -> memref<1x8x128xf32, #tpu.memory_space<vmem>>
        %dma_start3A_153 = tpu.memref_squeeze %dma_start3A_152 : memref<1x8x128xf32, #tpu.memory_space<vmem>> -> memref<8x128xf32, #tpu.memory_space<vmem>>
        %dma_start3A_154 = arith.constant 0 : i32
        %dma_start3A_155 = tpu.memref_slice %arg2[%multiple_of3A_149, %dma_start3A_154] : memref<258048x128xf32, #tpu.memory_space<hbm>> -> memref<8x128xf32, #tpu.memory_space<hbm>>
        %dma_start3A_156 = arith.constant 0 : i32
        %dma_start3A_157 = arith.constant 0 : i32
        %dma_start3A_158 = tpu.memref_slice %arg4[%sub3A_141, %dma_start3A_156, %dma_start3A_157] : memref<2x32x129xf32, #tpu.memory_space<vmem>> -> memref<1x8x128xf32, #tpu.memory_space<vmem>>
        %dma_start3A_159 = tpu.memref_squeeze %dma_start3A_158 : memref<1x8x128xf32, #tpu.memory_space<vmem>> -> memref<8x128xf32, #tpu.memory_space<vmem>>
        %dma_start3A_160 = arith.constant 0 : i32
        %dma_start3A_161 = tpu.memref_slice %arg2[%multiple_of3A_149, %dma_start3A_160] : memref<258048x128xf32, #tpu.memory_space<hbm>> -> memref<8x128xf32, #tpu.memory_space<hbm>>
        tpu.enqueue_dma source(%dma_start3A_161 : memref<8x128xf32, #tpu.memory_space<hbm>>) target(%dma_start3A_159 : memref<8x128xf32, #tpu.memory_space<vmem>>) target_semaphore(%arg6 : memref<!tpu.dma_semaphore, #tpu.memory_space<semaphore_mem>>)
        %add3A_162 = arith.constant 8064 : i32
        %add3A_163 = arith.addi %add3A_162, %add3A_144 : i32
        %mul3A_164 = arith.constant 8 : i32
        %mul3A_165 = arith.muli %add3A_163, %mul3A_164 : i32
        %multiple_of3A_166 = tpu.assume_multiple %mul3A_165, 8 : i32
        %dma_start3A_167 = arith.constant 8 : i32
        %dma_start3A_168 = arith.constant 0 : i32
        %dma_start3A_169 = tpu.memref_slice %arg4[%sub3A_141, %dma_start3A_167, %dma_start3A_168] : memref<2x32x129xf32, #tpu.memory_space<vmem>> -> memref<1x8x128xf32, #tpu.memory_space<vmem>>
        %dma_start3A_170 = tpu.memref_squeeze %dma_start3A_169 : memref<1x8x128xf32, #tpu.memory_space<vmem>> -> memref<8x128xf32, #tpu.memory_space<vmem>>
        %dma_start3A_171 = arith.constant 0 : i32
        %dma_start3A_172 = tpu.memref_slice %arg2[%multiple_of3A_166, %dma_start3A_171] : memref<258048x128xf32, #tpu.memory_space<hbm>> -> memref<8x128xf32, #tpu.memory_space<hbm>>
        %dma_start3A_173 = arith.constant 8 : i32
        %dma_start3A_174 = arith.constant 0 : i32
        %dma_start3A_175 = tpu.memref_slice %arg4[%sub3A_141, %dma_start3A_173, %dma_start3A_174] : memref<2x32x129xf32, #tpu.memory_space<vmem>> -> memref<1x8x128xf32, #tpu.memory_space<vmem>>
        %dma_start3A_176 = tpu.memref_squeeze %dma_start3A_175 : memref<1x8x128xf32, #tpu.memory_space<vmem>> -> memref<8x128xf32, #tpu.memory_space<vmem>>
        %dma_start3A_177 = arith.constant 0 : i32
        %dma_start3A_178 = tpu.memref_slice %arg2[%multiple_of3A_166, %dma_start3A_177] : memref<258048x128xf32, #tpu.memory_space<hbm>> -> memref<8x128xf32, #tpu.memory_space<hbm>>
        tpu.enqueue_dma source(%dma_start3A_178 : memref<8x128xf32, #tpu.memory_space<hbm>>) target(%dma_start3A_176 : memref<8x128xf32, #tpu.memory_space<vmem>>) target_semaphore(%arg6 : memref<!tpu.dma_semaphore, #tpu.memory_space<semaphore_mem>>)
        %add3A_179 = arith.constant 16128 : i32
        %add3A_180 = arith.addi %add3A_179, %add3A_144 : i32
        %mul3A_181 = arith.constant 8 : i32
        %mul3A_182 = arith.muli %add3A_180, %mul3A_181 : i32
        %multiple_of3A_183 = tpu.assume_multiple %mul3A_182, 8 : i32
        %dma_start3A_184 = arith.constant 16 : i32
        %dma_start3A_185 = arith.constant 0 : i32
        %dma_start3A_186 = tpu.memref_slice %arg4[%sub3A_141, %dma_start3A_184, %dma_start3A_185] : memref<2x32x129xf32, #tpu.memory_space<vmem>> -> memref<1x8x128xf32, #tpu.memory_space<vmem>>
        %dma_start3A_187 = tpu.memref_squeeze %dma_start3A_186 : memref<1x8x128xf32, #tpu.memory_space<vmem>> -> memref<8x128xf32, #tpu.memory_space<vmem>>
        %dma_start3A_188 = arith.constant 0 : i32
        %dma_start3A_189 = tpu.memref_slice %arg2[%multiple_of3A_183, %dma_start3A_188] : memref<258048x128xf32, #tpu.memory_space<hbm>> -> memref<8x128xf32, #tpu.memory_space<hbm>>
        %dma_start3A_190 = arith.constant 16 : i32
        %dma_start3A_191 = arith.constant 0 : i32
        %dma_start3A_192 = tpu.memref_slice %arg4[%sub3A_141, %dma_start3A_190, %dma_start3A_191] : memref<2x32x129xf32, #tpu.memory_space<vmem>> -> memref<1x8x128xf32, #tpu.memory_space<vmem>>
        %dma_start3A_193 = tpu.memref_squeeze %dma_start3A_192 : memref<1x8x128xf32, #tpu.memory_space<vmem>> -> memref<8x128xf32, #tpu.memory_space<vmem>>
        %dma_start3A_194 = arith.constant 0 : i32
        %dma_start3A_195 = tpu.memref_slice %arg2[%multiple_of3A_183, %dma_start3A_194] : memref<258048x128xf32, #tpu.memory_space<hbm>> -> memref<8x128xf32, #tpu.memory_space<hbm>>
        tpu.enqueue_dma source(%dma_start3A_195 : memref<8x128xf32, #tpu.memory_space<hbm>>) target(%dma_start3A_193 : memref<8x128xf32, #tpu.memory_space<vmem>>) target_semaphore(%arg6 : memref<!tpu.dma_semaphore, #tpu.memory_space<semaphore_mem>>)
        %add3A_196 = arith.constant 24192 : i32
        %add3A_197 = arith.addi %add3A_196, %add3A_144 : i32
        %mul3A_198 = arith.constant 8 : i32
        %mul3A_199 = arith.muli %add3A_197, %mul3A_198 : i32
        %multiple_of3A_200 = tpu.assume_multiple %mul3A_199, 8 : i32
        %dma_start3A_201 = arith.constant 24 : i32
        %dma_start3A_202 = arith.constant 0 : i32
        %dma_start3A_203 = tpu.memref_slice %arg4[%sub3A_141, %dma_start3A_201, %dma_start3A_202] : memref<2x32x129xf32, #tpu.memory_space<vmem>> -> memref<1x8x128xf32, #tpu.memory_space<vmem>>
        %dma_start3A_204 = tpu.memref_squeeze %dma_start3A_203 : memref<1x8x128xf32, #tpu.memory_space<vmem>> -> memref<8x128xf32, #tpu.memory_space<vmem>>
        %dma_start3A_205 = arith.constant 0 : i32
        %dma_start3A_206 = tpu.memref_slice %arg2[%multiple_of3A_200, %dma_start3A_205] : memref<258048x128xf32, #tpu.memory_space<hbm>> -> memref<8x128xf32, #tpu.memory_space<hbm>>
        %dma_start3A_207 = arith.constant 24 : i32
        %dma_start3A_208 = arith.constant 0 : i32
        %dma_start3A_209 = tpu.memref_slice %arg4[%sub3A_141, %dma_start3A_207, %dma_start3A_208] : memref<2x32x129xf32, #tpu.memory_space<vmem>> -> memref<1x8x128xf32, #tpu.memory_space<vmem>>
        %dma_start3A_210 = tpu.memref_squeeze %dma_start3A_209 : memref<1x8x128xf32, #tpu.memory_space<vmem>> -> memref<8x128xf32, #tpu.memory_space<vmem>>
        %dma_start3A_211 = arith.constant 0 : i32
        %dma_start3A_212 = tpu.memref_slice %arg2[%multiple_of3A_200, %dma_start3A_211] : memref<258048x128xf32, #tpu.memory_space<hbm>> -> memref<8x128xf32, #tpu.memory_space<hbm>>
        tpu.enqueue_dma source(%dma_start3A_212 : memref<8x128xf32, #tpu.memory_space<hbm>>) target(%dma_start3A_210 : memref<8x128xf32, #tpu.memory_space<vmem>>) target_semaphore(%arg6 : memref<!tpu.dma_semaphore, #tpu.memory_space<semaphore_mem>>)
      } else {
      }
      %add3A_51 = arith.constant 0 : i32
      %add3A_52 = arith.addi %add3A_51, %add3A_32 : i32
      %mul3A_53 = arith.constant 8 : i32
      %mul3A_54 = arith.muli %add3A_52, %mul3A_53 : i32
      %multiple_of3A = tpu.assume_multiple %mul3A_54, 8 : i32
      %dma_wait3A = arith.constant 0 : i32
      %dma_wait3A_55 = arith.constant 0 : i32
      %dma_wait3A_56 = tpu.memref_slice %arg4[%select_n3A_44, %dma_wait3A, %dma_wait3A_55] : memref<2x32x129xf32, #tpu.memory_space<vmem>> -> memref<1x8x128xf32, #tpu.memory_space<vmem>>
      %dma_wait3A_57 = tpu.memref_squeeze %dma_wait3A_56 : memref<1x8x128xf32, #tpu.memory_space<vmem>> -> memref<8x128xf32, #tpu.memory_space<vmem>>
      %dma_wait3A_58 = arith.constant 0 : i32
      %dma_wait3A_59 = tpu.memref_slice %arg2[%multiple_of3A, %dma_wait3A_58] : memref<258048x128xf32, #tpu.memory_space<hbm>> -> memref<8x128xf32, #tpu.memory_space<hbm>>
      %dma_wait3A_60 = arith.constant 0 : i32
      %dma_wait3A_61 = arith.constant 0 : i32
      %dma_wait3A_62 = tpu.memref_slice %arg4[%select_n3A_44, %dma_wait3A_60, %dma_wait3A_61] : memref<2x32x129xf32, #tpu.memory_space<vmem>> -> memref<1x8x128xf32, #tpu.memory_space<vmem>>
      %dma_wait3A_63 = tpu.memref_squeeze %dma_wait3A_62 : memref<1x8x128xf32, #tpu.memory_space<vmem>> -> memref<8x128xf32, #tpu.memory_space<vmem>>
      %dma_wait3A_64 = arith.constant 0 : i32
      %dma_wait3A_65 = tpu.memref_slice %arg2[%multiple_of3A, %dma_wait3A_64] : memref<258048x128xf32, #tpu.memory_space<hbm>> -> memref<8x128xf32, #tpu.memory_space<hbm>>
      tpu.wait_dma2 semaphore(%arg6 : memref<!tpu.dma_semaphore, #tpu.memory_space<semaphore_mem>>) src(%dma_wait3A_65 : memref<8x128xf32, #tpu.memory_space<hbm>>) dst(%dma_wait3A_63 : memref<8x128xf32, #tpu.memory_space<vmem>>)
      %add3A_66 = arith.constant 8064 : i32
      %add3A_67 = arith.addi %add3A_66, %add3A_32 : i32
      %mul3A_68 = arith.constant 8 : i32
      %mul3A_69 = arith.muli %add3A_67, %mul3A_68 : i32
      %multiple_of3A_70 = tpu.assume_multiple %mul3A_69, 8 : i32
      %dma_wait3A_71 = arith.constant 8 : i32
      %dma_wait3A_72 = arith.constant 0 : i32
      %dma_wait3A_73 = tpu.memref_slice %arg4[%select_n3A_44, %dma_wait3A_71, %dma_wait3A_72] : memref<2x32x129xf32, #tpu.memory_space<vmem>> -> memref<1x8x128xf32, #tpu.memory_space<vmem>>
      %dma_wait3A_74 = tpu.memref_squeeze %dma_wait3A_73 : memref<1x8x128xf32, #tpu.memory_space<vmem>> -> memref<8x128xf32, #tpu.memory_space<vmem>>
      %dma_wait3A_75 = arith.constant 0 : i32
      %dma_wait3A_76 = tpu.memref_slice %arg2[%multiple_of3A_70, %dma_wait3A_75] : memref<258048x128xf32, #tpu.memory_space<hbm>> -> memref<8x128xf32, #tpu.memory_space<hbm>>
      %dma_wait3A_77 = arith.constant 8 : i32
      %dma_wait3A_78 = arith.constant 0 : i32
      %dma_wait3A_79 = tpu.memref_slice %arg4[%select_n3A_44, %dma_wait3A_77, %dma_wait3A_78] : memref<2x32x129xf32, #tpu.memory_space<vmem>> -> memref<1x8x128xf32, #tpu.memory_space<vmem>>
      %dma_wait3A_80 = tpu.memref_squeeze %dma_wait3A_79 : memref<1x8x128xf32, #tpu.memory_space<vmem>> -> memref<8x128xf32, #tpu.memory_space<vmem>>
      %dma_wait3A_81 = arith.constant 0 : i32
      %dma_wait3A_82 = tpu.memref_slice %arg2[%multiple_of3A_70, %dma_wait3A_81] : memref<258048x128xf32, #tpu.memory_space<hbm>> -> memref<8x128xf32, #tpu.memory_space<hbm>>
      tpu.wait_dma2 semaphore(%arg6 : memref<!tpu.dma_semaphore, #tpu.memory_space<semaphore_mem>>) src(%dma_wait3A_82 : memref<8x128xf32, #tpu.memory_space<hbm>>) dst(%dma_wait3A_80 : memref<8x128xf32, #tpu.memory_space<vmem>>)
      %add3A_83 = arith.constant 16128 : i32
      %add3A_84 = arith.addi %add3A_83, %add3A_32 : i32
      %mul3A_85 = arith.constant 8 : i32
      %mul3A_86 = arith.muli %add3A_84, %mul3A_85 : i32
      %multiple_of3A_87 = tpu.assume_multiple %mul3A_86, 8 : i32
      %dma_wait3A_88 = arith.constant 16 : i32
      %dma_wait3A_89 = arith.constant 0 : i32
      %dma_wait3A_90 = tpu.memref_slice %arg4[%select_n3A_44, %dma_wait3A_88, %dma_wait3A_89] : memref<2x32x129xf32, #tpu.memory_space<vmem>> -> memref<1x8x128xf32, #tpu.memory_space<vmem>>
      %dma_wait3A_91 = tpu.memref_squeeze %dma_wait3A_90 : memref<1x8x128xf32, #tpu.memory_space<vmem>> -> memref<8x128xf32, #tpu.memory_space<vmem>>
      %dma_wait3A_92 = arith.constant 0 : i32
      %dma_wait3A_93 = tpu.memref_slice %arg2[%multiple_of3A_87, %dma_wait3A_92] : memref<258048x128xf32, #tpu.memory_space<hbm>> -> memref<8x128xf32, #tpu.memory_space<hbm>>
      %dma_wait3A_94 = arith.constant 16 : i32
      %dma_wait3A_95 = arith.constant 0 : i32
      %dma_wait3A_96 = tpu.memref_slice %arg4[%select_n3A_44, %dma_wait3A_94, %dma_wait3A_95] : memref<2x32x129xf32, #tpu.memory_space<vmem>> -> memref<1x8x128xf32, #tpu.memory_space<vmem>>
      %dma_wait3A_97 = tpu.memref_squeeze %dma_wait3A_96 : memref<1x8x128xf32, #tpu.memory_space<vmem>> -> memref<8x128xf32, #tpu.memory_space<vmem>>
      %dma_wait3A_98 = arith.constant 0 : i32
      %dma_wait3A_99 = tpu.memref_slice %arg2[%multiple_of3A_87, %dma_wait3A_98] : memref<258048x128xf32, #tpu.memory_space<hbm>> -> memref<8x128xf32, #tpu.memory_space<hbm>>
      tpu.wait_dma2 semaphore(%arg6 : memref<!tpu.dma_semaphore, #tpu.memory_space<semaphore_mem>>) src(%dma_wait3A_99 : memref<8x128xf32, #tpu.memory_space<hbm>>) dst(%dma_wait3A_97 : memref<8x128xf32, #tpu.memory_space<vmem>>)
      %add3A_100 = arith.constant 24192 : i32
      %add3A_101 = arith.addi %add3A_100, %add3A_32 : i32
      %mul3A_102 = arith.constant 8 : i32
      %mul3A_103 = arith.muli %add3A_101, %mul3A_102 : i32
      %multiple_of3A_104 = tpu.assume_multiple %mul3A_103, 8 : i32
      %dma_wait3A_105 = arith.constant 24 : i32
      %dma_wait3A_106 = arith.constant 0 : i32
      %dma_wait3A_107 = tpu.memref_slice %arg4[%select_n3A_44, %dma_wait3A_105, %dma_wait3A_106] : memref<2x32x129xf32, #tpu.memory_space<vmem>> -> memref<1x8x128xf32, #tpu.memory_space<vmem>>
      %dma_wait3A_108 = tpu.memref_squeeze %dma_wait3A_107 : memref<1x8x128xf32, #tpu.memory_space<vmem>> -> memref<8x128xf32, #tpu.memory_space<vmem>>
      %dma_wait3A_109 = arith.constant 0 : i32
      %dma_wait3A_110 = tpu.memref_slice %arg2[%multiple_of3A_104, %dma_wait3A_109] : memref<258048x128xf32, #tpu.memory_space<hbm>> -> memref<8x128xf32, #tpu.memory_space<hbm>>
      %dma_wait3A_111 = arith.constant 24 : i32
      %dma_wait3A_112 = arith.constant 0 : i32
      %dma_wait3A_113 = tpu.memref_slice %arg4[%select_n3A_44, %dma_wait3A_111, %dma_wait3A_112] : memref<2x32x129xf32, #tpu.memory_space<vmem>> -> memref<1x8x128xf32, #tpu.memory_space<vmem>>
      %dma_wait3A_114 = tpu.memref_squeeze %dma_wait3A_113 : memref<1x8x128xf32, #tpu.memory_space<vmem>> -> memref<8x128xf32, #tpu.memory_space<vmem>>
      %dma_wait3A_115 = arith.constant 0 : i32
      %dma_wait3A_116 = tpu.memref_slice %arg2[%multiple_of3A_104, %dma_wait3A_115] : memref<258048x128xf32, #tpu.memory_space<hbm>> -> memref<8x128xf32, #tpu.memory_space<hbm>>
      tpu.wait_dma2 semaphore(%arg6 : memref<!tpu.dma_semaphore, #tpu.memory_space<semaphore_mem>>) src(%dma_wait3A_116 : memref<8x128xf32, #tpu.memory_space<hbm>>) dst(%dma_wait3A_114 : memref<8x128xf32, #tpu.memory_space<vmem>>)
      %ge3A = arith.constant 2 : i32
      %ge3A_117 = arith.cmpi sge, %while3A_28, %ge3A : i32
      %convert_element_type3A_118 = arith.extui %ge3A_117 : i1 to i32
      %cond3A_119 = arith.constant 0 : i32
      %cond3A_120 = arith.cmpi ne, %convert_element_type3A_118, %cond3A_119 : i32
      scf.if %cond3A_120 {
        %sub3A = arith.constant 2 : i32
        %sub3A_139 = arith.subi %while3A_28, %sub3A : i32
        %mul3A_140 = arith.constant 32 : i32
        %mul3A_141 = arith.muli %sub3A_139, %mul3A_140 : i32
        %add3A_142 = arith.addi %add3A, %mul3A_141 : i32
        %mul3A_143 = arith.constant 128 : i32
        %mul3A_144 = arith.muli %add3A_142, %mul3A_143 : i32
        %mul3A_145 = arith.constant 32 : i32
        %mul3A_146 = arith.muli %mul3A_144, %mul3A_145 : i32
        %dma_wait3A_147 = arith.constant 0 : i32
        %dma_wait3A_148 = tpu.memref_slice %arg5[%select_n3A_44, %dma_wait3A_147] : memref<2x4096xf32, #tpu.memory_space<vmem>> -> memref<1x4096xf32, #tpu.memory_space<vmem>>
        %dma_wait3A_149 = tpu.memref_squeeze %dma_wait3A_148 : memref<1x4096xf32, #tpu.memory_space<vmem>> -> memref<4096xf32, #tpu.memory_space<vmem>>
        %dma_wait3A_150 = tpu.memref_slice %arg3[%mul3A_146] : memref<32002048xf32, #tpu.memory_space<hbm>> -> memref<4096xf32, #tpu.memory_space<hbm>>
        %dma_wait3A_151 = tpu.memref_slice %arg3[%mul3A_146] : memref<32002048xf32, #tpu.memory_space<hbm>> -> memref<4096xf32, #tpu.memory_space<hbm>>
        %dma_wait3A_152 = arith.constant 0 : i32
        %dma_wait3A_153 = tpu.memref_slice %arg5[%select_n3A_44, %dma_wait3A_152] : memref<2x4096xf32, #tpu.memory_space<vmem>> -> memref<1x4096xf32, #tpu.memory_space<vmem>>
        %dma_wait3A_154 = tpu.memref_squeeze %dma_wait3A_153 : memref<1x4096xf32, #tpu.memory_space<vmem>> -> memref<4096xf32, #tpu.memory_space<vmem>>
        tpu.wait_dma2 semaphore(%arg7 : memref<!tpu.dma_semaphore, #tpu.memory_space<semaphore_mem>>) src(%dma_wait3A_154 : memref<4096xf32, #tpu.memory_space<vmem>>) dst(%dma_wait3A_151 : memref<4096xf32, #tpu.memory_space<hbm>>)
      } else {
      }
      %scan3A = arith.constant 0 : i32
      %scan3A_121 = arith.constant 0 : i32
      %scan3A_122 = arith.constant 8 : i32
      %scan3A_123 = arith.addi %scan3A_121, %scan3A_122 : i32
      %scan3A_124 = arith.constant 1 : i32
      %scan3A_125 = scf.for %scan3A_139 = %scan3A_121 to %scan3A_123 step %scan3A_124 iter_args(%scan3A_140 = %scan3A) -> (i32)  : i32 {
        %mul3A_141 = arith.constant 16 : i32
        %mul3A_142 = arith.muli %scan3A_139, %mul3A_141 : i32
        %add3A_143 = arith.constant 0 : i32
        %add3A_144 = arith.addi %mul3A_142, %add3A_143 : i32
        %add3A_145 = arith.constant 0 : i32
        %add3A_146 = arith.addi %add3A_144, %add3A_145 : i32
        %mul3A_147 = arith.constant 16 : i32
        %mul3A_148 = arith.muli %scan3A_139, %mul3A_147 : i32
        %add3A_149 = arith.constant 0 : i32
        %add3A_150 = arith.addi %mul3A_148, %add3A_149 : i32
        %add3A_151 = arith.constant 1 : i32
        %add3A_152 = arith.addi %add3A_150, %add3A_151 : i32
        %mul3A_153 = arith.constant 16 : i32
        %mul3A_154 = arith.muli %scan3A_139, %mul3A_153 : i32
        %add3A_155 = arith.constant 0 : i32
        %add3A_156 = arith.addi %mul3A_154, %add3A_155 : i32
        %add3A_157 = arith.constant 2 : i32
        %add3A_158 = arith.addi %add3A_156, %add3A_157 : i32
        %mul3A_159 = arith.constant 16 : i32
        %mul3A_160 = arith.muli %scan3A_139, %mul3A_159 : i32
        %add3A_161 = arith.constant 0 : i32
        %add3A_162 = arith.addi %mul3A_160, %add3A_161 : i32
        %add3A_163 = arith.constant 3 : i32
        %add3A_164 = arith.addi %add3A_162, %add3A_163 : i32
        %mul3A_165 = arith.constant 16 : i32
        %mul3A_166 = arith.muli %scan3A_139, %mul3A_165 : i32
        %add3A_167 = arith.constant 0 : i32
        %add3A_168 = arith.addi %mul3A_166, %add3A_167 : i32
        %add3A_169 = arith.constant 4 : i32
        %add3A_170 = arith.addi %add3A_168, %add3A_169 : i32
        %mul3A_171 = arith.constant 16 : i32
        %mul3A_172 = arith.muli %scan3A_139, %mul3A_171 : i32
        %add3A_173 = arith.constant 0 : i32
        %add3A_174 = arith.addi %mul3A_172, %add3A_173 : i32
        %add3A_175 = arith.constant 5 : i32
        %add3A_176 = arith.addi %add3A_174, %add3A_175 : i32
        %mul3A_177 = arith.constant 16 : i32
        %mul3A_178 = arith.muli %scan3A_139, %mul3A_177 : i32
        %add3A_179 = arith.constant 0 : i32
        %add3A_180 = arith.addi %mul3A_178, %add3A_179 : i32
        %add3A_181 = arith.constant 6 : i32
        %add3A_182 = arith.addi %add3A_180, %add3A_181 : i32
        %mul3A_183 = arith.constant 16 : i32
        %mul3A_184 = arith.muli %scan3A_139, %mul3A_183 : i32
        %add3A_185 = arith.constant 0 : i32
        %add3A_186 = arith.addi %mul3A_184, %add3A_185 : i32
        %add3A_187 = arith.constant 7 : i32
        %add3A_188 = arith.addi %add3A_186, %add3A_187 : i32
        %broadcast_in_dim3A = vector.broadcast %add3A_146 : i32 to vector<16xi32>
        %gather3A = arith.constant 0 : i32
        %gather3A_189 = arith.constant 0 : i32
        %gather3A_190 = tpu.memref_slice %arg4[%select_n3A_44, %gather3A, %gather3A_189] : memref<2x32x129xf32, #tpu.memory_space<vmem>> -> memref<1x32x129xf32, #tpu.memory_space<vmem>>
        %gather3A_191 = tpu.memref_squeeze %gather3A_190 : memref<1x32x129xf32, #tpu.memory_space<vmem>> -> memref<32x129xf32, #tpu.memory_space<vmem>>
        %gather3A_192 = tpu.vector_load_idx %gather3A_191[%iota3A, %broadcast_in_dim3A] : memref<32x129xf32, #tpu.memory_space<vmem>>[vector<16xi32>, vector<16xi32>], vector<16xf32>,
        %broadcast_in_dim3A_193 = vector.broadcast %add3A_152 : i32 to vector<16xi32>
        %gather3A_194 = arith.constant 0 : i32
        %gather3A_195 = arith.constant 0 : i32
        %gather3A_196 = tpu.memref_slice %arg4[%select_n3A_44, %gather3A_194, %gather3A_195] : memref<2x32x129xf32, #tpu.memory_space<vmem>> -> memref<1x32x129xf32, #tpu.memory_space<vmem>>
        %gather3A_197 = tpu.memref_squeeze %gather3A_196 : memref<1x32x129xf32, #tpu.memory_space<vmem>> -> memref<32x129xf32, #tpu.memory_space<vmem>>
        %gather3A_198 = tpu.vector_load_idx %gather3A_197[%iota3A, %broadcast_in_dim3A_193] : memref<32x129xf32, #tpu.memory_space<vmem>>[vector<16xi32>, vector<16xi32>], vector<16xf32>,
        %broadcast_in_dim3A_199 = vector.broadcast %add3A_158 : i32 to vector<16xi32>
        %gather3A_200 = arith.constant 0 : i32
        %gather3A_201 = arith.constant 0 : i32
        %gather3A_202 = tpu.memref_slice %arg4[%select_n3A_44, %gather3A_200, %gather3A_201] : memref<2x32x129xf32, #tpu.memory_space<vmem>> -> memref<1x32x129xf32, #tpu.memory_space<vmem>>
        %gather3A_203 = tpu.memref_squeeze %gather3A_202 : memref<1x32x129xf32, #tpu.memory_space<vmem>> -> memref<32x129xf32, #tpu.memory_space<vmem>>
        %gather3A_204 = tpu.vector_load_idx %gather3A_203[%iota3A, %broadcast_in_dim3A_199] : memref<32x129xf32, #tpu.memory_space<vmem>>[vector<16xi32>, vector<16xi32>], vector<16xf32>,
        %broadcast_in_dim3A_205 = vector.broadcast %add3A_164 : i32 to vector<16xi32>
        %gather3A_206 = arith.constant 0 : i32
        %gather3A_207 = arith.constant 0 : i32
        %gather3A_208 = tpu.memref_slice %arg4[%select_n3A_44, %gather3A_206, %gather3A_207] : memref<2x32x129xf32, #tpu.memory_space<vmem>> -> memref<1x32x129xf32, #tpu.memory_space<vmem>>
        %gather3A_209 = tpu.memref_squeeze %gather3A_208 : memref<1x32x129xf32, #tpu.memory_space<vmem>> -> memref<32x129xf32, #tpu.memory_space<vmem>>
        %gather3A_210 = tpu.vector_load_idx %gather3A_209[%iota3A, %broadcast_in_dim3A_205] : memref<32x129xf32, #tpu.memory_space<vmem>>[vector<16xi32>, vector<16xi32>], vector<16xf32>,
        %broadcast_in_dim3A_211 = vector.broadcast %add3A_170 : i32 to vector<16xi32>
        %gather3A_212 = arith.constant 0 : i32
        %gather3A_213 = arith.constant 0 : i32
        %gather3A_214 = tpu.memref_slice %arg4[%select_n3A_44, %gather3A_212, %gather3A_213] : memref<2x32x129xf32, #tpu.memory_space<vmem>> -> memref<1x32x129xf32, #tpu.memory_space<vmem>>
        %gather3A_215 = tpu.memref_squeeze %gather3A_214 : memref<1x32x129xf32, #tpu.memory_space<vmem>> -> memref<32x129xf32, #tpu.memory_space<vmem>>
        %gather3A_216 = tpu.vector_load_idx %gather3A_215[%iota3A, %broadcast_in_dim3A_211] : memref<32x129xf32, #tpu.memory_space<vmem>>[vector<16xi32>, vector<16xi32>], vector<16xf32>,
        %broadcast_in_dim3A_217 = vector.broadcast %add3A_176 : i32 to vector<16xi32>
        %gather3A_218 = arith.constant 0 : i32
        %gather3A_219 = arith.constant 0 : i32
        %gather3A_220 = tpu.memref_slice %arg4[%select_n3A_44, %gather3A_218, %gather3A_219] : memref<2x32x129xf32, #tpu.memory_space<vmem>> -> memref<1x32x129xf32, #tpu.memory_space<vmem>>
        %gather3A_221 = tpu.memref_squeeze %gather3A_220 : memref<1x32x129xf32, #tpu.memory_space<vmem>> -> memref<32x129xf32, #tpu.memory_space<vmem>>
        %gather3A_222 = tpu.vector_load_idx %gather3A_221[%iota3A, %broadcast_in_dim3A_217] : memref<32x129xf32, #tpu.memory_space<vmem>>[vector<16xi32>, vector<16xi32>], vector<16xf32>,
        %broadcast_in_dim3A_223 = vector.broadcast %add3A_182 : i32 to vector<16xi32>
        %gather3A_224 = arith.constant 0 : i32
        %gather3A_225 = arith.constant 0 : i32
        %gather3A_226 = tpu.memref_slice %arg4[%select_n3A_44, %gather3A_224, %gather3A_225] : memref<2x32x129xf32, #tpu.memory_space<vmem>> -> memref<1x32x129xf32, #tpu.memory_space<vmem>>
        %gather3A_227 = tpu.memref_squeeze %gather3A_226 : memref<1x32x129xf32, #tpu.memory_space<vmem>> -> memref<32x129xf32, #tpu.memory_space<vmem>>
        %gather3A_228 = tpu.vector_load_idx %gather3A_227[%iota3A, %broadcast_in_dim3A_223] : memref<32x129xf32, #tpu.memory_space<vmem>>[vector<16xi32>, vector<16xi32>], vector<16xf32>,
        %broadcast_in_dim3A_229 = vector.broadcast %add3A_188 : i32 to vector<16xi32>
        %gather3A_230 = arith.constant 0 : i32
        %gather3A_231 = arith.constant 0 : i32
        %gather3A_232 = tpu.memref_slice %arg4[%select_n3A_44, %gather3A_230, %gather3A_231] : memref<2x32x129xf32, #tpu.memory_space<vmem>> -> memref<1x32x129xf32, #tpu.memory_space<vmem>>
        %gather3A_233 = tpu.memref_squeeze %gather3A_232 : memref<1x32x129xf32, #tpu.memory_space<vmem>> -> memref<32x129xf32, #tpu.memory_space<vmem>>
        %gather3A_234 = tpu.vector_load_idx %gather3A_233[%iota3A, %broadcast_in_dim3A_229] : memref<32x129xf32, #tpu.memory_space<vmem>>[vector<16xi32>, vector<16xi32>], vector<16xf32>,
        %add3A_235 = arith.constant 16 : i32
        %add3A_236 = vector.broadcast %add3A_235 : i32 to vector<16xi32>
        %add3A_237 = arith.addi %iota3A, %add3A_236 : vector<16xi32>
        %broadcast_in_dim3A_238 = vector.broadcast %add3A_146 : i32 to vector<16xi32>
        %gather3A_239 = arith.constant 0 : i32
        %gather3A_240 = arith.constant 0 : i32
        %gather3A_241 = tpu.memref_slice %arg4[%select_n3A_44, %gather3A_239, %gather3A_240] : memref<2x32x129xf32, #tpu.memory_space<vmem>> -> memref<1x32x129xf32, #tpu.memory_space<vmem>>
        %gather3A_242 = tpu.memref_squeeze %gather3A_241 : memref<1x32x129xf32, #tpu.memory_space<vmem>> -> memref<32x129xf32, #tpu.memory_space<vmem>>
        %gather3A_243 = tpu.vector_load_idx %gather3A_242[%add3A_237, %broadcast_in_dim3A_238] : memref<32x129xf32, #tpu.memory_space<vmem>>[vector<16xi32>, vector<16xi32>], vector<16xf32>,
        %add3A_244 = arith.constant 16 : i32
        %add3A_245 = vector.broadcast %add3A_244 : i32 to vector<16xi32>
        %add3A_246 = arith.addi %iota3A, %add3A_245 : vector<16xi32>
        %broadcast_in_dim3A_247 = vector.broadcast %add3A_152 : i32 to vector<16xi32>
        %gather3A_248 = arith.constant 0 : i32
        %gather3A_249 = arith.constant 0 : i32
        %gather3A_250 = tpu.memref_slice %arg4[%select_n3A_44, %gather3A_248, %gather3A_249] : memref<2x32x129xf32, #tpu.memory_space<vmem>> -> memref<1x32x129xf32, #tpu.memory_space<vmem>>
        %gather3A_251 = tpu.memref_squeeze %gather3A_250 : memref<1x32x129xf32, #tpu.memory_space<vmem>> -> memref<32x129xf32, #tpu.memory_space<vmem>>
        %gather3A_252 = tpu.vector_load_idx %gather3A_251[%add3A_246, %broadcast_in_dim3A_247] : memref<32x129xf32, #tpu.memory_space<vmem>>[vector<16xi32>, vector<16xi32>], vector<16xf32>,
        %add3A_253 = arith.constant 16 : i32
        %add3A_254 = vector.broadcast %add3A_253 : i32 to vector<16xi32>
        %add3A_255 = arith.addi %iota3A, %add3A_254 : vector<16xi32>
        %broadcast_in_dim3A_256 = vector.broadcast %add3A_158 : i32 to vector<16xi32>
        %gather3A_257 = arith.constant 0 : i32
        %gather3A_258 = arith.constant 0 : i32
        %gather3A_259 = tpu.memref_slice %arg4[%select_n3A_44, %gather3A_257, %gather3A_258] : memref<2x32x129xf32, #tpu.memory_space<vmem>> -> memref<1x32x129xf32, #tpu.memory_space<vmem>>
        %gather3A_260 = tpu.memref_squeeze %gather3A_259 : memref<1x32x129xf32, #tpu.memory_space<vmem>> -> memref<32x129xf32, #tpu.memory_space<vmem>>
        %gather3A_261 = tpu.vector_load_idx %gather3A_260[%add3A_255, %broadcast_in_dim3A_256] : memref<32x129xf32, #tpu.memory_space<vmem>>[vector<16xi32>, vector<16xi32>], vector<16xf32>,
        %add3A_262 = arith.constant 16 : i32
        %add3A_263 = vector.broadcast %add3A_262 : i32 to vector<16xi32>
        %add3A_264 = arith.addi %iota3A, %add3A_263 : vector<16xi32>
        %broadcast_in_dim3A_265 = vector.broadcast %add3A_164 : i32 to vector<16xi32>
        %gather3A_266 = arith.constant 0 : i32
        %gather3A_267 = arith.constant 0 : i32
        %gather3A_268 = tpu.memref_slice %arg4[%select_n3A_44, %gather3A_266, %gather3A_267] : memref<2x32x129xf32, #tpu.memory_space<vmem>> -> memref<1x32x129xf32, #tpu.memory_space<vmem>>
        %gather3A_269 = tpu.memref_squeeze %gather3A_268 : memref<1x32x129xf32, #tpu.memory_space<vmem>> -> memref<32x129xf32, #tpu.memory_space<vmem>>
        %gather3A_270 = tpu.vector_load_idx %gather3A_269[%add3A_264, %broadcast_in_dim3A_265] : memref<32x129xf32, #tpu.memory_space<vmem>>[vector<16xi32>, vector<16xi32>], vector<16xf32>,
        %add3A_271 = arith.constant 16 : i32
        %add3A_272 = vector.broadcast %add3A_271 : i32 to vector<16xi32>
        %add3A_273 = arith.addi %iota3A, %add3A_272 : vector<16xi32>
        %broadcast_in_dim3A_274 = vector.broadcast %add3A_170 : i32 to vector<16xi32>
        %gather3A_275 = arith.constant 0 : i32
        %gather3A_276 = arith.constant 0 : i32
        %gather3A_277 = tpu.memref_slice %arg4[%select_n3A_44, %gather3A_275, %gather3A_276] : memref<2x32x129xf32, #tpu.memory_space<vmem>> -> memref<1x32x129xf32, #tpu.memory_space<vmem>>
        %gather3A_278 = tpu.memref_squeeze %gather3A_277 : memref<1x32x129xf32, #tpu.memory_space<vmem>> -> memref<32x129xf32, #tpu.memory_space<vmem>>
        %gather3A_279 = tpu.vector_load_idx %gather3A_278[%add3A_273, %broadcast_in_dim3A_274] : memref<32x129xf32, #tpu.memory_space<vmem>>[vector<16xi32>, vector<16xi32>], vector<16xf32>,
        %add3A_280 = arith.constant 16 : i32
        %add3A_281 = vector.broadcast %add3A_280 : i32 to vector<16xi32>
        %add3A_282 = arith.addi %iota3A, %add3A_281 : vector<16xi32>
        %broadcast_in_dim3A_283 = vector.broadcast %add3A_176 : i32 to vector<16xi32>
        %gather3A_284 = arith.constant 0 : i32
        %gather3A_285 = arith.constant 0 : i32
        %gather3A_286 = tpu.memref_slice %arg4[%select_n3A_44, %gather3A_284, %gather3A_285] : memref<2x32x129xf32, #tpu.memory_space<vmem>> -> memref<1x32x129xf32, #tpu.memory_space<vmem>>
        %gather3A_287 = tpu.memref_squeeze %gather3A_286 : memref<1x32x129xf32, #tpu.memory_space<vmem>> -> memref<32x129xf32, #tpu.memory_space<vmem>>
        %gather3A_288 = tpu.vector_load_idx %gather3A_287[%add3A_282, %broadcast_in_dim3A_283] : memref<32x129xf32, #tpu.memory_space<vmem>>[vector<16xi32>, vector<16xi32>], vector<16xf32>,
        %add3A_289 = arith.constant 16 : i32
        %add3A_290 = vector.broadcast %add3A_289 : i32 to vector<16xi32>
        %add3A_291 = arith.addi %iota3A, %add3A_290 : vector<16xi32>
        %broadcast_in_dim3A_292 = vector.broadcast %add3A_182 : i32 to vector<16xi32>
        %gather3A_293 = arith.constant 0 : i32
        %gather3A_294 = arith.constant 0 : i32
        %gather3A_295 = tpu.memref_slice %arg4[%select_n3A_44, %gather3A_293, %gather3A_294] : memref<2x32x129xf32, #tpu.memory_space<vmem>> -> memref<1x32x129xf32, #tpu.memory_space<vmem>>
        %gather3A_296 = tpu.memref_squeeze %gather3A_295 : memref<1x32x129xf32, #tpu.memory_space<vmem>> -> memref<32x129xf32, #tpu.memory_space<vmem>>
        %gather3A_297 = tpu.vector_load_idx %gather3A_296[%add3A_291, %broadcast_in_dim3A_292] : memref<32x129xf32, #tpu.memory_space<vmem>>[vector<16xi32>, vector<16xi32>], vector<16xf32>,
        %add3A_298 = arith.constant 16 : i32
        %add3A_299 = vector.broadcast %add3A_298 : i32 to vector<16xi32>
        %add3A_300 = arith.addi %iota3A, %add3A_299 : vector<16xi32>
        %broadcast_in_dim3A_301 = vector.broadcast %add3A_188 : i32 to vector<16xi32>
        %gather3A_302 = arith.constant 0 : i32
        %gather3A_303 = arith.constant 0 : i32
        %gather3A_304 = tpu.memref_slice %arg4[%select_n3A_44, %gather3A_302, %gather3A_303] : memref<2x32x129xf32, #tpu.memory_space<vmem>> -> memref<1x32x129xf32, #tpu.memory_space<vmem>>
        %gather3A_305 = tpu.memref_squeeze %gather3A_304 : memref<1x32x129xf32, #tpu.memory_space<vmem>> -> memref<32x129xf32, #tpu.memory_space<vmem>>
        %gather3A_306 = tpu.vector_load_idx %gather3A_305[%add3A_300, %broadcast_in_dim3A_301] : memref<32x129xf32, #tpu.memory_space<vmem>>[vector<16xi32>, vector<16xi32>], vector<16xf32>,
        %mul3A_307 = arith.constant 32 : i32
        %mul3A_308 = arith.muli %add3A_146, %mul3A_307 : i32
        %swap3A = arith.index_cast %select_n3A_44 : i32 to index
        %swap3A_309 = arith.index_cast %mul3A_308 : i32 to index
        %swap3A_310 = tpu.vector_load %arg5[%swap3A, %swap3A_309] {strides = array<i32>} : memref<2x4096xf32, #tpu.memory_space<vmem>>, vector<16xf32>,
        tpu.vector_store %arg5[%swap3A, %swap3A_309], %gather3A_192 {strides = array<i32>} : memref<2x4096xf32, #tpu.memory_space<vmem>>, vector<16xf32>,
        %mul3A_311 = arith.constant 32 : i32
        %mul3A_312 = arith.muli %add3A_146, %mul3A_311 : i32
        %add3A_313 = arith.constant 16 : i32
        %add3A_314 = arith.addi %mul3A_312, %add3A_313 : i32
        %swap3A_315 = arith.index_cast %select_n3A_44 : i32 to index
        %swap3A_316 = arith.index_cast %add3A_314 : i32 to index
        %swap3A_317 = tpu.vector_load %arg5[%swap3A_315, %swap3A_316] {strides = array<i32>} : memref<2x4096xf32, #tpu.memory_space<vmem>>, vector<16xf32>,
        tpu.vector_store %arg5[%swap3A_315, %swap3A_316], %gather3A_243 {strides = array<i32>} : memref<2x4096xf32, #tpu.memory_space<vmem>>, vector<16xf32>,
        %mul3A_318 = arith.constant 32 : i32
        %mul3A_319 = arith.muli %add3A_152, %mul3A_318 : i32
        %swap3A_320 = arith.index_cast %select_n3A_44 : i32 to index
        %swap3A_321 = arith.index_cast %mul3A_319 : i32 to index
        %swap3A_322 = tpu.vector_load %arg5[%swap3A_320, %swap3A_321] {strides = array<i32>} : memref<2x4096xf32, #tpu.memory_space<vmem>>, vector<16xf32>,
        tpu.vector_store %arg5[%swap3A_320, %swap3A_321], %gather3A_198 {strides = array<i32>} : memref<2x4096xf32, #tpu.memory_space<vmem>>, vector<16xf32>,
        %mul3A_323 = arith.constant 32 : i32
        %mul3A_324 = arith.muli %add3A_152, %mul3A_323 : i32
        %add3A_325 = arith.constant 16 : i32
        %add3A_326 = arith.addi %mul3A_324, %add3A_325 : i32
        %swap3A_327 = arith.index_cast %select_n3A_44 : i32 to index
        %swap3A_328 = arith.index_cast %add3A_326 : i32 to index
        %swap3A_329 = tpu.vector_load %arg5[%swap3A_327, %swap3A_328] {strides = array<i32>} : memref<2x4096xf32, #tpu.memory_space<vmem>>, vector<16xf32>,
        tpu.vector_store %arg5[%swap3A_327, %swap3A_328], %gather3A_252 {strides = array<i32>} : memref<2x4096xf32, #tpu.memory_space<vmem>>, vector<16xf32>,
        %mul3A_330 = arith.constant 32 : i32
        %mul3A_331 = arith.muli %add3A_158, %mul3A_330 : i32
        %swap3A_332 = arith.index_cast %select_n3A_44 : i32 to index
        %swap3A_333 = arith.index_cast %mul3A_331 : i32 to index
        %swap3A_334 = tpu.vector_load %arg5[%swap3A_332, %swap3A_333] {strides = array<i32>} : memref<2x4096xf32, #tpu.memory_space<vmem>>, vector<16xf32>,
        tpu.vector_store %arg5[%swap3A_332, %swap3A_333], %gather3A_204 {strides = array<i32>} : memref<2x4096xf32, #tpu.memory_space<vmem>>, vector<16xf32>,
        %mul3A_335 = arith.constant 32 : i32
        %mul3A_336 = arith.muli %add3A_158, %mul3A_335 : i32
        %add3A_337 = arith.constant 16 : i32
        %add3A_338 = arith.addi %mul3A_336, %add3A_337 : i32
        %swap3A_339 = arith.index_cast %select_n3A_44 : i32 to index
        %swap3A_340 = arith.index_cast %add3A_338 : i32 to index
        %swap3A_341 = tpu.vector_load %arg5[%swap3A_339, %swap3A_340] {strides = array<i32>} : memref<2x4096xf32, #tpu.memory_space<vmem>>, vector<16xf32>,
        tpu.vector_store %arg5[%swap3A_339, %swap3A_340], %gather3A_261 {strides = array<i32>} : memref<2x4096xf32, #tpu.memory_space<vmem>>, vector<16xf32>,
        %mul3A_342 = arith.constant 32 : i32
        %mul3A_343 = arith.muli %add3A_164, %mul3A_342 : i32
        %swap3A_344 = arith.index_cast %select_n3A_44 : i32 to index
        %swap3A_345 = arith.index_cast %mul3A_343 : i32 to index
        %swap3A_346 = tpu.vector_load %arg5[%swap3A_344, %swap3A_345] {strides = array<i32>} : memref<2x4096xf32, #tpu.memory_space<vmem>>, vector<16xf32>,
        tpu.vector_store %arg5[%swap3A_344, %swap3A_345], %gather3A_210 {strides = array<i32>} : memref<2x4096xf32, #tpu.memory_space<vmem>>, vector<16xf32>,
        %mul3A_347 = arith.constant 32 : i32
        %mul3A_348 = arith.muli %add3A_164, %mul3A_347 : i32
        %add3A_349 = arith.constant 16 : i32
        %add3A_350 = arith.addi %mul3A_348, %add3A_349 : i32
        %swap3A_351 = arith.index_cast %select_n3A_44 : i32 to index
        %swap3A_352 = arith.index_cast %add3A_350 : i32 to index
        %swap3A_353 = tpu.vector_load %arg5[%swap3A_351, %swap3A_352] {strides = array<i32>} : memref<2x4096xf32, #tpu.memory_space<vmem>>, vector<16xf32>,
        tpu.vector_store %arg5[%swap3A_351, %swap3A_352], %gather3A_270 {strides = array<i32>} : memref<2x4096xf32, #tpu.memory_space<vmem>>, vector<16xf32>,
        %mul3A_354 = arith.constant 32 : i32
        %mul3A_355 = arith.muli %add3A_170, %mul3A_354 : i32
        %swap3A_356 = arith.index_cast %select_n3A_44 : i32 to index
        %swap3A_357 = arith.index_cast %mul3A_355 : i32 to index
        %swap3A_358 = tpu.vector_load %arg5[%swap3A_356, %swap3A_357] {strides = array<i32>} : memref<2x4096xf32, #tpu.memory_space<vmem>>, vector<16xf32>,
        tpu.vector_store %arg5[%swap3A_356, %swap3A_357], %gather3A_216 {strides = array<i32>} : memref<2x4096xf32, #tpu.memory_space<vmem>>, vector<16xf32>,
        %mul3A_359 = arith.constant 32 : i32
        %mul3A_360 = arith.muli %add3A_170, %mul3A_359 : i32
        %add3A_361 = arith.constant 16 : i32
        %add3A_362 = arith.addi %mul3A_360, %add3A_361 : i32
        %swap3A_363 = arith.index_cast %select_n3A_44 : i32 to index
        %swap3A_364 = arith.index_cast %add3A_362 : i32 to index
        %swap3A_365 = tpu.vector_load %arg5[%swap3A_363, %swap3A_364] {strides = array<i32>} : memref<2x4096xf32, #tpu.memory_space<vmem>>, vector<16xf32>,
        tpu.vector_store %arg5[%swap3A_363, %swap3A_364], %gather3A_279 {strides = array<i32>} : memref<2x4096xf32, #tpu.memory_space<vmem>>, vector<16xf32>,
        %mul3A_366 = arith.constant 32 : i32
        %mul3A_367 = arith.muli %add3A_176, %mul3A_366 : i32
        %swap3A_368 = arith.index_cast %select_n3A_44 : i32 to index
        %swap3A_369 = arith.index_cast %mul3A_367 : i32 to index
        %swap3A_370 = tpu.vector_load %arg5[%swap3A_368, %swap3A_369] {strides = array<i32>} : memref<2x4096xf32, #tpu.memory_space<vmem>>, vector<16xf32>,
        tpu.vector_store %arg5[%swap3A_368, %swap3A_369], %gather3A_222 {strides = array<i32>} : memref<2x4096xf32, #tpu.memory_space<vmem>>, vector<16xf32>,
        %mul3A_371 = arith.constant 32 : i32
        %mul3A_372 = arith.muli %add3A_176, %mul3A_371 : i32
        %add3A_373 = arith.constant 16 : i32
        %add3A_374 = arith.addi %mul3A_372, %add3A_373 : i32
        %swap3A_375 = arith.index_cast %select_n3A_44 : i32 to index
        %swap3A_376 = arith.index_cast %add3A_374 : i32 to index
        %swap3A_377 = tpu.vector_load %arg5[%swap3A_375, %swap3A_376] {strides = array<i32>} : memref<2x4096xf32, #tpu.memory_space<vmem>>, vector<16xf32>,
        tpu.vector_store %arg5[%swap3A_375, %swap3A_376], %gather3A_288 {strides = array<i32>} : memref<2x4096xf32, #tpu.memory_space<vmem>>, vector<16xf32>,
        %mul3A_378 = arith.constant 32 : i32
        %mul3A_379 = arith.muli %add3A_182, %mul3A_378 : i32
        %swap3A_380 = arith.index_cast %select_n3A_44 : i32 to index
        %swap3A_381 = arith.index_cast %mul3A_379 : i32 to index
        %swap3A_382 = tpu.vector_load %arg5[%swap3A_380, %swap3A_381] {strides = array<i32>} : memref<2x4096xf32, #tpu.memory_space<vmem>>, vector<16xf32>,
        tpu.vector_store %arg5[%swap3A_380, %swap3A_381], %gather3A_228 {strides = array<i32>} : memref<2x4096xf32, #tpu.memory_space<vmem>>, vector<16xf32>,
        %mul3A_383 = arith.constant 32 : i32
        %mul3A_384 = arith.muli %add3A_182, %mul3A_383 : i32
        %add3A_385 = arith.constant 16 : i32
        %add3A_386 = arith.addi %mul3A_384, %add3A_385 : i32
        %swap3A_387 = arith.index_cast %select_n3A_44 : i32 to index
        %swap3A_388 = arith.index_cast %add3A_386 : i32 to index
        %swap3A_389 = tpu.vector_load %arg5[%swap3A_387, %swap3A_388] {strides = array<i32>} : memref<2x4096xf32, #tpu.memory_space<vmem>>, vector<16xf32>,
        tpu.vector_store %arg5[%swap3A_387, %swap3A_388], %gather3A_297 {strides = array<i32>} : memref<2x4096xf32, #tpu.memory_space<vmem>>, vector<16xf32>,
        %mul3A_390 = arith.constant 32 : i32
        %mul3A_391 = arith.muli %add3A_188, %mul3A_390 : i32
        %swap3A_392 = arith.index_cast %select_n3A_44 : i32 to index
        %swap3A_393 = arith.index_cast %mul3A_391 : i32 to index
        %swap3A_394 = tpu.vector_load %arg5[%swap3A_392, %swap3A_393] {strides = array<i32>} : memref<2x4096xf32, #tpu.memory_space<vmem>>, vector<16xf32>,
        tpu.vector_store %arg5[%swap3A_392, %swap3A_393], %gather3A_234 {strides = array<i32>} : memref<2x4096xf32, #tpu.memory_space<vmem>>, vector<16xf32>,
        %mul3A_395 = arith.constant 32 : i32
        %mul3A_396 = arith.muli %add3A_188, %mul3A_395 : i32
        %add3A_397 = arith.constant 16 : i32
        %add3A_398 = arith.addi %mul3A_396, %add3A_397 : i32
        %swap3A_399 = arith.index_cast %select_n3A_44 : i32 to index
        %swap3A_400 = arith.index_cast %add3A_398 : i32 to index
        %swap3A_401 = tpu.vector_load %arg5[%swap3A_399, %swap3A_400] {strides = array<i32>} : memref<2x4096xf32, #tpu.memory_space<vmem>>, vector<16xf32>,
        tpu.vector_store %arg5[%swap3A_399, %swap3A_400], %gather3A_306 {strides = array<i32>} : memref<2x4096xf32, #tpu.memory_space<vmem>>, vector<16xf32>,
        %mul3A_402 = arith.constant 16 : i32
        %mul3A_403 = arith.muli %scan3A_139, %mul3A_402 : i32
        %add3A_404 = arith.constant 8 : i32
        %add3A_405 = arith.addi %mul3A_403, %add3A_404 : i32
        %add3A_406 = arith.constant 0 : i32
        %add3A_407 = arith.addi %add3A_405, %add3A_406 : i32
        %mul3A_408 = arith.constant 16 : i32
        %mul3A_409 = arith.muli %scan3A_139, %mul3A_408 : i32
        %add3A_410 = arith.constant 8 : i32
        %add3A_411 = arith.addi %mul3A_409, %add3A_410 : i32
        %add3A_412 = arith.constant 1 : i32
        %add3A_413 = arith.addi %add3A_411, %add3A_412 : i32
        %mul3A_414 = arith.constant 16 : i32
        %mul3A_415 = arith.muli %scan3A_139, %mul3A_414 : i32
        %add3A_416 = arith.constant 8 : i32
        %add3A_417 = arith.addi %mul3A_415, %add3A_416 : i32
        %add3A_418 = arith.constant 2 : i32
        %add3A_419 = arith.addi %add3A_417, %add3A_418 : i32
        %mul3A_420 = arith.constant 16 : i32
        %mul3A_421 = arith.muli %scan3A_139, %mul3A_420 : i32
        %add3A_422 = arith.constant 8 : i32
        %add3A_423 = arith.addi %mul3A_421, %add3A_422 : i32
        %add3A_424 = arith.constant 3 : i32
        %add3A_425 = arith.addi %add3A_423, %add3A_424 : i32
        %mul3A_426 = arith.constant 16 : i32
        %mul3A_427 = arith.muli %scan3A_139, %mul3A_426 : i32
        %add3A_428 = arith.constant 8 : i32
        %add3A_429 = arith.addi %mul3A_427, %add3A_428 : i32
        %add3A_430 = arith.constant 4 : i32
        %add3A_431 = arith.addi %add3A_429, %add3A_430 : i32
        %mul3A_432 = arith.constant 16 : i32
        %mul3A_433 = arith.muli %scan3A_139, %mul3A_432 : i32
        %add3A_434 = arith.constant 8 : i32
        %add3A_435 = arith.addi %mul3A_433, %add3A_434 : i32
        %add3A_436 = arith.constant 5 : i32
        %add3A_437 = arith.addi %add3A_435, %add3A_436 : i32
        %mul3A_438 = arith.constant 16 : i32
        %mul3A_439 = arith.muli %scan3A_139, %mul3A_438 : i32
        %add3A_440 = arith.constant 8 : i32
        %add3A_441 = arith.addi %mul3A_439, %add3A_440 : i32
        %add3A_442 = arith.constant 6 : i32
        %add3A_443 = arith.addi %add3A_441, %add3A_442 : i32
        %mul3A_444 = arith.constant 16 : i32
        %mul3A_445 = arith.muli %scan3A_139, %mul3A_444 : i32
        %add3A_446 = arith.constant 8 : i32
        %add3A_447 = arith.addi %mul3A_445, %add3A_446 : i32
        %add3A_448 = arith.constant 7 : i32
        %add3A_449 = arith.addi %add3A_447, %add3A_448 : i32
        %broadcast_in_dim3A_450 = vector.broadcast %add3A_407 : i32 to vector<16xi32>
        %gather3A_451 = arith.constant 0 : i32
        %gather3A_452 = arith.constant 0 : i32
        %gather3A_453 = tpu.memref_slice %arg4[%select_n3A_44, %gather3A_451, %gather3A_452] : memref<2x32x129xf32, #tpu.memory_space<vmem>> -> memref<1x32x129xf32, #tpu.memory_space<vmem>>
        %gather3A_454 = tpu.memref_squeeze %gather3A_453 : memref<1x32x129xf32, #tpu.memory_space<vmem>> -> memref<32x129xf32, #tpu.memory_space<vmem>>
        %gather3A_455 = tpu.vector_load_idx %gather3A_454[%iota3A, %broadcast_in_dim3A_450] : memref<32x129xf32, #tpu.memory_space<vmem>>[vector<16xi32>, vector<16xi32>], vector<16xf32>,
        %broadcast_in_dim3A_456 = vector.broadcast %add3A_413 : i32 to vector<16xi32>
        %gather3A_457 = arith.constant 0 : i32
        %gather3A_458 = arith.constant 0 : i32
        %gather3A_459 = tpu.memref_slice %arg4[%select_n3A_44, %gather3A_457, %gather3A_458] : memref<2x32x129xf32, #tpu.memory_space<vmem>> -> memref<1x32x129xf32, #tpu.memory_space<vmem>>
        %gather3A_460 = tpu.memref_squeeze %gather3A_459 : memref<1x32x129xf32, #tpu.memory_space<vmem>> -> memref<32x129xf32, #tpu.memory_space<vmem>>
        %gather3A_461 = tpu.vector_load_idx %gather3A_460[%iota3A, %broadcast_in_dim3A_456] : memref<32x129xf32, #tpu.memory_space<vmem>>[vector<16xi32>, vector<16xi32>], vector<16xf32>,
        %broadcast_in_dim3A_462 = vector.broadcast %add3A_419 : i32 to vector<16xi32>
        %gather3A_463 = arith.constant 0 : i32
        %gather3A_464 = arith.constant 0 : i32
        %gather3A_465 = tpu.memref_slice %arg4[%select_n3A_44, %gather3A_463, %gather3A_464] : memref<2x32x129xf32, #tpu.memory_space<vmem>> -> memref<1x32x129xf32, #tpu.memory_space<vmem>>
        %gather3A_466 = tpu.memref_squeeze %gather3A_465 : memref<1x32x129xf32, #tpu.memory_space<vmem>> -> memref<32x129xf32, #tpu.memory_space<vmem>>
        %gather3A_467 = tpu.vector_load_idx %gather3A_466[%iota3A, %broadcast_in_dim3A_462] : memref<32x129xf32, #tpu.memory_space<vmem>>[vector<16xi32>, vector<16xi32>], vector<16xf32>,
        %broadcast_in_dim3A_468 = vector.broadcast %add3A_425 : i32 to vector<16xi32>
        %gather3A_469 = arith.constant 0 : i32
        %gather3A_470 = arith.constant 0 : i32
        %gather3A_471 = tpu.memref_slice %arg4[%select_n3A_44, %gather3A_469, %gather3A_470] : memref<2x32x129xf32, #tpu.memory_space<vmem>> -> memref<1x32x129xf32, #tpu.memory_space<vmem>>
        %gather3A_472 = tpu.memref_squeeze %gather3A_471 : memref<1x32x129xf32, #tpu.memory_space<vmem>> -> memref<32x129xf32, #tpu.memory_space<vmem>>
        %gather3A_473 = tpu.vector_load_idx %gather3A_472[%iota3A, %broadcast_in_dim3A_468] : memref<32x129xf32, #tpu.memory_space<vmem>>[vector<16xi32>, vector<16xi32>], vector<16xf32>,
        %broadcast_in_dim3A_474 = vector.broadcast %add3A_431 : i32 to vector<16xi32>
        %gather3A_475 = arith.constant 0 : i32
        %gather3A_476 = arith.constant 0 : i32
        %gather3A_477 = tpu.memref_slice %arg4[%select_n3A_44, %gather3A_475, %gather3A_476] : memref<2x32x129xf32, #tpu.memory_space<vmem>> -> memref<1x32x129xf32, #tpu.memory_space<vmem>>
        %gather3A_478 = tpu.memref_squeeze %gather3A_477 : memref<1x32x129xf32, #tpu.memory_space<vmem>> -> memref<32x129xf32, #tpu.memory_space<vmem>>
        %gather3A_479 = tpu.vector_load_idx %gather3A_478[%iota3A, %broadcast_in_dim3A_474] : memref<32x129xf32, #tpu.memory_space<vmem>>[vector<16xi32>, vector<16xi32>], vector<16xf32>,
        %broadcast_in_dim3A_480 = vector.broadcast %add3A_437 : i32 to vector<16xi32>
        %gather3A_481 = arith.constant 0 : i32
        %gather3A_482 = arith.constant 0 : i32
        %gather3A_483 = tpu.memref_slice %arg4[%select_n3A_44, %gather3A_481, %gather3A_482] : memref<2x32x129xf32, #tpu.memory_space<vmem>> -> memref<1x32x129xf32, #tpu.memory_space<vmem>>
        %gather3A_484 = tpu.memref_squeeze %gather3A_483 : memref<1x32x129xf32, #tpu.memory_space<vmem>> -> memref<32x129xf32, #tpu.memory_space<vmem>>
        %gather3A_485 = tpu.vector_load_idx %gather3A_484[%iota3A, %broadcast_in_dim3A_480] : memref<32x129xf32, #tpu.memory_space<vmem>>[vector<16xi32>, vector<16xi32>], vector<16xf32>,
        %broadcast_in_dim3A_486 = vector.broadcast %add3A_443 : i32 to vector<16xi32>
        %gather3A_487 = arith.constant 0 : i32
        %gather3A_488 = arith.constant 0 : i32
        %gather3A_489 = tpu.memref_slice %arg4[%select_n3A_44, %gather3A_487, %gather3A_488] : memref<2x32x129xf32, #tpu.memory_space<vmem>> -> memref<1x32x129xf32, #tpu.memory_space<vmem>>
        %gather3A_490 = tpu.memref_squeeze %gather3A_489 : memref<1x32x129xf32, #tpu.memory_space<vmem>> -> memref<32x129xf32, #tpu.memory_space<vmem>>
        %gather3A_491 = tpu.vector_load_idx %gather3A_490[%iota3A, %broadcast_in_dim3A_486] : memref<32x129xf32, #tpu.memory_space<vmem>>[vector<16xi32>, vector<16xi32>], vector<16xf32>,
        %broadcast_in_dim3A_492 = vector.broadcast %add3A_449 : i32 to vector<16xi32>
        %gather3A_493 = arith.constant 0 : i32
        %gather3A_494 = arith.constant 0 : i32
        %gather3A_495 = tpu.memref_slice %arg4[%select_n3A_44, %gather3A_493, %gather3A_494] : memref<2x32x129xf32, #tpu.memory_space<vmem>> -> memref<1x32x129xf32, #tpu.memory_space<vmem>>
        %gather3A_496 = tpu.memref_squeeze %gather3A_495 : memref<1x32x129xf32, #tpu.memory_space<vmem>> -> memref<32x129xf32, #tpu.memory_space<vmem>>
        %gather3A_497 = tpu.vector_load_idx %gather3A_496[%iota3A, %broadcast_in_dim3A_492] : memref<32x129xf32, #tpu.memory_space<vmem>>[vector<16xi32>, vector<16xi32>], vector<16xf32>,
        %add3A_498 = arith.constant 16 : i32
        %add3A_499 = vector.broadcast %add3A_498 : i32 to vector<16xi32>
        %add3A_500 = arith.addi %iota3A, %add3A_499 : vector<16xi32>
        %broadcast_in_dim3A_501 = vector.broadcast %add3A_407 : i32 to vector<16xi32>
        %gather3A_502 = arith.constant 0 : i32
        %gather3A_503 = arith.constant 0 : i32
        %gather3A_504 = tpu.memref_slice %arg4[%select_n3A_44, %gather3A_502, %gather3A_503] : memref<2x32x129xf32, #tpu.memory_space<vmem>> -> memref<1x32x129xf32, #tpu.memory_space<vmem>>
        %gather3A_505 = tpu.memref_squeeze %gather3A_504 : memref<1x32x129xf32, #tpu.memory_space<vmem>> -> memref<32x129xf32, #tpu.memory_space<vmem>>
        %gather3A_506 = tpu.vector_load_idx %gather3A_505[%add3A_500, %broadcast_in_dim3A_501] : memref<32x129xf32, #tpu.memory_space<vmem>>[vector<16xi32>, vector<16xi32>], vector<16xf32>,
        %add3A_507 = arith.constant 16 : i32
        %add3A_508 = vector.broadcast %add3A_507 : i32 to vector<16xi32>
        %add3A_509 = arith.addi %iota3A, %add3A_508 : vector<16xi32>
        %broadcast_in_dim3A_510 = vector.broadcast %add3A_413 : i32 to vector<16xi32>
        %gather3A_511 = arith.constant 0 : i32
        %gather3A_512 = arith.constant 0 : i32
        %gather3A_513 = tpu.memref_slice %arg4[%select_n3A_44, %gather3A_511, %gather3A_512] : memref<2x32x129xf32, #tpu.memory_space<vmem>> -> memref<1x32x129xf32, #tpu.memory_space<vmem>>
        %gather3A_514 = tpu.memref_squeeze %gather3A_513 : memref<1x32x129xf32, #tpu.memory_space<vmem>> -> memref<32x129xf32, #tpu.memory_space<vmem>>
        %gather3A_515 = tpu.vector_load_idx %gather3A_514[%add3A_509, %broadcast_in_dim3A_510] : memref<32x129xf32, #tpu.memory_space<vmem>>[vector<16xi32>, vector<16xi32>], vector<16xf32>,
        %add3A_516 = arith.constant 16 : i32
        %add3A_517 = vector.broadcast %add3A_516 : i32 to vector<16xi32>
        %add3A_518 = arith.addi %iota3A, %add3A_517 : vector<16xi32>
        %broadcast_in_dim3A_519 = vector.broadcast %add3A_419 : i32 to vector<16xi32>
        %gather3A_520 = arith.constant 0 : i32
        %gather3A_521 = arith.constant 0 : i32
        %gather3A_522 = tpu.memref_slice %arg4[%select_n3A_44, %gather3A_520, %gather3A_521] : memref<2x32x129xf32, #tpu.memory_space<vmem>> -> memref<1x32x129xf32, #tpu.memory_space<vmem>>
        %gather3A_523 = tpu.memref_squeeze %gather3A_522 : memref<1x32x129xf32, #tpu.memory_space<vmem>> -> memref<32x129xf32, #tpu.memory_space<vmem>>
        %gather3A_524 = tpu.vector_load_idx %gather3A_523[%add3A_518, %broadcast_in_dim3A_519] : memref<32x129xf32, #tpu.memory_space<vmem>>[vector<16xi32>, vector<16xi32>], vector<16xf32>,
        %add3A_525 = arith.constant 16 : i32
        %add3A_526 = vector.broadcast %add3A_525 : i32 to vector<16xi32>
        %add3A_527 = arith.addi %iota3A, %add3A_526 : vector<16xi32>
        %broadcast_in_dim3A_528 = vector.broadcast %add3A_425 : i32 to vector<16xi32>
        %gather3A_529 = arith.constant 0 : i32
        %gather3A_530 = arith.constant 0 : i32
        %gather3A_531 = tpu.memref_slice %arg4[%select_n3A_44, %gather3A_529, %gather3A_530] : memref<2x32x129xf32, #tpu.memory_space<vmem>> -> memref<1x32x129xf32, #tpu.memory_space<vmem>>
        %gather3A_532 = tpu.memref_squeeze %gather3A_531 : memref<1x32x129xf32, #tpu.memory_space<vmem>> -> memref<32x129xf32, #tpu.memory_space<vmem>>
        %gather3A_533 = tpu.vector_load_idx %gather3A_532[%add3A_527, %broadcast_in_dim3A_528] : memref<32x129xf32, #tpu.memory_space<vmem>>[vector<16xi32>, vector<16xi32>], vector<16xf32>,
        %add3A_534 = arith.constant 16 : i32
        %add3A_535 = vector.broadcast %add3A_534 : i32 to vector<16xi32>
        %add3A_536 = arith.addi %iota3A, %add3A_535 : vector<16xi32>
        %broadcast_in_dim3A_537 = vector.broadcast %add3A_431 : i32 to vector<16xi32>
        %gather3A_538 = arith.constant 0 : i32
        %gather3A_539 = arith.constant 0 : i32
        %gather3A_540 = tpu.memref_slice %arg4[%select_n3A_44, %gather3A_538, %gather3A_539] : memref<2x32x129xf32, #tpu.memory_space<vmem>> -> memref<1x32x129xf32, #tpu.memory_space<vmem>>
        %gather3A_541 = tpu.memref_squeeze %gather3A_540 : memref<1x32x129xf32, #tpu.memory_space<vmem>> -> memref<32x129xf32, #tpu.memory_space<vmem>>
        %gather3A_542 = tpu.vector_load_idx %gather3A_541[%add3A_536, %broadcast_in_dim3A_537] : memref<32x129xf32, #tpu.memory_space<vmem>>[vector<16xi32>, vector<16xi32>], vector<16xf32>,
        %add3A_543 = arith.constant 16 : i32
        %add3A_544 = vector.broadcast %add3A_543 : i32 to vector<16xi32>
        %add3A_545 = arith.addi %iota3A, %add3A_544 : vector<16xi32>
        %broadcast_in_dim3A_546 = vector.broadcast %add3A_437 : i32 to vector<16xi32>
        %gather3A_547 = arith.constant 0 : i32
        %gather3A_548 = arith.constant 0 : i32
        %gather3A_549 = tpu.memref_slice %arg4[%select_n3A_44, %gather3A_547, %gather3A_548] : memref<2x32x129xf32, #tpu.memory_space<vmem>> -> memref<1x32x129xf32, #tpu.memory_space<vmem>>
        %gather3A_550 = tpu.memref_squeeze %gather3A_549 : memref<1x32x129xf32, #tpu.memory_space<vmem>> -> memref<32x129xf32, #tpu.memory_space<vmem>>
        %gather3A_551 = tpu.vector_load_idx %gather3A_550[%add3A_545, %broadcast_in_dim3A_546] : memref<32x129xf32, #tpu.memory_space<vmem>>[vector<16xi32>, vector<16xi32>], vector<16xf32>,
        %add3A_552 = arith.constant 16 : i32
        %add3A_553 = vector.broadcast %add3A_552 : i32 to vector<16xi32>
        %add3A_554 = arith.addi %iota3A, %add3A_553 : vector<16xi32>
        %broadcast_in_dim3A_555 = vector.broadcast %add3A_443 : i32 to vector<16xi32>
        %gather3A_556 = arith.constant 0 : i32
        %gather3A_557 = arith.constant 0 : i32
        %gather3A_558 = tpu.memref_slice %arg4[%select_n3A_44, %gather3A_556, %gather3A_557] : memref<2x32x129xf32, #tpu.memory_space<vmem>> -> memref<1x32x129xf32, #tpu.memory_space<vmem>>
        %gather3A_559 = tpu.memref_squeeze %gather3A_558 : memref<1x32x129xf32, #tpu.memory_space<vmem>> -> memref<32x129xf32, #tpu.memory_space<vmem>>
        %gather3A_560 = tpu.vector_load_idx %gather3A_559[%add3A_554, %broadcast_in_dim3A_555] : memref<32x129xf32, #tpu.memory_space<vmem>>[vector<16xi32>, vector<16xi32>], vector<16xf32>,
        %add3A_561 = arith.constant 16 : i32
        %add3A_562 = vector.broadcast %add3A_561 : i32 to vector<16xi32>
        %add3A_563 = arith.addi %iota3A, %add3A_562 : vector<16xi32>
        %broadcast_in_dim3A_564 = vector.broadcast %add3A_449 : i32 to vector<16xi32>
        %gather3A_565 = arith.constant 0 : i32
        %gather3A_566 = arith.constant 0 : i32
        %gather3A_567 = tpu.memref_slice %arg4[%select_n3A_44, %gather3A_565, %gather3A_566] : memref<2x32x129xf32, #tpu.memory_space<vmem>> -> memref<1x32x129xf32, #tpu.memory_space<vmem>>
        %gather3A_568 = tpu.memref_squeeze %gather3A_567 : memref<1x32x129xf32, #tpu.memory_space<vmem>> -> memref<32x129xf32, #tpu.memory_space<vmem>>
        %gather3A_569 = tpu.vector_load_idx %gather3A_568[%add3A_563, %broadcast_in_dim3A_564] : memref<32x129xf32, #tpu.memory_space<vmem>>[vector<16xi32>, vector<16xi32>], vector<16xf32>,
        %mul3A_570 = arith.constant 32 : i32
        %mul3A_571 = arith.muli %add3A_407, %mul3A_570 : i32
        %swap3A_572 = arith.index_cast %select_n3A_44 : i32 to index
        %swap3A_573 = arith.index_cast %mul3A_571 : i32 to index
        %swap3A_574 = tpu.vector_load %arg5[%swap3A_572, %swap3A_573] {strides = array<i32>} : memref<2x4096xf32, #tpu.memory_space<vmem>>, vector<16xf32>,
        tpu.vector_store %arg5[%swap3A_572, %swap3A_573], %gather3A_455 {strides = array<i32>} : memref<2x4096xf32, #tpu.memory_space<vmem>>, vector<16xf32>,
        %mul3A_575 = arith.constant 32 : i32
        %mul3A_576 = arith.muli %add3A_407, %mul3A_575 : i32
        %add3A_577 = arith.constant 16 : i32
        %add3A_578 = arith.addi %mul3A_576, %add3A_577 : i32
        %swap3A_579 = arith.index_cast %select_n3A_44 : i32 to index
        %swap3A_580 = arith.index_cast %add3A_578 : i32 to index
        %swap3A_581 = tpu.vector_load %arg5[%swap3A_579, %swap3A_580] {strides = array<i32>} : memref<2x4096xf32, #tpu.memory_space<vmem>>, vector<16xf32>,
        tpu.vector_store %arg5[%swap3A_579, %swap3A_580], %gather3A_506 {strides = array<i32>} : memref<2x4096xf32, #tpu.memory_space<vmem>>, vector<16xf32>,
        %mul3A_582 = arith.constant 32 : i32
        %mul3A_583 = arith.muli %add3A_413, %mul3A_582 : i32
        %swap3A_584 = arith.index_cast %select_n3A_44 : i32 to index
        %swap3A_585 = arith.index_cast %mul3A_583 : i32 to index
        %swap3A_586 = tpu.vector_load %arg5[%swap3A_584, %swap3A_585] {strides = array<i32>} : memref<2x4096xf32, #tpu.memory_space<vmem>>, vector<16xf32>,
        tpu.vector_store %arg5[%swap3A_584, %swap3A_585], %gather3A_461 {strides = array<i32>} : memref<2x4096xf32, #tpu.memory_space<vmem>>, vector<16xf32>,
        %mul3A_587 = arith.constant 32 : i32
        %mul3A_588 = arith.muli %add3A_413, %mul3A_587 : i32
        %add3A_589 = arith.constant 16 : i32
        %add3A_590 = arith.addi %mul3A_588, %add3A_589 : i32
        %swap3A_591 = arith.index_cast %select_n3A_44 : i32 to index
        %swap3A_592 = arith.index_cast %add3A_590 : i32 to index
        %swap3A_593 = tpu.vector_load %arg5[%swap3A_591, %swap3A_592] {strides = array<i32>} : memref<2x4096xf32, #tpu.memory_space<vmem>>, vector<16xf32>,
        tpu.vector_store %arg5[%swap3A_591, %swap3A_592], %gather3A_515 {strides = array<i32>} : memref<2x4096xf32, #tpu.memory_space<vmem>>, vector<16xf32>,
        %mul3A_594 = arith.constant 32 : i32
        %mul3A_595 = arith.muli %add3A_419, %mul3A_594 : i32
        %swap3A_596 = arith.index_cast %select_n3A_44 : i32 to index
        %swap3A_597 = arith.index_cast %mul3A_595 : i32 to index
        %swap3A_598 = tpu.vector_load %arg5[%swap3A_596, %swap3A_597] {strides = array<i32>} : memref<2x4096xf32, #tpu.memory_space<vmem>>, vector<16xf32>,
        tpu.vector_store %arg5[%swap3A_596, %swap3A_597], %gather3A_467 {strides = array<i32>} : memref<2x4096xf32, #tpu.memory_space<vmem>>, vector<16xf32>,
        %mul3A_599 = arith.constant 32 : i32
        %mul3A_600 = arith.muli %add3A_419, %mul3A_599 : i32
        %add3A_601 = arith.constant 16 : i32
        %add3A_602 = arith.addi %mul3A_600, %add3A_601 : i32
        %swap3A_603 = arith.index_cast %select_n3A_44 : i32 to index
        %swap3A_604 = arith.index_cast %add3A_602 : i32 to index
        %swap3A_605 = tpu.vector_load %arg5[%swap3A_603, %swap3A_604] {strides = array<i32>} : memref<2x4096xf32, #tpu.memory_space<vmem>>, vector<16xf32>,
        tpu.vector_store %arg5[%swap3A_603, %swap3A_604], %gather3A_524 {strides = array<i32>} : memref<2x4096xf32, #tpu.memory_space<vmem>>, vector<16xf32>,
        %mul3A_606 = arith.constant 32 : i32
        %mul3A_607 = arith.muli %add3A_425, %mul3A_606 : i32
        %swap3A_608 = arith.index_cast %select_n3A_44 : i32 to index
        %swap3A_609 = arith.index_cast %mul3A_607 : i32 to index
        %swap3A_610 = tpu.vector_load %arg5[%swap3A_608, %swap3A_609] {strides = array<i32>} : memref<2x4096xf32, #tpu.memory_space<vmem>>, vector<16xf32>,
        tpu.vector_store %arg5[%swap3A_608, %swap3A_609], %gather3A_473 {strides = array<i32>} : memref<2x4096xf32, #tpu.memory_space<vmem>>, vector<16xf32>,
        %mul3A_611 = arith.constant 32 : i32
        %mul3A_612 = arith.muli %add3A_425, %mul3A_611 : i32
        %add3A_613 = arith.constant 16 : i32
        %add3A_614 = arith.addi %mul3A_612, %add3A_613 : i32
        %swap3A_615 = arith.index_cast %select_n3A_44 : i32 to index
        %swap3A_616 = arith.index_cast %add3A_614 : i32 to index
        %swap3A_617 = tpu.vector_load %arg5[%swap3A_615, %swap3A_616] {strides = array<i32>} : memref<2x4096xf32, #tpu.memory_space<vmem>>, vector<16xf32>,
        tpu.vector_store %arg5[%swap3A_615, %swap3A_616], %gather3A_533 {strides = array<i32>} : memref<2x4096xf32, #tpu.memory_space<vmem>>, vector<16xf32>,
        %mul3A_618 = arith.constant 32 : i32
        %mul3A_619 = arith.muli %add3A_431, %mul3A_618 : i32
        %swap3A_620 = arith.index_cast %select_n3A_44 : i32 to index
        %swap3A_621 = arith.index_cast %mul3A_619 : i32 to index
        %swap3A_622 = tpu.vector_load %arg5[%swap3A_620, %swap3A_621] {strides = array<i32>} : memref<2x4096xf32, #tpu.memory_space<vmem>>, vector<16xf32>,
        tpu.vector_store %arg5[%swap3A_620, %swap3A_621], %gather3A_479 {strides = array<i32>} : memref<2x4096xf32, #tpu.memory_space<vmem>>, vector<16xf32>,
        %mul3A_623 = arith.constant 32 : i32
        %mul3A_624 = arith.muli %add3A_431, %mul3A_623 : i32
        %add3A_625 = arith.constant 16 : i32
        %add3A_626 = arith.addi %mul3A_624, %add3A_625 : i32
        %swap3A_627 = arith.index_cast %select_n3A_44 : i32 to index
        %swap3A_628 = arith.index_cast %add3A_626 : i32 to index
        %swap3A_629 = tpu.vector_load %arg5[%swap3A_627, %swap3A_628] {strides = array<i32>} : memref<2x4096xf32, #tpu.memory_space<vmem>>, vector<16xf32>,
        tpu.vector_store %arg5[%swap3A_627, %swap3A_628], %gather3A_542 {strides = array<i32>} : memref<2x4096xf32, #tpu.memory_space<vmem>>, vector<16xf32>,
        %mul3A_630 = arith.constant 32 : i32
        %mul3A_631 = arith.muli %add3A_437, %mul3A_630 : i32
        %swap3A_632 = arith.index_cast %select_n3A_44 : i32 to index
        %swap3A_633 = arith.index_cast %mul3A_631 : i32 to index
        %swap3A_634 = tpu.vector_load %arg5[%swap3A_632, %swap3A_633] {strides = array<i32>} : memref<2x4096xf32, #tpu.memory_space<vmem>>, vector<16xf32>,
        tpu.vector_store %arg5[%swap3A_632, %swap3A_633], %gather3A_485 {strides = array<i32>} : memref<2x4096xf32, #tpu.memory_space<vmem>>, vector<16xf32>,
        %mul3A_635 = arith.constant 32 : i32
        %mul3A_636 = arith.muli %add3A_437, %mul3A_635 : i32
        %add3A_637 = arith.constant 16 : i32
        %add3A_638 = arith.addi %mul3A_636, %add3A_637 : i32
        %swap3A_639 = arith.index_cast %select_n3A_44 : i32 to index
        %swap3A_640 = arith.index_cast %add3A_638 : i32 to index
        %swap3A_641 = tpu.vector_load %arg5[%swap3A_639, %swap3A_640] {strides = array<i32>} : memref<2x4096xf32, #tpu.memory_space<vmem>>, vector<16xf32>,
        tpu.vector_store %arg5[%swap3A_639, %swap3A_640], %gather3A_551 {strides = array<i32>} : memref<2x4096xf32, #tpu.memory_space<vmem>>, vector<16xf32>,
        %mul3A_642 = arith.constant 32 : i32
        %mul3A_643 = arith.muli %add3A_443, %mul3A_642 : i32
        %swap3A_644 = arith.index_cast %select_n3A_44 : i32 to index
        %swap3A_645 = arith.index_cast %mul3A_643 : i32 to index
        %swap3A_646 = tpu.vector_load %arg5[%swap3A_644, %swap3A_645] {strides = array<i32>} : memref<2x4096xf32, #tpu.memory_space<vmem>>, vector<16xf32>,
        tpu.vector_store %arg5[%swap3A_644, %swap3A_645], %gather3A_491 {strides = array<i32>} : memref<2x4096xf32, #tpu.memory_space<vmem>>, vector<16xf32>,
        %mul3A_647 = arith.constant 32 : i32
        %mul3A_648 = arith.muli %add3A_443, %mul3A_647 : i32
        %add3A_649 = arith.constant 16 : i32
        %add3A_650 = arith.addi %mul3A_648, %add3A_649 : i32
        %swap3A_651 = arith.index_cast %select_n3A_44 : i32 to index
        %swap3A_652 = arith.index_cast %add3A_650 : i32 to index
        %swap3A_653 = tpu.vector_load %arg5[%swap3A_651, %swap3A_652] {strides = array<i32>} : memref<2x4096xf32, #tpu.memory_space<vmem>>, vector<16xf32>,
        tpu.vector_store %arg5[%swap3A_651, %swap3A_652], %gather3A_560 {strides = array<i32>} : memref<2x4096xf32, #tpu.memory_space<vmem>>, vector<16xf32>,
        %mul3A_654 = arith.constant 32 : i32
        %mul3A_655 = arith.muli %add3A_449, %mul3A_654 : i32
        %swap3A_656 = arith.index_cast %select_n3A_44 : i32 to index
        %swap3A_657 = arith.index_cast %mul3A_655 : i32 to index
        %swap3A_658 = tpu.vector_load %arg5[%swap3A_656, %swap3A_657] {strides = array<i32>} : memref<2x4096xf32, #tpu.memory_space<vmem>>, vector<16xf32>,
        tpu.vector_store %arg5[%swap3A_656, %swap3A_657], %gather3A_497 {strides = array<i32>} : memref<2x4096xf32, #tpu.memory_space<vmem>>, vector<16xf32>,
        %mul3A_659 = arith.constant 32 : i32
        %mul3A_660 = arith.muli %add3A_449, %mul3A_659 : i32
        %add3A_661 = arith.constant 16 : i32
        %add3A_662 = arith.addi %mul3A_660, %add3A_661 : i32
        %swap3A_663 = arith.index_cast %select_n3A_44 : i32 to index
        %swap3A_664 = arith.index_cast %add3A_662 : i32 to index
        %swap3A_665 = tpu.vector_load %arg5[%swap3A_663, %swap3A_664] {strides = array<i32>} : memref<2x4096xf32, #tpu.memory_space<vmem>>, vector<16xf32>,
        tpu.vector_store %arg5[%swap3A_663, %swap3A_664], %gather3A_569 {strides = array<i32>} : memref<2x4096xf32, #tpu.memory_space<vmem>>, vector<16xf32>,
        %scan3A_666 = arith.constant 0 : i32
        scf.yield %scan3A_666 : i32
      }
      %scan3A_126 = arith.constant 8 : i32
      %mul3A_127 = arith.constant 128 : i32
      %mul3A_128 = arith.muli %add3A_32, %mul3A_127 : i32
      %mul3A_129 = arith.constant 32 : i32
      %mul3A_130 = arith.muli %mul3A_128, %mul3A_129 : i32
      %dma_start3A = arith.constant 0 : i32
      %dma_start3A_131 = tpu.memref_slice %arg5[%select_n3A_44, %dma_start3A] : memref<2x4096xf32, #tpu.memory_space<vmem>> -> memref<1x4096xf32, #tpu.memory_space<vmem>>
      %dma_start3A_132 = tpu.memref_squeeze %dma_start3A_131 : memref<1x4096xf32, #tpu.memory_space<vmem>> -> memref<4096xf32, #tpu.memory_space<vmem>>
      %dma_start3A_133 = tpu.memref_slice %arg3[%mul3A_130] : memref<32002048xf32, #tpu.memory_space<hbm>> -> memref<4096xf32, #tpu.memory_space<hbm>>
      %dma_start3A_134 = tpu.memref_slice %arg3[%mul3A_130] : memref<32002048xf32, #tpu.memory_space<hbm>> -> memref<4096xf32, #tpu.memory_space<hbm>>
      %dma_start3A_135 = arith.constant 0 : i32
      %dma_start3A_136 = tpu.memref_slice %arg5[%select_n3A_44, %dma_start3A_135] : memref<2x4096xf32, #tpu.memory_space<vmem>> -> memref<1x4096xf32, #tpu.memory_space<vmem>>
      %dma_start3A_137 = tpu.memref_squeeze %dma_start3A_136 : memref<1x4096xf32, #tpu.memory_space<vmem>> -> memref<4096xf32, #tpu.memory_space<vmem>>
      tpu.enqueue_dma source(%dma_start3A_137 : memref<4096xf32, #tpu.memory_space<vmem>>) target(%dma_start3A_134 : memref<4096xf32, #tpu.memory_space<hbm>>) target_semaphore(%arg7 : memref<!tpu.dma_semaphore, #tpu.memory_space<semaphore_mem>>)
      %while3A_138 = arith.constant 0 : i32
      scf.yield %while3A_138 : i32
    }
    %while3A_14 = arith.constant 1 : i32
    %while3A_15 = scf.for %while3A_28 = %while3A_11 to %while3A_7 step %while3A_14 iter_args(%while3A_29 = %while3A_13) -> (i32)  : i32 {
      %mul3A_30 = arith.constant 32 : i32
      %mul3A_31 = arith.muli %while3A_28, %mul3A_30 : i32
      %add3A_32 = arith.addi %add3A, %mul3A_31 : i32
      %jit3A_33 = arith.constant 2 : i32
      %eq3A = arith.constant 0 : i32
      %eq3A_34 = arith.cmpi eq, %jit3A_33, %eq3A : i32
      %jit3A_35 = arith.constant 1 : i32
      %select_n3A_36 = arith.select %eq3A_34, %jit3A_35, %jit3A_33 : i32
      %rem3A = arith.remsi %while3A_28, %select_n3A_36 : i32
      %ne3A = arith.constant 0 : i32
      %ne3A_37 = arith.cmpi ne, %rem3A, %ne3A : i32
      %lt3A_38 = arith.constant 0 : i32
      %lt3A_39 = arith.cmpi slt, %rem3A, %lt3A_38 : i32
      %lt3A_40 = arith.constant 0 : i32
      %lt3A_41 = arith.cmpi slt, %select_n3A_36, %lt3A_40 : i32
      %ne3A_42 = arith.xori %lt3A_39, %lt3A_41 : i1
      %and3A = arith.andi %ne3A_42, %ne3A_37 : i1
      %add3A_43 = arith.addi %rem3A, %select_n3A_36 : i32
      %select_n3A_44 = arith.select %and3A, %add3A_43, %rem3A : i32
      %add3A_45 = arith.constant 1 : i32
      %add3A_46 = arith.addi %while3A_28, %add3A_45 : i32
      %lt3A_47 = arith.cmpi slt, %add3A_46, %select_n3A : i32
      %convert_element_type3A_48 = arith.extui %lt3A_47 : i1 to i32
      %cond3A_49 = arith.constant 0 : i32
      %cond3A_50 = arith.cmpi ne, %convert_element_type3A_48, %cond3A_49 : i32
      scf.if %cond3A_50 {
        %add3A_139 = arith.constant 1 : i32
        %add3A_140 = arith.addi %while3A_28, %add3A_139 : i32
        %sub3A = arith.constant 1 : i32
        %sub3A_141 = arith.subi %sub3A, %select_n3A_44 : i32
        %mul3A_142 = arith.constant 32 : i32
        %mul3A_143 = arith.muli %add3A_140, %mul3A_142 : i32
        %add3A_144 = arith.addi %add3A, %mul3A_143 : i32
        %add3A_145 = arith.constant 0 : i32
        %add3A_146 = arith.addi %add3A_145, %add3A_144 : i32
        %mul3A_147 = arith.constant 8 : i32
        %mul3A_148 = arith.muli %add3A_146, %mul3A_147 : i32
        %multiple_of3A_149 = tpu.assume_multiple %mul3A_148, 8 : i32
        %dma_start3A_150 = arith.constant 0 : i32
        %dma_start3A_151 = arith.constant 0 : i32
        %dma_start3A_152 = tpu.memref_slice %arg4[%sub3A_141, %dma_start3A_150, %dma_start3A_151] : memref<2x32x129xf32, #tpu.memory_space<vmem>> -> memref<1x8x128xf32, #tpu.memory_space<vmem>>
        %dma_start3A_153 = tpu.memref_squeeze %dma_start3A_152 : memref<1x8x128xf32, #tpu.memory_space<vmem>> -> memref<8x128xf32, #tpu.memory_space<vmem>>
        %dma_start3A_154 = arith.constant 0 : i32
        %dma_start3A_155 = tpu.memref_slice %arg2[%multiple_of3A_149, %dma_start3A_154] : memref<258048x128xf32, #tpu.memory_space<hbm>> -> memref<8x128xf32, #tpu.memory_space<hbm>>
        %dma_start3A_156 = arith.constant 0 : i32
        %dma_start3A_157 = arith.constant 0 : i32
        %dma_start3A_158 = tpu.memref_slice %arg4[%sub3A_141, %dma_start3A_156, %dma_start3A_157] : memref<2x32x129xf32, #tpu.memory_space<vmem>> -> memref<1x8x128xf32, #tpu.memory_space<vmem>>
        %dma_start3A_159 = tpu.memref_squeeze %dma_start3A_158 : memref<1x8x128xf32, #tpu.memory_space<vmem>> -> memref<8x128xf32, #tpu.memory_space<vmem>>
        %dma_start3A_160 = arith.constant 0 : i32
        %dma_start3A_161 = tpu.memref_slice %arg2[%multiple_of3A_149, %dma_start3A_160] : memref<258048x128xf32, #tpu.memory_space<hbm>> -> memref<8x128xf32, #tpu.memory_space<hbm>>
        tpu.enqueue_dma source(%dma_start3A_161 : memref<8x128xf32, #tpu.memory_space<hbm>>) target(%dma_start3A_159 : memref<8x128xf32, #tpu.memory_space<vmem>>) target_semaphore(%arg6 : memref<!tpu.dma_semaphore, #tpu.memory_space<semaphore_mem>>)
        %add3A_162 = arith.constant 8064 : i32
        %add3A_163 = arith.addi %add3A_162, %add3A_144 : i32
        %mul3A_164 = arith.constant 8 : i32
        %mul3A_165 = arith.muli %add3A_163, %mul3A_164 : i32
        %multiple_of3A_166 = tpu.assume_multiple %mul3A_165, 8 : i32
        %dma_start3A_167 = arith.constant 8 : i32
        %dma_start3A_168 = arith.constant 0 : i32
        %dma_start3A_169 = tpu.memref_slice %arg4[%sub3A_141, %dma_start3A_167, %dma_start3A_168] : memref<2x32x129xf32, #tpu.memory_space<vmem>> -> memref<1x8x128xf32, #tpu.memory_space<vmem>>
        %dma_start3A_170 = tpu.memref_squeeze %dma_start3A_169 : memref<1x8x128xf32, #tpu.memory_space<vmem>> -> memref<8x128xf32, #tpu.memory_space<vmem>>
        %dma_start3A_171 = arith.constant 0 : i32
        %dma_start3A_172 = tpu.memref_slice %arg2[%multiple_of3A_166, %dma_start3A_171] : memref<258048x128xf32, #tpu.memory_space<hbm>> -> memref<8x128xf32, #tpu.memory_space<hbm>>
        %dma_start3A_173 = arith.constant 8 : i32
        %dma_start3A_174 = arith.constant 0 : i32
        %dma_start3A_175 = tpu.memref_slice %arg4[%sub3A_141, %dma_start3A_173, %dma_start3A_174] : memref<2x32x129xf32, #tpu.memory_space<vmem>> -> memref<1x8x128xf32, #tpu.memory_space<vmem>>
        %dma_start3A_176 = tpu.memref_squeeze %dma_start3A_175 : memref<1x8x128xf32, #tpu.memory_space<vmem>> -> memref<8x128xf32, #tpu.memory_space<vmem>>
        %dma_start3A_177 = arith.constant 0 : i32
        %dma_start3A_178 = tpu.memref_slice %arg2[%multiple_of3A_166, %dma_start3A_177] : memref<258048x128xf32, #tpu.memory_space<hbm>> -> memref<8x128xf32, #tpu.memory_space<hbm>>
        tpu.enqueue_dma source(%dma_start3A_178 : memref<8x128xf32, #tpu.memory_space<hbm>>) target(%dma_start3A_176 : memref<8x128xf32, #tpu.memory_space<vmem>>) target_semaphore(%arg6 : memref<!tpu.dma_semaphore, #tpu.memory_space<semaphore_mem>>)
        %add3A_179 = arith.constant 16128 : i32
        %add3A_180 = arith.addi %add3A_179, %add3A_144 : i32
        %mul3A_181 = arith.constant 8 : i32
        %mul3A_182 = arith.muli %add3A_180, %mul3A_181 : i32
        %multiple_of3A_183 = tpu.assume_multiple %mul3A_182, 8 : i32
        %dma_start3A_184 = arith.constant 16 : i32
        %dma_start3A_185 = arith.constant 0 : i32
        %dma_start3A_186 = tpu.memref_slice %arg4[%sub3A_141, %dma_start3A_184, %dma_start3A_185] : memref<2x32x129xf32, #tpu.memory_space<vmem>> -> memref<1x8x128xf32, #tpu.memory_space<vmem>>
        %dma_start3A_187 = tpu.memref_squeeze %dma_start3A_186 : memref<1x8x128xf32, #tpu.memory_space<vmem>> -> memref<8x128xf32, #tpu.memory_space<vmem>>
        %dma_start3A_188 = arith.constant 0 : i32
        %dma_start3A_189 = tpu.memref_slice %arg2[%multiple_of3A_183, %dma_start3A_188] : memref<258048x128xf32, #tpu.memory_space<hbm>> -> memref<8x128xf32, #tpu.memory_space<hbm>>
        %dma_start3A_190 = arith.constant 16 : i32
        %dma_start3A_191 = arith.constant 0 : i32
        %dma_start3A_192 = tpu.memref_slice %arg4[%sub3A_141, %dma_start3A_190, %dma_start3A_191] : memref<2x32x129xf32, #tpu.memory_space<vmem>> -> memref<1x8x128xf32, #tpu.memory_space<vmem>>
        %dma_start3A_193 = tpu.memref_squeeze %dma_start3A_192 : memref<1x8x128xf32, #tpu.memory_space<vmem>> -> memref<8x128xf32, #tpu.memory_space<vmem>>
        %dma_start3A_194 = arith.constant 0 : i32
        %dma_start3A_195 = tpu.memref_slice %arg2[%multiple_of3A_183, %dma_start3A_194] : memref<258048x128xf32, #tpu.memory_space<hbm>> -> memref<8x128xf32, #tpu.memory_space<hbm>>
        tpu.enqueue_dma source(%dma_start3A_195 : memref<8x128xf32, #tpu.memory_space<hbm>>) target(%dma_start3A_193 : memref<8x128xf32, #tpu.memory_space<vmem>>) target_semaphore(%arg6 : memref<!tpu.dma_semaphore, #tpu.memory_space<semaphore_mem>>)
        %add3A_196 = arith.constant 24192 : i32
        %add3A_197 = arith.addi %add3A_196, %add3A_144 : i32
        %mul3A_198 = arith.constant 8 : i32
        %mul3A_199 = arith.muli %add3A_197, %mul3A_198 : i32
        %multiple_of3A_200 = tpu.assume_multiple %mul3A_199, 8 : i32
        %dma_start3A_201 = arith.constant 24 : i32
        %dma_start3A_202 = arith.constant 0 : i32
        %dma_start3A_203 = tpu.memref_slice %arg4[%sub3A_141, %dma_start3A_201, %dma_start3A_202] : memref<2x32x129xf32, #tpu.memory_space<vmem>> -> memref<1x8x128xf32, #tpu.memory_space<vmem>>
        %dma_start3A_204 = tpu.memref_squeeze %dma_start3A_203 : memref<1x8x128xf32, #tpu.memory_space<vmem>> -> memref<8x128xf32, #tpu.memory_space<vmem>>
        %dma_start3A_205 = arith.constant 0 : i32
        %dma_start3A_206 = tpu.memref_slice %arg2[%multiple_of3A_200, %dma_start3A_205] : memref<258048x128xf32, #tpu.memory_space<hbm>> -> memref<8x128xf32, #tpu.memory_space<hbm>>
        %dma_start3A_207 = arith.constant 24 : i32
        %dma_start3A_208 = arith.constant 0 : i32
        %dma_start3A_209 = tpu.memref_slice %arg4[%sub3A_141, %dma_start3A_207, %dma_start3A_208] : memref<2x32x129xf32, #tpu.memory_space<vmem>> -> memref<1x8x128xf32, #tpu.memory_space<vmem>>
        %dma_start3A_210 = tpu.memref_squeeze %dma_start3A_209 : memref<1x8x128xf32, #tpu.memory_space<vmem>> -> memref<8x128xf32, #tpu.memory_space<vmem>>
        %dma_start3A_211 = arith.constant 0 : i32
        %dma_start3A_212 = tpu.memref_slice %arg2[%multiple_of3A_200, %dma_start3A_211] : memref<258048x128xf32, #tpu.memory_space<hbm>> -> memref<8x128xf32, #tpu.memory_space<hbm>>
        tpu.enqueue_dma source(%dma_start3A_212 : memref<8x128xf32, #tpu.memory_space<hbm>>) target(%dma_start3A_210 : memref<8x128xf32, #tpu.memory_space<vmem>>) target_semaphore(%arg6 : memref<!tpu.dma_semaphore, #tpu.memory_space<semaphore_mem>>)
      } else {
      }
      %add3A_51 = arith.constant 0 : i32
      %add3A_52 = arith.addi %add3A_51, %add3A_32 : i32
      %mul3A_53 = arith.constant 8 : i32
      %mul3A_54 = arith.muli %add3A_52, %mul3A_53 : i32
      %multiple_of3A = tpu.assume_multiple %mul3A_54, 8 : i32
      %dma_wait3A = arith.constant 0 : i32
      %dma_wait3A_55 = arith.constant 0 : i32
      %dma_wait3A_56 = tpu.memref_slice %arg4[%select_n3A_44, %dma_wait3A, %dma_wait3A_55] : memref<2x32x129xf32, #tpu.memory_space<vmem>> -> memref<1x8x128xf32, #tpu.memory_space<vmem>>
      %dma_wait3A_57 = tpu.memref_squeeze %dma_wait3A_56 : memref<1x8x128xf32, #tpu.memory_space<vmem>> -> memref<8x128xf32, #tpu.memory_space<vmem>>
      %dma_wait3A_58 = arith.constant 0 : i32
      %dma_wait3A_59 = tpu.memref_slice %arg2[%multiple_of3A, %dma_wait3A_58] : memref<258048x128xf32, #tpu.memory_space<hbm>> -> memref<8x128xf32, #tpu.memory_space<hbm>>
      %dma_wait3A_60 = arith.constant 0 : i32
      %dma_wait3A_61 = arith.constant 0 : i32
      %dma_wait3A_62 = tpu.memref_slice %arg4[%select_n3A_44, %dma_wait3A_60, %dma_wait3A_61] : memref<2x32x129xf32, #tpu.memory_space<vmem>> -> memref<1x8x128xf32, #tpu.memory_space<vmem>>
      %dma_wait3A_63 = tpu.memref_squeeze %dma_wait3A_62 : memref<1x8x128xf32, #tpu.memory_space<vmem>> -> memref<8x128xf32, #tpu.memory_space<vmem>>
      %dma_wait3A_64 = arith.constant 0 : i32
      %dma_wait3A_65 = tpu.memref_slice %arg2[%multiple_of3A, %dma_wait3A_64] : memref<258048x128xf32, #tpu.memory_space<hbm>> -> memref<8x128xf32, #tpu.memory_space<hbm>>
      tpu.wait_dma2 semaphore(%arg6 : memref<!tpu.dma_semaphore, #tpu.memory_space<semaphore_mem>>) src(%dma_wait3A_65 : memref<8x128xf32, #tpu.memory_space<hbm>>) dst(%dma_wait3A_63 : memref<8x128xf32, #tpu.memory_space<vmem>>)
      %add3A_66 = arith.constant 8064 : i32
      %add3A_67 = arith.addi %add3A_66, %add3A_32 : i32
      %mul3A_68 = arith.constant 8 : i32
      %mul3A_69 = arith.muli %add3A_67, %mul3A_68 : i32
      %multiple_of3A_70 = tpu.assume_multiple %mul3A_69, 8 : i32
      %dma_wait3A_71 = arith.constant 8 : i32
      %dma_wait3A_72 = arith.constant 0 : i32
      %dma_wait3A_73 = tpu.memref_slice %arg4[%select_n3A_44, %dma_wait3A_71, %dma_wait3A_72] : memref<2x32x129xf32, #tpu.memory_space<vmem>> -> memref<1x8x128xf32, #tpu.memory_space<vmem>>
      %dma_wait3A_74 = tpu.memref_squeeze %dma_wait3A_73 : memref<1x8x128xf32, #tpu.memory_space<vmem>> -> memref<8x128xf32, #tpu.memory_space<vmem>>
      %dma_wait3A_75 = arith.constant 0 : i32
      %dma_wait3A_76 = tpu.memref_slice %arg2[%multiple_of3A_70, %dma_wait3A_75] : memref<258048x128xf32, #tpu.memory_space<hbm>> -> memref<8x128xf32, #tpu.memory_space<hbm>>
      %dma_wait3A_77 = arith.constant 8 : i32
      %dma_wait3A_78 = arith.constant 0 : i32
      %dma_wait3A_79 = tpu.memref_slice %arg4[%select_n3A_44, %dma_wait3A_77, %dma_wait3A_78] : memref<2x32x129xf32, #tpu.memory_space<vmem>> -> memref<1x8x128xf32, #tpu.memory_space<vmem>>
      %dma_wait3A_80 = tpu.memref_squeeze %dma_wait3A_79 : memref<1x8x128xf32, #tpu.memory_space<vmem>> -> memref<8x128xf32, #tpu.memory_space<vmem>>
      %dma_wait3A_81 = arith.constant 0 : i32
      %dma_wait3A_82 = tpu.memref_slice %arg2[%multiple_of3A_70, %dma_wait3A_81] : memref<258048x128xf32, #tpu.memory_space<hbm>> -> memref<8x128xf32, #tpu.memory_space<hbm>>
      tpu.wait_dma2 semaphore(%arg6 : memref<!tpu.dma_semaphore, #tpu.memory_space<semaphore_mem>>) src(%dma_wait3A_82 : memref<8x128xf32, #tpu.memory_space<hbm>>) dst(%dma_wait3A_80 : memref<8x128xf32, #tpu.memory_space<vmem>>)
      %add3A_83 = arith.constant 16128 : i32
      %add3A_84 = arith.addi %add3A_83, %add3A_32 : i32
      %mul3A_85 = arith.constant 8 : i32
      %mul3A_86 = arith.muli %add3A_84, %mul3A_85 : i32
      %multiple_of3A_87 = tpu.assume_multiple %mul3A_86, 8 : i32
      %dma_wait3A_88 = arith.constant 16 : i32
      %dma_wait3A_89 = arith.constant 0 : i32
      %dma_wait3A_90 = tpu.memref_slice %arg4[%select_n3A_44, %dma_wait3A_88, %dma_wait3A_89] : memref<2x32x129xf32, #tpu.memory_space<vmem>> -> memref<1x8x128xf32, #tpu.memory_space<vmem>>
      %dma_wait3A_91 = tpu.memref_squeeze %dma_wait3A_90 : memref<1x8x128xf32, #tpu.memory_space<vmem>> -> memref<8x128xf32, #tpu.memory_space<vmem>>
      %dma_wait3A_92 = arith.constant 0 : i32
      %dma_wait3A_93 = tpu.memref_slice %arg2[%multiple_of3A_87, %dma_wait3A_92] : memref<258048x128xf32, #tpu.memory_space<hbm>> -> memref<8x128xf32, #tpu.memory_space<hbm>>
      %dma_wait3A_94 = arith.constant 16 : i32
      %dma_wait3A_95 = arith.constant 0 : i32
      %dma_wait3A_96 = tpu.memref_slice %arg4[%select_n3A_44, %dma_wait3A_94, %dma_wait3A_95] : memref<2x32x129xf32, #tpu.memory_space<vmem>> -> memref<1x8x128xf32, #tpu.memory_space<vmem>>
      %dma_wait3A_97 = tpu.memref_squeeze %dma_wait3A_96 : memref<1x8x128xf32, #tpu.memory_space<vmem>> -> memref<8x128xf32, #tpu.memory_space<vmem>>
      %dma_wait3A_98 = arith.constant 0 : i32
      %dma_wait3A_99 = tpu.memref_slice %arg2[%multiple_of3A_87, %dma_wait3A_98] : memref<258048x128xf32, #tpu.memory_space<hbm>> -> memref<8x128xf32, #tpu.memory_space<hbm>>
      tpu.wait_dma2 semaphore(%arg6 : memref<!tpu.dma_semaphore, #tpu.memory_space<semaphore_mem>>) src(%dma_wait3A_99 : memref<8x128xf32, #tpu.memory_space<hbm>>) dst(%dma_wait3A_97 : memref<8x128xf32, #tpu.memory_space<vmem>>)
      %add3A_100 = arith.constant 24192 : i32
      %add3A_101 = arith.addi %add3A_100, %add3A_32 : i32
      %mul3A_102 = arith.constant 8 : i32
      %mul3A_103 = arith.muli %add3A_101, %mul3A_102 : i32
      %multiple_of3A_104 = tpu.assume_multiple %mul3A_103, 8 : i32
      %dma_wait3A_105 = arith.constant 24 : i32
      %dma_wait3A_106 = arith.constant 0 : i32
      %dma_wait3A_107 = tpu.memref_slice %arg4[%select_n3A_44, %dma_wait3A_105, %dma_wait3A_106] : memref<2x32x129xf32, #tpu.memory_space<vmem>> -> memref<1x8x128xf32, #tpu.memory_space<vmem>>
      %dma_wait3A_108 = tpu.memref_squeeze %dma_wait3A_107 : memref<1x8x128xf32, #tpu.memory_space<vmem>> -> memref<8x128xf32, #tpu.memory_space<vmem>>
      %dma_wait3A_109 = arith.constant 0 : i32
      %dma_wait3A_110 = tpu.memref_slice %arg2[%multiple_of3A_104, %dma_wait3A_109] : memref<258048x128xf32, #tpu.memory_space<hbm>> -> memref<8x128xf32, #tpu.memory_space<hbm>>
      %dma_wait3A_111 = arith.constant 24 : i32
      %dma_wait3A_112 = arith.constant 0 : i32
      %dma_wait3A_113 = tpu.memref_slice %arg4[%select_n3A_44, %dma_wait3A_111, %dma_wait3A_112] : memref<2x32x129xf32, #tpu.memory_space<vmem>> -> memref<1x8x128xf32, #tpu.memory_space<vmem>>
      %dma_wait3A_114 = tpu.memref_squeeze %dma_wait3A_113 : memref<1x8x128xf32, #tpu.memory_space<vmem>> -> memref<8x128xf32, #tpu.memory_space<vmem>>
      %dma_wait3A_115 = arith.constant 0 : i32
      %dma_wait3A_116 = tpu.memref_slice %arg2[%multiple_of3A_104, %dma_wait3A_115] : memref<258048x128xf32, #tpu.memory_space<hbm>> -> memref<8x128xf32, #tpu.memory_space<hbm>>
      tpu.wait_dma2 semaphore(%arg6 : memref<!tpu.dma_semaphore, #tpu.memory_space<semaphore_mem>>) src(%dma_wait3A_116 : memref<8x128xf32, #tpu.memory_space<hbm>>) dst(%dma_wait3A_114 : memref<8x128xf32, #tpu.memory_space<vmem>>)
      %ge3A = arith.constant 2 : i32
      %ge3A_117 = arith.cmpi sge, %while3A_28, %ge3A : i32
      %convert_element_type3A_118 = arith.extui %ge3A_117 : i1 to i32
      %cond3A_119 = arith.constant 0 : i32
      %cond3A_120 = arith.cmpi ne, %convert_element_type3A_118, %cond3A_119 : i32
      scf.if %cond3A_120 {
        %sub3A = arith.constant 2 : i32
        %sub3A_139 = arith.subi %while3A_28, %sub3A : i32
        %mul3A_140 = arith.constant 32 : i32
        %mul3A_141 = arith.muli %sub3A_139, %mul3A_140 : i32
        %add3A_142 = arith.addi %add3A, %mul3A_141 : i32
        %mul3A_143 = arith.constant 128 : i32
        %mul3A_144 = arith.muli %add3A_142, %mul3A_143 : i32
        %mul3A_145 = arith.constant 32 : i32
        %mul3A_146 = arith.muli %mul3A_144, %mul3A_145 : i32
        %dma_wait3A_147 = arith.constant 0 : i32
        %dma_wait3A_148 = tpu.memref_slice %arg5[%select_n3A_44, %dma_wait3A_147] : memref<2x4096xf32, #tpu.memory_space<vmem>> -> memref<1x4096xf32, #tpu.memory_space<vmem>>
        %dma_wait3A_149 = tpu.memref_squeeze %dma_wait3A_148 : memref<1x4096xf32, #tpu.memory_space<vmem>> -> memref<4096xf32, #tpu.memory_space<vmem>>
        %dma_wait3A_150 = tpu.memref_slice %arg3[%mul3A_146] : memref<32002048xf32, #tpu.memory_space<hbm>> -> memref<4096xf32, #tpu.memory_space<hbm>>
        %dma_wait3A_151 = tpu.memref_slice %arg3[%mul3A_146] : memref<32002048xf32, #tpu.memory_space<hbm>> -> memref<4096xf32, #tpu.memory_space<hbm>>
        %dma_wait3A_152 = arith.constant 0 : i32
        %dma_wait3A_153 = tpu.memref_slice %arg5[%select_n3A_44, %dma_wait3A_152] : memref<2x4096xf32, #tpu.memory_space<vmem>> -> memref<1x4096xf32, #tpu.memory_space<vmem>>
        %dma_wait3A_154 = tpu.memref_squeeze %dma_wait3A_153 : memref<1x4096xf32, #tpu.memory_space<vmem>> -> memref<4096xf32, #tpu.memory_space<vmem>>
        tpu.wait_dma2 semaphore(%arg7 : memref<!tpu.dma_semaphore, #tpu.memory_space<semaphore_mem>>) src(%dma_wait3A_154 : memref<4096xf32, #tpu.memory_space<vmem>>) dst(%dma_wait3A_151 : memref<4096xf32, #tpu.memory_space<hbm>>)
      } else {
      }
      %scan3A = arith.constant 0 : i32
      %scan3A_121 = arith.constant 0 : i32
      %scan3A_122 = arith.constant 8 : i32
      %scan3A_123 = arith.addi %scan3A_121, %scan3A_122 : i32
      %scan3A_124 = arith.constant 1 : i32
      %scan3A_125 = scf.for %scan3A_139 = %scan3A_121 to %scan3A_123 step %scan3A_124 iter_args(%scan3A_140 = %scan3A) -> (i32)  : i32 {
        %mul3A_141 = arith.constant 16 : i32
        %mul3A_142 = arith.muli %scan3A_139, %mul3A_141 : i32
        %add3A_143 = arith.constant 0 : i32
        %add3A_144 = arith.addi %mul3A_142, %add3A_143 : i32
        %add3A_145 = arith.constant 0 : i32
        %add3A_146 = arith.addi %add3A_144, %add3A_145 : i32
        %mul3A_147 = arith.constant 16 : i32
        %mul3A_148 = arith.muli %scan3A_139, %mul3A_147 : i32
        %add3A_149 = arith.constant 0 : i32
        %add3A_150 = arith.addi %mul3A_148, %add3A_149 : i32
        %add3A_151 = arith.constant 1 : i32
        %add3A_152 = arith.addi %add3A_150, %add3A_151 : i32
        %mul3A_153 = arith.constant 16 : i32
        %mul3A_154 = arith.muli %scan3A_139, %mul3A_153 : i32
        %add3A_155 = arith.constant 0 : i32
        %add3A_156 = arith.addi %mul3A_154, %add3A_155 : i32
        %add3A_157 = arith.constant 2 : i32
        %add3A_158 = arith.addi %add3A_156, %add3A_157 : i32
        %mul3A_159 = arith.constant 16 : i32
        %mul3A_160 = arith.muli %scan3A_139, %mul3A_159 : i32
        %add3A_161 = arith.constant 0 : i32
        %add3A_162 = arith.addi %mul3A_160, %add3A_161 : i32
        %add3A_163 = arith.constant 3 : i32
        %add3A_164 = arith.addi %add3A_162, %add3A_163 : i32
        %mul3A_165 = arith.constant 16 : i32
        %mul3A_166 = arith.muli %scan3A_139, %mul3A_165 : i32
        %add3A_167 = arith.constant 0 : i32
        %add3A_168 = arith.addi %mul3A_166, %add3A_167 : i32
        %add3A_169 = arith.constant 4 : i32
        %add3A_170 = arith.addi %add3A_168, %add3A_169 : i32
        %mul3A_171 = arith.constant 16 : i32
        %mul3A_172 = arith.muli %scan3A_139, %mul3A_171 : i32
        %add3A_173 = arith.constant 0 : i32
        %add3A_174 = arith.addi %mul3A_172, %add3A_173 : i32
        %add3A_175 = arith.constant 5 : i32
        %add3A_176 = arith.addi %add3A_174, %add3A_175 : i32
        %mul3A_177 = arith.constant 16 : i32
        %mul3A_178 = arith.muli %scan3A_139, %mul3A_177 : i32
        %add3A_179 = arith.constant 0 : i32
        %add3A_180 = arith.addi %mul3A_178, %add3A_179 : i32
        %add3A_181 = arith.constant 6 : i32
        %add3A_182 = arith.addi %add3A_180, %add3A_181 : i32
        %mul3A_183 = arith.constant 16 : i32
        %mul3A_184 = arith.muli %scan3A_139, %mul3A_183 : i32
        %add3A_185 = arith.constant 0 : i32
        %add3A_186 = arith.addi %mul3A_184, %add3A_185 : i32
        %add3A_187 = arith.constant 7 : i32
        %add3A_188 = arith.addi %add3A_186, %add3A_187 : i32
        %broadcast_in_dim3A = vector.broadcast %add3A_146 : i32 to vector<16xi32>
        %gather3A = arith.constant 0 : i32
        %gather3A_189 = arith.constant 0 : i32
        %gather3A_190 = tpu.memref_slice %arg4[%select_n3A_44, %gather3A, %gather3A_189] : memref<2x32x129xf32, #tpu.memory_space<vmem>> -> memref<1x32x129xf32, #tpu.memory_space<vmem>>
        %gather3A_191 = tpu.memref_squeeze %gather3A_190 : memref<1x32x129xf32, #tpu.memory_space<vmem>> -> memref<32x129xf32, #tpu.memory_space<vmem>>
        %gather3A_192 = tpu.vector_load_idx %gather3A_191[%iota3A, %broadcast_in_dim3A] : memref<32x129xf32, #tpu.memory_space<vmem>>[vector<16xi32>, vector<16xi32>], vector<16xf32>,
        %broadcast_in_dim3A_193 = vector.broadcast %add3A_152 : i32 to vector<16xi32>
        %gather3A_194 = arith.constant 0 : i32
        %gather3A_195 = arith.constant 0 : i32
        %gather3A_196 = tpu.memref_slice %arg4[%select_n3A_44, %gather3A_194, %gather3A_195] : memref<2x32x129xf32, #tpu.memory_space<vmem>> -> memref<1x32x129xf32, #tpu.memory_space<vmem>>
        %gather3A_197 = tpu.memref_squeeze %gather3A_196 : memref<1x32x129xf32, #tpu.memory_space<vmem>> -> memref<32x129xf32, #tpu.memory_space<vmem>>
        %gather3A_198 = tpu.vector_load_idx %gather3A_197[%iota3A, %broadcast_in_dim3A_193] : memref<32x129xf32, #tpu.memory_space<vmem>>[vector<16xi32>, vector<16xi32>], vector<16xf32>,
        %broadcast_in_dim3A_199 = vector.broadcast %add3A_158 : i32 to vector<16xi32>
        %gather3A_200 = arith.constant 0 : i32
        %gather3A_201 = arith.constant 0 : i32
        %gather3A_202 = tpu.memref_slice %arg4[%select_n3A_44, %gather3A_200, %gather3A_201] : memref<2x32x129xf32, #tpu.memory_space<vmem>> -> memref<1x32x129xf32, #tpu.memory_space<vmem>>
        %gather3A_203 = tpu.memref_squeeze %gather3A_202 : memref<1x32x129xf32, #tpu.memory_space<vmem>> -> memref<32x129xf32, #tpu.memory_space<vmem>>
        %gather3A_204 = tpu.vector_load_idx %gather3A_203[%iota3A, %broadcast_in_dim3A_199] : memref<32x129xf32, #tpu.memory_space<vmem>>[vector<16xi32>, vector<16xi32>], vector<16xf32>,
        %broadcast_in_dim3A_205 = vector.broadcast %add3A_164 : i32 to vector<16xi32>
        %gather3A_206 = arith.constant 0 : i32
        %gather3A_207 = arith.constant 0 : i32
        %gather3A_208 = tpu.memref_slice %arg4[%select_n3A_44, %gather3A_206, %gather3A_207] : memref<2x32x129xf32, #tpu.memory_space<vmem>> -> memref<1x32x129xf32, #tpu.memory_space<vmem>>
        %gather3A_209 = tpu.memref_squeeze %gather3A_208 : memref<1x32x129xf32, #tpu.memory_space<vmem>> -> memref<32x129xf32, #tpu.memory_space<vmem>>
        %gather3A_210 = tpu.vector_load_idx %gather3A_209[%iota3A, %broadcast_in_dim3A_205] : memref<32x129xf32, #tpu.memory_space<vmem>>[vector<16xi32>, vector<16xi32>], vector<16xf32>,
        %broadcast_in_dim3A_211 = vector.broadcast %add3A_170 : i32 to vector<16xi32>
        %gather3A_212 = arith.constant 0 : i32
        %gather3A_213 = arith.constant 0 : i32
        %gather3A_214 = tpu.memref_slice %arg4[%select_n3A_44, %gather3A_212, %gather3A_213] : memref<2x32x129xf32, #tpu.memory_space<vmem>> -> memref<1x32x129xf32, #tpu.memory_space<vmem>>
        %gather3A_215 = tpu.memref_squeeze %gather3A_214 : memref<1x32x129xf32, #tpu.memory_space<vmem>> -> memref<32x129xf32, #tpu.memory_space<vmem>>
        %gather3A_216 = tpu.vector_load_idx %gather3A_215[%iota3A, %broadcast_in_dim3A_211] : memref<32x129xf32, #tpu.memory_space<vmem>>[vector<16xi32>, vector<16xi32>], vector<16xf32>,
        %broadcast_in_dim3A_217 = vector.broadcast %add3A_176 : i32 to vector<16xi32>
        %gather3A_218 = arith.constant 0 : i32
        %gather3A_219 = arith.constant 0 : i32
        %gather3A_220 = tpu.memref_slice %arg4[%select_n3A_44, %gather3A_218, %gather3A_219] : memref<2x32x129xf32, #tpu.memory_space<vmem>> -> memref<1x32x129xf32, #tpu.memory_space<vmem>>
        %gather3A_221 = tpu.memref_squeeze %gather3A_220 : memref<1x32x129xf32, #tpu.memory_space<vmem>> -> memref<32x129xf32, #tpu.memory_space<vmem>>
        %gather3A_222 = tpu.vector_load_idx %gather3A_221[%iota3A, %broadcast_in_dim3A_217] : memref<32x129xf32, #tpu.memory_space<vmem>>[vector<16xi32>, vector<16xi32>], vector<16xf32>,
        %broadcast_in_dim3A_223 = vector.broadcast %add3A_182 : i32 to vector<16xi32>
        %gather3A_224 = arith.constant 0 : i32
        %gather3A_225 = arith.constant 0 : i32
        %gather3A_226 = tpu.memref_slice %arg4[%select_n3A_44, %gather3A_224, %gather3A_225] : memref<2x32x129xf32, #tpu.memory_space<vmem>> -> memref<1x32x129xf32, #tpu.memory_space<vmem>>
        %gather3A_227 = tpu.memref_squeeze %gather3A_226 : memref<1x32x129xf32, #tpu.memory_space<vmem>> -> memref<32x129xf32, #tpu.memory_space<vmem>>
        %gather3A_228 = tpu.vector_load_idx %gather3A_227[%iota3A, %broadcast_in_dim3A_223] : memref<32x129xf32, #tpu.memory_space<vmem>>[vector<16xi32>, vector<16xi32>], vector<16xf32>,
        %broadcast_in_dim3A_229 = vector.broadcast %add3A_188 : i32 to vector<16xi32>
        %gather3A_230 = arith.constant 0 : i32
        %gather3A_231 = arith.constant 0 : i32
        %gather3A_232 = tpu.memref_slice %arg4[%select_n3A_44, %gather3A_230, %gather3A_231] : memref<2x32x129xf32, #tpu.memory_space<vmem>> -> memref<1x32x129xf32, #tpu.memory_space<vmem>>
        %gather3A_233 = tpu.memref_squeeze %gather3A_232 : memref<1x32x129xf32, #tpu.memory_space<vmem>> -> memref<32x129xf32, #tpu.memory_space<vmem>>
        %gather3A_234 = tpu.vector_load_idx %gather3A_233[%iota3A, %broadcast_in_dim3A_229] : memref<32x129xf32, #tpu.memory_space<vmem>>[vector<16xi32>, vector<16xi32>], vector<16xf32>,
        %add3A_235 = arith.constant 16 : i32
        %add3A_236 = vector.broadcast %add3A_235 : i32 to vector<16xi32>
        %add3A_237 = arith.addi %iota3A, %add3A_236 : vector<16xi32>
        %broadcast_in_dim3A_238 = vector.broadcast %add3A_146 : i32 to vector<16xi32>
        %gather3A_239 = arith.constant 0 : i32
        %gather3A_240 = arith.constant 0 : i32
        %gather3A_241 = tpu.memref_slice %arg4[%select_n3A_44, %gather3A_239, %gather3A_240] : memref<2x32x129xf32, #tpu.memory_space<vmem>> -> memref<1x32x129xf32, #tpu.memory_space<vmem>>
        %gather3A_242 = tpu.memref_squeeze %gather3A_241 : memref<1x32x129xf32, #tpu.memory_space<vmem>> -> memref<32x129xf32, #tpu.memory_space<vmem>>
        %gather3A_243 = tpu.vector_load_idx %gather3A_242[%add3A_237, %broadcast_in_dim3A_238] : memref<32x129xf32, #tpu.memory_space<vmem>>[vector<16xi32>, vector<16xi32>], vector<16xf32>,
        %add3A_244 = arith.constant 16 : i32
        %add3A_245 = vector.broadcast %add3A_244 : i32 to vector<16xi32>
        %add3A_246 = arith.addi %iota3A, %add3A_245 : vector<16xi32>
        %broadcast_in_dim3A_247 = vector.broadcast %add3A_152 : i32 to vector<16xi32>
        %gather3A_248 = arith.constant 0 : i32
        %gather3A_249 = arith.constant 0 : i32
        %gather3A_250 = tpu.memref_slice %arg4[%select_n3A_44, %gather3A_248, %gather3A_249] : memref<2x32x129xf32, #tpu.memory_space<vmem>> -> memref<1x32x129xf32, #tpu.memory_space<vmem>>
        %gather3A_251 = tpu.memref_squeeze %gather3A_250 : memref<1x32x129xf32, #tpu.memory_space<vmem>> -> memref<32x129xf32, #tpu.memory_space<vmem>>
        %gather3A_252 = tpu.vector_load_idx %gather3A_251[%add3A_246, %broadcast_in_dim3A_247] : memref<32x129xf32, #tpu.memory_space<vmem>>[vector<16xi32>, vector<16xi32>], vector<16xf32>,
        %add3A_253 = arith.constant 16 : i32
        %add3A_254 = vector.broadcast %add3A_253 : i32 to vector<16xi32>
        %add3A_255 = arith.addi %iota3A, %add3A_254 : vector<16xi32>
        %broadcast_in_dim3A_256 = vector.broadcast %add3A_158 : i32 to vector<16xi32>
        %gather3A_257 = arith.constant 0 : i32
        %gather3A_258 = arith.constant 0 : i32
        %gather3A_259 = tpu.memref_slice %arg4[%select_n3A_44, %gather3A_257, %gather3A_258] : memref<2x32x129xf32, #tpu.memory_space<vmem>> -> memref<1x32x129xf32, #tpu.memory_space<vmem>>
        %gather3A_260 = tpu.memref_squeeze %gather3A_259 : memref<1x32x129xf32, #tpu.memory_space<vmem>> -> memref<32x129xf32, #tpu.memory_space<vmem>>
        %gather3A_261 = tpu.vector_load_idx %gather3A_260[%add3A_255, %broadcast_in_dim3A_256] : memref<32x129xf32, #tpu.memory_space<vmem>>[vector<16xi32>, vector<16xi32>], vector<16xf32>,
        %add3A_262 = arith.constant 16 : i32
        %add3A_263 = vector.broadcast %add3A_262 : i32 to vector<16xi32>
        %add3A_264 = arith.addi %iota3A, %add3A_263 : vector<16xi32>
        %broadcast_in_dim3A_265 = vector.broadcast %add3A_164 : i32 to vector<16xi32>
        %gather3A_266 = arith.constant 0 : i32
        %gather3A_267 = arith.constant 0 : i32
        %gather3A_268 = tpu.memref_slice %arg4[%select_n3A_44, %gather3A_266, %gather3A_267] : memref<2x32x129xf32, #tpu.memory_space<vmem>> -> memref<1x32x129xf32, #tpu.memory_space<vmem>>
        %gather3A_269 = tpu.memref_squeeze %gather3A_268 : memref<1x32x129xf32, #tpu.memory_space<vmem>> -> memref<32x129xf32, #tpu.memory_space<vmem>>
        %gather3A_270 = tpu.vector_load_idx %gather3A_269[%add3A_264, %broadcast_in_dim3A_265] : memref<32x129xf32, #tpu.memory_space<vmem>>[vector<16xi32>, vector<16xi32>], vector<16xf32>,
        %add3A_271 = arith.constant 16 : i32
        %add3A_272 = vector.broadcast %add3A_271 : i32 to vector<16xi32>
        %add3A_273 = arith.addi %iota3A, %add3A_272 : vector<16xi32>
        %broadcast_in_dim3A_274 = vector.broadcast %add3A_170 : i32 to vector<16xi32>
        %gather3A_275 = arith.constant 0 : i32
        %gather3A_276 = arith.constant 0 : i32
        %gather3A_277 = tpu.memref_slice %arg4[%select_n3A_44, %gather3A_275, %gather3A_276] : memref<2x32x129xf32, #tpu.memory_space<vmem>> -> memref<1x32x129xf32, #tpu.memory_space<vmem>>
        %gather3A_278 = tpu.memref_squeeze %gather3A_277 : memref<1x32x129xf32, #tpu.memory_space<vmem>> -> memref<32x129xf32, #tpu.memory_space<vmem>>
        %gather3A_279 = tpu.vector_load_idx %gather3A_278[%add3A_273, %broadcast_in_dim3A_274] : memref<32x129xf32, #tpu.memory_space<vmem>>[vector<16xi32>, vector<16xi32>], vector<16xf32>,
        %add3A_280 = arith.constant 16 : i32
        %add3A_281 = vector.broadcast %add3A_280 : i32 to vector<16xi32>
        %add3A_282 = arith.addi %iota3A, %add3A_281 : vector<16xi32>
        %broadcast_in_dim3A_283 = vector.broadcast %add3A_176 : i32 to vector<16xi32>
        %gather3A_284 = arith.constant 0 : i32
        %gather3A_285 = arith.constant 0 : i32
        %gather3A_286 = tpu.memref_slice %arg4[%select_n3A_44, %gather3A_284, %gather3A_285] : memref<2x32x129xf32, #tpu.memory_space<vmem>> -> memref<1x32x129xf32, #tpu.memory_space<vmem>>
        %gather3A_287 = tpu.memref_squeeze %gather3A_286 : memref<1x32x129xf32, #tpu.memory_space<vmem>> -> memref<32x129xf32, #tpu.memory_space<vmem>>
        %gather3A_288 = tpu.vector_load_idx %gather3A_287[%add3A_282, %broadcast_in_dim3A_283] : memref<32x129xf32, #tpu.memory_space<vmem>>[vector<16xi32>, vector<16xi32>], vector<16xf32>,
        %add3A_289 = arith.constant 16 : i32
        %add3A_290 = vector.broadcast %add3A_289 : i32 to vector<16xi32>
        %add3A_291 = arith.addi %iota3A, %add3A_290 : vector<16xi32>
        %broadcast_in_dim3A_292 = vector.broadcast %add3A_182 : i32 to vector<16xi32>
        %gather3A_293 = arith.constant 0 : i32
        %gather3A_294 = arith.constant 0 : i32
        %gather3A_295 = tpu.memref_slice %arg4[%select_n3A_44, %gather3A_293, %gather3A_294] : memref<2x32x129xf32, #tpu.memory_space<vmem>> -> memref<1x32x129xf32, #tpu.memory_space<vmem>>
        %gather3A_296 = tpu.memref_squeeze %gather3A_295 : memref<1x32x129xf32, #tpu.memory_space<vmem>> -> memref<32x129xf32, #tpu.memory_space<vmem>>
        %gather3A_297 = tpu.vector_load_idx %gather3A_296[%add3A_291, %broadcast_in_dim3A_292] : memref<32x129xf32, #tpu.memory_space<vmem>>[vector<16xi32>, vector<16xi32>], vector<16xf32>,
        %add3A_298 = arith.constant 16 : i32
        %add3A_299 = vector.broadcast %add3A_298 : i32 to vector<16xi32>
        %add3A_300 = arith.addi %iota3A, %add3A_299 : vector<16xi32>
        %broadcast_in_dim3A_301 = vector.broadcast %add3A_188 : i32 to vector<16xi32>
        %gather3A_302 = arith.constant 0 : i32
        %gather3A_303 = arith.constant 0 : i32
        %gather3A_304 = tpu.memref_slice %arg4[%select_n3A_44, %gather3A_302, %gather3A_303] : memref<2x32x129xf32, #tpu.memory_space<vmem>> -> memref<1x32x129xf32, #tpu.memory_space<vmem>>
        %gather3A_305 = tpu.memref_squeeze %gather3A_304 : memref<1x32x129xf32, #tpu.memory_space<vmem>> -> memref<32x129xf32, #tpu.memory_space<vmem>>
        %gather3A_306 = tpu.vector_load_idx %gather3A_305[%add3A_300, %broadcast_in_dim3A_301] : memref<32x129xf32, #tpu.memory_space<vmem>>[vector<16xi32>, vector<16xi32>], vector<16xf32>,
        %mul3A_307 = arith.constant 32 : i32
        %mul3A_308 = arith.muli %add3A_146, %mul3A_307 : i32
        %swap3A = arith.index_cast %select_n3A_44 : i32 to index
        %swap3A_309 = arith.index_cast %mul3A_308 : i32 to index
        %swap3A_310 = tpu.vector_load %arg5[%swap3A, %swap3A_309] {strides = array<i32>} : memref<2x4096xf32, #tpu.memory_space<vmem>>, vector<16xf32>,
        tpu.vector_store %arg5[%swap3A, %swap3A_309], %gather3A_192 {strides = array<i32>} : memref<2x4096xf32, #tpu.memory_space<vmem>>, vector<16xf32>,
        %mul3A_311 = arith.constant 32 : i32
        %mul3A_312 = arith.muli %add3A_146, %mul3A_311 : i32
        %add3A_313 = arith.constant 16 : i32
        %add3A_314 = arith.addi %mul3A_312, %add3A_313 : i32
        %swap3A_315 = arith.index_cast %select_n3A_44 : i32 to index
        %swap3A_316 = arith.index_cast %add3A_314 : i32 to index
        %swap3A_317 = tpu.vector_load %arg5[%swap3A_315, %swap3A_316] {strides = array<i32>} : memref<2x4096xf32, #tpu.memory_space<vmem>>, vector<16xf32>,
        tpu.vector_store %arg5[%swap3A_315, %swap3A_316], %gather3A_243 {strides = array<i32>} : memref<2x4096xf32, #tpu.memory_space<vmem>>, vector<16xf32>,
        %mul3A_318 = arith.constant 32 : i32
        %mul3A_319 = arith.muli %add3A_152, %mul3A_318 : i32
        %swap3A_320 = arith.index_cast %select_n3A_44 : i32 to index
        %swap3A_321 = arith.index_cast %mul3A_319 : i32 to index
        %swap3A_322 = tpu.vector_load %arg5[%swap3A_320, %swap3A_321] {strides = array<i32>} : memref<2x4096xf32, #tpu.memory_space<vmem>>, vector<16xf32>,
        tpu.vector_store %arg5[%swap3A_320, %swap3A_321], %gather3A_198 {strides = array<i32>} : memref<2x4096xf32, #tpu.memory_space<vmem>>, vector<16xf32>,
        %mul3A_323 = arith.constant 32 : i32
        %mul3A_324 = arith.muli %add3A_152, %mul3A_323 : i32
        %add3A_325 = arith.constant 16 : i32
        %add3A_326 = arith.addi %mul3A_324, %add3A_325 : i32
        %swap3A_327 = arith.index_cast %select_n3A_44 : i32 to index
        %swap3A_328 = arith.index_cast %add3A_326 : i32 to index
        %swap3A_329 = tpu.vector_load %arg5[%swap3A_327, %swap3A_328] {strides = array<i32>} : memref<2x4096xf32, #tpu.memory_space<vmem>>, vector<16xf32>,
        tpu.vector_store %arg5[%swap3A_327, %swap3A_328], %gather3A_252 {strides = array<i32>} : memref<2x4096xf32, #tpu.memory_space<vmem>>, vector<16xf32>,
        %mul3A_330 = arith.constant 32 : i32
        %mul3A_331 = arith.muli %add3A_158, %mul3A_330 : i32
        %swap3A_332 = arith.index_cast %select_n3A_44 : i32 to index
        %swap3A_333 = arith.index_cast %mul3A_331 : i32 to index
        %swap3A_334 = tpu.vector_load %arg5[%swap3A_332, %swap3A_333] {strides = array<i32>} : memref<2x4096xf32, #tpu.memory_space<vmem>>, vector<16xf32>,
        tpu.vector_store %arg5[%swap3A_332, %swap3A_333], %gather3A_204 {strides = array<i32>} : memref<2x4096xf32, #tpu.memory_space<vmem>>, vector<16xf32>,
        %mul3A_335 = arith.constant 32 : i32
        %mul3A_336 = arith.muli %add3A_158, %mul3A_335 : i32
        %add3A_337 = arith.constant 16 : i32
        %add3A_338 = arith.addi %mul3A_336, %add3A_337 : i32
        %swap3A_339 = arith.index_cast %select_n3A_44 : i32 to index
        %swap3A_340 = arith.index_cast %add3A_338 : i32 to index
        %swap3A_341 = tpu.vector_load %arg5[%swap3A_339, %swap3A_340] {strides = array<i32>} : memref<2x4096xf32, #tpu.memory_space<vmem>>, vector<16xf32>,
        tpu.vector_store %arg5[%swap3A_339, %swap3A_340], %gather3A_261 {strides = array<i32>} : memref<2x4096xf32, #tpu.memory_space<vmem>>, vector<16xf32>,
        %mul3A_342 = arith.constant 32 : i32
        %mul3A_343 = arith.muli %add3A_164, %mul3A_342 : i32
        %swap3A_344 = arith.index_cast %select_n3A_44 : i32 to index
        %swap3A_345 = arith.index_cast %mul3A_343 : i32 to index
        %swap3A_346 = tpu.vector_load %arg5[%swap3A_344, %swap3A_345] {strides = array<i32>} : memref<2x4096xf32, #tpu.memory_space<vmem>>, vector<16xf32>,
        tpu.vector_store %arg5[%swap3A_344, %swap3A_345], %gather3A_210 {strides = array<i32>} : memref<2x4096xf32, #tpu.memory_space<vmem>>, vector<16xf32>,
        %mul3A_347 = arith.constant 32 : i32
        %mul3A_348 = arith.muli %add3A_164, %mul3A_347 : i32
        %add3A_349 = arith.constant 16 : i32
        %add3A_350 = arith.addi %mul3A_348, %add3A_349 : i32
        %swap3A_351 = arith.index_cast %select_n3A_44 : i32 to index
        %swap3A_352 = arith.index_cast %add3A_350 : i32 to index
        %swap3A_353 = tpu.vector_load %arg5[%swap3A_351, %swap3A_352] {strides = array<i32>} : memref<2x4096xf32, #tpu.memory_space<vmem>>, vector<16xf32>,
        tpu.vector_store %arg5[%swap3A_351, %swap3A_352], %gather3A_270 {strides = array<i32>} : memref<2x4096xf32, #tpu.memory_space<vmem>>, vector<16xf32>,
        %mul3A_354 = arith.constant 32 : i32
        %mul3A_355 = arith.muli %add3A_170, %mul3A_354 : i32
        %swap3A_356 = arith.index_cast %select_n3A_44 : i32 to index
        %swap3A_357 = arith.index_cast %mul3A_355 : i32 to index
        %swap3A_358 = tpu.vector_load %arg5[%swap3A_356, %swap3A_357] {strides = array<i32>} : memref<2x4096xf32, #tpu.memory_space<vmem>>, vector<16xf32>,
        tpu.vector_store %arg5[%swap3A_356, %swap3A_357], %gather3A_216 {strides = array<i32>} : memref<2x4096xf32, #tpu.memory_space<vmem>>, vector<16xf32>,
        %mul3A_359 = arith.constant 32 : i32
        %mul3A_360 = arith.muli %add3A_170, %mul3A_359 : i32
        %add3A_361 = arith.constant 16 : i32
        %add3A_362 = arith.addi %mul3A_360, %add3A_361 : i32
        %swap3A_363 = arith.index_cast %select_n3A_44 : i32 to index
        %swap3A_364 = arith.index_cast %add3A_362 : i32 to index
        %swap3A_365 = tpu.vector_load %arg5[%swap3A_363, %swap3A_364] {strides = array<i32>} : memref<2x4096xf32, #tpu.memory_space<vmem>>, vector<16xf32>,
        tpu.vector_store %arg5[%swap3A_363, %swap3A_364], %gather3A_279 {strides = array<i32>} : memref<2x4096xf32, #tpu.memory_space<vmem>>, vector<16xf32>,
        %mul3A_366 = arith.constant 32 : i32
        %mul3A_367 = arith.muli %add3A_176, %mul3A_366 : i32
        %swap3A_368 = arith.index_cast %select_n3A_44 : i32 to index
        %swap3A_369 = arith.index_cast %mul3A_367 : i32 to index
        %swap3A_370 = tpu.vector_load %arg5[%swap3A_368, %swap3A_369] {strides = array<i32>} : memref<2x4096xf32, #tpu.memory_space<vmem>>, vector<16xf32>,
        tpu.vector_store %arg5[%swap3A_368, %swap3A_369], %gather3A_222 {strides = array<i32>} : memref<2x4096xf32, #tpu.memory_space<vmem>>, vector<16xf32>,
        %mul3A_371 = arith.constant 32 : i32
        %mul3A_372 = arith.muli %add3A_176, %mul3A_371 : i32
        %add3A_373 = arith.constant 16 : i32
        %add3A_374 = arith.addi %mul3A_372, %add3A_373 : i32
        %swap3A_375 = arith.index_cast %select_n3A_44 : i32 to index
        %swap3A_376 = arith.index_cast %add3A_374 : i32 to index
        %swap3A_377 = tpu.vector_load %arg5[%swap3A_375, %swap3A_376] {strides = array<i32>} : memref<2x4096xf32, #tpu.memory_space<vmem>>, vector<16xf32>,
        tpu.vector_store %arg5[%swap3A_375, %swap3A_376], %gather3A_288 {strides = array<i32>} : memref<2x4096xf32, #tpu.memory_space<vmem>>, vector<16xf32>,
        %mul3A_378 = arith.constant 32 : i32
        %mul3A_379 = arith.muli %add3A_182, %mul3A_378 : i32
        %swap3A_380 = arith.index_cast %select_n3A_44 : i32 to index
        %swap3A_381 = arith.index_cast %mul3A_379 : i32 to index
        %swap3A_382 = tpu.vector_load %arg5[%swap3A_380, %swap3A_381] {strides = array<i32>} : memref<2x4096xf32, #tpu.memory_space<vmem>>, vector<16xf32>,
        tpu.vector_store %arg5[%swap3A_380, %swap3A_381], %gather3A_228 {strides = array<i32>} : memref<2x4096xf32, #tpu.memory_space<vmem>>, vector<16xf32>,
        %mul3A_383 = arith.constant 32 : i32
        %mul3A_384 = arith.muli %add3A_182, %mul3A_383 : i32
        %add3A_385 = arith.constant 16 : i32
        %add3A_386 = arith.addi %mul3A_384, %add3A_385 : i32
        %swap3A_387 = arith.index_cast %select_n3A_44 : i32 to index
        %swap3A_388 = arith.index_cast %add3A_386 : i32 to index
        %swap3A_389 = tpu.vector_load %arg5[%swap3A_387, %swap3A_388] {strides = array<i32>} : memref<2x4096xf32, #tpu.memory_space<vmem>>, vector<16xf32>,
        tpu.vector_store %arg5[%swap3A_387, %swap3A_388], %gather3A_297 {strides = array<i32>} : memref<2x4096xf32, #tpu.memory_space<vmem>>, vector<16xf32>,
        %mul3A_390 = arith.constant 32 : i32
        %mul3A_391 = arith.muli %add3A_188, %mul3A_390 : i32
        %swap3A_392 = arith.index_cast %select_n3A_44 : i32 to index
        %swap3A_393 = arith.index_cast %mul3A_391 : i32 to index
        %swap3A_394 = tpu.vector_load %arg5[%swap3A_392, %swap3A_393] {strides = array<i32>} : memref<2x4096xf32, #tpu.memory_space<vmem>>, vector<16xf32>,
        tpu.vector_store %arg5[%swap3A_392, %swap3A_393], %gather3A_234 {strides = array<i32>} : memref<2x4096xf32, #tpu.memory_space<vmem>>, vector<16xf32>,
        %mul3A_395 = arith.constant 32 : i32
        %mul3A_396 = arith.muli %add3A_188, %mul3A_395 : i32
        %add3A_397 = arith.constant 16 : i32
        %add3A_398 = arith.addi %mul3A_396, %add3A_397 : i32
        %swap3A_399 = arith.index_cast %select_n3A_44 : i32 to index
        %swap3A_400 = arith.index_cast %add3A_398 : i32 to index
        %swap3A_401 = tpu.vector_load %arg5[%swap3A_399, %swap3A_400] {strides = array<i32>} : memref<2x4096xf32, #tpu.memory_space<vmem>>, vector<16xf32>,
        tpu.vector_store %arg5[%swap3A_399, %swap3A_400], %gather3A_306 {strides = array<i32>} : memref<2x4096xf32, #tpu.memory_space<vmem>>, vector<16xf32>,
        %mul3A_402 = arith.constant 16 : i32
        %mul3A_403 = arith.muli %scan3A_139, %mul3A_402 : i32
        %add3A_404 = arith.constant 8 : i32
        %add3A_405 = arith.addi %mul3A_403, %add3A_404 : i32
        %add3A_406 = arith.constant 0 : i32
        %add3A_407 = arith.addi %add3A_405, %add3A_406 : i32
        %mul3A_408 = arith.constant 16 : i32
        %mul3A_409 = arith.muli %scan3A_139, %mul3A_408 : i32
        %add3A_410 = arith.constant 8 : i32
        %add3A_411 = arith.addi %mul3A_409, %add3A_410 : i32
        %add3A_412 = arith.constant 1 : i32
        %add3A_413 = arith.addi %add3A_411, %add3A_412 : i32
        %mul3A_414 = arith.constant 16 : i32
        %mul3A_415 = arith.muli %scan3A_139, %mul3A_414 : i32
        %add3A_416 = arith.constant 8 : i32
        %add3A_417 = arith.addi %mul3A_415, %add3A_416 : i32
        %add3A_418 = arith.constant 2 : i32
        %add3A_419 = arith.addi %add3A_417, %add3A_418 : i32
        %mul3A_420 = arith.constant 16 : i32
        %mul3A_421 = arith.muli %scan3A_139, %mul3A_420 : i32
        %add3A_422 = arith.constant 8 : i32
        %add3A_423 = arith.addi %mul3A_421, %add3A_422 : i32
        %add3A_424 = arith.constant 3 : i32
        %add3A_425 = arith.addi %add3A_423, %add3A_424 : i32
        %mul3A_426 = arith.constant 16 : i32
        %mul3A_427 = arith.muli %scan3A_139, %mul3A_426 : i32
        %add3A_428 = arith.constant 8 : i32
        %add3A_429 = arith.addi %mul3A_427, %add3A_428 : i32
        %add3A_430 = arith.constant 4 : i32
        %add3A_431 = arith.addi %add3A_429, %add3A_430 : i32
        %mul3A_432 = arith.constant 16 : i32
        %mul3A_433 = arith.muli %scan3A_139, %mul3A_432 : i32
        %add3A_434 = arith.constant 8 : i32
        %add3A_435 = arith.addi %mul3A_433, %add3A_434 : i32
        %add3A_436 = arith.constant 5 : i32
        %add3A_437 = arith.addi %add3A_435, %add3A_436 : i32
        %mul3A_438 = arith.constant 16 : i32
        %mul3A_439 = arith.muli %scan3A_139, %mul3A_438 : i32
        %add3A_440 = arith.constant 8 : i32
        %add3A_441 = arith.addi %mul3A_439, %add3A_440 : i32
        %add3A_442 = arith.constant 6 : i32
        %add3A_443 = arith.addi %add3A_441, %add3A_442 : i32
        %mul3A_444 = arith.constant 16 : i32
        %mul3A_445 = arith.muli %scan3A_139, %mul3A_444 : i32
        %add3A_446 = arith.constant 8 : i32
        %add3A_447 = arith.addi %mul3A_445, %add3A_446 : i32
        %add3A_448 = arith.constant 7 : i32
        %add3A_449 = arith.addi %add3A_447, %add3A_448 : i32
        %broadcast_in_dim3A_450 = vector.broadcast %add3A_407 : i32 to vector<16xi32>
        %gather3A_451 = arith.constant 0 : i32
        %gather3A_452 = arith.constant 0 : i32
        %gather3A_453 = tpu.memref_slice %arg4[%select_n3A_44, %gather3A_451, %gather3A_452] : memref<2x32x129xf32, #tpu.memory_space<vmem>> -> memref<1x32x129xf32, #tpu.memory_space<vmem>>
        %gather3A_454 = tpu.memref_squeeze %gather3A_453 : memref<1x32x129xf32, #tpu.memory_space<vmem>> -> memref<32x129xf32, #tpu.memory_space<vmem>>
        %gather3A_455 = tpu.vector_load_idx %gather3A_454[%iota3A, %broadcast_in_dim3A_450] : memref<32x129xf32, #tpu.memory_space<vmem>>[vector<16xi32>, vector<16xi32>], vector<16xf32>,
        %broadcast_in_dim3A_456 = vector.broadcast %add3A_413 : i32 to vector<16xi32>
        %gather3A_457 = arith.constant 0 : i32
        %gather3A_458 = arith.constant 0 : i32
        %gather3A_459 = tpu.memref_slice %arg4[%select_n3A_44, %gather3A_457, %gather3A_458] : memref<2x32x129xf32, #tpu.memory_space<vmem>> -> memref<1x32x129xf32, #tpu.memory_space<vmem>>
        %gather3A_460 = tpu.memref_squeeze %gather3A_459 : memref<1x32x129xf32, #tpu.memory_space<vmem>> -> memref<32x129xf32, #tpu.memory_space<vmem>>
        %gather3A_461 = tpu.vector_load_idx %gather3A_460[%iota3A, %broadcast_in_dim3A_456] : memref<32x129xf32, #tpu.memory_space<vmem>>[vector<16xi32>, vector<16xi32>], vector<16xf32>,
        %broadcast_in_dim3A_462 = vector.broadcast %add3A_419 : i32 to vector<16xi32>
        %gather3A_463 = arith.constant 0 : i32
        %gather3A_464 = arith.constant 0 : i32
        %gather3A_465 = tpu.memref_slice %arg4[%select_n3A_44, %gather3A_463, %gather3A_464] : memref<2x32x129xf32, #tpu.memory_space<vmem>> -> memref<1x32x129xf32, #tpu.memory_space<vmem>>
        %gather3A_466 = tpu.memref_squeeze %gather3A_465 : memref<1x32x129xf32, #tpu.memory_space<vmem>> -> memref<32x129xf32, #tpu.memory_space<vmem>>
        %gather3A_467 = tpu.vector_load_idx %gather3A_466[%iota3A, %broadcast_in_dim3A_462] : memref<32x129xf32, #tpu.memory_space<vmem>>[vector<16xi32>, vector<16xi32>], vector<16xf32>,
        %broadcast_in_dim3A_468 = vector.broadcast %add3A_425 : i32 to vector<16xi32>
        %gather3A_469 = arith.constant 0 : i32
        %gather3A_470 = arith.constant 0 : i32
        %gather3A_471 = tpu.memref_slice %arg4[%select_n3A_44, %gather3A_469, %gather3A_470] : memref<2x32x129xf32, #tpu.memory_space<vmem>> -> memref<1x32x129xf32, #tpu.memory_space<vmem>>
        %gather3A_472 = tpu.memref_squeeze %gather3A_471 : memref<1x32x129xf32, #tpu.memory_space<vmem>> -> memref<32x129xf32, #tpu.memory_space<vmem>>
        %gather3A_473 = tpu.vector_load_idx %gather3A_472[%iota3A, %broadcast_in_dim3A_468] : memref<32x129xf32, #tpu.memory_space<vmem>>[vector<16xi32>, vector<16xi32>], vector<16xf32>,
        %broadcast_in_dim3A_474 = vector.broadcast %add3A_431 : i32 to vector<16xi32>
        %gather3A_475 = arith.constant 0 : i32
        %gather3A_476 = arith.constant 0 : i32
        %gather3A_477 = tpu.memref_slice %arg4[%select_n3A_44, %gather3A_475, %gather3A_476] : memref<2x32x129xf32, #tpu.memory_space<vmem>> -> memref<1x32x129xf32, #tpu.memory_space<vmem>>
        %gather3A_478 = tpu.memref_squeeze %gather3A_477 : memref<1x32x129xf32, #tpu.memory_space<vmem>> -> memref<32x129xf32, #tpu.memory_space<vmem>>
        %gather3A_479 = tpu.vector_load_idx %gather3A_478[%iota3A, %broadcast_in_dim3A_474] : memref<32x129xf32, #tpu.memory_space<vmem>>[vector<16xi32>, vector<16xi32>], vector<16xf32>,
        %broadcast_in_dim3A_480 = vector.broadcast %add3A_437 : i32 to vector<16xi32>
        %gather3A_481 = arith.constant 0 : i32
        %gather3A_482 = arith.constant 0 : i32
        %gather3A_483 = tpu.memref_slice %arg4[%select_n3A_44, %gather3A_481, %gather3A_482] : memref<2x32x129xf32, #tpu.memory_space<vmem>> -> memref<1x32x129xf32, #tpu.memory_space<vmem>>
        %gather3A_484 = tpu.memref_squeeze %gather3A_483 : memref<1x32x129xf32, #tpu.memory_space<vmem>> -> memref<32x129xf32, #tpu.memory_space<vmem>>
        %gather3A_485 = tpu.vector_load_idx %gather3A_484[%iota3A, %broadcast_in_dim3A_480] : memref<32x129xf32, #tpu.memory_space<vmem>>[vector<16xi32>, vector<16xi32>], vector<16xf32>,
        %broadcast_in_dim3A_486 = vector.broadcast %add3A_443 : i32 to vector<16xi32>
        %gather3A_487 = arith.constant 0 : i32
        %gather3A_488 = arith.constant 0 : i32
        %gather3A_489 = tpu.memref_slice %arg4[%select_n3A_44, %gather3A_487, %gather3A_488] : memref<2x32x129xf32, #tpu.memory_space<vmem>> -> memref<1x32x129xf32, #tpu.memory_space<vmem>>
        %gather3A_490 = tpu.memref_squeeze %gather3A_489 : memref<1x32x129xf32, #tpu.memory_space<vmem>> -> memref<32x129xf32, #tpu.memory_space<vmem>>
        %gather3A_491 = tpu.vector_load_idx %gather3A_490[%iota3A, %broadcast_in_dim3A_486] : memref<32x129xf32, #tpu.memory_space<vmem>>[vector<16xi32>, vector<16xi32>], vector<16xf32>,
        %broadcast_in_dim3A_492 = vector.broadcast %add3A_449 : i32 to vector<16xi32>
        %gather3A_493 = arith.constant 0 : i32
        %gather3A_494 = arith.constant 0 : i32
        %gather3A_495 = tpu.memref_slice %arg4[%select_n3A_44, %gather3A_493, %gather3A_494] : memref<2x32x129xf32, #tpu.memory_space<vmem>> -> memref<1x32x129xf32, #tpu.memory_space<vmem>>
        %gather3A_496 = tpu.memref_squeeze %gather3A_495 : memref<1x32x129xf32, #tpu.memory_space<vmem>> -> memref<32x129xf32, #tpu.memory_space<vmem>>
        %gather3A_497 = tpu.vector_load_idx %gather3A_496[%iota3A, %broadcast_in_dim3A_492] : memref<32x129xf32, #tpu.memory_space<vmem>>[vector<16xi32>, vector<16xi32>], vector<16xf32>,
        %add3A_498 = arith.constant 16 : i32
        %add3A_499 = vector.broadcast %add3A_498 : i32 to vector<16xi32>
        %add3A_500 = arith.addi %iota3A, %add3A_499 : vector<16xi32>
        %broadcast_in_dim3A_501 = vector.broadcast %add3A_407 : i32 to vector<16xi32>
        %gather3A_502 = arith.constant 0 : i32
        %gather3A_503 = arith.constant 0 : i32
        %gather3A_504 = tpu.memref_slice %arg4[%select_n3A_44, %gather3A_502, %gather3A_503] : memref<2x32x129xf32, #tpu.memory_space<vmem>> -> memref<1x32x129xf32, #tpu.memory_space<vmem>>
        %gather3A_505 = tpu.memref_squeeze %gather3A_504 : memref<1x32x129xf32, #tpu.memory_space<vmem>> -> memref<32x129xf32, #tpu.memory_space<vmem>>
        %gather3A_506 = tpu.vector_load_idx %gather3A_505[%add3A_500, %broadcast_in_dim3A_501] : memref<32x129xf32, #tpu.memory_space<vmem>>[vector<16xi32>, vector<16xi32>], vector<16xf32>,
        %add3A_507 = arith.constant 16 : i32
        %add3A_508 = vector.broadcast %add3A_507 : i32 to vector<16xi32>
        %add3A_509 = arith.addi %iota3A, %add3A_508 : vector<16xi32>
        %broadcast_in_dim3A_510 = vector.broadcast %add3A_413 : i32 to vector<16xi32>
        %gather3A_511 = arith.constant 0 : i32
        %gather3A_512 = arith.constant 0 : i32
        %gather3A_513 = tpu.memref_slice %arg4[%select_n3A_44, %gather3A_511, %gather3A_512] : memref<2x32x129xf32, #tpu.memory_space<vmem>> -> memref<1x32x129xf32, #tpu.memory_space<vmem>>
        %gather3A_514 = tpu.memref_squeeze %gather3A_513 : memref<1x32x129xf32, #tpu.memory_space<vmem>> -> memref<32x129xf32, #tpu.memory_space<vmem>>
        %gather3A_515 = tpu.vector_load_idx %gather3A_514[%add3A_509, %broadcast_in_dim3A_510] : memref<32x129xf32, #tpu.memory_space<vmem>>[vector<16xi32>, vector<16xi32>], vector<16xf32>,
        %add3A_516 = arith.constant 16 : i32
        %add3A_517 = vector.broadcast %add3A_516 : i32 to vector<16xi32>
        %add3A_518 = arith.addi %iota3A, %add3A_517 : vector<16xi32>
        %broadcast_in_dim3A_519 = vector.broadcast %add3A_419 : i32 to vector<16xi32>
        %gather3A_520 = arith.constant 0 : i32
        %gather3A_521 = arith.constant 0 : i32
        %gather3A_522 = tpu.memref_slice %arg4[%select_n3A_44, %gather3A_520, %gather3A_521] : memref<2x32x129xf32, #tpu.memory_space<vmem>> -> memref<1x32x129xf32, #tpu.memory_space<vmem>>
        %gather3A_523 = tpu.memref_squeeze %gather3A_522 : memref<1x32x129xf32, #tpu.memory_space<vmem>> -> memref<32x129xf32, #tpu.memory_space<vmem>>
        %gather3A_524 = tpu.vector_load_idx %gather3A_523[%add3A_518, %broadcast_in_dim3A_519] : memref<32x129xf32, #tpu.memory_space<vmem>>[vector<16xi32>, vector<16xi32>], vector<16xf32>,
        %add3A_525 = arith.constant 16 : i32
        %add3A_526 = vector.broadcast %add3A_525 : i32 to vector<16xi32>
        %add3A_527 = arith.addi %iota3A, %add3A_526 : vector<16xi32>
        %broadcast_in_dim3A_528 = vector.broadcast %add3A_425 : i32 to vector<16xi32>
        %gather3A_529 = arith.constant 0 : i32
        %gather3A_530 = arith.constant 0 : i32
        %gather3A_531 = tpu.memref_slice %arg4[%select_n3A_44, %gather3A_529, %gather3A_530] : memref<2x32x129xf32, #tpu.memory_space<vmem>> -> memref<1x32x129xf32, #tpu.memory_space<vmem>>
        %gather3A_532 = tpu.memref_squeeze %gather3A_531 : memref<1x32x129xf32, #tpu.memory_space<vmem>> -> memref<32x129xf32, #tpu.memory_space<vmem>>
        %gather3A_533 = tpu.vector_load_idx %gather3A_532[%add3A_527, %broadcast_in_dim3A_528] : memref<32x129xf32, #tpu.memory_space<vmem>>[vector<16xi32>, vector<16xi32>], vector<16xf32>,
        %add3A_534 = arith.constant 16 : i32
        %add3A_535 = vector.broadcast %add3A_534 : i32 to vector<16xi32>
        %add3A_536 = arith.addi %iota3A, %add3A_535 : vector<16xi32>
        %broadcast_in_dim3A_537 = vector.broadcast %add3A_431 : i32 to vector<16xi32>
        %gather3A_538 = arith.constant 0 : i32
        %gather3A_539 = arith.constant 0 : i32
        %gather3A_540 = tpu.memref_slice %arg4[%select_n3A_44, %gather3A_538, %gather3A_539] : memref<2x32x129xf32, #tpu.memory_space<vmem>> -> memref<1x32x129xf32, #tpu.memory_space<vmem>>
        %gather3A_541 = tpu.memref_squeeze %gather3A_540 : memref<1x32x129xf32, #tpu.memory_space<vmem>> -> memref<32x129xf32, #tpu.memory_space<vmem>>
        %gather3A_542 = tpu.vector_load_idx %gather3A_541[%add3A_536, %broadcast_in_dim3A_537] : memref<32x129xf32, #tpu.memory_space<vmem>>[vector<16xi32>, vector<16xi32>], vector<16xf32>,
        %add3A_543 = arith.constant 16 : i32
        %add3A_544 = vector.broadcast %add3A_543 : i32 to vector<16xi32>
        %add3A_545 = arith.addi %iota3A, %add3A_544 : vector<16xi32>
        %broadcast_in_dim3A_546 = vector.broadcast %add3A_437 : i32 to vector<16xi32>
        %gather3A_547 = arith.constant 0 : i32
        %gather3A_548 = arith.constant 0 : i32
        %gather3A_549 = tpu.memref_slice %arg4[%select_n3A_44, %gather3A_547, %gather3A_548] : memref<2x32x129xf32, #tpu.memory_space<vmem>> -> memref<1x32x129xf32, #tpu.memory_space<vmem>>
        %gather3A_550 = tpu.memref_squeeze %gather3A_549 : memref<1x32x129xf32, #tpu.memory_space<vmem>> -> memref<32x129xf32, #tpu.memory_space<vmem>>
        %gather3A_551 = tpu.vector_load_idx %gather3A_550[%add3A_545, %broadcast_in_dim3A_546] : memref<32x129xf32, #tpu.memory_space<vmem>>[vector<16xi32>, vector<16xi32>], vector<16xf32>,
        %add3A_552 = arith.constant 16 : i32
        %add3A_553 = vector.broadcast %add3A_552 : i32 to vector<16xi32>
        %add3A_554 = arith.addi %iota3A, %add3A_553 : vector<16xi32>
        %broadcast_in_dim3A_555 = vector.broadcast %add3A_443 : i32 to vector<16xi32>
        %gather3A_556 = arith.constant 0 : i32
        %gather3A_557 = arith.constant 0 : i32
        %gather3A_558 = tpu.memref_slice %arg4[%select_n3A_44, %gather3A_556, %gather3A_557] : memref<2x32x129xf32, #tpu.memory_space<vmem>> -> memref<1x32x129xf32, #tpu.memory_space<vmem>>
        %gather3A_559 = tpu.memref_squeeze %gather3A_558 : memref<1x32x129xf32, #tpu.memory_space<vmem>> -> memref<32x129xf32, #tpu.memory_space<vmem>>
        %gather3A_560 = tpu.vector_load_idx %gather3A_559[%add3A_554, %broadcast_in_dim3A_555] : memref<32x129xf32, #tpu.memory_space<vmem>>[vector<16xi32>, vector<16xi32>], vector<16xf32>,
        %add3A_561 = arith.constant 16 : i32
        %add3A_562 = vector.broadcast %add3A_561 : i32 to vector<16xi32>
        %add3A_563 = arith.addi %iota3A, %add3A_562 : vector<16xi32>
        %broadcast_in_dim3A_564 = vector.broadcast %add3A_449 : i32 to vector<16xi32>
        %gather3A_565 = arith.constant 0 : i32
        %gather3A_566 = arith.constant 0 : i32
        %gather3A_567 = tpu.memref_slice %arg4[%select_n3A_44, %gather3A_565, %gather3A_566] : memref<2x32x129xf32, #tpu.memory_space<vmem>> -> memref<1x32x129xf32, #tpu.memory_space<vmem>>
        %gather3A_568 = tpu.memref_squeeze %gather3A_567 : memref<1x32x129xf32, #tpu.memory_space<vmem>> -> memref<32x129xf32, #tpu.memory_space<vmem>>
        %gather3A_569 = tpu.vector_load_idx %gather3A_568[%add3A_563, %broadcast_in_dim3A_564] : memref<32x129xf32, #tpu.memory_space<vmem>>[vector<16xi32>, vector<16xi32>], vector<16xf32>,
        %mul3A_570 = arith.constant 32 : i32
        %mul3A_571 = arith.muli %add3A_407, %mul3A_570 : i32
        %swap3A_572 = arith.index_cast %select_n3A_44 : i32 to index
        %swap3A_573 = arith.index_cast %mul3A_571 : i32 to index
        %swap3A_574 = tpu.vector_load %arg5[%swap3A_572, %swap3A_573] {strides = array<i32>} : memref<2x4096xf32, #tpu.memory_space<vmem>>, vector<16xf32>,
        tpu.vector_store %arg5[%swap3A_572, %swap3A_573], %gather3A_455 {strides = array<i32>} : memref<2x4096xf32, #tpu.memory_space<vmem>>, vector<16xf32>,
        %mul3A_575 = arith.constant 32 : i32
        %mul3A_576 = arith.muli %add3A_407, %mul3A_575 : i32
        %add3A_577 = arith.constant 16 : i32
        %add3A_578 = arith.addi %mul3A_576, %add3A_577 : i32
        %swap3A_579 = arith.index_cast %select_n3A_44 : i32 to index
        %swap3A_580 = arith.index_cast %add3A_578 : i32 to index
        %swap3A_581 = tpu.vector_load %arg5[%swap3A_579, %swap3A_580] {strides = array<i32>} : memref<2x4096xf32, #tpu.memory_space<vmem>>, vector<16xf32>,
        tpu.vector_store %arg5[%swap3A_579, %swap3A_580], %gather3A_506 {strides = array<i32>} : memref<2x4096xf32, #tpu.memory_space<vmem>>, vector<16xf32>,
        %mul3A_582 = arith.constant 32 : i32
        %mul3A_583 = arith.muli %add3A_413, %mul3A_582 : i32
        %swap3A_584 = arith.index_cast %select_n3A_44 : i32 to index
        %swap3A_585 = arith.index_cast %mul3A_583 : i32 to index
        %swap3A_586 = tpu.vector_load %arg5[%swap3A_584, %swap3A_585] {strides = array<i32>} : memref<2x4096xf32, #tpu.memory_space<vmem>>, vector<16xf32>,
        tpu.vector_store %arg5[%swap3A_584, %swap3A_585], %gather3A_461 {strides = array<i32>} : memref<2x4096xf32, #tpu.memory_space<vmem>>, vector<16xf32>,
        %mul3A_587 = arith.constant 32 : i32
        %mul3A_588 = arith.muli %add3A_413, %mul3A_587 : i32
        %add3A_589 = arith.constant 16 : i32
        %add3A_590 = arith.addi %mul3A_588, %add3A_589 : i32
        %swap3A_591 = arith.index_cast %select_n3A_44 : i32 to index
        %swap3A_592 = arith.index_cast %add3A_590 : i32 to index
        %swap3A_593 = tpu.vector_load %arg5[%swap3A_591, %swap3A_592] {strides = array<i32>} : memref<2x4096xf32, #tpu.memory_space<vmem>>, vector<16xf32>,
        tpu.vector_store %arg5[%swap3A_591, %swap3A_592], %gather3A_515 {strides = array<i32>} : memref<2x4096xf32, #tpu.memory_space<vmem>>, vector<16xf32>,
        %mul3A_594 = arith.constant 32 : i32
        %mul3A_595 = arith.muli %add3A_419, %mul3A_594 : i32
        %swap3A_596 = arith.index_cast %select_n3A_44 : i32 to index
        %swap3A_597 = arith.index_cast %mul3A_595 : i32 to index
        %swap3A_598 = tpu.vector_load %arg5[%swap3A_596, %swap3A_597] {strides = array<i32>} : memref<2x4096xf32, #tpu.memory_space<vmem>>, vector<16xf32>,
        tpu.vector_store %arg5[%swap3A_596, %swap3A_597], %gather3A_467 {strides = array<i32>} : memref<2x4096xf32, #tpu.memory_space<vmem>>, vector<16xf32>,
        %mul3A_599 = arith.constant 32 : i32
        %mul3A_600 = arith.muli %add3A_419, %mul3A_599 : i32
        %add3A_601 = arith.constant 16 : i32
        %add3A_602 = arith.addi %mul3A_600, %add3A_601 : i32
        %swap3A_603 = arith.index_cast %select_n3A_44 : i32 to index
        %swap3A_604 = arith.index_cast %add3A_602 : i32 to index
        %swap3A_605 = tpu.vector_load %arg5[%swap3A_603, %swap3A_604] {strides = array<i32>} : memref<2x4096xf32, #tpu.memory_space<vmem>>, vector<16xf32>,
        tpu.vector_store %arg5[%swap3A_603, %swap3A_604], %gather3A_524 {strides = array<i32>} : memref<2x4096xf32, #tpu.memory_space<vmem>>, vector<16xf32>,
        %mul3A_606 = arith.constant 32 : i32
        %mul3A_607 = arith.muli %add3A_425, %mul3A_606 : i32
        %swap3A_608 = arith.index_cast %select_n3A_44 : i32 to index
        %swap3A_609 = arith.index_cast %mul3A_607 : i32 to index
        %swap3A_610 = tpu.vector_load %arg5[%swap3A_608, %swap3A_609] {strides = array<i32>} : memref<2x4096xf32, #tpu.memory_space<vmem>>, vector<16xf32>,
        tpu.vector_store %arg5[%swap3A_608, %swap3A_609], %gather3A_473 {strides = array<i32>} : memref<2x4096xf32, #tpu.memory_space<vmem>>, vector<16xf32>,
        %mul3A_611 = arith.constant 32 : i32
        %mul3A_612 = arith.muli %add3A_425, %mul3A_611 : i32
        %add3A_613 = arith.constant 16 : i32
        %add3A_614 = arith.addi %mul3A_612, %add3A_613 : i32
        %swap3A_615 = arith.index_cast %select_n3A_44 : i32 to index
        %swap3A_616 = arith.index_cast %add3A_614 : i32 to index
        %swap3A_617 = tpu.vector_load %arg5[%swap3A_615, %swap3A_616] {strides = array<i32>} : memref<2x4096xf32, #tpu.memory_space<vmem>>, vector<16xf32>,
        tpu.vector_store %arg5[%swap3A_615, %swap3A_616], %gather3A_533 {strides = array<i32>} : memref<2x4096xf32, #tpu.memory_space<vmem>>, vector<16xf32>,
        %mul3A_618 = arith.constant 32 : i32
        %mul3A_619 = arith.muli %add3A_431, %mul3A_618 : i32
        %swap3A_620 = arith.index_cast %select_n3A_44 : i32 to index
        %swap3A_621 = arith.index_cast %mul3A_619 : i32 to index
        %swap3A_622 = tpu.vector_load %arg5[%swap3A_620, %swap3A_621] {strides = array<i32>} : memref<2x4096xf32, #tpu.memory_space<vmem>>, vector<16xf32>,
        tpu.vector_store %arg5[%swap3A_620, %swap3A_621], %gather3A_479 {strides = array<i32>} : memref<2x4096xf32, #tpu.memory_space<vmem>>, vector<16xf32>,
        %mul3A_623 = arith.constant 32 : i32
        %mul3A_624 = arith.muli %add3A_431, %mul3A_623 : i32
        %add3A_625 = arith.constant 16 : i32
        %add3A_626 = arith.addi %mul3A_624, %add3A_625 : i32
        %swap3A_627 = arith.index_cast %select_n3A_44 : i32 to index
        %swap3A_628 = arith.index_cast %add3A_626 : i32 to index
        %swap3A_629 = tpu.vector_load %arg5[%swap3A_627, %swap3A_628] {strides = array<i32>} : memref<2x4096xf32, #tpu.memory_space<vmem>>, vector<16xf32>,
        tpu.vector_store %arg5[%swap3A_627, %swap3A_628], %gather3A_542 {strides = array<i32>} : memref<2x4096xf32, #tpu.memory_space<vmem>>, vector<16xf32>,
        %mul3A_630 = arith.constant 32 : i32
        %mul3A_631 = arith.muli %add3A_437, %mul3A_630 : i32
        %swap3A_632 = arith.index_cast %select_n3A_44 : i32 to index
        %swap3A_633 = arith.index_cast %mul3A_631 : i32 to index
        %swap3A_634 = tpu.vector_load %arg5[%swap3A_632, %swap3A_633] {strides = array<i32>} : memref<2x4096xf32, #tpu.memory_space<vmem>>, vector<16xf32>,
        tpu.vector_store %arg5[%swap3A_632, %swap3A_633], %gather3A_485 {strides = array<i32>} : memref<2x4096xf32, #tpu.memory_space<vmem>>, vector<16xf32>,
        %mul3A_635 = arith.constant 32 : i32
        %mul3A_636 = arith.muli %add3A_437, %mul3A_635 : i32
        %add3A_637 = arith.constant 16 : i32
        %add3A_638 = arith.addi %mul3A_636, %add3A_637 : i32
        %swap3A_639 = arith.index_cast %select_n3A_44 : i32 to index
        %swap3A_640 = arith.index_cast %add3A_638 : i32 to index
        %swap3A_641 = tpu.vector_load %arg5[%swap3A_639, %swap3A_640] {strides = array<i32>} : memref<2x4096xf32, #tpu.memory_space<vmem>>, vector<16xf32>,
        tpu.vector_store %arg5[%swap3A_639, %swap3A_640], %gather3A_551 {strides = array<i32>} : memref<2x4096xf32, #tpu.memory_space<vmem>>, vector<16xf32>,
        %mul3A_642 = arith.constant 32 : i32
        %mul3A_643 = arith.muli %add3A_443, %mul3A_642 : i32
        %swap3A_644 = arith.index_cast %select_n3A_44 : i32 to index
        %swap3A_645 = arith.index_cast %mul3A_643 : i32 to index
        %swap3A_646 = tpu.vector_load %arg5[%swap3A_644, %swap3A_645] {strides = array<i32>} : memref<2x4096xf32, #tpu.memory_space<vmem>>, vector<16xf32>,
        tpu.vector_store %arg5[%swap3A_644, %swap3A_645], %gather3A_491 {strides = array<i32>} : memref<2x4096xf32, #tpu.memory_space<vmem>>, vector<16xf32>,
        %mul3A_647 = arith.constant 32 : i32
        %mul3A_648 = arith.muli %add3A_443, %mul3A_647 : i32
        %add3A_649 = arith.constant 16 : i32
        %add3A_650 = arith.addi %mul3A_648, %add3A_649 : i32
        %swap3A_651 = arith.index_cast %select_n3A_44 : i32 to index
        %swap3A_652 = arith.index_cast %add3A_650 : i32 to index
        %swap3A_653 = tpu.vector_load %arg5[%swap3A_651, %swap3A_652] {strides = array<i32>} : memref<2x4096xf32, #tpu.memory_space<vmem>>, vector<16xf32>,
        tpu.vector_store %arg5[%swap3A_651, %swap3A_652], %gather3A_560 {strides = array<i32>} : memref<2x4096xf32, #tpu.memory_space<vmem>>, vector<16xf32>,
        %mul3A_654 = arith.constant 32 : i32
        %mul3A_655 = arith.muli %add3A_449, %mul3A_654 : i32
        %swap3A_656 = arith.index_cast %select_n3A_44 : i32 to index
        %swap3A_657 = arith.index_cast %mul3A_655 : i32 to index
        %swap3A_658 = tpu.vector_load %arg5[%swap3A_656, %swap3A_657] {strides = array<i32>} : memref<2x4096xf32, #tpu.memory_space<vmem>>, vector<16xf32>,
        tpu.vector_store %arg5[%swap3A_656, %swap3A_657], %gather3A_497 {strides = array<i32>} : memref<2x4096xf32, #tpu.memory_space<vmem>>, vector<16xf32>,
        %mul3A_659 = arith.constant 32 : i32
        %mul3A_660 = arith.muli %add3A_449, %mul3A_659 : i32
        %add3A_661 = arith.constant 16 : i32
        %add3A_662 = arith.addi %mul3A_660, %add3A_661 : i32
        %swap3A_663 = arith.index_cast %select_n3A_44 : i32 to index
        %swap3A_664 = arith.index_cast %add3A_662 : i32 to index
        %swap3A_665 = tpu.vector_load %arg5[%swap3A_663, %swap3A_664] {strides = array<i32>} : memref<2x4096xf32, #tpu.memory_space<vmem>>, vector<16xf32>,
        tpu.vector_store %arg5[%swap3A_663, %swap3A_664], %gather3A_569 {strides = array<i32>} : memref<2x4096xf32, #tpu.memory_space<vmem>>, vector<16xf32>,
        %scan3A_666 = arith.constant 0 : i32
        scf.yield %scan3A_666 : i32
      }
      %scan3A_126 = arith.constant 8 : i32
      %mul3A_127 = arith.constant 128 : i32
      %mul3A_128 = arith.muli %add3A_32, %mul3A_127 : i32
      %mul3A_129 = arith.constant 32 : i32
      %mul3A_130 = arith.muli %mul3A_128, %mul3A_129 : i32
      %dma_start3A = arith.constant 0 : i32
      %dma_start3A_131 = tpu.memref_slice %arg5[%select_n3A_44, %dma_start3A] : memref<2x4096xf32, #tpu.memory_space<vmem>> -> memref<1x4096xf32, #tpu.memory_space<vmem>>
      %dma_start3A_132 = tpu.memref_squeeze %dma_start3A_131 : memref<1x4096xf32, #tpu.memory_space<vmem>> -> memref<4096xf32, #tpu.memory_space<vmem>>
      %dma_start3A_133 = tpu.memref_slice %arg3[%mul3A_130] : memref<32002048xf32, #tpu.memory_space<hbm>> -> memref<4096xf32, #tpu.memory_space<hbm>>
      %dma_start3A_134 = tpu.memref_slice %arg3[%mul3A_130] : memref<32002048xf32, #tpu.memory_space<hbm>> -> memref<4096xf32, #tpu.memory_space<hbm>>
      %dma_start3A_135 = arith.constant 0 : i32
      %dma_start3A_136 = tpu.memref_slice %arg5[%select_n3A_44, %dma_start3A_135] : memref<2x4096xf32, #tpu.memory_space<vmem>> -> memref<1x4096xf32, #tpu.memory_space<vmem>>
      %dma_start3A_137 = tpu.memref_squeeze %dma_start3A_136 : memref<1x4096xf32, #tpu.memory_space<vmem>> -> memref<4096xf32, #tpu.memory_space<vmem>>
      tpu.enqueue_dma source(%dma_start3A_137 : memref<4096xf32, #tpu.memory_space<vmem>>) target(%dma_start3A_134 : memref<4096xf32, #tpu.memory_space<hbm>>) target_semaphore(%arg7 : memref<!tpu.dma_semaphore, #tpu.memory_space<semaphore_mem>>)
      %while3A_138 = arith.constant 0 : i32
      scf.yield %while3A_138 : i32
    }
    %while3A_16 = arith.constant 0 : i32
    %while3A_17 = arith.constant 0 : i32
    %while3A_18 = arith.subi %select_n3A, %while3A_16 : i32
    %while3A_19 = arith.addi %while3A_16, %while3A_18 : i32
    %while3A_20 = arith.constant 1 : i32
    %while3A_21 = arith.divsi %while3A_18, %while3A_20 : i32
    %while3A_22 = arith.muli %while3A_21, %while3A_20 : i32
    %while3A_23 = arith.addi %while3A_16, %while3A_22 : i32
    %while3A_24 = arith.constant 1 : i32
    %while3A_25 = scf.for %while3A_28 = %while3A_16 to %while3A_23 step %while3A_24 iter_args(%while3A_29 = %while3A_17) -> (i32)  : i32 {
      %sub3A = arith.constant 2 : i32
      %sub3A_30 = arith.subi %select_n3A, %sub3A : i32
      %max3A = arith.constant 0 : i32
      %max3A_31 = arith.maxsi %sub3A_30, %max3A : i32
      %ge3A = arith.cmpi sge, %while3A_28, %max3A_31 : i32
      %convert_element_type3A_32 = arith.extui %ge3A : i1 to i32
      %cond3A_33 = arith.constant 0 : i32
      %cond3A_34 = arith.cmpi ne, %convert_element_type3A_32, %cond3A_33 : i32
      scf.if %cond3A_34 {
        %mul3A_36 = arith.constant 32 : i32
        %mul3A_37 = arith.muli %while3A_28, %mul3A_36 : i32
        %add3A_38 = arith.addi %add3A, %mul3A_37 : i32
        %jit3A_39 = arith.constant 2 : i32
        %eq3A = arith.constant 0 : i32
        %eq3A_40 = arith.cmpi eq, %jit3A_39, %eq3A : i32
        %jit3A_41 = arith.constant 1 : i32
        %select_n3A_42 = arith.select %eq3A_40, %jit3A_41, %jit3A_39 : i32
        %rem3A = arith.remsi %while3A_28, %select_n3A_42 : i32
        %ne3A = arith.constant 0 : i32
        %ne3A_43 = arith.cmpi ne, %rem3A, %ne3A : i32
        %lt3A_44 = arith.constant 0 : i32
        %lt3A_45 = arith.cmpi slt, %rem3A, %lt3A_44 : i32
        %lt3A_46 = arith.constant 0 : i32
        %lt3A_47 = arith.cmpi slt, %select_n3A_42, %lt3A_46 : i32
        %ne3A_48 = arith.xori %lt3A_45, %lt3A_47 : i1
        %and3A = arith.andi %ne3A_48, %ne3A_43 : i1
        %add3A_49 = arith.addi %rem3A, %select_n3A_42 : i32
        %select_n3A_50 = arith.select %and3A, %add3A_49, %rem3A : i32
        %mul3A_51 = arith.constant 128 : i32
        %mul3A_52 = arith.muli %add3A_38, %mul3A_51 : i32
        %mul3A_53 = arith.constant 32 : i32
        %mul3A_54 = arith.muli %mul3A_52, %mul3A_53 : i32
        %dma_wait3A = arith.constant 0 : i32
        %dma_wait3A_55 = tpu.memref_slice %arg5[%select_n3A_50, %dma_wait3A] : memref<2x4096xf32, #tpu.memory_space<vmem>> -> memref<1x4096xf32, #tpu.memory_space<vmem>>
        %dma_wait3A_56 = tpu.memref_squeeze %dma_wait3A_55 : memref<1x4096xf32, #tpu.memory_space<vmem>> -> memref<4096xf32, #tpu.memory_space<vmem>>
        %dma_wait3A_57 = tpu.memref_slice %arg3[%mul3A_54] : memref<32002048xf32, #tpu.memory_space<hbm>> -> memref<4096xf32, #tpu.memory_space<hbm>>
        %dma_wait3A_58 = tpu.memref_slice %arg3[%mul3A_54] : memref<32002048xf32, #tpu.memory_space<hbm>> -> memref<4096xf32, #tpu.memory_space<hbm>>
        %dma_wait3A_59 = arith.constant 0 : i32
        %dma_wait3A_60 = tpu.memref_slice %arg5[%select_n3A_50, %dma_wait3A_59] : memref<2x4096xf32, #tpu.memory_space<vmem>> -> memref<1x4096xf32, #tpu.memory_space<vmem>>
        %dma_wait3A_61 = tpu.memref_squeeze %dma_wait3A_60 : memref<1x4096xf32, #tpu.memory_space<vmem>> -> memref<4096xf32, #tpu.memory_space<vmem>>
        tpu.wait_dma2 semaphore(%arg7 : memref<!tpu.dma_semaphore, #tpu.memory_space<semaphore_mem>>) src(%dma_wait3A_61 : memref<4096xf32, #tpu.memory_space<vmem>>) dst(%dma_wait3A_58 : memref<4096xf32, #tpu.memory_space<hbm>>)
      } else {
      }
      %while3A_35 = arith.constant 0 : i32
      scf.yield %while3A_35 : i32
    }
    %while3A_26 = arith.constant 1 : i32
    %while3A_27 = scf.for %while3A_28 = %while3A_23 to %while3A_19 step %while3A_26 iter_args(%while3A_29 = %while3A_25) -> (i32)  : i32 {
      %sub3A = arith.constant 2 : i32
      %sub3A_30 = arith.subi %select_n3A, %sub3A : i32
      %max3A = arith.constant 0 : i32
      %max3A_31 = arith.maxsi %sub3A_30, %max3A : i32
      %ge3A = arith.cmpi sge, %while3A_28, %max3A_31 : i32
      %convert_element_type3A_32 = arith.extui %ge3A : i1 to i32
      %cond3A_33 = arith.constant 0 : i32
      %cond3A_34 = arith.cmpi ne, %convert_element_type3A_32, %cond3A_33 : i32
      scf.if %cond3A_34 {
        %mul3A_36 = arith.constant 32 : i32
        %mul3A_37 = arith.muli %while3A_28, %mul3A_36 : i32
        %add3A_38 = arith.addi %add3A, %mul3A_37 : i32
        %jit3A_39 = arith.constant 2 : i32
        %eq3A = arith.constant 0 : i32
        %eq3A_40 = arith.cmpi eq, %jit3A_39, %eq3A : i32
        %jit3A_41 = arith.constant 1 : i32
        %select_n3A_42 = arith.select %eq3A_40, %jit3A_41, %jit3A_39 : i32
        %rem3A = arith.remsi %while3A_28, %select_n3A_42 : i32
        %ne3A = arith.constant 0 : i32
        %ne3A_43 = arith.cmpi ne, %rem3A, %ne3A : i32
        %lt3A_44 = arith.constant 0 : i32
        %lt3A_45 = arith.cmpi slt, %rem3A, %lt3A_44 : i32
        %lt3A_46 = arith.constant 0 : i32
        %lt3A_47 = arith.cmpi slt, %select_n3A_42, %lt3A_46 : i32
        %ne3A_48 = arith.xori %lt3A_45, %lt3A_47 : i1
        %and3A = arith.andi %ne3A_48, %ne3A_43 : i1
        %add3A_49 = arith.addi %rem3A, %select_n3A_42 : i32
        %select_n3A_50 = arith.select %and3A, %add3A_49, %rem3A : i32
        %mul3A_51 = arith.constant 128 : i32
        %mul3A_52 = arith.muli %add3A_38, %mul3A_51 : i32
        %mul3A_53 = arith.constant 32 : i32
        %mul3A_54 = arith.muli %mul3A_52, %mul3A_53 : i32
        %dma_wait3A = arith.constant 0 : i32
        %dma_wait3A_55 = tpu.memref_slice %arg5[%select_n3A_50, %dma_wait3A] : memref<2x4096xf32, #tpu.memory_space<vmem>> -> memref<1x4096xf32, #tpu.memory_space<vmem>>
        %dma_wait3A_56 = tpu.memref_squeeze %dma_wait3A_55 : memref<1x4096xf32, #tpu.memory_space<vmem>> -> memref<4096xf32, #tpu.memory_space<vmem>>
        %dma_wait3A_57 = tpu.memref_slice %arg3[%mul3A_54] : memref<32002048xf32, #tpu.memory_space<hbm>> -> memref<4096xf32, #tpu.memory_space<hbm>>
        %dma_wait3A_58 = tpu.memref_slice %arg3[%mul3A_54] : memref<32002048xf32, #tpu.memory_space<hbm>> -> memref<4096xf32, #tpu.memory_space<hbm>>
        %dma_wait3A_59 = arith.constant 0 : i32
        %dma_wait3A_60 = tpu.memref_slice %arg5[%select_n3A_50, %dma_wait3A_59] : memref<2x4096xf32, #tpu.memory_space<vmem>> -> memref<1x4096xf32, #tpu.memory_space<vmem>>
        %dma_wait3A_61 = tpu.memref_squeeze %dma_wait3A_60 : memref<1x4096xf32, #tpu.memory_space<vmem>> -> memref<4096xf32, #tpu.memory_space<vmem>>
        tpu.wait_dma2 semaphore(%arg7 : memref<!tpu.dma_semaphore, #tpu.memory_space<semaphore_mem>>) src(%dma_wait3A_61 : memref<4096xf32, #tpu.memory_space<vmem>>) dst(%dma_wait3A_58 : memref<4096xf32, #tpu.memory_space<hbm>>)
      } else {
      }
      %while3A_35 = arith.constant 0 : i32
      scf.yield %while3A_35 : i32
    }
    return
  }
}

module attributes {stable_mosaic.version = 14 : i64} {
  func.func @_detile_body(%arg0: i32, %arg1: i32, %arg2: memref<8x172032xf32, #tpu.memory_space<vmem>>, %arg3: memref<10752x128xf32, #tpu.memory_space<vmem>>) attributes {dimension_semantics = [#tpu.dimension_semantics<arbitrary>, #tpu.dimension_semantics<arbitrary>], iteration_bounds = array<i64: 4, 6>, scalar_prefetch = 0 : i64, scratch_operands = 0 : i64, tpu.core_type = #tpu.core_type<tc>, window_params = [{transform_indices = @transform_0, window_bounds = array<i64: 8, 172032>}, {transform_indices = @transform_1, window_bounds = array<i64: 10752, 128>}]} {
    %get3A = arith.constant 0 : index
    %get3A_0 = arith.constant 0 : index
    %get3A_1 = vector.load %arg2[%get3A, %get3A_0] : memref<8x172032xf32, #tpu.memory_space<vmem>>, vector<8x172032xf32>
    %slice3A = vector.extract_strided_slice %get3A_1 {offsets = [0, 0], sizes = [8, 128], strides = [1, 1]} : vector<8x172032xf32> to vector<8x128xf32>
    %slice3A_2 = vector.extract_strided_slice %get3A_1 {offsets = [0, 128], sizes = [8, 128], strides = [1, 1]} : vector<8x172032xf32> to vector<8x128xf32>
    %slice3A_3 = vector.extract_strided_slice %get3A_1 {offsets = [0, 256], sizes = [8, 128], strides = [1, 1]} : vector<8x172032xf32> to vector<8x128xf32>
    %slice3A_4 = vector.extract_strided_slice %get3A_1 {offsets = [0, 384], sizes = [8, 128], strides = [1, 1]} : vector<8x172032xf32> to vector<8x128xf32>
    %slice3A_5 = vector.extract_strided_slice %get3A_1 {offsets = [0, 512], sizes = [8, 128], strides = [1, 1]} : vector<8x172032xf32> to vector<8x128xf32>
    %slice3A_6 = vector.extract_strided_slice %get3A_1 {offsets = [0, 640], sizes = [8, 128], strides = [1, 1]} : vector<8x172032xf32> to vector<8x128xf32>
    %slice3A_7 = vector.extract_strided_slice %get3A_1 {offsets = [0, 768], sizes = [8, 128], strides = [1, 1]} : vector<8x172032xf32> to vector<8x128xf32>
    %slice3A_8 = vector.extract_strided_slice %get3A_1 {offsets = [0, 896], sizes = [8, 128], strides = [1, 1]} : vector<8x172032xf32> to vector<8x128xf32>
    %slice3A_9 = vector.extract_strided_slice %get3A_1 {offsets = [0, 1024], sizes = [8, 128], strides = [1, 1]} : vector<8x172032xf32> to vector<8x128xf32>
    %slice3A_10 = vector.extract_strided_slice %get3A_1 {offsets = [0, 1152], sizes = [8, 128], strides = [1, 1]} : vector<8x172032xf32> to vector<8x128xf32>
    %slice3A_11 = vector.extract_strided_slice %get3A_1 {offsets = [0, 1280], sizes = [8, 128], strides = [1, 1]} : vector<8x172032xf32> to vector<8x128xf32>
    %slice3A_12 = vector.extract_strided_slice %get3A_1 {offsets = [0, 1408], sizes = [8, 128], strides = [1, 1]} : vector<8x172032xf32> to vector<8x128xf32>
    %slice3A_13 = vector.extract_strided_slice %get3A_1 {offsets = [0, 1536], sizes = [8, 128], strides = [1, 1]} : vector<8x172032xf32> to vector<8x128xf32>
    %slice3A_14 = vector.extract_strided_slice %get3A_1 {offsets = [0, 1664], sizes = [8, 128], strides = [1, 1]} : vector<8x172032xf32> to vector<8x128xf32>
    %slice3A_15 = vector.extract_strided_slice %get3A_1 {offsets = [0, 1792], sizes = [8, 128], strides = [1, 1]} : vector<8x172032xf32> to vector<8x128xf32>
    %slice3A_16 = vector.extract_strided_slice %get3A_1 {offsets = [0, 1920], sizes = [8, 128], strides = [1, 1]} : vector<8x172032xf32> to vector<8x128xf32>
    %slice3A_17 = vector.extract_strided_slice %get3A_1 {offsets = [0, 2048], sizes = [8, 128], strides = [1, 1]} : vector<8x172032xf32> to vector<8x128xf32>
    %slice3A_18 = vector.extract_strided_slice %get3A_1 {offsets = [0, 2176], sizes = [8, 128], strides = [1, 1]} : vector<8x172032xf32> to vector<8x128xf32>
    %slice3A_19 = vector.extract_strided_slice %get3A_1 {offsets = [0, 2304], sizes = [8, 128], strides = [1, 1]} : vector<8x172032xf32> to vector<8x128xf32>
    %slice3A_20 = vector.extract_strided_slice %get3A_1 {offsets = [0, 2432], sizes = [8, 128], strides = [1, 1]} : vector<8x172032xf32> to vector<8x128xf32>
    %slice3A_21 = vector.extract_strided_slice %get3A_1 {offsets = [0, 2560], sizes = [8, 128], strides = [1, 1]} : vector<8x172032xf32> to vector<8x128xf32>
    %slice3A_22 = vector.extract_strided_slice %get3A_1 {offsets = [0, 2688], sizes = [8, 128], strides = [1, 1]} : vector<8x172032xf32> to vector<8x128xf32>
    %slice3A_23 = vector.extract_strided_slice %get3A_1 {offsets = [0, 2816], sizes = [8, 128], strides = [1, 1]} : vector<8x172032xf32> to vector<8x128xf32>
    %slice3A_24 = vector.extract_strided_slice %get3A_1 {offsets = [0, 2944], sizes = [8, 128], strides = [1, 1]} : vector<8x172032xf32> to vector<8x128xf32>
    %slice3A_25 = vector.extract_strided_slice %get3A_1 {offsets = [0, 3072], sizes = [8, 128], strides = [1, 1]} : vector<8x172032xf32> to vector<8x128xf32>
    %slice3A_26 = vector.extract_strided_slice %get3A_1 {offsets = [0, 3200], sizes = [8, 128], strides = [1, 1]} : vector<8x172032xf32> to vector<8x128xf32>
    %slice3A_27 = vector.extract_strided_slice %get3A_1 {offsets = [0, 3328], sizes = [8, 128], strides = [1, 1]} : vector<8x172032xf32> to vector<8x128xf32>
    %slice3A_28 = vector.extract_strided_slice %get3A_1 {offsets = [0, 3456], sizes = [8, 128], strides = [1, 1]} : vector<8x172032xf32> to vector<8x128xf32>
    %slice3A_29 = vector.extract_strided_slice %get3A_1 {offsets = [0, 3584], sizes = [8, 128], strides = [1, 1]} : vector<8x172032xf32> to vector<8x128xf32>
    %slice3A_30 = vector.extract_strided_slice %get3A_1 {offsets = [0, 3712], sizes = [8, 128], strides = [1, 1]} : vector<8x172032xf32> to vector<8x128xf32>
    %slice3A_31 = vector.extract_strided_slice %get3A_1 {offsets = [0, 3840], sizes = [8, 128], strides = [1, 1]} : vector<8x172032xf32> to vector<8x128xf32>
    %slice3A_32 = vector.extract_strided_slice %get3A_1 {offsets = [0, 3968], sizes = [8, 128], strides = [1, 1]} : vector<8x172032xf32> to vector<8x128xf32>
    %slice3A_33 = vector.extract_strided_slice %get3A_1 {offsets = [0, 4096], sizes = [8, 128], strides = [1, 1]} : vector<8x172032xf32> to vector<8x128xf32>
    %slice3A_34 = vector.extract_strided_slice %get3A_1 {offsets = [0, 4224], sizes = [8, 128], strides = [1, 1]} : vector<8x172032xf32> to vector<8x128xf32>
    %slice3A_35 = vector.extract_strided_slice %get3A_1 {offsets = [0, 4352], sizes = [8, 128], strides = [1, 1]} : vector<8x172032xf32> to vector<8x128xf32>
    %slice3A_36 = vector.extract_strided_slice %get3A_1 {offsets = [0, 4480], sizes = [8, 128], strides = [1, 1]} : vector<8x172032xf32> to vector<8x128xf32>
    %slice3A_37 = vector.extract_strided_slice %get3A_1 {offsets = [0, 4608], sizes = [8, 128], strides = [1, 1]} : vector<8x172032xf32> to vector<8x128xf32>
    %slice3A_38 = vector.extract_strided_slice %get3A_1 {offsets = [0, 4736], sizes = [8, 128], strides = [1, 1]} : vector<8x172032xf32> to vector<8x128xf32>
    %slice3A_39 = vector.extract_strided_slice %get3A_1 {offsets = [0, 4864], sizes = [8, 128], strides = [1, 1]} : vector<8x172032xf32> to vector<8x128xf32>
    %slice3A_40 = vector.extract_strided_slice %get3A_1 {offsets = [0, 4992], sizes = [8, 128], strides = [1, 1]} : vector<8x172032xf32> to vector<8x128xf32>
    %slice3A_41 = vector.extract_strided_slice %get3A_1 {offsets = [0, 5120], sizes = [8, 128], strides = [1, 1]} : vector<8x172032xf32> to vector<8x128xf32>
    %slice3A_42 = vector.extract_strided_slice %get3A_1 {offsets = [0, 5248], sizes = [8, 128], strides = [1, 1]} : vector<8x172032xf32> to vector<8x128xf32>
    %slice3A_43 = vector.extract_strided_slice %get3A_1 {offsets = [0, 5376], sizes = [8, 128], strides = [1, 1]} : vector<8x172032xf32> to vector<8x128xf32>
    %slice3A_44 = vector.extract_strided_slice %get3A_1 {offsets = [0, 5504], sizes = [8, 128], strides = [1, 1]} : vector<8x172032xf32> to vector<8x128xf32>
    %slice3A_45 = vector.extract_strided_slice %get3A_1 {offsets = [0, 5632], sizes = [8, 128], strides = [1, 1]} : vector<8x172032xf32> to vector<8x128xf32>
    %slice3A_46 = vector.extract_strided_slice %get3A_1 {offsets = [0, 5760], sizes = [8, 128], strides = [1, 1]} : vector<8x172032xf32> to vector<8x128xf32>
    %slice3A_47 = vector.extract_strided_slice %get3A_1 {offsets = [0, 5888], sizes = [8, 128], strides = [1, 1]} : vector<8x172032xf32> to vector<8x128xf32>
    %slice3A_48 = vector.extract_strided_slice %get3A_1 {offsets = [0, 6016], sizes = [8, 128], strides = [1, 1]} : vector<8x172032xf32> to vector<8x128xf32>
    %slice3A_49 = vector.extract_strided_slice %get3A_1 {offsets = [0, 6144], sizes = [8, 128], strides = [1, 1]} : vector<8x172032xf32> to vector<8x128xf32>
    %slice3A_50 = vector.extract_strided_slice %get3A_1 {offsets = [0, 6272], sizes = [8, 128], strides = [1, 1]} : vector<8x172032xf32> to vector<8x128xf32>
    %slice3A_51 = vector.extract_strided_slice %get3A_1 {offsets = [0, 6400], sizes = [8, 128], strides = [1, 1]} : vector<8x172032xf32> to vector<8x128xf32>
    %slice3A_52 = vector.extract_strided_slice %get3A_1 {offsets = [0, 6528], sizes = [8, 128], strides = [1, 1]} : vector<8x172032xf32> to vector<8x128xf32>
    %slice3A_53 = vector.extract_strided_slice %get3A_1 {offsets = [0, 6656], sizes = [8, 128], strides = [1, 1]} : vector<8x172032xf32> to vector<8x128xf32>
    %slice3A_54 = vector.extract_strided_slice %get3A_1 {offsets = [0, 6784], sizes = [8, 128], strides = [1, 1]} : vector<8x172032xf32> to vector<8x128xf32>
    %slice3A_55 = vector.extract_strided_slice %get3A_1 {offsets = [0, 6912], sizes = [8, 128], strides = [1, 1]} : vector<8x172032xf32> to vector<8x128xf32>
    %slice3A_56 = vector.extract_strided_slice %get3A_1 {offsets = [0, 7040], sizes = [8, 128], strides = [1, 1]} : vector<8x172032xf32> to vector<8x128xf32>
    %slice3A_57 = vector.extract_strided_slice %get3A_1 {offsets = [0, 7168], sizes = [8, 128], strides = [1, 1]} : vector<8x172032xf32> to vector<8x128xf32>
    %slice3A_58 = vector.extract_strided_slice %get3A_1 {offsets = [0, 7296], sizes = [8, 128], strides = [1, 1]} : vector<8x172032xf32> to vector<8x128xf32>
    %slice3A_59 = vector.extract_strided_slice %get3A_1 {offsets = [0, 7424], sizes = [8, 128], strides = [1, 1]} : vector<8x172032xf32> to vector<8x128xf32>
    %slice3A_60 = vector.extract_strided_slice %get3A_1 {offsets = [0, 7552], sizes = [8, 128], strides = [1, 1]} : vector<8x172032xf32> to vector<8x128xf32>
    %slice3A_61 = vector.extract_strided_slice %get3A_1 {offsets = [0, 7680], sizes = [8, 128], strides = [1, 1]} : vector<8x172032xf32> to vector<8x128xf32>
    %slice3A_62 = vector.extract_strided_slice %get3A_1 {offsets = [0, 7808], sizes = [8, 128], strides = [1, 1]} : vector<8x172032xf32> to vector<8x128xf32>
    %slice3A_63 = vector.extract_strided_slice %get3A_1 {offsets = [0, 7936], sizes = [8, 128], strides = [1, 1]} : vector<8x172032xf32> to vector<8x128xf32>
    %slice3A_64 = vector.extract_strided_slice %get3A_1 {offsets = [0, 8064], sizes = [8, 128], strides = [1, 1]} : vector<8x172032xf32> to vector<8x128xf32>
    %slice3A_65 = vector.extract_strided_slice %get3A_1 {offsets = [0, 8192], sizes = [8, 128], strides = [1, 1]} : vector<8x172032xf32> to vector<8x128xf32>
    %slice3A_66 = vector.extract_strided_slice %get3A_1 {offsets = [0, 8320], sizes = [8, 128], strides = [1, 1]} : vector<8x172032xf32> to vector<8x128xf32>
    %slice3A_67 = vector.extract_strided_slice %get3A_1 {offsets = [0, 8448], sizes = [8, 128], strides = [1, 1]} : vector<8x172032xf32> to vector<8x128xf32>
    %slice3A_68 = vector.extract_strided_slice %get3A_1 {offsets = [0, 8576], sizes = [8, 128], strides = [1, 1]} : vector<8x172032xf32> to vector<8x128xf32>
    %slice3A_69 = vector.extract_strided_slice %get3A_1 {offsets = [0, 8704], sizes = [8, 128], strides = [1, 1]} : vector<8x172032xf32> to vector<8x128xf32>
    %slice3A_70 = vector.extract_strided_slice %get3A_1 {offsets = [0, 8832], sizes = [8, 128], strides = [1, 1]} : vector<8x172032xf32> to vector<8x128xf32>
    %slice3A_71 = vector.extract_strided_slice %get3A_1 {offsets = [0, 8960], sizes = [8, 128], strides = [1, 1]} : vector<8x172032xf32> to vector<8x128xf32>
    %slice3A_72 = vector.extract_strided_slice %get3A_1 {offsets = [0, 9088], sizes = [8, 128], strides = [1, 1]} : vector<8x172032xf32> to vector<8x128xf32>
    %slice3A_73 = vector.extract_strided_slice %get3A_1 {offsets = [0, 9216], sizes = [8, 128], strides = [1, 1]} : vector<8x172032xf32> to vector<8x128xf32>
    %slice3A_74 = vector.extract_strided_slice %get3A_1 {offsets = [0, 9344], sizes = [8, 128], strides = [1, 1]} : vector<8x172032xf32> to vector<8x128xf32>
    %slice3A_75 = vector.extract_strided_slice %get3A_1 {offsets = [0, 9472], sizes = [8, 128], strides = [1, 1]} : vector<8x172032xf32> to vector<8x128xf32>
    %slice3A_76 = vector.extract_strided_slice %get3A_1 {offsets = [0, 9600], sizes = [8, 128], strides = [1, 1]} : vector<8x172032xf32> to vector<8x128xf32>
    %slice3A_77 = vector.extract_strided_slice %get3A_1 {offsets = [0, 9728], sizes = [8, 128], strides = [1, 1]} : vector<8x172032xf32> to vector<8x128xf32>
    %slice3A_78 = vector.extract_strided_slice %get3A_1 {offsets = [0, 9856], sizes = [8, 128], strides = [1, 1]} : vector<8x172032xf32> to vector<8x128xf32>
    %slice3A_79 = vector.extract_strided_slice %get3A_1 {offsets = [0, 9984], sizes = [8, 128], strides = [1, 1]} : vector<8x172032xf32> to vector<8x128xf32>
    %slice3A_80 = vector.extract_strided_slice %get3A_1 {offsets = [0, 10112], sizes = [8, 128], strides = [1, 1]} : vector<8x172032xf32> to vector<8x128xf32>
    %slice3A_81 = vector.extract_strided_slice %get3A_1 {offsets = [0, 10240], sizes = [8, 128], strides = [1, 1]} : vector<8x172032xf32> to vector<8x128xf32>
    %slice3A_82 = vector.extract_strided_slice %get3A_1 {offsets = [0, 10368], sizes = [8, 128], strides = [1, 1]} : vector<8x172032xf32> to vector<8x128xf32>
    %slice3A_83 = vector.extract_strided_slice %get3A_1 {offsets = [0, 10496], sizes = [8, 128], strides = [1, 1]} : vector<8x172032xf32> to vector<8x128xf32>
    %slice3A_84 = vector.extract_strided_slice %get3A_1 {offsets = [0, 10624], sizes = [8, 128], strides = [1, 1]} : vector<8x172032xf32> to vector<8x128xf32>
    %slice3A_85 = vector.extract_strided_slice %get3A_1 {offsets = [0, 10752], sizes = [8, 128], strides = [1, 1]} : vector<8x172032xf32> to vector<8x128xf32>
    %slice3A_86 = vector.extract_strided_slice %get3A_1 {offsets = [0, 10880], sizes = [8, 128], strides = [1, 1]} : vector<8x172032xf32> to vector<8x128xf32>
    %slice3A_87 = vector.extract_strided_slice %get3A_1 {offsets = [0, 11008], sizes = [8, 128], strides = [1, 1]} : vector<8x172032xf32> to vector<8x128xf32>
    %slice3A_88 = vector.extract_strided_slice %get3A_1 {offsets = [0, 11136], sizes = [8, 128], strides = [1, 1]} : vector<8x172032xf32> to vector<8x128xf32>
    %slice3A_89 = vector.extract_strided_slice %get3A_1 {offsets = [0, 11264], sizes = [8, 128], strides = [1, 1]} : vector<8x172032xf32> to vector<8x128xf32>
    %slice3A_90 = vector.extract_strided_slice %get3A_1 {offsets = [0, 11392], sizes = [8, 128], strides = [1, 1]} : vector<8x172032xf32> to vector<8x128xf32>
    %slice3A_91 = vector.extract_strided_slice %get3A_1 {offsets = [0, 11520], sizes = [8, 128], strides = [1, 1]} : vector<8x172032xf32> to vector<8x128xf32>
    %slice3A_92 = vector.extract_strided_slice %get3A_1 {offsets = [0, 11648], sizes = [8, 128], strides = [1, 1]} : vector<8x172032xf32> to vector<8x128xf32>
    %slice3A_93 = vector.extract_strided_slice %get3A_1 {offsets = [0, 11776], sizes = [8, 128], strides = [1, 1]} : vector<8x172032xf32> to vector<8x128xf32>
    %slice3A_94 = vector.extract_strided_slice %get3A_1 {offsets = [0, 11904], sizes = [8, 128], strides = [1, 1]} : vector<8x172032xf32> to vector<8x128xf32>
    %slice3A_95 = vector.extract_strided_slice %get3A_1 {offsets = [0, 12032], sizes = [8, 128], strides = [1, 1]} : vector<8x172032xf32> to vector<8x128xf32>
    %slice3A_96 = vector.extract_strided_slice %get3A_1 {offsets = [0, 12160], sizes = [8, 128], strides = [1, 1]} : vector<8x172032xf32> to vector<8x128xf32>
    %slice3A_97 = vector.extract_strided_slice %get3A_1 {offsets = [0, 12288], sizes = [8, 128], strides = [1, 1]} : vector<8x172032xf32> to vector<8x128xf32>
    %slice3A_98 = vector.extract_strided_slice %get3A_1 {offsets = [0, 12416], sizes = [8, 128], strides = [1, 1]} : vector<8x172032xf32> to vector<8x128xf32>
    %slice3A_99 = vector.extract_strided_slice %get3A_1 {offsets = [0, 12544], sizes = [8, 128], strides = [1, 1]} : vector<8x172032xf32> to vector<8x128xf32>
    %slice3A_100 = vector.extract_strided_slice %get3A_1 {offsets = [0, 12672], sizes = [8, 128], strides = [1, 1]} : vector<8x172032xf32> to vector<8x128xf32>
    %slice3A_101 = vector.extract_strided_slice %get3A_1 {offsets = [0, 12800], sizes = [8, 128], strides = [1, 1]} : vector<8x172032xf32> to vector<8x128xf32>
    %slice3A_102 = vector.extract_strided_slice %get3A_1 {offsets = [0, 12928], sizes = [8, 128], strides = [1, 1]} : vector<8x172032xf32> to vector<8x128xf32>
    %slice3A_103 = vector.extract_strided_slice %get3A_1 {offsets = [0, 13056], sizes = [8, 128], strides = [1, 1]} : vector<8x172032xf32> to vector<8x128xf32>
    %slice3A_104 = vector.extract_strided_slice %get3A_1 {offsets = [0, 13184], sizes = [8, 128], strides = [1, 1]} : vector<8x172032xf32> to vector<8x128xf32>
    %slice3A_105 = vector.extract_strided_slice %get3A_1 {offsets = [0, 13312], sizes = [8, 128], strides = [1, 1]} : vector<8x172032xf32> to vector<8x128xf32>
    %slice3A_106 = vector.extract_strided_slice %get3A_1 {offsets = [0, 13440], sizes = [8, 128], strides = [1, 1]} : vector<8x172032xf32> to vector<8x128xf32>
    %slice3A_107 = vector.extract_strided_slice %get3A_1 {offsets = [0, 13568], sizes = [8, 128], strides = [1, 1]} : vector<8x172032xf32> to vector<8x128xf32>
    %slice3A_108 = vector.extract_strided_slice %get3A_1 {offsets = [0, 13696], sizes = [8, 128], strides = [1, 1]} : vector<8x172032xf32> to vector<8x128xf32>
    %slice3A_109 = vector.extract_strided_slice %get3A_1 {offsets = [0, 13824], sizes = [8, 128], strides = [1, 1]} : vector<8x172032xf32> to vector<8x128xf32>
    %slice3A_110 = vector.extract_strided_slice %get3A_1 {offsets = [0, 13952], sizes = [8, 128], strides = [1, 1]} : vector<8x172032xf32> to vector<8x128xf32>
    %slice3A_111 = vector.extract_strided_slice %get3A_1 {offsets = [0, 14080], sizes = [8, 128], strides = [1, 1]} : vector<8x172032xf32> to vector<8x128xf32>
    %slice3A_112 = vector.extract_strided_slice %get3A_1 {offsets = [0, 14208], sizes = [8, 128], strides = [1, 1]} : vector<8x172032xf32> to vector<8x128xf32>
    %slice3A_113 = vector.extract_strided_slice %get3A_1 {offsets = [0, 14336], sizes = [8, 128], strides = [1, 1]} : vector<8x172032xf32> to vector<8x128xf32>
    %slice3A_114 = vector.extract_strided_slice %get3A_1 {offsets = [0, 14464], sizes = [8, 128], strides = [1, 1]} : vector<8x172032xf32> to vector<8x128xf32>
    %slice3A_115 = vector.extract_strided_slice %get3A_1 {offsets = [0, 14592], sizes = [8, 128], strides = [1, 1]} : vector<8x172032xf32> to vector<8x128xf32>
    %slice3A_116 = vector.extract_strided_slice %get3A_1 {offsets = [0, 14720], sizes = [8, 128], strides = [1, 1]} : vector<8x172032xf32> to vector<8x128xf32>
    %slice3A_117 = vector.extract_strided_slice %get3A_1 {offsets = [0, 14848], sizes = [8, 128], strides = [1, 1]} : vector<8x172032xf32> to vector<8x128xf32>
    %slice3A_118 = vector.extract_strided_slice %get3A_1 {offsets = [0, 14976], sizes = [8, 128], strides = [1, 1]} : vector<8x172032xf32> to vector<8x128xf32>
    %slice3A_119 = vector.extract_strided_slice %get3A_1 {offsets = [0, 15104], sizes = [8, 128], strides = [1, 1]} : vector<8x172032xf32> to vector<8x128xf32>
    %slice3A_120 = vector.extract_strided_slice %get3A_1 {offsets = [0, 15232], sizes = [8, 128], strides = [1, 1]} : vector<8x172032xf32> to vector<8x128xf32>
    %slice3A_121 = vector.extract_strided_slice %get3A_1 {offsets = [0, 15360], sizes = [8, 128], strides = [1, 1]} : vector<8x172032xf32> to vector<8x128xf32>
    %slice3A_122 = vector.extract_strided_slice %get3A_1 {offsets = [0, 15488], sizes = [8, 128], strides = [1, 1]} : vector<8x172032xf32> to vector<8x128xf32>
    %slice3A_123 = vector.extract_strided_slice %get3A_1 {offsets = [0, 15616], sizes = [8, 128], strides = [1, 1]} : vector<8x172032xf32> to vector<8x128xf32>
    %slice3A_124 = vector.extract_strided_slice %get3A_1 {offsets = [0, 15744], sizes = [8, 128], strides = [1, 1]} : vector<8x172032xf32> to vector<8x128xf32>
    %slice3A_125 = vector.extract_strided_slice %get3A_1 {offsets = [0, 15872], sizes = [8, 128], strides = [1, 1]} : vector<8x172032xf32> to vector<8x128xf32>
    %slice3A_126 = vector.extract_strided_slice %get3A_1 {offsets = [0, 16000], sizes = [8, 128], strides = [1, 1]} : vector<8x172032xf32> to vector<8x128xf32>
    %slice3A_127 = vector.extract_strided_slice %get3A_1 {offsets = [0, 16128], sizes = [8, 128], strides = [1, 1]} : vector<8x172032xf32> to vector<8x128xf32>
    %slice3A_128 = vector.extract_strided_slice %get3A_1 {offsets = [0, 16256], sizes = [8, 128], strides = [1, 1]} : vector<8x172032xf32> to vector<8x128xf32>
    %slice3A_129 = vector.extract_strided_slice %get3A_1 {offsets = [0, 16384], sizes = [8, 128], strides = [1, 1]} : vector<8x172032xf32> to vector<8x128xf32>
    %slice3A_130 = vector.extract_strided_slice %get3A_1 {offsets = [0, 16512], sizes = [8, 128], strides = [1, 1]} : vector<8x172032xf32> to vector<8x128xf32>
    %slice3A_131 = vector.extract_strided_slice %get3A_1 {offsets = [0, 16640], sizes = [8, 128], strides = [1, 1]} : vector<8x172032xf32> to vector<8x128xf32>
    %slice3A_132 = vector.extract_strided_slice %get3A_1 {offsets = [0, 16768], sizes = [8, 128], strides = [1, 1]} : vector<8x172032xf32> to vector<8x128xf32>
    %slice3A_133 = vector.extract_strided_slice %get3A_1 {offsets = [0, 16896], sizes = [8, 128], strides = [1, 1]} : vector<8x172032xf32> to vector<8x128xf32>
    %slice3A_134 = vector.extract_strided_slice %get3A_1 {offsets = [0, 17024], sizes = [8, 128], strides = [1, 1]} : vector<8x172032xf32> to vector<8x128xf32>
    %slice3A_135 = vector.extract_strided_slice %get3A_1 {offsets = [0, 17152], sizes = [8, 128], strides = [1, 1]} : vector<8x172032xf32> to vector<8x128xf32>
    %slice3A_136 = vector.extract_strided_slice %get3A_1 {offsets = [0, 17280], sizes = [8, 128], strides = [1, 1]} : vector<8x172032xf32> to vector<8x128xf32>
    %slice3A_137 = vector.extract_strided_slice %get3A_1 {offsets = [0, 17408], sizes = [8, 128], strides = [1, 1]} : vector<8x172032xf32> to vector<8x128xf32>
    %slice3A_138 = vector.extract_strided_slice %get3A_1 {offsets = [0, 17536], sizes = [8, 128], strides = [1, 1]} : vector<8x172032xf32> to vector<8x128xf32>
    %slice3A_139 = vector.extract_strided_slice %get3A_1 {offsets = [0, 17664], sizes = [8, 128], strides = [1, 1]} : vector<8x172032xf32> to vector<8x128xf32>
    %slice3A_140 = vector.extract_strided_slice %get3A_1 {offsets = [0, 17792], sizes = [8, 128], strides = [1, 1]} : vector<8x172032xf32> to vector<8x128xf32>
    %slice3A_141 = vector.extract_strided_slice %get3A_1 {offsets = [0, 17920], sizes = [8, 128], strides = [1, 1]} : vector<8x172032xf32> to vector<8x128xf32>
    %slice3A_142 = vector.extract_strided_slice %get3A_1 {offsets = [0, 18048], sizes = [8, 128], strides = [1, 1]} : vector<8x172032xf32> to vector<8x128xf32>
    %slice3A_143 = vector.extract_strided_slice %get3A_1 {offsets = [0, 18176], sizes = [8, 128], strides = [1, 1]} : vector<8x172032xf32> to vector<8x128xf32>
    %slice3A_144 = vector.extract_strided_slice %get3A_1 {offsets = [0, 18304], sizes = [8, 128], strides = [1, 1]} : vector<8x172032xf32> to vector<8x128xf32>
    %slice3A_145 = vector.extract_strided_slice %get3A_1 {offsets = [0, 18432], sizes = [8, 128], strides = [1, 1]} : vector<8x172032xf32> to vector<8x128xf32>
    %slice3A_146 = vector.extract_strided_slice %get3A_1 {offsets = [0, 18560], sizes = [8, 128], strides = [1, 1]} : vector<8x172032xf32> to vector<8x128xf32>
    %slice3A_147 = vector.extract_strided_slice %get3A_1 {offsets = [0, 18688], sizes = [8, 128], strides = [1, 1]} : vector<8x172032xf32> to vector<8x128xf32>
    %slice3A_148 = vector.extract_strided_slice %get3A_1 {offsets = [0, 18816], sizes = [8, 128], strides = [1, 1]} : vector<8x172032xf32> to vector<8x128xf32>
    %slice3A_149 = vector.extract_strided_slice %get3A_1 {offsets = [0, 18944], sizes = [8, 128], strides = [1, 1]} : vector<8x172032xf32> to vector<8x128xf32>
    %slice3A_150 = vector.extract_strided_slice %get3A_1 {offsets = [0, 19072], sizes = [8, 128], strides = [1, 1]} : vector<8x172032xf32> to vector<8x128xf32>
    %slice3A_151 = vector.extract_strided_slice %get3A_1 {offsets = [0, 19200], sizes = [8, 128], strides = [1, 1]} : vector<8x172032xf32> to vector<8x128xf32>
    %slice3A_152 = vector.extract_strided_slice %get3A_1 {offsets = [0, 19328], sizes = [8, 128], strides = [1, 1]} : vector<8x172032xf32> to vector<8x128xf32>
    %slice3A_153 = vector.extract_strided_slice %get3A_1 {offsets = [0, 19456], sizes = [8, 128], strides = [1, 1]} : vector<8x172032xf32> to vector<8x128xf32>
    %slice3A_154 = vector.extract_strided_slice %get3A_1 {offsets = [0, 19584], sizes = [8, 128], strides = [1, 1]} : vector<8x172032xf32> to vector<8x128xf32>
    %slice3A_155 = vector.extract_strided_slice %get3A_1 {offsets = [0, 19712], sizes = [8, 128], strides = [1, 1]} : vector<8x172032xf32> to vector<8x128xf32>
    %slice3A_156 = vector.extract_strided_slice %get3A_1 {offsets = [0, 19840], sizes = [8, 128], strides = [1, 1]} : vector<8x172032xf32> to vector<8x128xf32>
    %slice3A_157 = vector.extract_strided_slice %get3A_1 {offsets = [0, 19968], sizes = [8, 128], strides = [1, 1]} : vector<8x172032xf32> to vector<8x128xf32>
    %slice3A_158 = vector.extract_strided_slice %get3A_1 {offsets = [0, 20096], sizes = [8, 128], strides = [1, 1]} : vector<8x172032xf32> to vector<8x128xf32>
    %slice3A_159 = vector.extract_strided_slice %get3A_1 {offsets = [0, 20224], sizes = [8, 128], strides = [1, 1]} : vector<8x172032xf32> to vector<8x128xf32>
    %slice3A_160 = vector.extract_strided_slice %get3A_1 {offsets = [0, 20352], sizes = [8, 128], strides = [1, 1]} : vector<8x172032xf32> to vector<8x128xf32>
    %slice3A_161 = vector.extract_strided_slice %get3A_1 {offsets = [0, 20480], sizes = [8, 128], strides = [1, 1]} : vector<8x172032xf32> to vector<8x128xf32>
    %slice3A_162 = vector.extract_strided_slice %get3A_1 {offsets = [0, 20608], sizes = [8, 128], strides = [1, 1]} : vector<8x172032xf32> to vector<8x128xf32>
    %slice3A_163 = vector.extract_strided_slice %get3A_1 {offsets = [0, 20736], sizes = [8, 128], strides = [1, 1]} : vector<8x172032xf32> to vector<8x128xf32>
    %slice3A_164 = vector.extract_strided_slice %get3A_1 {offsets = [0, 20864], sizes = [8, 128], strides = [1, 1]} : vector<8x172032xf32> to vector<8x128xf32>
    %slice3A_165 = vector.extract_strided_slice %get3A_1 {offsets = [0, 20992], sizes = [8, 128], strides = [1, 1]} : vector<8x172032xf32> to vector<8x128xf32>
    %slice3A_166 = vector.extract_strided_slice %get3A_1 {offsets = [0, 21120], sizes = [8, 128], strides = [1, 1]} : vector<8x172032xf32> to vector<8x128xf32>
    %slice3A_167 = vector.extract_strided_slice %get3A_1 {offsets = [0, 21248], sizes = [8, 128], strides = [1, 1]} : vector<8x172032xf32> to vector<8x128xf32>
    %slice3A_168 = vector.extract_strided_slice %get3A_1 {offsets = [0, 21376], sizes = [8, 128], strides = [1, 1]} : vector<8x172032xf32> to vector<8x128xf32>
    %slice3A_169 = vector.extract_strided_slice %get3A_1 {offsets = [0, 21504], sizes = [8, 128], strides = [1, 1]} : vector<8x172032xf32> to vector<8x128xf32>
    %slice3A_170 = vector.extract_strided_slice %get3A_1 {offsets = [0, 21632], sizes = [8, 128], strides = [1, 1]} : vector<8x172032xf32> to vector<8x128xf32>
    %slice3A_171 = vector.extract_strided_slice %get3A_1 {offsets = [0, 21760], sizes = [8, 128], strides = [1, 1]} : vector<8x172032xf32> to vector<8x128xf32>
    %slice3A_172 = vector.extract_strided_slice %get3A_1 {offsets = [0, 21888], sizes = [8, 128], strides = [1, 1]} : vector<8x172032xf32> to vector<8x128xf32>
    %slice3A_173 = vector.extract_strided_slice %get3A_1 {offsets = [0, 22016], sizes = [8, 128], strides = [1, 1]} : vector<8x172032xf32> to vector<8x128xf32>
    %slice3A_174 = vector.extract_strided_slice %get3A_1 {offsets = [0, 22144], sizes = [8, 128], strides = [1, 1]} : vector<8x172032xf32> to vector<8x128xf32>
    %slice3A_175 = vector.extract_strided_slice %get3A_1 {offsets = [0, 22272], sizes = [8, 128], strides = [1, 1]} : vector<8x172032xf32> to vector<8x128xf32>
    %slice3A_176 = vector.extract_strided_slice %get3A_1 {offsets = [0, 22400], sizes = [8, 128], strides = [1, 1]} : vector<8x172032xf32> to vector<8x128xf32>
    %slice3A_177 = vector.extract_strided_slice %get3A_1 {offsets = [0, 22528], sizes = [8, 128], strides = [1, 1]} : vector<8x172032xf32> to vector<8x128xf32>
    %slice3A_178 = vector.extract_strided_slice %get3A_1 {offsets = [0, 22656], sizes = [8, 128], strides = [1, 1]} : vector<8x172032xf32> to vector<8x128xf32>
    %slice3A_179 = vector.extract_strided_slice %get3A_1 {offsets = [0, 22784], sizes = [8, 128], strides = [1, 1]} : vector<8x172032xf32> to vector<8x128xf32>
    %slice3A_180 = vector.extract_strided_slice %get3A_1 {offsets = [0, 22912], sizes = [8, 128], strides = [1, 1]} : vector<8x172032xf32> to vector<8x128xf32>
    %slice3A_181 = vector.extract_strided_slice %get3A_1 {offsets = [0, 23040], sizes = [8, 128], strides = [1, 1]} : vector<8x172032xf32> to vector<8x128xf32>
    %slice3A_182 = vector.extract_strided_slice %get3A_1 {offsets = [0, 23168], sizes = [8, 128], strides = [1, 1]} : vector<8x172032xf32> to vector<8x128xf32>
    %slice3A_183 = vector.extract_strided_slice %get3A_1 {offsets = [0, 23296], sizes = [8, 128], strides = [1, 1]} : vector<8x172032xf32> to vector<8x128xf32>
    %slice3A_184 = vector.extract_strided_slice %get3A_1 {offsets = [0, 23424], sizes = [8, 128], strides = [1, 1]} : vector<8x172032xf32> to vector<8x128xf32>
    %slice3A_185 = vector.extract_strided_slice %get3A_1 {offsets = [0, 23552], sizes = [8, 128], strides = [1, 1]} : vector<8x172032xf32> to vector<8x128xf32>
    %slice3A_186 = vector.extract_strided_slice %get3A_1 {offsets = [0, 23680], sizes = [8, 128], strides = [1, 1]} : vector<8x172032xf32> to vector<8x128xf32>
    %slice3A_187 = vector.extract_strided_slice %get3A_1 {offsets = [0, 23808], sizes = [8, 128], strides = [1, 1]} : vector<8x172032xf32> to vector<8x128xf32>
    %slice3A_188 = vector.extract_strided_slice %get3A_1 {offsets = [0, 23936], sizes = [8, 128], strides = [1, 1]} : vector<8x172032xf32> to vector<8x128xf32>
    %slice3A_189 = vector.extract_strided_slice %get3A_1 {offsets = [0, 24064], sizes = [8, 128], strides = [1, 1]} : vector<8x172032xf32> to vector<8x128xf32>
    %slice3A_190 = vector.extract_strided_slice %get3A_1 {offsets = [0, 24192], sizes = [8, 128], strides = [1, 1]} : vector<8x172032xf32> to vector<8x128xf32>
    %slice3A_191 = vector.extract_strided_slice %get3A_1 {offsets = [0, 24320], sizes = [8, 128], strides = [1, 1]} : vector<8x172032xf32> to vector<8x128xf32>
    %slice3A_192 = vector.extract_strided_slice %get3A_1 {offsets = [0, 24448], sizes = [8, 128], strides = [1, 1]} : vector<8x172032xf32> to vector<8x128xf32>
    %slice3A_193 = vector.extract_strided_slice %get3A_1 {offsets = [0, 24576], sizes = [8, 128], strides = [1, 1]} : vector<8x172032xf32> to vector<8x128xf32>
    %slice3A_194 = vector.extract_strided_slice %get3A_1 {offsets = [0, 24704], sizes = [8, 128], strides = [1, 1]} : vector<8x172032xf32> to vector<8x128xf32>
    %slice3A_195 = vector.extract_strided_slice %get3A_1 {offsets = [0, 24832], sizes = [8, 128], strides = [1, 1]} : vector<8x172032xf32> to vector<8x128xf32>
    %slice3A_196 = vector.extract_strided_slice %get3A_1 {offsets = [0, 24960], sizes = [8, 128], strides = [1, 1]} : vector<8x172032xf32> to vector<8x128xf32>
    %slice3A_197 = vector.extract_strided_slice %get3A_1 {offsets = [0, 25088], sizes = [8, 128], strides = [1, 1]} : vector<8x172032xf32> to vector<8x128xf32>
    %slice3A_198 = vector.extract_strided_slice %get3A_1 {offsets = [0, 25216], sizes = [8, 128], strides = [1, 1]} : vector<8x172032xf32> to vector<8x128xf32>
    %slice3A_199 = vector.extract_strided_slice %get3A_1 {offsets = [0, 25344], sizes = [8, 128], strides = [1, 1]} : vector<8x172032xf32> to vector<8x128xf32>
    %slice3A_200 = vector.extract_strided_slice %get3A_1 {offsets = [0, 25472], sizes = [8, 128], strides = [1, 1]} : vector<8x172032xf32> to vector<8x128xf32>
    %slice3A_201 = vector.extract_strided_slice %get3A_1 {offsets = [0, 25600], sizes = [8, 128], strides = [1, 1]} : vector<8x172032xf32> to vector<8x128xf32>
    %slice3A_202 = vector.extract_strided_slice %get3A_1 {offsets = [0, 25728], sizes = [8, 128], strides = [1, 1]} : vector<8x172032xf32> to vector<8x128xf32>
    %slice3A_203 = vector.extract_strided_slice %get3A_1 {offsets = [0, 25856], sizes = [8, 128], strides = [1, 1]} : vector<8x172032xf32> to vector<8x128xf32>
    %slice3A_204 = vector.extract_strided_slice %get3A_1 {offsets = [0, 25984], sizes = [8, 128], strides = [1, 1]} : vector<8x172032xf32> to vector<8x128xf32>
    %slice3A_205 = vector.extract_strided_slice %get3A_1 {offsets = [0, 26112], sizes = [8, 128], strides = [1, 1]} : vector<8x172032xf32> to vector<8x128xf32>
    %slice3A_206 = vector.extract_strided_slice %get3A_1 {offsets = [0, 26240], sizes = [8, 128], strides = [1, 1]} : vector<8x172032xf32> to vector<8x128xf32>
    %slice3A_207 = vector.extract_strided_slice %get3A_1 {offsets = [0, 26368], sizes = [8, 128], strides = [1, 1]} : vector<8x172032xf32> to vector<8x128xf32>
    %slice3A_208 = vector.extract_strided_slice %get3A_1 {offsets = [0, 26496], sizes = [8, 128], strides = [1, 1]} : vector<8x172032xf32> to vector<8x128xf32>
    %slice3A_209 = vector.extract_strided_slice %get3A_1 {offsets = [0, 26624], sizes = [8, 128], strides = [1, 1]} : vector<8x172032xf32> to vector<8x128xf32>
    %slice3A_210 = vector.extract_strided_slice %get3A_1 {offsets = [0, 26752], sizes = [8, 128], strides = [1, 1]} : vector<8x172032xf32> to vector<8x128xf32>
    %slice3A_211 = vector.extract_strided_slice %get3A_1 {offsets = [0, 26880], sizes = [8, 128], strides = [1, 1]} : vector<8x172032xf32> to vector<8x128xf32>
    %slice3A_212 = vector.extract_strided_slice %get3A_1 {offsets = [0, 27008], sizes = [8, 128], strides = [1, 1]} : vector<8x172032xf32> to vector<8x128xf32>
    %slice3A_213 = vector.extract_strided_slice %get3A_1 {offsets = [0, 27136], sizes = [8, 128], strides = [1, 1]} : vector<8x172032xf32> to vector<8x128xf32>
    %slice3A_214 = vector.extract_strided_slice %get3A_1 {offsets = [0, 27264], sizes = [8, 128], strides = [1, 1]} : vector<8x172032xf32> to vector<8x128xf32>
    %slice3A_215 = vector.extract_strided_slice %get3A_1 {offsets = [0, 27392], sizes = [8, 128], strides = [1, 1]} : vector<8x172032xf32> to vector<8x128xf32>
    %slice3A_216 = vector.extract_strided_slice %get3A_1 {offsets = [0, 27520], sizes = [8, 128], strides = [1, 1]} : vector<8x172032xf32> to vector<8x128xf32>
    %slice3A_217 = vector.extract_strided_slice %get3A_1 {offsets = [0, 27648], sizes = [8, 128], strides = [1, 1]} : vector<8x172032xf32> to vector<8x128xf32>
    %slice3A_218 = vector.extract_strided_slice %get3A_1 {offsets = [0, 27776], sizes = [8, 128], strides = [1, 1]} : vector<8x172032xf32> to vector<8x128xf32>
    %slice3A_219 = vector.extract_strided_slice %get3A_1 {offsets = [0, 27904], sizes = [8, 128], strides = [1, 1]} : vector<8x172032xf32> to vector<8x128xf32>
    %slice3A_220 = vector.extract_strided_slice %get3A_1 {offsets = [0, 28032], sizes = [8, 128], strides = [1, 1]} : vector<8x172032xf32> to vector<8x128xf32>
    %slice3A_221 = vector.extract_strided_slice %get3A_1 {offsets = [0, 28160], sizes = [8, 128], strides = [1, 1]} : vector<8x172032xf32> to vector<8x128xf32>
    %slice3A_222 = vector.extract_strided_slice %get3A_1 {offsets = [0, 28288], sizes = [8, 128], strides = [1, 1]} : vector<8x172032xf32> to vector<8x128xf32>
    %slice3A_223 = vector.extract_strided_slice %get3A_1 {offsets = [0, 28416], sizes = [8, 128], strides = [1, 1]} : vector<8x172032xf32> to vector<8x128xf32>
    %slice3A_224 = vector.extract_strided_slice %get3A_1 {offsets = [0, 28544], sizes = [8, 128], strides = [1, 1]} : vector<8x172032xf32> to vector<8x128xf32>
    %slice3A_225 = vector.extract_strided_slice %get3A_1 {offsets = [0, 28672], sizes = [8, 128], strides = [1, 1]} : vector<8x172032xf32> to vector<8x128xf32>
    %slice3A_226 = vector.extract_strided_slice %get3A_1 {offsets = [0, 28800], sizes = [8, 128], strides = [1, 1]} : vector<8x172032xf32> to vector<8x128xf32>
    %slice3A_227 = vector.extract_strided_slice %get3A_1 {offsets = [0, 28928], sizes = [8, 128], strides = [1, 1]} : vector<8x172032xf32> to vector<8x128xf32>
    %slice3A_228 = vector.extract_strided_slice %get3A_1 {offsets = [0, 29056], sizes = [8, 128], strides = [1, 1]} : vector<8x172032xf32> to vector<8x128xf32>
    %slice3A_229 = vector.extract_strided_slice %get3A_1 {offsets = [0, 29184], sizes = [8, 128], strides = [1, 1]} : vector<8x172032xf32> to vector<8x128xf32>
    %slice3A_230 = vector.extract_strided_slice %get3A_1 {offsets = [0, 29312], sizes = [8, 128], strides = [1, 1]} : vector<8x172032xf32> to vector<8x128xf32>
    %slice3A_231 = vector.extract_strided_slice %get3A_1 {offsets = [0, 29440], sizes = [8, 128], strides = [1, 1]} : vector<8x172032xf32> to vector<8x128xf32>
    %slice3A_232 = vector.extract_strided_slice %get3A_1 {offsets = [0, 29568], sizes = [8, 128], strides = [1, 1]} : vector<8x172032xf32> to vector<8x128xf32>
    %slice3A_233 = vector.extract_strided_slice %get3A_1 {offsets = [0, 29696], sizes = [8, 128], strides = [1, 1]} : vector<8x172032xf32> to vector<8x128xf32>
    %slice3A_234 = vector.extract_strided_slice %get3A_1 {offsets = [0, 29824], sizes = [8, 128], strides = [1, 1]} : vector<8x172032xf32> to vector<8x128xf32>
    %slice3A_235 = vector.extract_strided_slice %get3A_1 {offsets = [0, 29952], sizes = [8, 128], strides = [1, 1]} : vector<8x172032xf32> to vector<8x128xf32>
    %slice3A_236 = vector.extract_strided_slice %get3A_1 {offsets = [0, 30080], sizes = [8, 128], strides = [1, 1]} : vector<8x172032xf32> to vector<8x128xf32>
    %slice3A_237 = vector.extract_strided_slice %get3A_1 {offsets = [0, 30208], sizes = [8, 128], strides = [1, 1]} : vector<8x172032xf32> to vector<8x128xf32>
    %slice3A_238 = vector.extract_strided_slice %get3A_1 {offsets = [0, 30336], sizes = [8, 128], strides = [1, 1]} : vector<8x172032xf32> to vector<8x128xf32>
    %slice3A_239 = vector.extract_strided_slice %get3A_1 {offsets = [0, 30464], sizes = [8, 128], strides = [1, 1]} : vector<8x172032xf32> to vector<8x128xf32>
    %slice3A_240 = vector.extract_strided_slice %get3A_1 {offsets = [0, 30592], sizes = [8, 128], strides = [1, 1]} : vector<8x172032xf32> to vector<8x128xf32>
    %slice3A_241 = vector.extract_strided_slice %get3A_1 {offsets = [0, 30720], sizes = [8, 128], strides = [1, 1]} : vector<8x172032xf32> to vector<8x128xf32>
    %slice3A_242 = vector.extract_strided_slice %get3A_1 {offsets = [0, 30848], sizes = [8, 128], strides = [1, 1]} : vector<8x172032xf32> to vector<8x128xf32>
    %slice3A_243 = vector.extract_strided_slice %get3A_1 {offsets = [0, 30976], sizes = [8, 128], strides = [1, 1]} : vector<8x172032xf32> to vector<8x128xf32>
    %slice3A_244 = vector.extract_strided_slice %get3A_1 {offsets = [0, 31104], sizes = [8, 128], strides = [1, 1]} : vector<8x172032xf32> to vector<8x128xf32>
    %slice3A_245 = vector.extract_strided_slice %get3A_1 {offsets = [0, 31232], sizes = [8, 128], strides = [1, 1]} : vector<8x172032xf32> to vector<8x128xf32>
    %slice3A_246 = vector.extract_strided_slice %get3A_1 {offsets = [0, 31360], sizes = [8, 128], strides = [1, 1]} : vector<8x172032xf32> to vector<8x128xf32>
    %slice3A_247 = vector.extract_strided_slice %get3A_1 {offsets = [0, 31488], sizes = [8, 128], strides = [1, 1]} : vector<8x172032xf32> to vector<8x128xf32>
    %slice3A_248 = vector.extract_strided_slice %get3A_1 {offsets = [0, 31616], sizes = [8, 128], strides = [1, 1]} : vector<8x172032xf32> to vector<8x128xf32>
    %slice3A_249 = vector.extract_strided_slice %get3A_1 {offsets = [0, 31744], sizes = [8, 128], strides = [1, 1]} : vector<8x172032xf32> to vector<8x128xf32>
    %slice3A_250 = vector.extract_strided_slice %get3A_1 {offsets = [0, 31872], sizes = [8, 128], strides = [1, 1]} : vector<8x172032xf32> to vector<8x128xf32>
    %slice3A_251 = vector.extract_strided_slice %get3A_1 {offsets = [0, 32000], sizes = [8, 128], strides = [1, 1]} : vector<8x172032xf32> to vector<8x128xf32>
    %slice3A_252 = vector.extract_strided_slice %get3A_1 {offsets = [0, 32128], sizes = [8, 128], strides = [1, 1]} : vector<8x172032xf32> to vector<8x128xf32>
    %slice3A_253 = vector.extract_strided_slice %get3A_1 {offsets = [0, 32256], sizes = [8, 128], strides = [1, 1]} : vector<8x172032xf32> to vector<8x128xf32>
    %slice3A_254 = vector.extract_strided_slice %get3A_1 {offsets = [0, 32384], sizes = [8, 128], strides = [1, 1]} : vector<8x172032xf32> to vector<8x128xf32>
    %slice3A_255 = vector.extract_strided_slice %get3A_1 {offsets = [0, 32512], sizes = [8, 128], strides = [1, 1]} : vector<8x172032xf32> to vector<8x128xf32>
    %slice3A_256 = vector.extract_strided_slice %get3A_1 {offsets = [0, 32640], sizes = [8, 128], strides = [1, 1]} : vector<8x172032xf32> to vector<8x128xf32>
    %slice3A_257 = vector.extract_strided_slice %get3A_1 {offsets = [0, 32768], sizes = [8, 128], strides = [1, 1]} : vector<8x172032xf32> to vector<8x128xf32>
    %slice3A_258 = vector.extract_strided_slice %get3A_1 {offsets = [0, 32896], sizes = [8, 128], strides = [1, 1]} : vector<8x172032xf32> to vector<8x128xf32>
    %slice3A_259 = vector.extract_strided_slice %get3A_1 {offsets = [0, 33024], sizes = [8, 128], strides = [1, 1]} : vector<8x172032xf32> to vector<8x128xf32>
    %slice3A_260 = vector.extract_strided_slice %get3A_1 {offsets = [0, 33152], sizes = [8, 128], strides = [1, 1]} : vector<8x172032xf32> to vector<8x128xf32>
    %slice3A_261 = vector.extract_strided_slice %get3A_1 {offsets = [0, 33280], sizes = [8, 128], strides = [1, 1]} : vector<8x172032xf32> to vector<8x128xf32>
    %slice3A_262 = vector.extract_strided_slice %get3A_1 {offsets = [0, 33408], sizes = [8, 128], strides = [1, 1]} : vector<8x172032xf32> to vector<8x128xf32>
    %slice3A_263 = vector.extract_strided_slice %get3A_1 {offsets = [0, 33536], sizes = [8, 128], strides = [1, 1]} : vector<8x172032xf32> to vector<8x128xf32>
    %slice3A_264 = vector.extract_strided_slice %get3A_1 {offsets = [0, 33664], sizes = [8, 128], strides = [1, 1]} : vector<8x172032xf32> to vector<8x128xf32>
    %slice3A_265 = vector.extract_strided_slice %get3A_1 {offsets = [0, 33792], sizes = [8, 128], strides = [1, 1]} : vector<8x172032xf32> to vector<8x128xf32>
    %slice3A_266 = vector.extract_strided_slice %get3A_1 {offsets = [0, 33920], sizes = [8, 128], strides = [1, 1]} : vector<8x172032xf32> to vector<8x128xf32>
    %slice3A_267 = vector.extract_strided_slice %get3A_1 {offsets = [0, 34048], sizes = [8, 128], strides = [1, 1]} : vector<8x172032xf32> to vector<8x128xf32>
    %slice3A_268 = vector.extract_strided_slice %get3A_1 {offsets = [0, 34176], sizes = [8, 128], strides = [1, 1]} : vector<8x172032xf32> to vector<8x128xf32>
    %slice3A_269 = vector.extract_strided_slice %get3A_1 {offsets = [0, 34304], sizes = [8, 128], strides = [1, 1]} : vector<8x172032xf32> to vector<8x128xf32>
    %slice3A_270 = vector.extract_strided_slice %get3A_1 {offsets = [0, 34432], sizes = [8, 128], strides = [1, 1]} : vector<8x172032xf32> to vector<8x128xf32>
    %slice3A_271 = vector.extract_strided_slice %get3A_1 {offsets = [0, 34560], sizes = [8, 128], strides = [1, 1]} : vector<8x172032xf32> to vector<8x128xf32>
    %slice3A_272 = vector.extract_strided_slice %get3A_1 {offsets = [0, 34688], sizes = [8, 128], strides = [1, 1]} : vector<8x172032xf32> to vector<8x128xf32>
    %slice3A_273 = vector.extract_strided_slice %get3A_1 {offsets = [0, 34816], sizes = [8, 128], strides = [1, 1]} : vector<8x172032xf32> to vector<8x128xf32>
    %slice3A_274 = vector.extract_strided_slice %get3A_1 {offsets = [0, 34944], sizes = [8, 128], strides = [1, 1]} : vector<8x172032xf32> to vector<8x128xf32>
    %slice3A_275 = vector.extract_strided_slice %get3A_1 {offsets = [0, 35072], sizes = [8, 128], strides = [1, 1]} : vector<8x172032xf32> to vector<8x128xf32>
    %slice3A_276 = vector.extract_strided_slice %get3A_1 {offsets = [0, 35200], sizes = [8, 128], strides = [1, 1]} : vector<8x172032xf32> to vector<8x128xf32>
    %slice3A_277 = vector.extract_strided_slice %get3A_1 {offsets = [0, 35328], sizes = [8, 128], strides = [1, 1]} : vector<8x172032xf32> to vector<8x128xf32>
    %slice3A_278 = vector.extract_strided_slice %get3A_1 {offsets = [0, 35456], sizes = [8, 128], strides = [1, 1]} : vector<8x172032xf32> to vector<8x128xf32>
    %slice3A_279 = vector.extract_strided_slice %get3A_1 {offsets = [0, 35584], sizes = [8, 128], strides = [1, 1]} : vector<8x172032xf32> to vector<8x128xf32>
    %slice3A_280 = vector.extract_strided_slice %get3A_1 {offsets = [0, 35712], sizes = [8, 128], strides = [1, 1]} : vector<8x172032xf32> to vector<8x128xf32>
    %slice3A_281 = vector.extract_strided_slice %get3A_1 {offsets = [0, 35840], sizes = [8, 128], strides = [1, 1]} : vector<8x172032xf32> to vector<8x128xf32>
    %slice3A_282 = vector.extract_strided_slice %get3A_1 {offsets = [0, 35968], sizes = [8, 128], strides = [1, 1]} : vector<8x172032xf32> to vector<8x128xf32>
    %slice3A_283 = vector.extract_strided_slice %get3A_1 {offsets = [0, 36096], sizes = [8, 128], strides = [1, 1]} : vector<8x172032xf32> to vector<8x128xf32>
    %slice3A_284 = vector.extract_strided_slice %get3A_1 {offsets = [0, 36224], sizes = [8, 128], strides = [1, 1]} : vector<8x172032xf32> to vector<8x128xf32>
    %slice3A_285 = vector.extract_strided_slice %get3A_1 {offsets = [0, 36352], sizes = [8, 128], strides = [1, 1]} : vector<8x172032xf32> to vector<8x128xf32>
    %slice3A_286 = vector.extract_strided_slice %get3A_1 {offsets = [0, 36480], sizes = [8, 128], strides = [1, 1]} : vector<8x172032xf32> to vector<8x128xf32>
    %slice3A_287 = vector.extract_strided_slice %get3A_1 {offsets = [0, 36608], sizes = [8, 128], strides = [1, 1]} : vector<8x172032xf32> to vector<8x128xf32>
    %slice3A_288 = vector.extract_strided_slice %get3A_1 {offsets = [0, 36736], sizes = [8, 128], strides = [1, 1]} : vector<8x172032xf32> to vector<8x128xf32>
    %slice3A_289 = vector.extract_strided_slice %get3A_1 {offsets = [0, 36864], sizes = [8, 128], strides = [1, 1]} : vector<8x172032xf32> to vector<8x128xf32>
    %slice3A_290 = vector.extract_strided_slice %get3A_1 {offsets = [0, 36992], sizes = [8, 128], strides = [1, 1]} : vector<8x172032xf32> to vector<8x128xf32>
    %slice3A_291 = vector.extract_strided_slice %get3A_1 {offsets = [0, 37120], sizes = [8, 128], strides = [1, 1]} : vector<8x172032xf32> to vector<8x128xf32>
    %slice3A_292 = vector.extract_strided_slice %get3A_1 {offsets = [0, 37248], sizes = [8, 128], strides = [1, 1]} : vector<8x172032xf32> to vector<8x128xf32>
    %slice3A_293 = vector.extract_strided_slice %get3A_1 {offsets = [0, 37376], sizes = [8, 128], strides = [1, 1]} : vector<8x172032xf32> to vector<8x128xf32>
    %slice3A_294 = vector.extract_strided_slice %get3A_1 {offsets = [0, 37504], sizes = [8, 128], strides = [1, 1]} : vector<8x172032xf32> to vector<8x128xf32>
    %slice3A_295 = vector.extract_strided_slice %get3A_1 {offsets = [0, 37632], sizes = [8, 128], strides = [1, 1]} : vector<8x172032xf32> to vector<8x128xf32>
    %slice3A_296 = vector.extract_strided_slice %get3A_1 {offsets = [0, 37760], sizes = [8, 128], strides = [1, 1]} : vector<8x172032xf32> to vector<8x128xf32>
    %slice3A_297 = vector.extract_strided_slice %get3A_1 {offsets = [0, 37888], sizes = [8, 128], strides = [1, 1]} : vector<8x172032xf32> to vector<8x128xf32>
    %slice3A_298 = vector.extract_strided_slice %get3A_1 {offsets = [0, 38016], sizes = [8, 128], strides = [1, 1]} : vector<8x172032xf32> to vector<8x128xf32>
    %slice3A_299 = vector.extract_strided_slice %get3A_1 {offsets = [0, 38144], sizes = [8, 128], strides = [1, 1]} : vector<8x172032xf32> to vector<8x128xf32>
    %slice3A_300 = vector.extract_strided_slice %get3A_1 {offsets = [0, 38272], sizes = [8, 128], strides = [1, 1]} : vector<8x172032xf32> to vector<8x128xf32>
    %slice3A_301 = vector.extract_strided_slice %get3A_1 {offsets = [0, 38400], sizes = [8, 128], strides = [1, 1]} : vector<8x172032xf32> to vector<8x128xf32>
    %slice3A_302 = vector.extract_strided_slice %get3A_1 {offsets = [0, 38528], sizes = [8, 128], strides = [1, 1]} : vector<8x172032xf32> to vector<8x128xf32>
    %slice3A_303 = vector.extract_strided_slice %get3A_1 {offsets = [0, 38656], sizes = [8, 128], strides = [1, 1]} : vector<8x172032xf32> to vector<8x128xf32>
    %slice3A_304 = vector.extract_strided_slice %get3A_1 {offsets = [0, 38784], sizes = [8, 128], strides = [1, 1]} : vector<8x172032xf32> to vector<8x128xf32>
    %slice3A_305 = vector.extract_strided_slice %get3A_1 {offsets = [0, 38912], sizes = [8, 128], strides = [1, 1]} : vector<8x172032xf32> to vector<8x128xf32>
    %slice3A_306 = vector.extract_strided_slice %get3A_1 {offsets = [0, 39040], sizes = [8, 128], strides = [1, 1]} : vector<8x172032xf32> to vector<8x128xf32>
    %slice3A_307 = vector.extract_strided_slice %get3A_1 {offsets = [0, 39168], sizes = [8, 128], strides = [1, 1]} : vector<8x172032xf32> to vector<8x128xf32>
    %slice3A_308 = vector.extract_strided_slice %get3A_1 {offsets = [0, 39296], sizes = [8, 128], strides = [1, 1]} : vector<8x172032xf32> to vector<8x128xf32>
    %slice3A_309 = vector.extract_strided_slice %get3A_1 {offsets = [0, 39424], sizes = [8, 128], strides = [1, 1]} : vector<8x172032xf32> to vector<8x128xf32>
    %slice3A_310 = vector.extract_strided_slice %get3A_1 {offsets = [0, 39552], sizes = [8, 128], strides = [1, 1]} : vector<8x172032xf32> to vector<8x128xf32>
    %slice3A_311 = vector.extract_strided_slice %get3A_1 {offsets = [0, 39680], sizes = [8, 128], strides = [1, 1]} : vector<8x172032xf32> to vector<8x128xf32>
    %slice3A_312 = vector.extract_strided_slice %get3A_1 {offsets = [0, 39808], sizes = [8, 128], strides = [1, 1]} : vector<8x172032xf32> to vector<8x128xf32>
    %slice3A_313 = vector.extract_strided_slice %get3A_1 {offsets = [0, 39936], sizes = [8, 128], strides = [1, 1]} : vector<8x172032xf32> to vector<8x128xf32>
    %slice3A_314 = vector.extract_strided_slice %get3A_1 {offsets = [0, 40064], sizes = [8, 128], strides = [1, 1]} : vector<8x172032xf32> to vector<8x128xf32>
    %slice3A_315 = vector.extract_strided_slice %get3A_1 {offsets = [0, 40192], sizes = [8, 128], strides = [1, 1]} : vector<8x172032xf32> to vector<8x128xf32>
    %slice3A_316 = vector.extract_strided_slice %get3A_1 {offsets = [0, 40320], sizes = [8, 128], strides = [1, 1]} : vector<8x172032xf32> to vector<8x128xf32>
    %slice3A_317 = vector.extract_strided_slice %get3A_1 {offsets = [0, 40448], sizes = [8, 128], strides = [1, 1]} : vector<8x172032xf32> to vector<8x128xf32>
    %slice3A_318 = vector.extract_strided_slice %get3A_1 {offsets = [0, 40576], sizes = [8, 128], strides = [1, 1]} : vector<8x172032xf32> to vector<8x128xf32>
    %slice3A_319 = vector.extract_strided_slice %get3A_1 {offsets = [0, 40704], sizes = [8, 128], strides = [1, 1]} : vector<8x172032xf32> to vector<8x128xf32>
    %slice3A_320 = vector.extract_strided_slice %get3A_1 {offsets = [0, 40832], sizes = [8, 128], strides = [1, 1]} : vector<8x172032xf32> to vector<8x128xf32>
    %slice3A_321 = vector.extract_strided_slice %get3A_1 {offsets = [0, 40960], sizes = [8, 128], strides = [1, 1]} : vector<8x172032xf32> to vector<8x128xf32>
    %slice3A_322 = vector.extract_strided_slice %get3A_1 {offsets = [0, 41088], sizes = [8, 128], strides = [1, 1]} : vector<8x172032xf32> to vector<8x128xf32>
    %slice3A_323 = vector.extract_strided_slice %get3A_1 {offsets = [0, 41216], sizes = [8, 128], strides = [1, 1]} : vector<8x172032xf32> to vector<8x128xf32>
    %slice3A_324 = vector.extract_strided_slice %get3A_1 {offsets = [0, 41344], sizes = [8, 128], strides = [1, 1]} : vector<8x172032xf32> to vector<8x128xf32>
    %slice3A_325 = vector.extract_strided_slice %get3A_1 {offsets = [0, 41472], sizes = [8, 128], strides = [1, 1]} : vector<8x172032xf32> to vector<8x128xf32>
    %slice3A_326 = vector.extract_strided_slice %get3A_1 {offsets = [0, 41600], sizes = [8, 128], strides = [1, 1]} : vector<8x172032xf32> to vector<8x128xf32>
    %slice3A_327 = vector.extract_strided_slice %get3A_1 {offsets = [0, 41728], sizes = [8, 128], strides = [1, 1]} : vector<8x172032xf32> to vector<8x128xf32>
    %slice3A_328 = vector.extract_strided_slice %get3A_1 {offsets = [0, 41856], sizes = [8, 128], strides = [1, 1]} : vector<8x172032xf32> to vector<8x128xf32>
    %slice3A_329 = vector.extract_strided_slice %get3A_1 {offsets = [0, 41984], sizes = [8, 128], strides = [1, 1]} : vector<8x172032xf32> to vector<8x128xf32>
    %slice3A_330 = vector.extract_strided_slice %get3A_1 {offsets = [0, 42112], sizes = [8, 128], strides = [1, 1]} : vector<8x172032xf32> to vector<8x128xf32>
    %slice3A_331 = vector.extract_strided_slice %get3A_1 {offsets = [0, 42240], sizes = [8, 128], strides = [1, 1]} : vector<8x172032xf32> to vector<8x128xf32>
    %slice3A_332 = vector.extract_strided_slice %get3A_1 {offsets = [0, 42368], sizes = [8, 128], strides = [1, 1]} : vector<8x172032xf32> to vector<8x128xf32>
    %slice3A_333 = vector.extract_strided_slice %get3A_1 {offsets = [0, 42496], sizes = [8, 128], strides = [1, 1]} : vector<8x172032xf32> to vector<8x128xf32>
    %slice3A_334 = vector.extract_strided_slice %get3A_1 {offsets = [0, 42624], sizes = [8, 128], strides = [1, 1]} : vector<8x172032xf32> to vector<8x128xf32>
    %slice3A_335 = vector.extract_strided_slice %get3A_1 {offsets = [0, 42752], sizes = [8, 128], strides = [1, 1]} : vector<8x172032xf32> to vector<8x128xf32>
    %slice3A_336 = vector.extract_strided_slice %get3A_1 {offsets = [0, 42880], sizes = [8, 128], strides = [1, 1]} : vector<8x172032xf32> to vector<8x128xf32>
    %slice3A_337 = vector.extract_strided_slice %get3A_1 {offsets = [0, 43008], sizes = [8, 128], strides = [1, 1]} : vector<8x172032xf32> to vector<8x128xf32>
    %slice3A_338 = vector.extract_strided_slice %get3A_1 {offsets = [0, 43136], sizes = [8, 128], strides = [1, 1]} : vector<8x172032xf32> to vector<8x128xf32>
    %slice3A_339 = vector.extract_strided_slice %get3A_1 {offsets = [0, 43264], sizes = [8, 128], strides = [1, 1]} : vector<8x172032xf32> to vector<8x128xf32>
    %slice3A_340 = vector.extract_strided_slice %get3A_1 {offsets = [0, 43392], sizes = [8, 128], strides = [1, 1]} : vector<8x172032xf32> to vector<8x128xf32>
    %slice3A_341 = vector.extract_strided_slice %get3A_1 {offsets = [0, 43520], sizes = [8, 128], strides = [1, 1]} : vector<8x172032xf32> to vector<8x128xf32>
    %slice3A_342 = vector.extract_strided_slice %get3A_1 {offsets = [0, 43648], sizes = [8, 128], strides = [1, 1]} : vector<8x172032xf32> to vector<8x128xf32>
    %slice3A_343 = vector.extract_strided_slice %get3A_1 {offsets = [0, 43776], sizes = [8, 128], strides = [1, 1]} : vector<8x172032xf32> to vector<8x128xf32>
    %slice3A_344 = vector.extract_strided_slice %get3A_1 {offsets = [0, 43904], sizes = [8, 128], strides = [1, 1]} : vector<8x172032xf32> to vector<8x128xf32>
    %slice3A_345 = vector.extract_strided_slice %get3A_1 {offsets = [0, 44032], sizes = [8, 128], strides = [1, 1]} : vector<8x172032xf32> to vector<8x128xf32>
    %slice3A_346 = vector.extract_strided_slice %get3A_1 {offsets = [0, 44160], sizes = [8, 128], strides = [1, 1]} : vector<8x172032xf32> to vector<8x128xf32>
    %slice3A_347 = vector.extract_strided_slice %get3A_1 {offsets = [0, 44288], sizes = [8, 128], strides = [1, 1]} : vector<8x172032xf32> to vector<8x128xf32>
    %slice3A_348 = vector.extract_strided_slice %get3A_1 {offsets = [0, 44416], sizes = [8, 128], strides = [1, 1]} : vector<8x172032xf32> to vector<8x128xf32>
    %slice3A_349 = vector.extract_strided_slice %get3A_1 {offsets = [0, 44544], sizes = [8, 128], strides = [1, 1]} : vector<8x172032xf32> to vector<8x128xf32>
    %slice3A_350 = vector.extract_strided_slice %get3A_1 {offsets = [0, 44672], sizes = [8, 128], strides = [1, 1]} : vector<8x172032xf32> to vector<8x128xf32>
    %slice3A_351 = vector.extract_strided_slice %get3A_1 {offsets = [0, 44800], sizes = [8, 128], strides = [1, 1]} : vector<8x172032xf32> to vector<8x128xf32>
    %slice3A_352 = vector.extract_strided_slice %get3A_1 {offsets = [0, 44928], sizes = [8, 128], strides = [1, 1]} : vector<8x172032xf32> to vector<8x128xf32>
    %slice3A_353 = vector.extract_strided_slice %get3A_1 {offsets = [0, 45056], sizes = [8, 128], strides = [1, 1]} : vector<8x172032xf32> to vector<8x128xf32>
    %slice3A_354 = vector.extract_strided_slice %get3A_1 {offsets = [0, 45184], sizes = [8, 128], strides = [1, 1]} : vector<8x172032xf32> to vector<8x128xf32>
    %slice3A_355 = vector.extract_strided_slice %get3A_1 {offsets = [0, 45312], sizes = [8, 128], strides = [1, 1]} : vector<8x172032xf32> to vector<8x128xf32>
    %slice3A_356 = vector.extract_strided_slice %get3A_1 {offsets = [0, 45440], sizes = [8, 128], strides = [1, 1]} : vector<8x172032xf32> to vector<8x128xf32>
    %slice3A_357 = vector.extract_strided_slice %get3A_1 {offsets = [0, 45568], sizes = [8, 128], strides = [1, 1]} : vector<8x172032xf32> to vector<8x128xf32>
    %slice3A_358 = vector.extract_strided_slice %get3A_1 {offsets = [0, 45696], sizes = [8, 128], strides = [1, 1]} : vector<8x172032xf32> to vector<8x128xf32>
    %slice3A_359 = vector.extract_strided_slice %get3A_1 {offsets = [0, 45824], sizes = [8, 128], strides = [1, 1]} : vector<8x172032xf32> to vector<8x128xf32>
    %slice3A_360 = vector.extract_strided_slice %get3A_1 {offsets = [0, 45952], sizes = [8, 128], strides = [1, 1]} : vector<8x172032xf32> to vector<8x128xf32>
    %slice3A_361 = vector.extract_strided_slice %get3A_1 {offsets = [0, 46080], sizes = [8, 128], strides = [1, 1]} : vector<8x172032xf32> to vector<8x128xf32>
    %slice3A_362 = vector.extract_strided_slice %get3A_1 {offsets = [0, 46208], sizes = [8, 128], strides = [1, 1]} : vector<8x172032xf32> to vector<8x128xf32>
    %slice3A_363 = vector.extract_strided_slice %get3A_1 {offsets = [0, 46336], sizes = [8, 128], strides = [1, 1]} : vector<8x172032xf32> to vector<8x128xf32>
    %slice3A_364 = vector.extract_strided_slice %get3A_1 {offsets = [0, 46464], sizes = [8, 128], strides = [1, 1]} : vector<8x172032xf32> to vector<8x128xf32>
    %slice3A_365 = vector.extract_strided_slice %get3A_1 {offsets = [0, 46592], sizes = [8, 128], strides = [1, 1]} : vector<8x172032xf32> to vector<8x128xf32>
    %slice3A_366 = vector.extract_strided_slice %get3A_1 {offsets = [0, 46720], sizes = [8, 128], strides = [1, 1]} : vector<8x172032xf32> to vector<8x128xf32>
    %slice3A_367 = vector.extract_strided_slice %get3A_1 {offsets = [0, 46848], sizes = [8, 128], strides = [1, 1]} : vector<8x172032xf32> to vector<8x128xf32>
    %slice3A_368 = vector.extract_strided_slice %get3A_1 {offsets = [0, 46976], sizes = [8, 128], strides = [1, 1]} : vector<8x172032xf32> to vector<8x128xf32>
    %slice3A_369 = vector.extract_strided_slice %get3A_1 {offsets = [0, 47104], sizes = [8, 128], strides = [1, 1]} : vector<8x172032xf32> to vector<8x128xf32>
    %slice3A_370 = vector.extract_strided_slice %get3A_1 {offsets = [0, 47232], sizes = [8, 128], strides = [1, 1]} : vector<8x172032xf32> to vector<8x128xf32>
    %slice3A_371 = vector.extract_strided_slice %get3A_1 {offsets = [0, 47360], sizes = [8, 128], strides = [1, 1]} : vector<8x172032xf32> to vector<8x128xf32>
    %slice3A_372 = vector.extract_strided_slice %get3A_1 {offsets = [0, 47488], sizes = [8, 128], strides = [1, 1]} : vector<8x172032xf32> to vector<8x128xf32>
    %slice3A_373 = vector.extract_strided_slice %get3A_1 {offsets = [0, 47616], sizes = [8, 128], strides = [1, 1]} : vector<8x172032xf32> to vector<8x128xf32>
    %slice3A_374 = vector.extract_strided_slice %get3A_1 {offsets = [0, 47744], sizes = [8, 128], strides = [1, 1]} : vector<8x172032xf32> to vector<8x128xf32>
    %slice3A_375 = vector.extract_strided_slice %get3A_1 {offsets = [0, 47872], sizes = [8, 128], strides = [1, 1]} : vector<8x172032xf32> to vector<8x128xf32>
    %slice3A_376 = vector.extract_strided_slice %get3A_1 {offsets = [0, 48000], sizes = [8, 128], strides = [1, 1]} : vector<8x172032xf32> to vector<8x128xf32>
    %slice3A_377 = vector.extract_strided_slice %get3A_1 {offsets = [0, 48128], sizes = [8, 128], strides = [1, 1]} : vector<8x172032xf32> to vector<8x128xf32>
    %slice3A_378 = vector.extract_strided_slice %get3A_1 {offsets = [0, 48256], sizes = [8, 128], strides = [1, 1]} : vector<8x172032xf32> to vector<8x128xf32>
    %slice3A_379 = vector.extract_strided_slice %get3A_1 {offsets = [0, 48384], sizes = [8, 128], strides = [1, 1]} : vector<8x172032xf32> to vector<8x128xf32>
    %slice3A_380 = vector.extract_strided_slice %get3A_1 {offsets = [0, 48512], sizes = [8, 128], strides = [1, 1]} : vector<8x172032xf32> to vector<8x128xf32>
    %slice3A_381 = vector.extract_strided_slice %get3A_1 {offsets = [0, 48640], sizes = [8, 128], strides = [1, 1]} : vector<8x172032xf32> to vector<8x128xf32>
    %slice3A_382 = vector.extract_strided_slice %get3A_1 {offsets = [0, 48768], sizes = [8, 128], strides = [1, 1]} : vector<8x172032xf32> to vector<8x128xf32>
    %slice3A_383 = vector.extract_strided_slice %get3A_1 {offsets = [0, 48896], sizes = [8, 128], strides = [1, 1]} : vector<8x172032xf32> to vector<8x128xf32>
    %slice3A_384 = vector.extract_strided_slice %get3A_1 {offsets = [0, 49024], sizes = [8, 128], strides = [1, 1]} : vector<8x172032xf32> to vector<8x128xf32>
    %slice3A_385 = vector.extract_strided_slice %get3A_1 {offsets = [0, 49152], sizes = [8, 128], strides = [1, 1]} : vector<8x172032xf32> to vector<8x128xf32>
    %slice3A_386 = vector.extract_strided_slice %get3A_1 {offsets = [0, 49280], sizes = [8, 128], strides = [1, 1]} : vector<8x172032xf32> to vector<8x128xf32>
    %slice3A_387 = vector.extract_strided_slice %get3A_1 {offsets = [0, 49408], sizes = [8, 128], strides = [1, 1]} : vector<8x172032xf32> to vector<8x128xf32>
    %slice3A_388 = vector.extract_strided_slice %get3A_1 {offsets = [0, 49536], sizes = [8, 128], strides = [1, 1]} : vector<8x172032xf32> to vector<8x128xf32>
    %slice3A_389 = vector.extract_strided_slice %get3A_1 {offsets = [0, 49664], sizes = [8, 128], strides = [1, 1]} : vector<8x172032xf32> to vector<8x128xf32>
    %slice3A_390 = vector.extract_strided_slice %get3A_1 {offsets = [0, 49792], sizes = [8, 128], strides = [1, 1]} : vector<8x172032xf32> to vector<8x128xf32>
    %slice3A_391 = vector.extract_strided_slice %get3A_1 {offsets = [0, 49920], sizes = [8, 128], strides = [1, 1]} : vector<8x172032xf32> to vector<8x128xf32>
    %slice3A_392 = vector.extract_strided_slice %get3A_1 {offsets = [0, 50048], sizes = [8, 128], strides = [1, 1]} : vector<8x172032xf32> to vector<8x128xf32>
    %slice3A_393 = vector.extract_strided_slice %get3A_1 {offsets = [0, 50176], sizes = [8, 128], strides = [1, 1]} : vector<8x172032xf32> to vector<8x128xf32>
    %slice3A_394 = vector.extract_strided_slice %get3A_1 {offsets = [0, 50304], sizes = [8, 128], strides = [1, 1]} : vector<8x172032xf32> to vector<8x128xf32>
    %slice3A_395 = vector.extract_strided_slice %get3A_1 {offsets = [0, 50432], sizes = [8, 128], strides = [1, 1]} : vector<8x172032xf32> to vector<8x128xf32>
    %slice3A_396 = vector.extract_strided_slice %get3A_1 {offsets = [0, 50560], sizes = [8, 128], strides = [1, 1]} : vector<8x172032xf32> to vector<8x128xf32>
    %slice3A_397 = vector.extract_strided_slice %get3A_1 {offsets = [0, 50688], sizes = [8, 128], strides = [1, 1]} : vector<8x172032xf32> to vector<8x128xf32>
    %slice3A_398 = vector.extract_strided_slice %get3A_1 {offsets = [0, 50816], sizes = [8, 128], strides = [1, 1]} : vector<8x172032xf32> to vector<8x128xf32>
    %slice3A_399 = vector.extract_strided_slice %get3A_1 {offsets = [0, 50944], sizes = [8, 128], strides = [1, 1]} : vector<8x172032xf32> to vector<8x128xf32>
    %slice3A_400 = vector.extract_strided_slice %get3A_1 {offsets = [0, 51072], sizes = [8, 128], strides = [1, 1]} : vector<8x172032xf32> to vector<8x128xf32>
    %slice3A_401 = vector.extract_strided_slice %get3A_1 {offsets = [0, 51200], sizes = [8, 128], strides = [1, 1]} : vector<8x172032xf32> to vector<8x128xf32>
    %slice3A_402 = vector.extract_strided_slice %get3A_1 {offsets = [0, 51328], sizes = [8, 128], strides = [1, 1]} : vector<8x172032xf32> to vector<8x128xf32>
    %slice3A_403 = vector.extract_strided_slice %get3A_1 {offsets = [0, 51456], sizes = [8, 128], strides = [1, 1]} : vector<8x172032xf32> to vector<8x128xf32>
    %slice3A_404 = vector.extract_strided_slice %get3A_1 {offsets = [0, 51584], sizes = [8, 128], strides = [1, 1]} : vector<8x172032xf32> to vector<8x128xf32>
    %slice3A_405 = vector.extract_strided_slice %get3A_1 {offsets = [0, 51712], sizes = [8, 128], strides = [1, 1]} : vector<8x172032xf32> to vector<8x128xf32>
    %slice3A_406 = vector.extract_strided_slice %get3A_1 {offsets = [0, 51840], sizes = [8, 128], strides = [1, 1]} : vector<8x172032xf32> to vector<8x128xf32>
    %slice3A_407 = vector.extract_strided_slice %get3A_1 {offsets = [0, 51968], sizes = [8, 128], strides = [1, 1]} : vector<8x172032xf32> to vector<8x128xf32>
    %slice3A_408 = vector.extract_strided_slice %get3A_1 {offsets = [0, 52096], sizes = [8, 128], strides = [1, 1]} : vector<8x172032xf32> to vector<8x128xf32>
    %slice3A_409 = vector.extract_strided_slice %get3A_1 {offsets = [0, 52224], sizes = [8, 128], strides = [1, 1]} : vector<8x172032xf32> to vector<8x128xf32>
    %slice3A_410 = vector.extract_strided_slice %get3A_1 {offsets = [0, 52352], sizes = [8, 128], strides = [1, 1]} : vector<8x172032xf32> to vector<8x128xf32>
    %slice3A_411 = vector.extract_strided_slice %get3A_1 {offsets = [0, 52480], sizes = [8, 128], strides = [1, 1]} : vector<8x172032xf32> to vector<8x128xf32>
    %slice3A_412 = vector.extract_strided_slice %get3A_1 {offsets = [0, 52608], sizes = [8, 128], strides = [1, 1]} : vector<8x172032xf32> to vector<8x128xf32>
    %slice3A_413 = vector.extract_strided_slice %get3A_1 {offsets = [0, 52736], sizes = [8, 128], strides = [1, 1]} : vector<8x172032xf32> to vector<8x128xf32>
    %slice3A_414 = vector.extract_strided_slice %get3A_1 {offsets = [0, 52864], sizes = [8, 128], strides = [1, 1]} : vector<8x172032xf32> to vector<8x128xf32>
    %slice3A_415 = vector.extract_strided_slice %get3A_1 {offsets = [0, 52992], sizes = [8, 128], strides = [1, 1]} : vector<8x172032xf32> to vector<8x128xf32>
    %slice3A_416 = vector.extract_strided_slice %get3A_1 {offsets = [0, 53120], sizes = [8, 128], strides = [1, 1]} : vector<8x172032xf32> to vector<8x128xf32>
    %slice3A_417 = vector.extract_strided_slice %get3A_1 {offsets = [0, 53248], sizes = [8, 128], strides = [1, 1]} : vector<8x172032xf32> to vector<8x128xf32>
    %slice3A_418 = vector.extract_strided_slice %get3A_1 {offsets = [0, 53376], sizes = [8, 128], strides = [1, 1]} : vector<8x172032xf32> to vector<8x128xf32>
    %slice3A_419 = vector.extract_strided_slice %get3A_1 {offsets = [0, 53504], sizes = [8, 128], strides = [1, 1]} : vector<8x172032xf32> to vector<8x128xf32>
    %slice3A_420 = vector.extract_strided_slice %get3A_1 {offsets = [0, 53632], sizes = [8, 128], strides = [1, 1]} : vector<8x172032xf32> to vector<8x128xf32>
    %slice3A_421 = vector.extract_strided_slice %get3A_1 {offsets = [0, 53760], sizes = [8, 128], strides = [1, 1]} : vector<8x172032xf32> to vector<8x128xf32>
    %slice3A_422 = vector.extract_strided_slice %get3A_1 {offsets = [0, 53888], sizes = [8, 128], strides = [1, 1]} : vector<8x172032xf32> to vector<8x128xf32>
    %slice3A_423 = vector.extract_strided_slice %get3A_1 {offsets = [0, 54016], sizes = [8, 128], strides = [1, 1]} : vector<8x172032xf32> to vector<8x128xf32>
    %slice3A_424 = vector.extract_strided_slice %get3A_1 {offsets = [0, 54144], sizes = [8, 128], strides = [1, 1]} : vector<8x172032xf32> to vector<8x128xf32>
    %slice3A_425 = vector.extract_strided_slice %get3A_1 {offsets = [0, 54272], sizes = [8, 128], strides = [1, 1]} : vector<8x172032xf32> to vector<8x128xf32>
    %slice3A_426 = vector.extract_strided_slice %get3A_1 {offsets = [0, 54400], sizes = [8, 128], strides = [1, 1]} : vector<8x172032xf32> to vector<8x128xf32>
    %slice3A_427 = vector.extract_strided_slice %get3A_1 {offsets = [0, 54528], sizes = [8, 128], strides = [1, 1]} : vector<8x172032xf32> to vector<8x128xf32>
    %slice3A_428 = vector.extract_strided_slice %get3A_1 {offsets = [0, 54656], sizes = [8, 128], strides = [1, 1]} : vector<8x172032xf32> to vector<8x128xf32>
    %slice3A_429 = vector.extract_strided_slice %get3A_1 {offsets = [0, 54784], sizes = [8, 128], strides = [1, 1]} : vector<8x172032xf32> to vector<8x128xf32>
    %slice3A_430 = vector.extract_strided_slice %get3A_1 {offsets = [0, 54912], sizes = [8, 128], strides = [1, 1]} : vector<8x172032xf32> to vector<8x128xf32>
    %slice3A_431 = vector.extract_strided_slice %get3A_1 {offsets = [0, 55040], sizes = [8, 128], strides = [1, 1]} : vector<8x172032xf32> to vector<8x128xf32>
    %slice3A_432 = vector.extract_strided_slice %get3A_1 {offsets = [0, 55168], sizes = [8, 128], strides = [1, 1]} : vector<8x172032xf32> to vector<8x128xf32>
    %slice3A_433 = vector.extract_strided_slice %get3A_1 {offsets = [0, 55296], sizes = [8, 128], strides = [1, 1]} : vector<8x172032xf32> to vector<8x128xf32>
    %slice3A_434 = vector.extract_strided_slice %get3A_1 {offsets = [0, 55424], sizes = [8, 128], strides = [1, 1]} : vector<8x172032xf32> to vector<8x128xf32>
    %slice3A_435 = vector.extract_strided_slice %get3A_1 {offsets = [0, 55552], sizes = [8, 128], strides = [1, 1]} : vector<8x172032xf32> to vector<8x128xf32>
    %slice3A_436 = vector.extract_strided_slice %get3A_1 {offsets = [0, 55680], sizes = [8, 128], strides = [1, 1]} : vector<8x172032xf32> to vector<8x128xf32>
    %slice3A_437 = vector.extract_strided_slice %get3A_1 {offsets = [0, 55808], sizes = [8, 128], strides = [1, 1]} : vector<8x172032xf32> to vector<8x128xf32>
    %slice3A_438 = vector.extract_strided_slice %get3A_1 {offsets = [0, 55936], sizes = [8, 128], strides = [1, 1]} : vector<8x172032xf32> to vector<8x128xf32>
    %slice3A_439 = vector.extract_strided_slice %get3A_1 {offsets = [0, 56064], sizes = [8, 128], strides = [1, 1]} : vector<8x172032xf32> to vector<8x128xf32>
    %slice3A_440 = vector.extract_strided_slice %get3A_1 {offsets = [0, 56192], sizes = [8, 128], strides = [1, 1]} : vector<8x172032xf32> to vector<8x128xf32>
    %slice3A_441 = vector.extract_strided_slice %get3A_1 {offsets = [0, 56320], sizes = [8, 128], strides = [1, 1]} : vector<8x172032xf32> to vector<8x128xf32>
    %slice3A_442 = vector.extract_strided_slice %get3A_1 {offsets = [0, 56448], sizes = [8, 128], strides = [1, 1]} : vector<8x172032xf32> to vector<8x128xf32>
    %slice3A_443 = vector.extract_strided_slice %get3A_1 {offsets = [0, 56576], sizes = [8, 128], strides = [1, 1]} : vector<8x172032xf32> to vector<8x128xf32>
    %slice3A_444 = vector.extract_strided_slice %get3A_1 {offsets = [0, 56704], sizes = [8, 128], strides = [1, 1]} : vector<8x172032xf32> to vector<8x128xf32>
    %slice3A_445 = vector.extract_strided_slice %get3A_1 {offsets = [0, 56832], sizes = [8, 128], strides = [1, 1]} : vector<8x172032xf32> to vector<8x128xf32>
    %slice3A_446 = vector.extract_strided_slice %get3A_1 {offsets = [0, 56960], sizes = [8, 128], strides = [1, 1]} : vector<8x172032xf32> to vector<8x128xf32>
    %slice3A_447 = vector.extract_strided_slice %get3A_1 {offsets = [0, 57088], sizes = [8, 128], strides = [1, 1]} : vector<8x172032xf32> to vector<8x128xf32>
    %slice3A_448 = vector.extract_strided_slice %get3A_1 {offsets = [0, 57216], sizes = [8, 128], strides = [1, 1]} : vector<8x172032xf32> to vector<8x128xf32>
    %slice3A_449 = vector.extract_strided_slice %get3A_1 {offsets = [0, 57344], sizes = [8, 128], strides = [1, 1]} : vector<8x172032xf32> to vector<8x128xf32>
    %slice3A_450 = vector.extract_strided_slice %get3A_1 {offsets = [0, 57472], sizes = [8, 128], strides = [1, 1]} : vector<8x172032xf32> to vector<8x128xf32>
    %slice3A_451 = vector.extract_strided_slice %get3A_1 {offsets = [0, 57600], sizes = [8, 128], strides = [1, 1]} : vector<8x172032xf32> to vector<8x128xf32>
    %slice3A_452 = vector.extract_strided_slice %get3A_1 {offsets = [0, 57728], sizes = [8, 128], strides = [1, 1]} : vector<8x172032xf32> to vector<8x128xf32>
    %slice3A_453 = vector.extract_strided_slice %get3A_1 {offsets = [0, 57856], sizes = [8, 128], strides = [1, 1]} : vector<8x172032xf32> to vector<8x128xf32>
    %slice3A_454 = vector.extract_strided_slice %get3A_1 {offsets = [0, 57984], sizes = [8, 128], strides = [1, 1]} : vector<8x172032xf32> to vector<8x128xf32>
    %slice3A_455 = vector.extract_strided_slice %get3A_1 {offsets = [0, 58112], sizes = [8, 128], strides = [1, 1]} : vector<8x172032xf32> to vector<8x128xf32>
    %slice3A_456 = vector.extract_strided_slice %get3A_1 {offsets = [0, 58240], sizes = [8, 128], strides = [1, 1]} : vector<8x172032xf32> to vector<8x128xf32>
    %slice3A_457 = vector.extract_strided_slice %get3A_1 {offsets = [0, 58368], sizes = [8, 128], strides = [1, 1]} : vector<8x172032xf32> to vector<8x128xf32>
    %slice3A_458 = vector.extract_strided_slice %get3A_1 {offsets = [0, 58496], sizes = [8, 128], strides = [1, 1]} : vector<8x172032xf32> to vector<8x128xf32>
    %slice3A_459 = vector.extract_strided_slice %get3A_1 {offsets = [0, 58624], sizes = [8, 128], strides = [1, 1]} : vector<8x172032xf32> to vector<8x128xf32>
    %slice3A_460 = vector.extract_strided_slice %get3A_1 {offsets = [0, 58752], sizes = [8, 128], strides = [1, 1]} : vector<8x172032xf32> to vector<8x128xf32>
    %slice3A_461 = vector.extract_strided_slice %get3A_1 {offsets = [0, 58880], sizes = [8, 128], strides = [1, 1]} : vector<8x172032xf32> to vector<8x128xf32>
    %slice3A_462 = vector.extract_strided_slice %get3A_1 {offsets = [0, 59008], sizes = [8, 128], strides = [1, 1]} : vector<8x172032xf32> to vector<8x128xf32>
    %slice3A_463 = vector.extract_strided_slice %get3A_1 {offsets = [0, 59136], sizes = [8, 128], strides = [1, 1]} : vector<8x172032xf32> to vector<8x128xf32>
    %slice3A_464 = vector.extract_strided_slice %get3A_1 {offsets = [0, 59264], sizes = [8, 128], strides = [1, 1]} : vector<8x172032xf32> to vector<8x128xf32>
    %slice3A_465 = vector.extract_strided_slice %get3A_1 {offsets = [0, 59392], sizes = [8, 128], strides = [1, 1]} : vector<8x172032xf32> to vector<8x128xf32>
    %slice3A_466 = vector.extract_strided_slice %get3A_1 {offsets = [0, 59520], sizes = [8, 128], strides = [1, 1]} : vector<8x172032xf32> to vector<8x128xf32>
    %slice3A_467 = vector.extract_strided_slice %get3A_1 {offsets = [0, 59648], sizes = [8, 128], strides = [1, 1]} : vector<8x172032xf32> to vector<8x128xf32>
    %slice3A_468 = vector.extract_strided_slice %get3A_1 {offsets = [0, 59776], sizes = [8, 128], strides = [1, 1]} : vector<8x172032xf32> to vector<8x128xf32>
    %slice3A_469 = vector.extract_strided_slice %get3A_1 {offsets = [0, 59904], sizes = [8, 128], strides = [1, 1]} : vector<8x172032xf32> to vector<8x128xf32>
    %slice3A_470 = vector.extract_strided_slice %get3A_1 {offsets = [0, 60032], sizes = [8, 128], strides = [1, 1]} : vector<8x172032xf32> to vector<8x128xf32>
    %slice3A_471 = vector.extract_strided_slice %get3A_1 {offsets = [0, 60160], sizes = [8, 128], strides = [1, 1]} : vector<8x172032xf32> to vector<8x128xf32>
    %slice3A_472 = vector.extract_strided_slice %get3A_1 {offsets = [0, 60288], sizes = [8, 128], strides = [1, 1]} : vector<8x172032xf32> to vector<8x128xf32>
    %slice3A_473 = vector.extract_strided_slice %get3A_1 {offsets = [0, 60416], sizes = [8, 128], strides = [1, 1]} : vector<8x172032xf32> to vector<8x128xf32>
    %slice3A_474 = vector.extract_strided_slice %get3A_1 {offsets = [0, 60544], sizes = [8, 128], strides = [1, 1]} : vector<8x172032xf32> to vector<8x128xf32>
    %slice3A_475 = vector.extract_strided_slice %get3A_1 {offsets = [0, 60672], sizes = [8, 128], strides = [1, 1]} : vector<8x172032xf32> to vector<8x128xf32>
    %slice3A_476 = vector.extract_strided_slice %get3A_1 {offsets = [0, 60800], sizes = [8, 128], strides = [1, 1]} : vector<8x172032xf32> to vector<8x128xf32>
    %slice3A_477 = vector.extract_strided_slice %get3A_1 {offsets = [0, 60928], sizes = [8, 128], strides = [1, 1]} : vector<8x172032xf32> to vector<8x128xf32>
    %slice3A_478 = vector.extract_strided_slice %get3A_1 {offsets = [0, 61056], sizes = [8, 128], strides = [1, 1]} : vector<8x172032xf32> to vector<8x128xf32>
    %slice3A_479 = vector.extract_strided_slice %get3A_1 {offsets = [0, 61184], sizes = [8, 128], strides = [1, 1]} : vector<8x172032xf32> to vector<8x128xf32>
    %slice3A_480 = vector.extract_strided_slice %get3A_1 {offsets = [0, 61312], sizes = [8, 128], strides = [1, 1]} : vector<8x172032xf32> to vector<8x128xf32>
    %slice3A_481 = vector.extract_strided_slice %get3A_1 {offsets = [0, 61440], sizes = [8, 128], strides = [1, 1]} : vector<8x172032xf32> to vector<8x128xf32>
    %slice3A_482 = vector.extract_strided_slice %get3A_1 {offsets = [0, 61568], sizes = [8, 128], strides = [1, 1]} : vector<8x172032xf32> to vector<8x128xf32>
    %slice3A_483 = vector.extract_strided_slice %get3A_1 {offsets = [0, 61696], sizes = [8, 128], strides = [1, 1]} : vector<8x172032xf32> to vector<8x128xf32>
    %slice3A_484 = vector.extract_strided_slice %get3A_1 {offsets = [0, 61824], sizes = [8, 128], strides = [1, 1]} : vector<8x172032xf32> to vector<8x128xf32>
    %slice3A_485 = vector.extract_strided_slice %get3A_1 {offsets = [0, 61952], sizes = [8, 128], strides = [1, 1]} : vector<8x172032xf32> to vector<8x128xf32>
    %slice3A_486 = vector.extract_strided_slice %get3A_1 {offsets = [0, 62080], sizes = [8, 128], strides = [1, 1]} : vector<8x172032xf32> to vector<8x128xf32>
    %slice3A_487 = vector.extract_strided_slice %get3A_1 {offsets = [0, 62208], sizes = [8, 128], strides = [1, 1]} : vector<8x172032xf32> to vector<8x128xf32>
    %slice3A_488 = vector.extract_strided_slice %get3A_1 {offsets = [0, 62336], sizes = [8, 128], strides = [1, 1]} : vector<8x172032xf32> to vector<8x128xf32>
    %slice3A_489 = vector.extract_strided_slice %get3A_1 {offsets = [0, 62464], sizes = [8, 128], strides = [1, 1]} : vector<8x172032xf32> to vector<8x128xf32>
    %slice3A_490 = vector.extract_strided_slice %get3A_1 {offsets = [0, 62592], sizes = [8, 128], strides = [1, 1]} : vector<8x172032xf32> to vector<8x128xf32>
    %slice3A_491 = vector.extract_strided_slice %get3A_1 {offsets = [0, 62720], sizes = [8, 128], strides = [1, 1]} : vector<8x172032xf32> to vector<8x128xf32>
    %slice3A_492 = vector.extract_strided_slice %get3A_1 {offsets = [0, 62848], sizes = [8, 128], strides = [1, 1]} : vector<8x172032xf32> to vector<8x128xf32>
    %slice3A_493 = vector.extract_strided_slice %get3A_1 {offsets = [0, 62976], sizes = [8, 128], strides = [1, 1]} : vector<8x172032xf32> to vector<8x128xf32>
    %slice3A_494 = vector.extract_strided_slice %get3A_1 {offsets = [0, 63104], sizes = [8, 128], strides = [1, 1]} : vector<8x172032xf32> to vector<8x128xf32>
    %slice3A_495 = vector.extract_strided_slice %get3A_1 {offsets = [0, 63232], sizes = [8, 128], strides = [1, 1]} : vector<8x172032xf32> to vector<8x128xf32>
    %slice3A_496 = vector.extract_strided_slice %get3A_1 {offsets = [0, 63360], sizes = [8, 128], strides = [1, 1]} : vector<8x172032xf32> to vector<8x128xf32>
    %slice3A_497 = vector.extract_strided_slice %get3A_1 {offsets = [0, 63488], sizes = [8, 128], strides = [1, 1]} : vector<8x172032xf32> to vector<8x128xf32>
    %slice3A_498 = vector.extract_strided_slice %get3A_1 {offsets = [0, 63616], sizes = [8, 128], strides = [1, 1]} : vector<8x172032xf32> to vector<8x128xf32>
    %slice3A_499 = vector.extract_strided_slice %get3A_1 {offsets = [0, 63744], sizes = [8, 128], strides = [1, 1]} : vector<8x172032xf32> to vector<8x128xf32>
    %slice3A_500 = vector.extract_strided_slice %get3A_1 {offsets = [0, 63872], sizes = [8, 128], strides = [1, 1]} : vector<8x172032xf32> to vector<8x128xf32>
    %slice3A_501 = vector.extract_strided_slice %get3A_1 {offsets = [0, 64000], sizes = [8, 128], strides = [1, 1]} : vector<8x172032xf32> to vector<8x128xf32>
    %slice3A_502 = vector.extract_strided_slice %get3A_1 {offsets = [0, 64128], sizes = [8, 128], strides = [1, 1]} : vector<8x172032xf32> to vector<8x128xf32>
    %slice3A_503 = vector.extract_strided_slice %get3A_1 {offsets = [0, 64256], sizes = [8, 128], strides = [1, 1]} : vector<8x172032xf32> to vector<8x128xf32>
    %slice3A_504 = vector.extract_strided_slice %get3A_1 {offsets = [0, 64384], sizes = [8, 128], strides = [1, 1]} : vector<8x172032xf32> to vector<8x128xf32>
    %slice3A_505 = vector.extract_strided_slice %get3A_1 {offsets = [0, 64512], sizes = [8, 128], strides = [1, 1]} : vector<8x172032xf32> to vector<8x128xf32>
    %slice3A_506 = vector.extract_strided_slice %get3A_1 {offsets = [0, 64640], sizes = [8, 128], strides = [1, 1]} : vector<8x172032xf32> to vector<8x128xf32>
    %slice3A_507 = vector.extract_strided_slice %get3A_1 {offsets = [0, 64768], sizes = [8, 128], strides = [1, 1]} : vector<8x172032xf32> to vector<8x128xf32>
    %slice3A_508 = vector.extract_strided_slice %get3A_1 {offsets = [0, 64896], sizes = [8, 128], strides = [1, 1]} : vector<8x172032xf32> to vector<8x128xf32>
    %slice3A_509 = vector.extract_strided_slice %get3A_1 {offsets = [0, 65024], sizes = [8, 128], strides = [1, 1]} : vector<8x172032xf32> to vector<8x128xf32>
    %slice3A_510 = vector.extract_strided_slice %get3A_1 {offsets = [0, 65152], sizes = [8, 128], strides = [1, 1]} : vector<8x172032xf32> to vector<8x128xf32>
    %slice3A_511 = vector.extract_strided_slice %get3A_1 {offsets = [0, 65280], sizes = [8, 128], strides = [1, 1]} : vector<8x172032xf32> to vector<8x128xf32>
    %slice3A_512 = vector.extract_strided_slice %get3A_1 {offsets = [0, 65408], sizes = [8, 128], strides = [1, 1]} : vector<8x172032xf32> to vector<8x128xf32>
    %slice3A_513 = vector.extract_strided_slice %get3A_1 {offsets = [0, 65536], sizes = [8, 128], strides = [1, 1]} : vector<8x172032xf32> to vector<8x128xf32>
    %slice3A_514 = vector.extract_strided_slice %get3A_1 {offsets = [0, 65664], sizes = [8, 128], strides = [1, 1]} : vector<8x172032xf32> to vector<8x128xf32>
    %slice3A_515 = vector.extract_strided_slice %get3A_1 {offsets = [0, 65792], sizes = [8, 128], strides = [1, 1]} : vector<8x172032xf32> to vector<8x128xf32>
    %slice3A_516 = vector.extract_strided_slice %get3A_1 {offsets = [0, 65920], sizes = [8, 128], strides = [1, 1]} : vector<8x172032xf32> to vector<8x128xf32>
    %slice3A_517 = vector.extract_strided_slice %get3A_1 {offsets = [0, 66048], sizes = [8, 128], strides = [1, 1]} : vector<8x172032xf32> to vector<8x128xf32>
    %slice3A_518 = vector.extract_strided_slice %get3A_1 {offsets = [0, 66176], sizes = [8, 128], strides = [1, 1]} : vector<8x172032xf32> to vector<8x128xf32>
    %slice3A_519 = vector.extract_strided_slice %get3A_1 {offsets = [0, 66304], sizes = [8, 128], strides = [1, 1]} : vector<8x172032xf32> to vector<8x128xf32>
    %slice3A_520 = vector.extract_strided_slice %get3A_1 {offsets = [0, 66432], sizes = [8, 128], strides = [1, 1]} : vector<8x172032xf32> to vector<8x128xf32>
    %slice3A_521 = vector.extract_strided_slice %get3A_1 {offsets = [0, 66560], sizes = [8, 128], strides = [1, 1]} : vector<8x172032xf32> to vector<8x128xf32>
    %slice3A_522 = vector.extract_strided_slice %get3A_1 {offsets = [0, 66688], sizes = [8, 128], strides = [1, 1]} : vector<8x172032xf32> to vector<8x128xf32>
    %slice3A_523 = vector.extract_strided_slice %get3A_1 {offsets = [0, 66816], sizes = [8, 128], strides = [1, 1]} : vector<8x172032xf32> to vector<8x128xf32>
    %slice3A_524 = vector.extract_strided_slice %get3A_1 {offsets = [0, 66944], sizes = [8, 128], strides = [1, 1]} : vector<8x172032xf32> to vector<8x128xf32>
    %slice3A_525 = vector.extract_strided_slice %get3A_1 {offsets = [0, 67072], sizes = [8, 128], strides = [1, 1]} : vector<8x172032xf32> to vector<8x128xf32>
    %slice3A_526 = vector.extract_strided_slice %get3A_1 {offsets = [0, 67200], sizes = [8, 128], strides = [1, 1]} : vector<8x172032xf32> to vector<8x128xf32>
    %slice3A_527 = vector.extract_strided_slice %get3A_1 {offsets = [0, 67328], sizes = [8, 128], strides = [1, 1]} : vector<8x172032xf32> to vector<8x128xf32>
    %slice3A_528 = vector.extract_strided_slice %get3A_1 {offsets = [0, 67456], sizes = [8, 128], strides = [1, 1]} : vector<8x172032xf32> to vector<8x128xf32>
    %slice3A_529 = vector.extract_strided_slice %get3A_1 {offsets = [0, 67584], sizes = [8, 128], strides = [1, 1]} : vector<8x172032xf32> to vector<8x128xf32>
    %slice3A_530 = vector.extract_strided_slice %get3A_1 {offsets = [0, 67712], sizes = [8, 128], strides = [1, 1]} : vector<8x172032xf32> to vector<8x128xf32>
    %slice3A_531 = vector.extract_strided_slice %get3A_1 {offsets = [0, 67840], sizes = [8, 128], strides = [1, 1]} : vector<8x172032xf32> to vector<8x128xf32>
    %slice3A_532 = vector.extract_strided_slice %get3A_1 {offsets = [0, 67968], sizes = [8, 128], strides = [1, 1]} : vector<8x172032xf32> to vector<8x128xf32>
    %slice3A_533 = vector.extract_strided_slice %get3A_1 {offsets = [0, 68096], sizes = [8, 128], strides = [1, 1]} : vector<8x172032xf32> to vector<8x128xf32>
    %slice3A_534 = vector.extract_strided_slice %get3A_1 {offsets = [0, 68224], sizes = [8, 128], strides = [1, 1]} : vector<8x172032xf32> to vector<8x128xf32>
    %slice3A_535 = vector.extract_strided_slice %get3A_1 {offsets = [0, 68352], sizes = [8, 128], strides = [1, 1]} : vector<8x172032xf32> to vector<8x128xf32>
    %slice3A_536 = vector.extract_strided_slice %get3A_1 {offsets = [0, 68480], sizes = [8, 128], strides = [1, 1]} : vector<8x172032xf32> to vector<8x128xf32>
    %slice3A_537 = vector.extract_strided_slice %get3A_1 {offsets = [0, 68608], sizes = [8, 128], strides = [1, 1]} : vector<8x172032xf32> to vector<8x128xf32>
    %slice3A_538 = vector.extract_strided_slice %get3A_1 {offsets = [0, 68736], sizes = [8, 128], strides = [1, 1]} : vector<8x172032xf32> to vector<8x128xf32>
    %slice3A_539 = vector.extract_strided_slice %get3A_1 {offsets = [0, 68864], sizes = [8, 128], strides = [1, 1]} : vector<8x172032xf32> to vector<8x128xf32>
    %slice3A_540 = vector.extract_strided_slice %get3A_1 {offsets = [0, 68992], sizes = [8, 128], strides = [1, 1]} : vector<8x172032xf32> to vector<8x128xf32>
    %slice3A_541 = vector.extract_strided_slice %get3A_1 {offsets = [0, 69120], sizes = [8, 128], strides = [1, 1]} : vector<8x172032xf32> to vector<8x128xf32>
    %slice3A_542 = vector.extract_strided_slice %get3A_1 {offsets = [0, 69248], sizes = [8, 128], strides = [1, 1]} : vector<8x172032xf32> to vector<8x128xf32>
    %slice3A_543 = vector.extract_strided_slice %get3A_1 {offsets = [0, 69376], sizes = [8, 128], strides = [1, 1]} : vector<8x172032xf32> to vector<8x128xf32>
    %slice3A_544 = vector.extract_strided_slice %get3A_1 {offsets = [0, 69504], sizes = [8, 128], strides = [1, 1]} : vector<8x172032xf32> to vector<8x128xf32>
    %slice3A_545 = vector.extract_strided_slice %get3A_1 {offsets = [0, 69632], sizes = [8, 128], strides = [1, 1]} : vector<8x172032xf32> to vector<8x128xf32>
    %slice3A_546 = vector.extract_strided_slice %get3A_1 {offsets = [0, 69760], sizes = [8, 128], strides = [1, 1]} : vector<8x172032xf32> to vector<8x128xf32>
    %slice3A_547 = vector.extract_strided_slice %get3A_1 {offsets = [0, 69888], sizes = [8, 128], strides = [1, 1]} : vector<8x172032xf32> to vector<8x128xf32>
    %slice3A_548 = vector.extract_strided_slice %get3A_1 {offsets = [0, 70016], sizes = [8, 128], strides = [1, 1]} : vector<8x172032xf32> to vector<8x128xf32>
    %slice3A_549 = vector.extract_strided_slice %get3A_1 {offsets = [0, 70144], sizes = [8, 128], strides = [1, 1]} : vector<8x172032xf32> to vector<8x128xf32>
    %slice3A_550 = vector.extract_strided_slice %get3A_1 {offsets = [0, 70272], sizes = [8, 128], strides = [1, 1]} : vector<8x172032xf32> to vector<8x128xf32>
    %slice3A_551 = vector.extract_strided_slice %get3A_1 {offsets = [0, 70400], sizes = [8, 128], strides = [1, 1]} : vector<8x172032xf32> to vector<8x128xf32>
    %slice3A_552 = vector.extract_strided_slice %get3A_1 {offsets = [0, 70528], sizes = [8, 128], strides = [1, 1]} : vector<8x172032xf32> to vector<8x128xf32>
    %slice3A_553 = vector.extract_strided_slice %get3A_1 {offsets = [0, 70656], sizes = [8, 128], strides = [1, 1]} : vector<8x172032xf32> to vector<8x128xf32>
    %slice3A_554 = vector.extract_strided_slice %get3A_1 {offsets = [0, 70784], sizes = [8, 128], strides = [1, 1]} : vector<8x172032xf32> to vector<8x128xf32>
    %slice3A_555 = vector.extract_strided_slice %get3A_1 {offsets = [0, 70912], sizes = [8, 128], strides = [1, 1]} : vector<8x172032xf32> to vector<8x128xf32>
    %slice3A_556 = vector.extract_strided_slice %get3A_1 {offsets = [0, 71040], sizes = [8, 128], strides = [1, 1]} : vector<8x172032xf32> to vector<8x128xf32>
    %slice3A_557 = vector.extract_strided_slice %get3A_1 {offsets = [0, 71168], sizes = [8, 128], strides = [1, 1]} : vector<8x172032xf32> to vector<8x128xf32>
    %slice3A_558 = vector.extract_strided_slice %get3A_1 {offsets = [0, 71296], sizes = [8, 128], strides = [1, 1]} : vector<8x172032xf32> to vector<8x128xf32>
    %slice3A_559 = vector.extract_strided_slice %get3A_1 {offsets = [0, 71424], sizes = [8, 128], strides = [1, 1]} : vector<8x172032xf32> to vector<8x128xf32>
    %slice3A_560 = vector.extract_strided_slice %get3A_1 {offsets = [0, 71552], sizes = [8, 128], strides = [1, 1]} : vector<8x172032xf32> to vector<8x128xf32>
    %slice3A_561 = vector.extract_strided_slice %get3A_1 {offsets = [0, 71680], sizes = [8, 128], strides = [1, 1]} : vector<8x172032xf32> to vector<8x128xf32>
    %slice3A_562 = vector.extract_strided_slice %get3A_1 {offsets = [0, 71808], sizes = [8, 128], strides = [1, 1]} : vector<8x172032xf32> to vector<8x128xf32>
    %slice3A_563 = vector.extract_strided_slice %get3A_1 {offsets = [0, 71936], sizes = [8, 128], strides = [1, 1]} : vector<8x172032xf32> to vector<8x128xf32>
    %slice3A_564 = vector.extract_strided_slice %get3A_1 {offsets = [0, 72064], sizes = [8, 128], strides = [1, 1]} : vector<8x172032xf32> to vector<8x128xf32>
    %slice3A_565 = vector.extract_strided_slice %get3A_1 {offsets = [0, 72192], sizes = [8, 128], strides = [1, 1]} : vector<8x172032xf32> to vector<8x128xf32>
    %slice3A_566 = vector.extract_strided_slice %get3A_1 {offsets = [0, 72320], sizes = [8, 128], strides = [1, 1]} : vector<8x172032xf32> to vector<8x128xf32>
    %slice3A_567 = vector.extract_strided_slice %get3A_1 {offsets = [0, 72448], sizes = [8, 128], strides = [1, 1]} : vector<8x172032xf32> to vector<8x128xf32>
    %slice3A_568 = vector.extract_strided_slice %get3A_1 {offsets = [0, 72576], sizes = [8, 128], strides = [1, 1]} : vector<8x172032xf32> to vector<8x128xf32>
    %slice3A_569 = vector.extract_strided_slice %get3A_1 {offsets = [0, 72704], sizes = [8, 128], strides = [1, 1]} : vector<8x172032xf32> to vector<8x128xf32>
    %slice3A_570 = vector.extract_strided_slice %get3A_1 {offsets = [0, 72832], sizes = [8, 128], strides = [1, 1]} : vector<8x172032xf32> to vector<8x128xf32>
    %slice3A_571 = vector.extract_strided_slice %get3A_1 {offsets = [0, 72960], sizes = [8, 128], strides = [1, 1]} : vector<8x172032xf32> to vector<8x128xf32>
    %slice3A_572 = vector.extract_strided_slice %get3A_1 {offsets = [0, 73088], sizes = [8, 128], strides = [1, 1]} : vector<8x172032xf32> to vector<8x128xf32>
    %slice3A_573 = vector.extract_strided_slice %get3A_1 {offsets = [0, 73216], sizes = [8, 128], strides = [1, 1]} : vector<8x172032xf32> to vector<8x128xf32>
    %slice3A_574 = vector.extract_strided_slice %get3A_1 {offsets = [0, 73344], sizes = [8, 128], strides = [1, 1]} : vector<8x172032xf32> to vector<8x128xf32>
    %slice3A_575 = vector.extract_strided_slice %get3A_1 {offsets = [0, 73472], sizes = [8, 128], strides = [1, 1]} : vector<8x172032xf32> to vector<8x128xf32>
    %slice3A_576 = vector.extract_strided_slice %get3A_1 {offsets = [0, 73600], sizes = [8, 128], strides = [1, 1]} : vector<8x172032xf32> to vector<8x128xf32>
    %slice3A_577 = vector.extract_strided_slice %get3A_1 {offsets = [0, 73728], sizes = [8, 128], strides = [1, 1]} : vector<8x172032xf32> to vector<8x128xf32>
    %slice3A_578 = vector.extract_strided_slice %get3A_1 {offsets = [0, 73856], sizes = [8, 128], strides = [1, 1]} : vector<8x172032xf32> to vector<8x128xf32>
    %slice3A_579 = vector.extract_strided_slice %get3A_1 {offsets = [0, 73984], sizes = [8, 128], strides = [1, 1]} : vector<8x172032xf32> to vector<8x128xf32>
    %slice3A_580 = vector.extract_strided_slice %get3A_1 {offsets = [0, 74112], sizes = [8, 128], strides = [1, 1]} : vector<8x172032xf32> to vector<8x128xf32>
    %slice3A_581 = vector.extract_strided_slice %get3A_1 {offsets = [0, 74240], sizes = [8, 128], strides = [1, 1]} : vector<8x172032xf32> to vector<8x128xf32>
    %slice3A_582 = vector.extract_strided_slice %get3A_1 {offsets = [0, 74368], sizes = [8, 128], strides = [1, 1]} : vector<8x172032xf32> to vector<8x128xf32>
    %slice3A_583 = vector.extract_strided_slice %get3A_1 {offsets = [0, 74496], sizes = [8, 128], strides = [1, 1]} : vector<8x172032xf32> to vector<8x128xf32>
    %slice3A_584 = vector.extract_strided_slice %get3A_1 {offsets = [0, 74624], sizes = [8, 128], strides = [1, 1]} : vector<8x172032xf32> to vector<8x128xf32>
    %slice3A_585 = vector.extract_strided_slice %get3A_1 {offsets = [0, 74752], sizes = [8, 128], strides = [1, 1]} : vector<8x172032xf32> to vector<8x128xf32>
    %slice3A_586 = vector.extract_strided_slice %get3A_1 {offsets = [0, 74880], sizes = [8, 128], strides = [1, 1]} : vector<8x172032xf32> to vector<8x128xf32>
    %slice3A_587 = vector.extract_strided_slice %get3A_1 {offsets = [0, 75008], sizes = [8, 128], strides = [1, 1]} : vector<8x172032xf32> to vector<8x128xf32>
    %slice3A_588 = vector.extract_strided_slice %get3A_1 {offsets = [0, 75136], sizes = [8, 128], strides = [1, 1]} : vector<8x172032xf32> to vector<8x128xf32>
    %slice3A_589 = vector.extract_strided_slice %get3A_1 {offsets = [0, 75264], sizes = [8, 128], strides = [1, 1]} : vector<8x172032xf32> to vector<8x128xf32>
    %slice3A_590 = vector.extract_strided_slice %get3A_1 {offsets = [0, 75392], sizes = [8, 128], strides = [1, 1]} : vector<8x172032xf32> to vector<8x128xf32>
    %slice3A_591 = vector.extract_strided_slice %get3A_1 {offsets = [0, 75520], sizes = [8, 128], strides = [1, 1]} : vector<8x172032xf32> to vector<8x128xf32>
    %slice3A_592 = vector.extract_strided_slice %get3A_1 {offsets = [0, 75648], sizes = [8, 128], strides = [1, 1]} : vector<8x172032xf32> to vector<8x128xf32>
    %slice3A_593 = vector.extract_strided_slice %get3A_1 {offsets = [0, 75776], sizes = [8, 128], strides = [1, 1]} : vector<8x172032xf32> to vector<8x128xf32>
    %slice3A_594 = vector.extract_strided_slice %get3A_1 {offsets = [0, 75904], sizes = [8, 128], strides = [1, 1]} : vector<8x172032xf32> to vector<8x128xf32>
    %slice3A_595 = vector.extract_strided_slice %get3A_1 {offsets = [0, 76032], sizes = [8, 128], strides = [1, 1]} : vector<8x172032xf32> to vector<8x128xf32>
    %slice3A_596 = vector.extract_strided_slice %get3A_1 {offsets = [0, 76160], sizes = [8, 128], strides = [1, 1]} : vector<8x172032xf32> to vector<8x128xf32>
    %slice3A_597 = vector.extract_strided_slice %get3A_1 {offsets = [0, 76288], sizes = [8, 128], strides = [1, 1]} : vector<8x172032xf32> to vector<8x128xf32>
    %slice3A_598 = vector.extract_strided_slice %get3A_1 {offsets = [0, 76416], sizes = [8, 128], strides = [1, 1]} : vector<8x172032xf32> to vector<8x128xf32>
    %slice3A_599 = vector.extract_strided_slice %get3A_1 {offsets = [0, 76544], sizes = [8, 128], strides = [1, 1]} : vector<8x172032xf32> to vector<8x128xf32>
    %slice3A_600 = vector.extract_strided_slice %get3A_1 {offsets = [0, 76672], sizes = [8, 128], strides = [1, 1]} : vector<8x172032xf32> to vector<8x128xf32>
    %slice3A_601 = vector.extract_strided_slice %get3A_1 {offsets = [0, 76800], sizes = [8, 128], strides = [1, 1]} : vector<8x172032xf32> to vector<8x128xf32>
    %slice3A_602 = vector.extract_strided_slice %get3A_1 {offsets = [0, 76928], sizes = [8, 128], strides = [1, 1]} : vector<8x172032xf32> to vector<8x128xf32>
    %slice3A_603 = vector.extract_strided_slice %get3A_1 {offsets = [0, 77056], sizes = [8, 128], strides = [1, 1]} : vector<8x172032xf32> to vector<8x128xf32>
    %slice3A_604 = vector.extract_strided_slice %get3A_1 {offsets = [0, 77184], sizes = [8, 128], strides = [1, 1]} : vector<8x172032xf32> to vector<8x128xf32>
    %slice3A_605 = vector.extract_strided_slice %get3A_1 {offsets = [0, 77312], sizes = [8, 128], strides = [1, 1]} : vector<8x172032xf32> to vector<8x128xf32>
    %slice3A_606 = vector.extract_strided_slice %get3A_1 {offsets = [0, 77440], sizes = [8, 128], strides = [1, 1]} : vector<8x172032xf32> to vector<8x128xf32>
    %slice3A_607 = vector.extract_strided_slice %get3A_1 {offsets = [0, 77568], sizes = [8, 128], strides = [1, 1]} : vector<8x172032xf32> to vector<8x128xf32>
    %slice3A_608 = vector.extract_strided_slice %get3A_1 {offsets = [0, 77696], sizes = [8, 128], strides = [1, 1]} : vector<8x172032xf32> to vector<8x128xf32>
    %slice3A_609 = vector.extract_strided_slice %get3A_1 {offsets = [0, 77824], sizes = [8, 128], strides = [1, 1]} : vector<8x172032xf32> to vector<8x128xf32>
    %slice3A_610 = vector.extract_strided_slice %get3A_1 {offsets = [0, 77952], sizes = [8, 128], strides = [1, 1]} : vector<8x172032xf32> to vector<8x128xf32>
    %slice3A_611 = vector.extract_strided_slice %get3A_1 {offsets = [0, 78080], sizes = [8, 128], strides = [1, 1]} : vector<8x172032xf32> to vector<8x128xf32>
    %slice3A_612 = vector.extract_strided_slice %get3A_1 {offsets = [0, 78208], sizes = [8, 128], strides = [1, 1]} : vector<8x172032xf32> to vector<8x128xf32>
    %slice3A_613 = vector.extract_strided_slice %get3A_1 {offsets = [0, 78336], sizes = [8, 128], strides = [1, 1]} : vector<8x172032xf32> to vector<8x128xf32>
    %slice3A_614 = vector.extract_strided_slice %get3A_1 {offsets = [0, 78464], sizes = [8, 128], strides = [1, 1]} : vector<8x172032xf32> to vector<8x128xf32>
    %slice3A_615 = vector.extract_strided_slice %get3A_1 {offsets = [0, 78592], sizes = [8, 128], strides = [1, 1]} : vector<8x172032xf32> to vector<8x128xf32>
    %slice3A_616 = vector.extract_strided_slice %get3A_1 {offsets = [0, 78720], sizes = [8, 128], strides = [1, 1]} : vector<8x172032xf32> to vector<8x128xf32>
    %slice3A_617 = vector.extract_strided_slice %get3A_1 {offsets = [0, 78848], sizes = [8, 128], strides = [1, 1]} : vector<8x172032xf32> to vector<8x128xf32>
    %slice3A_618 = vector.extract_strided_slice %get3A_1 {offsets = [0, 78976], sizes = [8, 128], strides = [1, 1]} : vector<8x172032xf32> to vector<8x128xf32>
    %slice3A_619 = vector.extract_strided_slice %get3A_1 {offsets = [0, 79104], sizes = [8, 128], strides = [1, 1]} : vector<8x172032xf32> to vector<8x128xf32>
    %slice3A_620 = vector.extract_strided_slice %get3A_1 {offsets = [0, 79232], sizes = [8, 128], strides = [1, 1]} : vector<8x172032xf32> to vector<8x128xf32>
    %slice3A_621 = vector.extract_strided_slice %get3A_1 {offsets = [0, 79360], sizes = [8, 128], strides = [1, 1]} : vector<8x172032xf32> to vector<8x128xf32>
    %slice3A_622 = vector.extract_strided_slice %get3A_1 {offsets = [0, 79488], sizes = [8, 128], strides = [1, 1]} : vector<8x172032xf32> to vector<8x128xf32>
    %slice3A_623 = vector.extract_strided_slice %get3A_1 {offsets = [0, 79616], sizes = [8, 128], strides = [1, 1]} : vector<8x172032xf32> to vector<8x128xf32>
    %slice3A_624 = vector.extract_strided_slice %get3A_1 {offsets = [0, 79744], sizes = [8, 128], strides = [1, 1]} : vector<8x172032xf32> to vector<8x128xf32>
    %slice3A_625 = vector.extract_strided_slice %get3A_1 {offsets = [0, 79872], sizes = [8, 128], strides = [1, 1]} : vector<8x172032xf32> to vector<8x128xf32>
    %slice3A_626 = vector.extract_strided_slice %get3A_1 {offsets = [0, 80000], sizes = [8, 128], strides = [1, 1]} : vector<8x172032xf32> to vector<8x128xf32>
    %slice3A_627 = vector.extract_strided_slice %get3A_1 {offsets = [0, 80128], sizes = [8, 128], strides = [1, 1]} : vector<8x172032xf32> to vector<8x128xf32>
    %slice3A_628 = vector.extract_strided_slice %get3A_1 {offsets = [0, 80256], sizes = [8, 128], strides = [1, 1]} : vector<8x172032xf32> to vector<8x128xf32>
    %slice3A_629 = vector.extract_strided_slice %get3A_1 {offsets = [0, 80384], sizes = [8, 128], strides = [1, 1]} : vector<8x172032xf32> to vector<8x128xf32>
    %slice3A_630 = vector.extract_strided_slice %get3A_1 {offsets = [0, 80512], sizes = [8, 128], strides = [1, 1]} : vector<8x172032xf32> to vector<8x128xf32>
    %slice3A_631 = vector.extract_strided_slice %get3A_1 {offsets = [0, 80640], sizes = [8, 128], strides = [1, 1]} : vector<8x172032xf32> to vector<8x128xf32>
    %slice3A_632 = vector.extract_strided_slice %get3A_1 {offsets = [0, 80768], sizes = [8, 128], strides = [1, 1]} : vector<8x172032xf32> to vector<8x128xf32>
    %slice3A_633 = vector.extract_strided_slice %get3A_1 {offsets = [0, 80896], sizes = [8, 128], strides = [1, 1]} : vector<8x172032xf32> to vector<8x128xf32>
    %slice3A_634 = vector.extract_strided_slice %get3A_1 {offsets = [0, 81024], sizes = [8, 128], strides = [1, 1]} : vector<8x172032xf32> to vector<8x128xf32>
    %slice3A_635 = vector.extract_strided_slice %get3A_1 {offsets = [0, 81152], sizes = [8, 128], strides = [1, 1]} : vector<8x172032xf32> to vector<8x128xf32>
    %slice3A_636 = vector.extract_strided_slice %get3A_1 {offsets = [0, 81280], sizes = [8, 128], strides = [1, 1]} : vector<8x172032xf32> to vector<8x128xf32>
    %slice3A_637 = vector.extract_strided_slice %get3A_1 {offsets = [0, 81408], sizes = [8, 128], strides = [1, 1]} : vector<8x172032xf32> to vector<8x128xf32>
    %slice3A_638 = vector.extract_strided_slice %get3A_1 {offsets = [0, 81536], sizes = [8, 128], strides = [1, 1]} : vector<8x172032xf32> to vector<8x128xf32>
    %slice3A_639 = vector.extract_strided_slice %get3A_1 {offsets = [0, 81664], sizes = [8, 128], strides = [1, 1]} : vector<8x172032xf32> to vector<8x128xf32>
    %slice3A_640 = vector.extract_strided_slice %get3A_1 {offsets = [0, 81792], sizes = [8, 128], strides = [1, 1]} : vector<8x172032xf32> to vector<8x128xf32>
    %slice3A_641 = vector.extract_strided_slice %get3A_1 {offsets = [0, 81920], sizes = [8, 128], strides = [1, 1]} : vector<8x172032xf32> to vector<8x128xf32>
    %slice3A_642 = vector.extract_strided_slice %get3A_1 {offsets = [0, 82048], sizes = [8, 128], strides = [1, 1]} : vector<8x172032xf32> to vector<8x128xf32>
    %slice3A_643 = vector.extract_strided_slice %get3A_1 {offsets = [0, 82176], sizes = [8, 128], strides = [1, 1]} : vector<8x172032xf32> to vector<8x128xf32>
    %slice3A_644 = vector.extract_strided_slice %get3A_1 {offsets = [0, 82304], sizes = [8, 128], strides = [1, 1]} : vector<8x172032xf32> to vector<8x128xf32>
    %slice3A_645 = vector.extract_strided_slice %get3A_1 {offsets = [0, 82432], sizes = [8, 128], strides = [1, 1]} : vector<8x172032xf32> to vector<8x128xf32>
    %slice3A_646 = vector.extract_strided_slice %get3A_1 {offsets = [0, 82560], sizes = [8, 128], strides = [1, 1]} : vector<8x172032xf32> to vector<8x128xf32>
    %slice3A_647 = vector.extract_strided_slice %get3A_1 {offsets = [0, 82688], sizes = [8, 128], strides = [1, 1]} : vector<8x172032xf32> to vector<8x128xf32>
    %slice3A_648 = vector.extract_strided_slice %get3A_1 {offsets = [0, 82816], sizes = [8, 128], strides = [1, 1]} : vector<8x172032xf32> to vector<8x128xf32>
    %slice3A_649 = vector.extract_strided_slice %get3A_1 {offsets = [0, 82944], sizes = [8, 128], strides = [1, 1]} : vector<8x172032xf32> to vector<8x128xf32>
    %slice3A_650 = vector.extract_strided_slice %get3A_1 {offsets = [0, 83072], sizes = [8, 128], strides = [1, 1]} : vector<8x172032xf32> to vector<8x128xf32>
    %slice3A_651 = vector.extract_strided_slice %get3A_1 {offsets = [0, 83200], sizes = [8, 128], strides = [1, 1]} : vector<8x172032xf32> to vector<8x128xf32>
    %slice3A_652 = vector.extract_strided_slice %get3A_1 {offsets = [0, 83328], sizes = [8, 128], strides = [1, 1]} : vector<8x172032xf32> to vector<8x128xf32>
    %slice3A_653 = vector.extract_strided_slice %get3A_1 {offsets = [0, 83456], sizes = [8, 128], strides = [1, 1]} : vector<8x172032xf32> to vector<8x128xf32>
    %slice3A_654 = vector.extract_strided_slice %get3A_1 {offsets = [0, 83584], sizes = [8, 128], strides = [1, 1]} : vector<8x172032xf32> to vector<8x128xf32>
    %slice3A_655 = vector.extract_strided_slice %get3A_1 {offsets = [0, 83712], sizes = [8, 128], strides = [1, 1]} : vector<8x172032xf32> to vector<8x128xf32>
    %slice3A_656 = vector.extract_strided_slice %get3A_1 {offsets = [0, 83840], sizes = [8, 128], strides = [1, 1]} : vector<8x172032xf32> to vector<8x128xf32>
    %slice3A_657 = vector.extract_strided_slice %get3A_1 {offsets = [0, 83968], sizes = [8, 128], strides = [1, 1]} : vector<8x172032xf32> to vector<8x128xf32>
    %slice3A_658 = vector.extract_strided_slice %get3A_1 {offsets = [0, 84096], sizes = [8, 128], strides = [1, 1]} : vector<8x172032xf32> to vector<8x128xf32>
    %slice3A_659 = vector.extract_strided_slice %get3A_1 {offsets = [0, 84224], sizes = [8, 128], strides = [1, 1]} : vector<8x172032xf32> to vector<8x128xf32>
    %slice3A_660 = vector.extract_strided_slice %get3A_1 {offsets = [0, 84352], sizes = [8, 128], strides = [1, 1]} : vector<8x172032xf32> to vector<8x128xf32>
    %slice3A_661 = vector.extract_strided_slice %get3A_1 {offsets = [0, 84480], sizes = [8, 128], strides = [1, 1]} : vector<8x172032xf32> to vector<8x128xf32>
    %slice3A_662 = vector.extract_strided_slice %get3A_1 {offsets = [0, 84608], sizes = [8, 128], strides = [1, 1]} : vector<8x172032xf32> to vector<8x128xf32>
    %slice3A_663 = vector.extract_strided_slice %get3A_1 {offsets = [0, 84736], sizes = [8, 128], strides = [1, 1]} : vector<8x172032xf32> to vector<8x128xf32>
    %slice3A_664 = vector.extract_strided_slice %get3A_1 {offsets = [0, 84864], sizes = [8, 128], strides = [1, 1]} : vector<8x172032xf32> to vector<8x128xf32>
    %slice3A_665 = vector.extract_strided_slice %get3A_1 {offsets = [0, 84992], sizes = [8, 128], strides = [1, 1]} : vector<8x172032xf32> to vector<8x128xf32>
    %slice3A_666 = vector.extract_strided_slice %get3A_1 {offsets = [0, 85120], sizes = [8, 128], strides = [1, 1]} : vector<8x172032xf32> to vector<8x128xf32>
    %slice3A_667 = vector.extract_strided_slice %get3A_1 {offsets = [0, 85248], sizes = [8, 128], strides = [1, 1]} : vector<8x172032xf32> to vector<8x128xf32>
    %slice3A_668 = vector.extract_strided_slice %get3A_1 {offsets = [0, 85376], sizes = [8, 128], strides = [1, 1]} : vector<8x172032xf32> to vector<8x128xf32>
    %slice3A_669 = vector.extract_strided_slice %get3A_1 {offsets = [0, 85504], sizes = [8, 128], strides = [1, 1]} : vector<8x172032xf32> to vector<8x128xf32>
    %slice3A_670 = vector.extract_strided_slice %get3A_1 {offsets = [0, 85632], sizes = [8, 128], strides = [1, 1]} : vector<8x172032xf32> to vector<8x128xf32>
    %slice3A_671 = vector.extract_strided_slice %get3A_1 {offsets = [0, 85760], sizes = [8, 128], strides = [1, 1]} : vector<8x172032xf32> to vector<8x128xf32>
    %slice3A_672 = vector.extract_strided_slice %get3A_1 {offsets = [0, 85888], sizes = [8, 128], strides = [1, 1]} : vector<8x172032xf32> to vector<8x128xf32>
    %slice3A_673 = vector.extract_strided_slice %get3A_1 {offsets = [0, 86016], sizes = [8, 128], strides = [1, 1]} : vector<8x172032xf32> to vector<8x128xf32>
    %slice3A_674 = vector.extract_strided_slice %get3A_1 {offsets = [0, 86144], sizes = [8, 128], strides = [1, 1]} : vector<8x172032xf32> to vector<8x128xf32>
    %slice3A_675 = vector.extract_strided_slice %get3A_1 {offsets = [0, 86272], sizes = [8, 128], strides = [1, 1]} : vector<8x172032xf32> to vector<8x128xf32>
    %slice3A_676 = vector.extract_strided_slice %get3A_1 {offsets = [0, 86400], sizes = [8, 128], strides = [1, 1]} : vector<8x172032xf32> to vector<8x128xf32>
    %slice3A_677 = vector.extract_strided_slice %get3A_1 {offsets = [0, 86528], sizes = [8, 128], strides = [1, 1]} : vector<8x172032xf32> to vector<8x128xf32>
    %slice3A_678 = vector.extract_strided_slice %get3A_1 {offsets = [0, 86656], sizes = [8, 128], strides = [1, 1]} : vector<8x172032xf32> to vector<8x128xf32>
    %slice3A_679 = vector.extract_strided_slice %get3A_1 {offsets = [0, 86784], sizes = [8, 128], strides = [1, 1]} : vector<8x172032xf32> to vector<8x128xf32>
    %slice3A_680 = vector.extract_strided_slice %get3A_1 {offsets = [0, 86912], sizes = [8, 128], strides = [1, 1]} : vector<8x172032xf32> to vector<8x128xf32>
    %slice3A_681 = vector.extract_strided_slice %get3A_1 {offsets = [0, 87040], sizes = [8, 128], strides = [1, 1]} : vector<8x172032xf32> to vector<8x128xf32>
    %slice3A_682 = vector.extract_strided_slice %get3A_1 {offsets = [0, 87168], sizes = [8, 128], strides = [1, 1]} : vector<8x172032xf32> to vector<8x128xf32>
    %slice3A_683 = vector.extract_strided_slice %get3A_1 {offsets = [0, 87296], sizes = [8, 128], strides = [1, 1]} : vector<8x172032xf32> to vector<8x128xf32>
    %slice3A_684 = vector.extract_strided_slice %get3A_1 {offsets = [0, 87424], sizes = [8, 128], strides = [1, 1]} : vector<8x172032xf32> to vector<8x128xf32>
    %slice3A_685 = vector.extract_strided_slice %get3A_1 {offsets = [0, 87552], sizes = [8, 128], strides = [1, 1]} : vector<8x172032xf32> to vector<8x128xf32>
    %slice3A_686 = vector.extract_strided_slice %get3A_1 {offsets = [0, 87680], sizes = [8, 128], strides = [1, 1]} : vector<8x172032xf32> to vector<8x128xf32>
    %slice3A_687 = vector.extract_strided_slice %get3A_1 {offsets = [0, 87808], sizes = [8, 128], strides = [1, 1]} : vector<8x172032xf32> to vector<8x128xf32>
    %slice3A_688 = vector.extract_strided_slice %get3A_1 {offsets = [0, 87936], sizes = [8, 128], strides = [1, 1]} : vector<8x172032xf32> to vector<8x128xf32>
    %slice3A_689 = vector.extract_strided_slice %get3A_1 {offsets = [0, 88064], sizes = [8, 128], strides = [1, 1]} : vector<8x172032xf32> to vector<8x128xf32>
    %slice3A_690 = vector.extract_strided_slice %get3A_1 {offsets = [0, 88192], sizes = [8, 128], strides = [1, 1]} : vector<8x172032xf32> to vector<8x128xf32>
    %slice3A_691 = vector.extract_strided_slice %get3A_1 {offsets = [0, 88320], sizes = [8, 128], strides = [1, 1]} : vector<8x172032xf32> to vector<8x128xf32>
    %slice3A_692 = vector.extract_strided_slice %get3A_1 {offsets = [0, 88448], sizes = [8, 128], strides = [1, 1]} : vector<8x172032xf32> to vector<8x128xf32>
    %slice3A_693 = vector.extract_strided_slice %get3A_1 {offsets = [0, 88576], sizes = [8, 128], strides = [1, 1]} : vector<8x172032xf32> to vector<8x128xf32>
    %slice3A_694 = vector.extract_strided_slice %get3A_1 {offsets = [0, 88704], sizes = [8, 128], strides = [1, 1]} : vector<8x172032xf32> to vector<8x128xf32>
    %slice3A_695 = vector.extract_strided_slice %get3A_1 {offsets = [0, 88832], sizes = [8, 128], strides = [1, 1]} : vector<8x172032xf32> to vector<8x128xf32>
    %slice3A_696 = vector.extract_strided_slice %get3A_1 {offsets = [0, 88960], sizes = [8, 128], strides = [1, 1]} : vector<8x172032xf32> to vector<8x128xf32>
    %slice3A_697 = vector.extract_strided_slice %get3A_1 {offsets = [0, 89088], sizes = [8, 128], strides = [1, 1]} : vector<8x172032xf32> to vector<8x128xf32>
    %slice3A_698 = vector.extract_strided_slice %get3A_1 {offsets = [0, 89216], sizes = [8, 128], strides = [1, 1]} : vector<8x172032xf32> to vector<8x128xf32>
    %slice3A_699 = vector.extract_strided_slice %get3A_1 {offsets = [0, 89344], sizes = [8, 128], strides = [1, 1]} : vector<8x172032xf32> to vector<8x128xf32>
    %slice3A_700 = vector.extract_strided_slice %get3A_1 {offsets = [0, 89472], sizes = [8, 128], strides = [1, 1]} : vector<8x172032xf32> to vector<8x128xf32>
    %slice3A_701 = vector.extract_strided_slice %get3A_1 {offsets = [0, 89600], sizes = [8, 128], strides = [1, 1]} : vector<8x172032xf32> to vector<8x128xf32>
    %slice3A_702 = vector.extract_strided_slice %get3A_1 {offsets = [0, 89728], sizes = [8, 128], strides = [1, 1]} : vector<8x172032xf32> to vector<8x128xf32>
    %slice3A_703 = vector.extract_strided_slice %get3A_1 {offsets = [0, 89856], sizes = [8, 128], strides = [1, 1]} : vector<8x172032xf32> to vector<8x128xf32>
    %slice3A_704 = vector.extract_strided_slice %get3A_1 {offsets = [0, 89984], sizes = [8, 128], strides = [1, 1]} : vector<8x172032xf32> to vector<8x128xf32>
    %slice3A_705 = vector.extract_strided_slice %get3A_1 {offsets = [0, 90112], sizes = [8, 128], strides = [1, 1]} : vector<8x172032xf32> to vector<8x128xf32>
    %slice3A_706 = vector.extract_strided_slice %get3A_1 {offsets = [0, 90240], sizes = [8, 128], strides = [1, 1]} : vector<8x172032xf32> to vector<8x128xf32>
    %slice3A_707 = vector.extract_strided_slice %get3A_1 {offsets = [0, 90368], sizes = [8, 128], strides = [1, 1]} : vector<8x172032xf32> to vector<8x128xf32>
    %slice3A_708 = vector.extract_strided_slice %get3A_1 {offsets = [0, 90496], sizes = [8, 128], strides = [1, 1]} : vector<8x172032xf32> to vector<8x128xf32>
    %slice3A_709 = vector.extract_strided_slice %get3A_1 {offsets = [0, 90624], sizes = [8, 128], strides = [1, 1]} : vector<8x172032xf32> to vector<8x128xf32>
    %slice3A_710 = vector.extract_strided_slice %get3A_1 {offsets = [0, 90752], sizes = [8, 128], strides = [1, 1]} : vector<8x172032xf32> to vector<8x128xf32>
    %slice3A_711 = vector.extract_strided_slice %get3A_1 {offsets = [0, 90880], sizes = [8, 128], strides = [1, 1]} : vector<8x172032xf32> to vector<8x128xf32>
    %slice3A_712 = vector.extract_strided_slice %get3A_1 {offsets = [0, 91008], sizes = [8, 128], strides = [1, 1]} : vector<8x172032xf32> to vector<8x128xf32>
    %slice3A_713 = vector.extract_strided_slice %get3A_1 {offsets = [0, 91136], sizes = [8, 128], strides = [1, 1]} : vector<8x172032xf32> to vector<8x128xf32>
    %slice3A_714 = vector.extract_strided_slice %get3A_1 {offsets = [0, 91264], sizes = [8, 128], strides = [1, 1]} : vector<8x172032xf32> to vector<8x128xf32>
    %slice3A_715 = vector.extract_strided_slice %get3A_1 {offsets = [0, 91392], sizes = [8, 128], strides = [1, 1]} : vector<8x172032xf32> to vector<8x128xf32>
    %slice3A_716 = vector.extract_strided_slice %get3A_1 {offsets = [0, 91520], sizes = [8, 128], strides = [1, 1]} : vector<8x172032xf32> to vector<8x128xf32>
    %slice3A_717 = vector.extract_strided_slice %get3A_1 {offsets = [0, 91648], sizes = [8, 128], strides = [1, 1]} : vector<8x172032xf32> to vector<8x128xf32>
    %slice3A_718 = vector.extract_strided_slice %get3A_1 {offsets = [0, 91776], sizes = [8, 128], strides = [1, 1]} : vector<8x172032xf32> to vector<8x128xf32>
    %slice3A_719 = vector.extract_strided_slice %get3A_1 {offsets = [0, 91904], sizes = [8, 128], strides = [1, 1]} : vector<8x172032xf32> to vector<8x128xf32>
    %slice3A_720 = vector.extract_strided_slice %get3A_1 {offsets = [0, 92032], sizes = [8, 128], strides = [1, 1]} : vector<8x172032xf32> to vector<8x128xf32>
    %slice3A_721 = vector.extract_strided_slice %get3A_1 {offsets = [0, 92160], sizes = [8, 128], strides = [1, 1]} : vector<8x172032xf32> to vector<8x128xf32>
    %slice3A_722 = vector.extract_strided_slice %get3A_1 {offsets = [0, 92288], sizes = [8, 128], strides = [1, 1]} : vector<8x172032xf32> to vector<8x128xf32>
    %slice3A_723 = vector.extract_strided_slice %get3A_1 {offsets = [0, 92416], sizes = [8, 128], strides = [1, 1]} : vector<8x172032xf32> to vector<8x128xf32>
    %slice3A_724 = vector.extract_strided_slice %get3A_1 {offsets = [0, 92544], sizes = [8, 128], strides = [1, 1]} : vector<8x172032xf32> to vector<8x128xf32>
    %slice3A_725 = vector.extract_strided_slice %get3A_1 {offsets = [0, 92672], sizes = [8, 128], strides = [1, 1]} : vector<8x172032xf32> to vector<8x128xf32>
    %slice3A_726 = vector.extract_strided_slice %get3A_1 {offsets = [0, 92800], sizes = [8, 128], strides = [1, 1]} : vector<8x172032xf32> to vector<8x128xf32>
    %slice3A_727 = vector.extract_strided_slice %get3A_1 {offsets = [0, 92928], sizes = [8, 128], strides = [1, 1]} : vector<8x172032xf32> to vector<8x128xf32>
    %slice3A_728 = vector.extract_strided_slice %get3A_1 {offsets = [0, 93056], sizes = [8, 128], strides = [1, 1]} : vector<8x172032xf32> to vector<8x128xf32>
    %slice3A_729 = vector.extract_strided_slice %get3A_1 {offsets = [0, 93184], sizes = [8, 128], strides = [1, 1]} : vector<8x172032xf32> to vector<8x128xf32>
    %slice3A_730 = vector.extract_strided_slice %get3A_1 {offsets = [0, 93312], sizes = [8, 128], strides = [1, 1]} : vector<8x172032xf32> to vector<8x128xf32>
    %slice3A_731 = vector.extract_strided_slice %get3A_1 {offsets = [0, 93440], sizes = [8, 128], strides = [1, 1]} : vector<8x172032xf32> to vector<8x128xf32>
    %slice3A_732 = vector.extract_strided_slice %get3A_1 {offsets = [0, 93568], sizes = [8, 128], strides = [1, 1]} : vector<8x172032xf32> to vector<8x128xf32>
    %slice3A_733 = vector.extract_strided_slice %get3A_1 {offsets = [0, 93696], sizes = [8, 128], strides = [1, 1]} : vector<8x172032xf32> to vector<8x128xf32>
    %slice3A_734 = vector.extract_strided_slice %get3A_1 {offsets = [0, 93824], sizes = [8, 128], strides = [1, 1]} : vector<8x172032xf32> to vector<8x128xf32>
    %slice3A_735 = vector.extract_strided_slice %get3A_1 {offsets = [0, 93952], sizes = [8, 128], strides = [1, 1]} : vector<8x172032xf32> to vector<8x128xf32>
    %slice3A_736 = vector.extract_strided_slice %get3A_1 {offsets = [0, 94080], sizes = [8, 128], strides = [1, 1]} : vector<8x172032xf32> to vector<8x128xf32>
    %slice3A_737 = vector.extract_strided_slice %get3A_1 {offsets = [0, 94208], sizes = [8, 128], strides = [1, 1]} : vector<8x172032xf32> to vector<8x128xf32>
    %slice3A_738 = vector.extract_strided_slice %get3A_1 {offsets = [0, 94336], sizes = [8, 128], strides = [1, 1]} : vector<8x172032xf32> to vector<8x128xf32>
    %slice3A_739 = vector.extract_strided_slice %get3A_1 {offsets = [0, 94464], sizes = [8, 128], strides = [1, 1]} : vector<8x172032xf32> to vector<8x128xf32>
    %slice3A_740 = vector.extract_strided_slice %get3A_1 {offsets = [0, 94592], sizes = [8, 128], strides = [1, 1]} : vector<8x172032xf32> to vector<8x128xf32>
    %slice3A_741 = vector.extract_strided_slice %get3A_1 {offsets = [0, 94720], sizes = [8, 128], strides = [1, 1]} : vector<8x172032xf32> to vector<8x128xf32>
    %slice3A_742 = vector.extract_strided_slice %get3A_1 {offsets = [0, 94848], sizes = [8, 128], strides = [1, 1]} : vector<8x172032xf32> to vector<8x128xf32>
    %slice3A_743 = vector.extract_strided_slice %get3A_1 {offsets = [0, 94976], sizes = [8, 128], strides = [1, 1]} : vector<8x172032xf32> to vector<8x128xf32>
    %slice3A_744 = vector.extract_strided_slice %get3A_1 {offsets = [0, 95104], sizes = [8, 128], strides = [1, 1]} : vector<8x172032xf32> to vector<8x128xf32>
    %slice3A_745 = vector.extract_strided_slice %get3A_1 {offsets = [0, 95232], sizes = [8, 128], strides = [1, 1]} : vector<8x172032xf32> to vector<8x128xf32>
    %slice3A_746 = vector.extract_strided_slice %get3A_1 {offsets = [0, 95360], sizes = [8, 128], strides = [1, 1]} : vector<8x172032xf32> to vector<8x128xf32>
    %slice3A_747 = vector.extract_strided_slice %get3A_1 {offsets = [0, 95488], sizes = [8, 128], strides = [1, 1]} : vector<8x172032xf32> to vector<8x128xf32>
    %slice3A_748 = vector.extract_strided_slice %get3A_1 {offsets = [0, 95616], sizes = [8, 128], strides = [1, 1]} : vector<8x172032xf32> to vector<8x128xf32>
    %slice3A_749 = vector.extract_strided_slice %get3A_1 {offsets = [0, 95744], sizes = [8, 128], strides = [1, 1]} : vector<8x172032xf32> to vector<8x128xf32>
    %slice3A_750 = vector.extract_strided_slice %get3A_1 {offsets = [0, 95872], sizes = [8, 128], strides = [1, 1]} : vector<8x172032xf32> to vector<8x128xf32>
    %slice3A_751 = vector.extract_strided_slice %get3A_1 {offsets = [0, 96000], sizes = [8, 128], strides = [1, 1]} : vector<8x172032xf32> to vector<8x128xf32>
    %slice3A_752 = vector.extract_strided_slice %get3A_1 {offsets = [0, 96128], sizes = [8, 128], strides = [1, 1]} : vector<8x172032xf32> to vector<8x128xf32>
    %slice3A_753 = vector.extract_strided_slice %get3A_1 {offsets = [0, 96256], sizes = [8, 128], strides = [1, 1]} : vector<8x172032xf32> to vector<8x128xf32>
    %slice3A_754 = vector.extract_strided_slice %get3A_1 {offsets = [0, 96384], sizes = [8, 128], strides = [1, 1]} : vector<8x172032xf32> to vector<8x128xf32>
    %slice3A_755 = vector.extract_strided_slice %get3A_1 {offsets = [0, 96512], sizes = [8, 128], strides = [1, 1]} : vector<8x172032xf32> to vector<8x128xf32>
    %slice3A_756 = vector.extract_strided_slice %get3A_1 {offsets = [0, 96640], sizes = [8, 128], strides = [1, 1]} : vector<8x172032xf32> to vector<8x128xf32>
    %slice3A_757 = vector.extract_strided_slice %get3A_1 {offsets = [0, 96768], sizes = [8, 128], strides = [1, 1]} : vector<8x172032xf32> to vector<8x128xf32>
    %slice3A_758 = vector.extract_strided_slice %get3A_1 {offsets = [0, 96896], sizes = [8, 128], strides = [1, 1]} : vector<8x172032xf32> to vector<8x128xf32>
    %slice3A_759 = vector.extract_strided_slice %get3A_1 {offsets = [0, 97024], sizes = [8, 128], strides = [1, 1]} : vector<8x172032xf32> to vector<8x128xf32>
    %slice3A_760 = vector.extract_strided_slice %get3A_1 {offsets = [0, 97152], sizes = [8, 128], strides = [1, 1]} : vector<8x172032xf32> to vector<8x128xf32>
    %slice3A_761 = vector.extract_strided_slice %get3A_1 {offsets = [0, 97280], sizes = [8, 128], strides = [1, 1]} : vector<8x172032xf32> to vector<8x128xf32>
    %slice3A_762 = vector.extract_strided_slice %get3A_1 {offsets = [0, 97408], sizes = [8, 128], strides = [1, 1]} : vector<8x172032xf32> to vector<8x128xf32>
    %slice3A_763 = vector.extract_strided_slice %get3A_1 {offsets = [0, 97536], sizes = [8, 128], strides = [1, 1]} : vector<8x172032xf32> to vector<8x128xf32>
    %slice3A_764 = vector.extract_strided_slice %get3A_1 {offsets = [0, 97664], sizes = [8, 128], strides = [1, 1]} : vector<8x172032xf32> to vector<8x128xf32>
    %slice3A_765 = vector.extract_strided_slice %get3A_1 {offsets = [0, 97792], sizes = [8, 128], strides = [1, 1]} : vector<8x172032xf32> to vector<8x128xf32>
    %slice3A_766 = vector.extract_strided_slice %get3A_1 {offsets = [0, 97920], sizes = [8, 128], strides = [1, 1]} : vector<8x172032xf32> to vector<8x128xf32>
    %slice3A_767 = vector.extract_strided_slice %get3A_1 {offsets = [0, 98048], sizes = [8, 128], strides = [1, 1]} : vector<8x172032xf32> to vector<8x128xf32>
    %slice3A_768 = vector.extract_strided_slice %get3A_1 {offsets = [0, 98176], sizes = [8, 128], strides = [1, 1]} : vector<8x172032xf32> to vector<8x128xf32>
    %slice3A_769 = vector.extract_strided_slice %get3A_1 {offsets = [0, 98304], sizes = [8, 128], strides = [1, 1]} : vector<8x172032xf32> to vector<8x128xf32>
    %slice3A_770 = vector.extract_strided_slice %get3A_1 {offsets = [0, 98432], sizes = [8, 128], strides = [1, 1]} : vector<8x172032xf32> to vector<8x128xf32>
    %slice3A_771 = vector.extract_strided_slice %get3A_1 {offsets = [0, 98560], sizes = [8, 128], strides = [1, 1]} : vector<8x172032xf32> to vector<8x128xf32>
    %slice3A_772 = vector.extract_strided_slice %get3A_1 {offsets = [0, 98688], sizes = [8, 128], strides = [1, 1]} : vector<8x172032xf32> to vector<8x128xf32>
    %slice3A_773 = vector.extract_strided_slice %get3A_1 {offsets = [0, 98816], sizes = [8, 128], strides = [1, 1]} : vector<8x172032xf32> to vector<8x128xf32>
    %slice3A_774 = vector.extract_strided_slice %get3A_1 {offsets = [0, 98944], sizes = [8, 128], strides = [1, 1]} : vector<8x172032xf32> to vector<8x128xf32>
    %slice3A_775 = vector.extract_strided_slice %get3A_1 {offsets = [0, 99072], sizes = [8, 128], strides = [1, 1]} : vector<8x172032xf32> to vector<8x128xf32>
    %slice3A_776 = vector.extract_strided_slice %get3A_1 {offsets = [0, 99200], sizes = [8, 128], strides = [1, 1]} : vector<8x172032xf32> to vector<8x128xf32>
    %slice3A_777 = vector.extract_strided_slice %get3A_1 {offsets = [0, 99328], sizes = [8, 128], strides = [1, 1]} : vector<8x172032xf32> to vector<8x128xf32>
    %slice3A_778 = vector.extract_strided_slice %get3A_1 {offsets = [0, 99456], sizes = [8, 128], strides = [1, 1]} : vector<8x172032xf32> to vector<8x128xf32>
    %slice3A_779 = vector.extract_strided_slice %get3A_1 {offsets = [0, 99584], sizes = [8, 128], strides = [1, 1]} : vector<8x172032xf32> to vector<8x128xf32>
    %slice3A_780 = vector.extract_strided_slice %get3A_1 {offsets = [0, 99712], sizes = [8, 128], strides = [1, 1]} : vector<8x172032xf32> to vector<8x128xf32>
    %slice3A_781 = vector.extract_strided_slice %get3A_1 {offsets = [0, 99840], sizes = [8, 128], strides = [1, 1]} : vector<8x172032xf32> to vector<8x128xf32>
    %slice3A_782 = vector.extract_strided_slice %get3A_1 {offsets = [0, 99968], sizes = [8, 128], strides = [1, 1]} : vector<8x172032xf32> to vector<8x128xf32>
    %slice3A_783 = vector.extract_strided_slice %get3A_1 {offsets = [0, 100096], sizes = [8, 128], strides = [1, 1]} : vector<8x172032xf32> to vector<8x128xf32>
    %slice3A_784 = vector.extract_strided_slice %get3A_1 {offsets = [0, 100224], sizes = [8, 128], strides = [1, 1]} : vector<8x172032xf32> to vector<8x128xf32>
    %slice3A_785 = vector.extract_strided_slice %get3A_1 {offsets = [0, 100352], sizes = [8, 128], strides = [1, 1]} : vector<8x172032xf32> to vector<8x128xf32>
    %slice3A_786 = vector.extract_strided_slice %get3A_1 {offsets = [0, 100480], sizes = [8, 128], strides = [1, 1]} : vector<8x172032xf32> to vector<8x128xf32>
    %slice3A_787 = vector.extract_strided_slice %get3A_1 {offsets = [0, 100608], sizes = [8, 128], strides = [1, 1]} : vector<8x172032xf32> to vector<8x128xf32>
    %slice3A_788 = vector.extract_strided_slice %get3A_1 {offsets = [0, 100736], sizes = [8, 128], strides = [1, 1]} : vector<8x172032xf32> to vector<8x128xf32>
    %slice3A_789 = vector.extract_strided_slice %get3A_1 {offsets = [0, 100864], sizes = [8, 128], strides = [1, 1]} : vector<8x172032xf32> to vector<8x128xf32>
    %slice3A_790 = vector.extract_strided_slice %get3A_1 {offsets = [0, 100992], sizes = [8, 128], strides = [1, 1]} : vector<8x172032xf32> to vector<8x128xf32>
    %slice3A_791 = vector.extract_strided_slice %get3A_1 {offsets = [0, 101120], sizes = [8, 128], strides = [1, 1]} : vector<8x172032xf32> to vector<8x128xf32>
    %slice3A_792 = vector.extract_strided_slice %get3A_1 {offsets = [0, 101248], sizes = [8, 128], strides = [1, 1]} : vector<8x172032xf32> to vector<8x128xf32>
    %slice3A_793 = vector.extract_strided_slice %get3A_1 {offsets = [0, 101376], sizes = [8, 128], strides = [1, 1]} : vector<8x172032xf32> to vector<8x128xf32>
    %slice3A_794 = vector.extract_strided_slice %get3A_1 {offsets = [0, 101504], sizes = [8, 128], strides = [1, 1]} : vector<8x172032xf32> to vector<8x128xf32>
    %slice3A_795 = vector.extract_strided_slice %get3A_1 {offsets = [0, 101632], sizes = [8, 128], strides = [1, 1]} : vector<8x172032xf32> to vector<8x128xf32>
    %slice3A_796 = vector.extract_strided_slice %get3A_1 {offsets = [0, 101760], sizes = [8, 128], strides = [1, 1]} : vector<8x172032xf32> to vector<8x128xf32>
    %slice3A_797 = vector.extract_strided_slice %get3A_1 {offsets = [0, 101888], sizes = [8, 128], strides = [1, 1]} : vector<8x172032xf32> to vector<8x128xf32>
    %slice3A_798 = vector.extract_strided_slice %get3A_1 {offsets = [0, 102016], sizes = [8, 128], strides = [1, 1]} : vector<8x172032xf32> to vector<8x128xf32>
    %slice3A_799 = vector.extract_strided_slice %get3A_1 {offsets = [0, 102144], sizes = [8, 128], strides = [1, 1]} : vector<8x172032xf32> to vector<8x128xf32>
    %slice3A_800 = vector.extract_strided_slice %get3A_1 {offsets = [0, 102272], sizes = [8, 128], strides = [1, 1]} : vector<8x172032xf32> to vector<8x128xf32>
    %slice3A_801 = vector.extract_strided_slice %get3A_1 {offsets = [0, 102400], sizes = [8, 128], strides = [1, 1]} : vector<8x172032xf32> to vector<8x128xf32>
    %slice3A_802 = vector.extract_strided_slice %get3A_1 {offsets = [0, 102528], sizes = [8, 128], strides = [1, 1]} : vector<8x172032xf32> to vector<8x128xf32>
    %slice3A_803 = vector.extract_strided_slice %get3A_1 {offsets = [0, 102656], sizes = [8, 128], strides = [1, 1]} : vector<8x172032xf32> to vector<8x128xf32>
    %slice3A_804 = vector.extract_strided_slice %get3A_1 {offsets = [0, 102784], sizes = [8, 128], strides = [1, 1]} : vector<8x172032xf32> to vector<8x128xf32>
    %slice3A_805 = vector.extract_strided_slice %get3A_1 {offsets = [0, 102912], sizes = [8, 128], strides = [1, 1]} : vector<8x172032xf32> to vector<8x128xf32>
    %slice3A_806 = vector.extract_strided_slice %get3A_1 {offsets = [0, 103040], sizes = [8, 128], strides = [1, 1]} : vector<8x172032xf32> to vector<8x128xf32>
    %slice3A_807 = vector.extract_strided_slice %get3A_1 {offsets = [0, 103168], sizes = [8, 128], strides = [1, 1]} : vector<8x172032xf32> to vector<8x128xf32>
    %slice3A_808 = vector.extract_strided_slice %get3A_1 {offsets = [0, 103296], sizes = [8, 128], strides = [1, 1]} : vector<8x172032xf32> to vector<8x128xf32>
    %slice3A_809 = vector.extract_strided_slice %get3A_1 {offsets = [0, 103424], sizes = [8, 128], strides = [1, 1]} : vector<8x172032xf32> to vector<8x128xf32>
    %slice3A_810 = vector.extract_strided_slice %get3A_1 {offsets = [0, 103552], sizes = [8, 128], strides = [1, 1]} : vector<8x172032xf32> to vector<8x128xf32>
    %slice3A_811 = vector.extract_strided_slice %get3A_1 {offsets = [0, 103680], sizes = [8, 128], strides = [1, 1]} : vector<8x172032xf32> to vector<8x128xf32>
    %slice3A_812 = vector.extract_strided_slice %get3A_1 {offsets = [0, 103808], sizes = [8, 128], strides = [1, 1]} : vector<8x172032xf32> to vector<8x128xf32>
    %slice3A_813 = vector.extract_strided_slice %get3A_1 {offsets = [0, 103936], sizes = [8, 128], strides = [1, 1]} : vector<8x172032xf32> to vector<8x128xf32>
    %slice3A_814 = vector.extract_strided_slice %get3A_1 {offsets = [0, 104064], sizes = [8, 128], strides = [1, 1]} : vector<8x172032xf32> to vector<8x128xf32>
    %slice3A_815 = vector.extract_strided_slice %get3A_1 {offsets = [0, 104192], sizes = [8, 128], strides = [1, 1]} : vector<8x172032xf32> to vector<8x128xf32>
    %slice3A_816 = vector.extract_strided_slice %get3A_1 {offsets = [0, 104320], sizes = [8, 128], strides = [1, 1]} : vector<8x172032xf32> to vector<8x128xf32>
    %slice3A_817 = vector.extract_strided_slice %get3A_1 {offsets = [0, 104448], sizes = [8, 128], strides = [1, 1]} : vector<8x172032xf32> to vector<8x128xf32>
    %slice3A_818 = vector.extract_strided_slice %get3A_1 {offsets = [0, 104576], sizes = [8, 128], strides = [1, 1]} : vector<8x172032xf32> to vector<8x128xf32>
    %slice3A_819 = vector.extract_strided_slice %get3A_1 {offsets = [0, 104704], sizes = [8, 128], strides = [1, 1]} : vector<8x172032xf32> to vector<8x128xf32>
    %slice3A_820 = vector.extract_strided_slice %get3A_1 {offsets = [0, 104832], sizes = [8, 128], strides = [1, 1]} : vector<8x172032xf32> to vector<8x128xf32>
    %slice3A_821 = vector.extract_strided_slice %get3A_1 {offsets = [0, 104960], sizes = [8, 128], strides = [1, 1]} : vector<8x172032xf32> to vector<8x128xf32>
    %slice3A_822 = vector.extract_strided_slice %get3A_1 {offsets = [0, 105088], sizes = [8, 128], strides = [1, 1]} : vector<8x172032xf32> to vector<8x128xf32>
    %slice3A_823 = vector.extract_strided_slice %get3A_1 {offsets = [0, 105216], sizes = [8, 128], strides = [1, 1]} : vector<8x172032xf32> to vector<8x128xf32>
    %slice3A_824 = vector.extract_strided_slice %get3A_1 {offsets = [0, 105344], sizes = [8, 128], strides = [1, 1]} : vector<8x172032xf32> to vector<8x128xf32>
    %slice3A_825 = vector.extract_strided_slice %get3A_1 {offsets = [0, 105472], sizes = [8, 128], strides = [1, 1]} : vector<8x172032xf32> to vector<8x128xf32>
    %slice3A_826 = vector.extract_strided_slice %get3A_1 {offsets = [0, 105600], sizes = [8, 128], strides = [1, 1]} : vector<8x172032xf32> to vector<8x128xf32>
    %slice3A_827 = vector.extract_strided_slice %get3A_1 {offsets = [0, 105728], sizes = [8, 128], strides = [1, 1]} : vector<8x172032xf32> to vector<8x128xf32>
    %slice3A_828 = vector.extract_strided_slice %get3A_1 {offsets = [0, 105856], sizes = [8, 128], strides = [1, 1]} : vector<8x172032xf32> to vector<8x128xf32>
    %slice3A_829 = vector.extract_strided_slice %get3A_1 {offsets = [0, 105984], sizes = [8, 128], strides = [1, 1]} : vector<8x172032xf32> to vector<8x128xf32>
    %slice3A_830 = vector.extract_strided_slice %get3A_1 {offsets = [0, 106112], sizes = [8, 128], strides = [1, 1]} : vector<8x172032xf32> to vector<8x128xf32>
    %slice3A_831 = vector.extract_strided_slice %get3A_1 {offsets = [0, 106240], sizes = [8, 128], strides = [1, 1]} : vector<8x172032xf32> to vector<8x128xf32>
    %slice3A_832 = vector.extract_strided_slice %get3A_1 {offsets = [0, 106368], sizes = [8, 128], strides = [1, 1]} : vector<8x172032xf32> to vector<8x128xf32>
    %slice3A_833 = vector.extract_strided_slice %get3A_1 {offsets = [0, 106496], sizes = [8, 128], strides = [1, 1]} : vector<8x172032xf32> to vector<8x128xf32>
    %slice3A_834 = vector.extract_strided_slice %get3A_1 {offsets = [0, 106624], sizes = [8, 128], strides = [1, 1]} : vector<8x172032xf32> to vector<8x128xf32>
    %slice3A_835 = vector.extract_strided_slice %get3A_1 {offsets = [0, 106752], sizes = [8, 128], strides = [1, 1]} : vector<8x172032xf32> to vector<8x128xf32>
    %slice3A_836 = vector.extract_strided_slice %get3A_1 {offsets = [0, 106880], sizes = [8, 128], strides = [1, 1]} : vector<8x172032xf32> to vector<8x128xf32>
    %slice3A_837 = vector.extract_strided_slice %get3A_1 {offsets = [0, 107008], sizes = [8, 128], strides = [1, 1]} : vector<8x172032xf32> to vector<8x128xf32>
    %slice3A_838 = vector.extract_strided_slice %get3A_1 {offsets = [0, 107136], sizes = [8, 128], strides = [1, 1]} : vector<8x172032xf32> to vector<8x128xf32>
    %slice3A_839 = vector.extract_strided_slice %get3A_1 {offsets = [0, 107264], sizes = [8, 128], strides = [1, 1]} : vector<8x172032xf32> to vector<8x128xf32>
    %slice3A_840 = vector.extract_strided_slice %get3A_1 {offsets = [0, 107392], sizes = [8, 128], strides = [1, 1]} : vector<8x172032xf32> to vector<8x128xf32>
    %slice3A_841 = vector.extract_strided_slice %get3A_1 {offsets = [0, 107520], sizes = [8, 128], strides = [1, 1]} : vector<8x172032xf32> to vector<8x128xf32>
    %slice3A_842 = vector.extract_strided_slice %get3A_1 {offsets = [0, 107648], sizes = [8, 128], strides = [1, 1]} : vector<8x172032xf32> to vector<8x128xf32>
    %slice3A_843 = vector.extract_strided_slice %get3A_1 {offsets = [0, 107776], sizes = [8, 128], strides = [1, 1]} : vector<8x172032xf32> to vector<8x128xf32>
    %slice3A_844 = vector.extract_strided_slice %get3A_1 {offsets = [0, 107904], sizes = [8, 128], strides = [1, 1]} : vector<8x172032xf32> to vector<8x128xf32>
    %slice3A_845 = vector.extract_strided_slice %get3A_1 {offsets = [0, 108032], sizes = [8, 128], strides = [1, 1]} : vector<8x172032xf32> to vector<8x128xf32>
    %slice3A_846 = vector.extract_strided_slice %get3A_1 {offsets = [0, 108160], sizes = [8, 128], strides = [1, 1]} : vector<8x172032xf32> to vector<8x128xf32>
    %slice3A_847 = vector.extract_strided_slice %get3A_1 {offsets = [0, 108288], sizes = [8, 128], strides = [1, 1]} : vector<8x172032xf32> to vector<8x128xf32>
    %slice3A_848 = vector.extract_strided_slice %get3A_1 {offsets = [0, 108416], sizes = [8, 128], strides = [1, 1]} : vector<8x172032xf32> to vector<8x128xf32>
    %slice3A_849 = vector.extract_strided_slice %get3A_1 {offsets = [0, 108544], sizes = [8, 128], strides = [1, 1]} : vector<8x172032xf32> to vector<8x128xf32>
    %slice3A_850 = vector.extract_strided_slice %get3A_1 {offsets = [0, 108672], sizes = [8, 128], strides = [1, 1]} : vector<8x172032xf32> to vector<8x128xf32>
    %slice3A_851 = vector.extract_strided_slice %get3A_1 {offsets = [0, 108800], sizes = [8, 128], strides = [1, 1]} : vector<8x172032xf32> to vector<8x128xf32>
    %slice3A_852 = vector.extract_strided_slice %get3A_1 {offsets = [0, 108928], sizes = [8, 128], strides = [1, 1]} : vector<8x172032xf32> to vector<8x128xf32>
    %slice3A_853 = vector.extract_strided_slice %get3A_1 {offsets = [0, 109056], sizes = [8, 128], strides = [1, 1]} : vector<8x172032xf32> to vector<8x128xf32>
    %slice3A_854 = vector.extract_strided_slice %get3A_1 {offsets = [0, 109184], sizes = [8, 128], strides = [1, 1]} : vector<8x172032xf32> to vector<8x128xf32>
    %slice3A_855 = vector.extract_strided_slice %get3A_1 {offsets = [0, 109312], sizes = [8, 128], strides = [1, 1]} : vector<8x172032xf32> to vector<8x128xf32>
    %slice3A_856 = vector.extract_strided_slice %get3A_1 {offsets = [0, 109440], sizes = [8, 128], strides = [1, 1]} : vector<8x172032xf32> to vector<8x128xf32>
    %slice3A_857 = vector.extract_strided_slice %get3A_1 {offsets = [0, 109568], sizes = [8, 128], strides = [1, 1]} : vector<8x172032xf32> to vector<8x128xf32>
    %slice3A_858 = vector.extract_strided_slice %get3A_1 {offsets = [0, 109696], sizes = [8, 128], strides = [1, 1]} : vector<8x172032xf32> to vector<8x128xf32>
    %slice3A_859 = vector.extract_strided_slice %get3A_1 {offsets = [0, 109824], sizes = [8, 128], strides = [1, 1]} : vector<8x172032xf32> to vector<8x128xf32>
    %slice3A_860 = vector.extract_strided_slice %get3A_1 {offsets = [0, 109952], sizes = [8, 128], strides = [1, 1]} : vector<8x172032xf32> to vector<8x128xf32>
    %slice3A_861 = vector.extract_strided_slice %get3A_1 {offsets = [0, 110080], sizes = [8, 128], strides = [1, 1]} : vector<8x172032xf32> to vector<8x128xf32>
    %slice3A_862 = vector.extract_strided_slice %get3A_1 {offsets = [0, 110208], sizes = [8, 128], strides = [1, 1]} : vector<8x172032xf32> to vector<8x128xf32>
    %slice3A_863 = vector.extract_strided_slice %get3A_1 {offsets = [0, 110336], sizes = [8, 128], strides = [1, 1]} : vector<8x172032xf32> to vector<8x128xf32>
    %slice3A_864 = vector.extract_strided_slice %get3A_1 {offsets = [0, 110464], sizes = [8, 128], strides = [1, 1]} : vector<8x172032xf32> to vector<8x128xf32>
    %slice3A_865 = vector.extract_strided_slice %get3A_1 {offsets = [0, 110592], sizes = [8, 128], strides = [1, 1]} : vector<8x172032xf32> to vector<8x128xf32>
    %slice3A_866 = vector.extract_strided_slice %get3A_1 {offsets = [0, 110720], sizes = [8, 128], strides = [1, 1]} : vector<8x172032xf32> to vector<8x128xf32>
    %slice3A_867 = vector.extract_strided_slice %get3A_1 {offsets = [0, 110848], sizes = [8, 128], strides = [1, 1]} : vector<8x172032xf32> to vector<8x128xf32>
    %slice3A_868 = vector.extract_strided_slice %get3A_1 {offsets = [0, 110976], sizes = [8, 128], strides = [1, 1]} : vector<8x172032xf32> to vector<8x128xf32>
    %slice3A_869 = vector.extract_strided_slice %get3A_1 {offsets = [0, 111104], sizes = [8, 128], strides = [1, 1]} : vector<8x172032xf32> to vector<8x128xf32>
    %slice3A_870 = vector.extract_strided_slice %get3A_1 {offsets = [0, 111232], sizes = [8, 128], strides = [1, 1]} : vector<8x172032xf32> to vector<8x128xf32>
    %slice3A_871 = vector.extract_strided_slice %get3A_1 {offsets = [0, 111360], sizes = [8, 128], strides = [1, 1]} : vector<8x172032xf32> to vector<8x128xf32>
    %slice3A_872 = vector.extract_strided_slice %get3A_1 {offsets = [0, 111488], sizes = [8, 128], strides = [1, 1]} : vector<8x172032xf32> to vector<8x128xf32>
    %slice3A_873 = vector.extract_strided_slice %get3A_1 {offsets = [0, 111616], sizes = [8, 128], strides = [1, 1]} : vector<8x172032xf32> to vector<8x128xf32>
    %slice3A_874 = vector.extract_strided_slice %get3A_1 {offsets = [0, 111744], sizes = [8, 128], strides = [1, 1]} : vector<8x172032xf32> to vector<8x128xf32>
    %slice3A_875 = vector.extract_strided_slice %get3A_1 {offsets = [0, 111872], sizes = [8, 128], strides = [1, 1]} : vector<8x172032xf32> to vector<8x128xf32>
    %slice3A_876 = vector.extract_strided_slice %get3A_1 {offsets = [0, 112000], sizes = [8, 128], strides = [1, 1]} : vector<8x172032xf32> to vector<8x128xf32>
    %slice3A_877 = vector.extract_strided_slice %get3A_1 {offsets = [0, 112128], sizes = [8, 128], strides = [1, 1]} : vector<8x172032xf32> to vector<8x128xf32>
    %slice3A_878 = vector.extract_strided_slice %get3A_1 {offsets = [0, 112256], sizes = [8, 128], strides = [1, 1]} : vector<8x172032xf32> to vector<8x128xf32>
    %slice3A_879 = vector.extract_strided_slice %get3A_1 {offsets = [0, 112384], sizes = [8, 128], strides = [1, 1]} : vector<8x172032xf32> to vector<8x128xf32>
    %slice3A_880 = vector.extract_strided_slice %get3A_1 {offsets = [0, 112512], sizes = [8, 128], strides = [1, 1]} : vector<8x172032xf32> to vector<8x128xf32>
    %slice3A_881 = vector.extract_strided_slice %get3A_1 {offsets = [0, 112640], sizes = [8, 128], strides = [1, 1]} : vector<8x172032xf32> to vector<8x128xf32>
    %slice3A_882 = vector.extract_strided_slice %get3A_1 {offsets = [0, 112768], sizes = [8, 128], strides = [1, 1]} : vector<8x172032xf32> to vector<8x128xf32>
    %slice3A_883 = vector.extract_strided_slice %get3A_1 {offsets = [0, 112896], sizes = [8, 128], strides = [1, 1]} : vector<8x172032xf32> to vector<8x128xf32>
    %slice3A_884 = vector.extract_strided_slice %get3A_1 {offsets = [0, 113024], sizes = [8, 128], strides = [1, 1]} : vector<8x172032xf32> to vector<8x128xf32>
    %slice3A_885 = vector.extract_strided_slice %get3A_1 {offsets = [0, 113152], sizes = [8, 128], strides = [1, 1]} : vector<8x172032xf32> to vector<8x128xf32>
    %slice3A_886 = vector.extract_strided_slice %get3A_1 {offsets = [0, 113280], sizes = [8, 128], strides = [1, 1]} : vector<8x172032xf32> to vector<8x128xf32>
    %slice3A_887 = vector.extract_strided_slice %get3A_1 {offsets = [0, 113408], sizes = [8, 128], strides = [1, 1]} : vector<8x172032xf32> to vector<8x128xf32>
    %slice3A_888 = vector.extract_strided_slice %get3A_1 {offsets = [0, 113536], sizes = [8, 128], strides = [1, 1]} : vector<8x172032xf32> to vector<8x128xf32>
    %slice3A_889 = vector.extract_strided_slice %get3A_1 {offsets = [0, 113664], sizes = [8, 128], strides = [1, 1]} : vector<8x172032xf32> to vector<8x128xf32>
    %slice3A_890 = vector.extract_strided_slice %get3A_1 {offsets = [0, 113792], sizes = [8, 128], strides = [1, 1]} : vector<8x172032xf32> to vector<8x128xf32>
    %slice3A_891 = vector.extract_strided_slice %get3A_1 {offsets = [0, 113920], sizes = [8, 128], strides = [1, 1]} : vector<8x172032xf32> to vector<8x128xf32>
    %slice3A_892 = vector.extract_strided_slice %get3A_1 {offsets = [0, 114048], sizes = [8, 128], strides = [1, 1]} : vector<8x172032xf32> to vector<8x128xf32>
    %slice3A_893 = vector.extract_strided_slice %get3A_1 {offsets = [0, 114176], sizes = [8, 128], strides = [1, 1]} : vector<8x172032xf32> to vector<8x128xf32>
    %slice3A_894 = vector.extract_strided_slice %get3A_1 {offsets = [0, 114304], sizes = [8, 128], strides = [1, 1]} : vector<8x172032xf32> to vector<8x128xf32>
    %slice3A_895 = vector.extract_strided_slice %get3A_1 {offsets = [0, 114432], sizes = [8, 128], strides = [1, 1]} : vector<8x172032xf32> to vector<8x128xf32>
    %slice3A_896 = vector.extract_strided_slice %get3A_1 {offsets = [0, 114560], sizes = [8, 128], strides = [1, 1]} : vector<8x172032xf32> to vector<8x128xf32>
    %slice3A_897 = vector.extract_strided_slice %get3A_1 {offsets = [0, 114688], sizes = [8, 128], strides = [1, 1]} : vector<8x172032xf32> to vector<8x128xf32>
    %slice3A_898 = vector.extract_strided_slice %get3A_1 {offsets = [0, 114816], sizes = [8, 128], strides = [1, 1]} : vector<8x172032xf32> to vector<8x128xf32>
    %slice3A_899 = vector.extract_strided_slice %get3A_1 {offsets = [0, 114944], sizes = [8, 128], strides = [1, 1]} : vector<8x172032xf32> to vector<8x128xf32>
    %slice3A_900 = vector.extract_strided_slice %get3A_1 {offsets = [0, 115072], sizes = [8, 128], strides = [1, 1]} : vector<8x172032xf32> to vector<8x128xf32>
    %slice3A_901 = vector.extract_strided_slice %get3A_1 {offsets = [0, 115200], sizes = [8, 128], strides = [1, 1]} : vector<8x172032xf32> to vector<8x128xf32>
    %slice3A_902 = vector.extract_strided_slice %get3A_1 {offsets = [0, 115328], sizes = [8, 128], strides = [1, 1]} : vector<8x172032xf32> to vector<8x128xf32>
    %slice3A_903 = vector.extract_strided_slice %get3A_1 {offsets = [0, 115456], sizes = [8, 128], strides = [1, 1]} : vector<8x172032xf32> to vector<8x128xf32>
    %slice3A_904 = vector.extract_strided_slice %get3A_1 {offsets = [0, 115584], sizes = [8, 128], strides = [1, 1]} : vector<8x172032xf32> to vector<8x128xf32>
    %slice3A_905 = vector.extract_strided_slice %get3A_1 {offsets = [0, 115712], sizes = [8, 128], strides = [1, 1]} : vector<8x172032xf32> to vector<8x128xf32>
    %slice3A_906 = vector.extract_strided_slice %get3A_1 {offsets = [0, 115840], sizes = [8, 128], strides = [1, 1]} : vector<8x172032xf32> to vector<8x128xf32>
    %slice3A_907 = vector.extract_strided_slice %get3A_1 {offsets = [0, 115968], sizes = [8, 128], strides = [1, 1]} : vector<8x172032xf32> to vector<8x128xf32>
    %slice3A_908 = vector.extract_strided_slice %get3A_1 {offsets = [0, 116096], sizes = [8, 128], strides = [1, 1]} : vector<8x172032xf32> to vector<8x128xf32>
    %slice3A_909 = vector.extract_strided_slice %get3A_1 {offsets = [0, 116224], sizes = [8, 128], strides = [1, 1]} : vector<8x172032xf32> to vector<8x128xf32>
    %slice3A_910 = vector.extract_strided_slice %get3A_1 {offsets = [0, 116352], sizes = [8, 128], strides = [1, 1]} : vector<8x172032xf32> to vector<8x128xf32>
    %slice3A_911 = vector.extract_strided_slice %get3A_1 {offsets = [0, 116480], sizes = [8, 128], strides = [1, 1]} : vector<8x172032xf32> to vector<8x128xf32>
    %slice3A_912 = vector.extract_strided_slice %get3A_1 {offsets = [0, 116608], sizes = [8, 128], strides = [1, 1]} : vector<8x172032xf32> to vector<8x128xf32>
    %slice3A_913 = vector.extract_strided_slice %get3A_1 {offsets = [0, 116736], sizes = [8, 128], strides = [1, 1]} : vector<8x172032xf32> to vector<8x128xf32>
    %slice3A_914 = vector.extract_strided_slice %get3A_1 {offsets = [0, 116864], sizes = [8, 128], strides = [1, 1]} : vector<8x172032xf32> to vector<8x128xf32>
    %slice3A_915 = vector.extract_strided_slice %get3A_1 {offsets = [0, 116992], sizes = [8, 128], strides = [1, 1]} : vector<8x172032xf32> to vector<8x128xf32>
    %slice3A_916 = vector.extract_strided_slice %get3A_1 {offsets = [0, 117120], sizes = [8, 128], strides = [1, 1]} : vector<8x172032xf32> to vector<8x128xf32>
    %slice3A_917 = vector.extract_strided_slice %get3A_1 {offsets = [0, 117248], sizes = [8, 128], strides = [1, 1]} : vector<8x172032xf32> to vector<8x128xf32>
    %slice3A_918 = vector.extract_strided_slice %get3A_1 {offsets = [0, 117376], sizes = [8, 128], strides = [1, 1]} : vector<8x172032xf32> to vector<8x128xf32>
    %slice3A_919 = vector.extract_strided_slice %get3A_1 {offsets = [0, 117504], sizes = [8, 128], strides = [1, 1]} : vector<8x172032xf32> to vector<8x128xf32>
    %slice3A_920 = vector.extract_strided_slice %get3A_1 {offsets = [0, 117632], sizes = [8, 128], strides = [1, 1]} : vector<8x172032xf32> to vector<8x128xf32>
    %slice3A_921 = vector.extract_strided_slice %get3A_1 {offsets = [0, 117760], sizes = [8, 128], strides = [1, 1]} : vector<8x172032xf32> to vector<8x128xf32>
    %slice3A_922 = vector.extract_strided_slice %get3A_1 {offsets = [0, 117888], sizes = [8, 128], strides = [1, 1]} : vector<8x172032xf32> to vector<8x128xf32>
    %slice3A_923 = vector.extract_strided_slice %get3A_1 {offsets = [0, 118016], sizes = [8, 128], strides = [1, 1]} : vector<8x172032xf32> to vector<8x128xf32>
    %slice3A_924 = vector.extract_strided_slice %get3A_1 {offsets = [0, 118144], sizes = [8, 128], strides = [1, 1]} : vector<8x172032xf32> to vector<8x128xf32>
    %slice3A_925 = vector.extract_strided_slice %get3A_1 {offsets = [0, 118272], sizes = [8, 128], strides = [1, 1]} : vector<8x172032xf32> to vector<8x128xf32>
    %slice3A_926 = vector.extract_strided_slice %get3A_1 {offsets = [0, 118400], sizes = [8, 128], strides = [1, 1]} : vector<8x172032xf32> to vector<8x128xf32>
    %slice3A_927 = vector.extract_strided_slice %get3A_1 {offsets = [0, 118528], sizes = [8, 128], strides = [1, 1]} : vector<8x172032xf32> to vector<8x128xf32>
    %slice3A_928 = vector.extract_strided_slice %get3A_1 {offsets = [0, 118656], sizes = [8, 128], strides = [1, 1]} : vector<8x172032xf32> to vector<8x128xf32>
    %slice3A_929 = vector.extract_strided_slice %get3A_1 {offsets = [0, 118784], sizes = [8, 128], strides = [1, 1]} : vector<8x172032xf32> to vector<8x128xf32>
    %slice3A_930 = vector.extract_strided_slice %get3A_1 {offsets = [0, 118912], sizes = [8, 128], strides = [1, 1]} : vector<8x172032xf32> to vector<8x128xf32>
    %slice3A_931 = vector.extract_strided_slice %get3A_1 {offsets = [0, 119040], sizes = [8, 128], strides = [1, 1]} : vector<8x172032xf32> to vector<8x128xf32>
    %slice3A_932 = vector.extract_strided_slice %get3A_1 {offsets = [0, 119168], sizes = [8, 128], strides = [1, 1]} : vector<8x172032xf32> to vector<8x128xf32>
    %slice3A_933 = vector.extract_strided_slice %get3A_1 {offsets = [0, 119296], sizes = [8, 128], strides = [1, 1]} : vector<8x172032xf32> to vector<8x128xf32>
    %slice3A_934 = vector.extract_strided_slice %get3A_1 {offsets = [0, 119424], sizes = [8, 128], strides = [1, 1]} : vector<8x172032xf32> to vector<8x128xf32>
    %slice3A_935 = vector.extract_strided_slice %get3A_1 {offsets = [0, 119552], sizes = [8, 128], strides = [1, 1]} : vector<8x172032xf32> to vector<8x128xf32>
    %slice3A_936 = vector.extract_strided_slice %get3A_1 {offsets = [0, 119680], sizes = [8, 128], strides = [1, 1]} : vector<8x172032xf32> to vector<8x128xf32>
    %slice3A_937 = vector.extract_strided_slice %get3A_1 {offsets = [0, 119808], sizes = [8, 128], strides = [1, 1]} : vector<8x172032xf32> to vector<8x128xf32>
    %slice3A_938 = vector.extract_strided_slice %get3A_1 {offsets = [0, 119936], sizes = [8, 128], strides = [1, 1]} : vector<8x172032xf32> to vector<8x128xf32>
    %slice3A_939 = vector.extract_strided_slice %get3A_1 {offsets = [0, 120064], sizes = [8, 128], strides = [1, 1]} : vector<8x172032xf32> to vector<8x128xf32>
    %slice3A_940 = vector.extract_strided_slice %get3A_1 {offsets = [0, 120192], sizes = [8, 128], strides = [1, 1]} : vector<8x172032xf32> to vector<8x128xf32>
    %slice3A_941 = vector.extract_strided_slice %get3A_1 {offsets = [0, 120320], sizes = [8, 128], strides = [1, 1]} : vector<8x172032xf32> to vector<8x128xf32>
    %slice3A_942 = vector.extract_strided_slice %get3A_1 {offsets = [0, 120448], sizes = [8, 128], strides = [1, 1]} : vector<8x172032xf32> to vector<8x128xf32>
    %slice3A_943 = vector.extract_strided_slice %get3A_1 {offsets = [0, 120576], sizes = [8, 128], strides = [1, 1]} : vector<8x172032xf32> to vector<8x128xf32>
    %slice3A_944 = vector.extract_strided_slice %get3A_1 {offsets = [0, 120704], sizes = [8, 128], strides = [1, 1]} : vector<8x172032xf32> to vector<8x128xf32>
    %slice3A_945 = vector.extract_strided_slice %get3A_1 {offsets = [0, 120832], sizes = [8, 128], strides = [1, 1]} : vector<8x172032xf32> to vector<8x128xf32>
    %slice3A_946 = vector.extract_strided_slice %get3A_1 {offsets = [0, 120960], sizes = [8, 128], strides = [1, 1]} : vector<8x172032xf32> to vector<8x128xf32>
    %slice3A_947 = vector.extract_strided_slice %get3A_1 {offsets = [0, 121088], sizes = [8, 128], strides = [1, 1]} : vector<8x172032xf32> to vector<8x128xf32>
    %slice3A_948 = vector.extract_strided_slice %get3A_1 {offsets = [0, 121216], sizes = [8, 128], strides = [1, 1]} : vector<8x172032xf32> to vector<8x128xf32>
    %slice3A_949 = vector.extract_strided_slice %get3A_1 {offsets = [0, 121344], sizes = [8, 128], strides = [1, 1]} : vector<8x172032xf32> to vector<8x128xf32>
    %slice3A_950 = vector.extract_strided_slice %get3A_1 {offsets = [0, 121472], sizes = [8, 128], strides = [1, 1]} : vector<8x172032xf32> to vector<8x128xf32>
    %slice3A_951 = vector.extract_strided_slice %get3A_1 {offsets = [0, 121600], sizes = [8, 128], strides = [1, 1]} : vector<8x172032xf32> to vector<8x128xf32>
    %slice3A_952 = vector.extract_strided_slice %get3A_1 {offsets = [0, 121728], sizes = [8, 128], strides = [1, 1]} : vector<8x172032xf32> to vector<8x128xf32>
    %slice3A_953 = vector.extract_strided_slice %get3A_1 {offsets = [0, 121856], sizes = [8, 128], strides = [1, 1]} : vector<8x172032xf32> to vector<8x128xf32>
    %slice3A_954 = vector.extract_strided_slice %get3A_1 {offsets = [0, 121984], sizes = [8, 128], strides = [1, 1]} : vector<8x172032xf32> to vector<8x128xf32>
    %slice3A_955 = vector.extract_strided_slice %get3A_1 {offsets = [0, 122112], sizes = [8, 128], strides = [1, 1]} : vector<8x172032xf32> to vector<8x128xf32>
    %slice3A_956 = vector.extract_strided_slice %get3A_1 {offsets = [0, 122240], sizes = [8, 128], strides = [1, 1]} : vector<8x172032xf32> to vector<8x128xf32>
    %slice3A_957 = vector.extract_strided_slice %get3A_1 {offsets = [0, 122368], sizes = [8, 128], strides = [1, 1]} : vector<8x172032xf32> to vector<8x128xf32>
    %slice3A_958 = vector.extract_strided_slice %get3A_1 {offsets = [0, 122496], sizes = [8, 128], strides = [1, 1]} : vector<8x172032xf32> to vector<8x128xf32>
    %slice3A_959 = vector.extract_strided_slice %get3A_1 {offsets = [0, 122624], sizes = [8, 128], strides = [1, 1]} : vector<8x172032xf32> to vector<8x128xf32>
    %slice3A_960 = vector.extract_strided_slice %get3A_1 {offsets = [0, 122752], sizes = [8, 128], strides = [1, 1]} : vector<8x172032xf32> to vector<8x128xf32>
    %slice3A_961 = vector.extract_strided_slice %get3A_1 {offsets = [0, 122880], sizes = [8, 128], strides = [1, 1]} : vector<8x172032xf32> to vector<8x128xf32>
    %slice3A_962 = vector.extract_strided_slice %get3A_1 {offsets = [0, 123008], sizes = [8, 128], strides = [1, 1]} : vector<8x172032xf32> to vector<8x128xf32>
    %slice3A_963 = vector.extract_strided_slice %get3A_1 {offsets = [0, 123136], sizes = [8, 128], strides = [1, 1]} : vector<8x172032xf32> to vector<8x128xf32>
    %slice3A_964 = vector.extract_strided_slice %get3A_1 {offsets = [0, 123264], sizes = [8, 128], strides = [1, 1]} : vector<8x172032xf32> to vector<8x128xf32>
    %slice3A_965 = vector.extract_strided_slice %get3A_1 {offsets = [0, 123392], sizes = [8, 128], strides = [1, 1]} : vector<8x172032xf32> to vector<8x128xf32>
    %slice3A_966 = vector.extract_strided_slice %get3A_1 {offsets = [0, 123520], sizes = [8, 128], strides = [1, 1]} : vector<8x172032xf32> to vector<8x128xf32>
    %slice3A_967 = vector.extract_strided_slice %get3A_1 {offsets = [0, 123648], sizes = [8, 128], strides = [1, 1]} : vector<8x172032xf32> to vector<8x128xf32>
    %slice3A_968 = vector.extract_strided_slice %get3A_1 {offsets = [0, 123776], sizes = [8, 128], strides = [1, 1]} : vector<8x172032xf32> to vector<8x128xf32>
    %slice3A_969 = vector.extract_strided_slice %get3A_1 {offsets = [0, 123904], sizes = [8, 128], strides = [1, 1]} : vector<8x172032xf32> to vector<8x128xf32>
    %slice3A_970 = vector.extract_strided_slice %get3A_1 {offsets = [0, 124032], sizes = [8, 128], strides = [1, 1]} : vector<8x172032xf32> to vector<8x128xf32>
    %slice3A_971 = vector.extract_strided_slice %get3A_1 {offsets = [0, 124160], sizes = [8, 128], strides = [1, 1]} : vector<8x172032xf32> to vector<8x128xf32>
    %slice3A_972 = vector.extract_strided_slice %get3A_1 {offsets = [0, 124288], sizes = [8, 128], strides = [1, 1]} : vector<8x172032xf32> to vector<8x128xf32>
    %slice3A_973 = vector.extract_strided_slice %get3A_1 {offsets = [0, 124416], sizes = [8, 128], strides = [1, 1]} : vector<8x172032xf32> to vector<8x128xf32>
    %slice3A_974 = vector.extract_strided_slice %get3A_1 {offsets = [0, 124544], sizes = [8, 128], strides = [1, 1]} : vector<8x172032xf32> to vector<8x128xf32>
    %slice3A_975 = vector.extract_strided_slice %get3A_1 {offsets = [0, 124672], sizes = [8, 128], strides = [1, 1]} : vector<8x172032xf32> to vector<8x128xf32>
    %slice3A_976 = vector.extract_strided_slice %get3A_1 {offsets = [0, 124800], sizes = [8, 128], strides = [1, 1]} : vector<8x172032xf32> to vector<8x128xf32>
    %slice3A_977 = vector.extract_strided_slice %get3A_1 {offsets = [0, 124928], sizes = [8, 128], strides = [1, 1]} : vector<8x172032xf32> to vector<8x128xf32>
    %slice3A_978 = vector.extract_strided_slice %get3A_1 {offsets = [0, 125056], sizes = [8, 128], strides = [1, 1]} : vector<8x172032xf32> to vector<8x128xf32>
    %slice3A_979 = vector.extract_strided_slice %get3A_1 {offsets = [0, 125184], sizes = [8, 128], strides = [1, 1]} : vector<8x172032xf32> to vector<8x128xf32>
    %slice3A_980 = vector.extract_strided_slice %get3A_1 {offsets = [0, 125312], sizes = [8, 128], strides = [1, 1]} : vector<8x172032xf32> to vector<8x128xf32>
    %slice3A_981 = vector.extract_strided_slice %get3A_1 {offsets = [0, 125440], sizes = [8, 128], strides = [1, 1]} : vector<8x172032xf32> to vector<8x128xf32>
    %slice3A_982 = vector.extract_strided_slice %get3A_1 {offsets = [0, 125568], sizes = [8, 128], strides = [1, 1]} : vector<8x172032xf32> to vector<8x128xf32>
    %slice3A_983 = vector.extract_strided_slice %get3A_1 {offsets = [0, 125696], sizes = [8, 128], strides = [1, 1]} : vector<8x172032xf32> to vector<8x128xf32>
    %slice3A_984 = vector.extract_strided_slice %get3A_1 {offsets = [0, 125824], sizes = [8, 128], strides = [1, 1]} : vector<8x172032xf32> to vector<8x128xf32>
    %slice3A_985 = vector.extract_strided_slice %get3A_1 {offsets = [0, 125952], sizes = [8, 128], strides = [1, 1]} : vector<8x172032xf32> to vector<8x128xf32>
    %slice3A_986 = vector.extract_strided_slice %get3A_1 {offsets = [0, 126080], sizes = [8, 128], strides = [1, 1]} : vector<8x172032xf32> to vector<8x128xf32>
    %slice3A_987 = vector.extract_strided_slice %get3A_1 {offsets = [0, 126208], sizes = [8, 128], strides = [1, 1]} : vector<8x172032xf32> to vector<8x128xf32>
    %slice3A_988 = vector.extract_strided_slice %get3A_1 {offsets = [0, 126336], sizes = [8, 128], strides = [1, 1]} : vector<8x172032xf32> to vector<8x128xf32>
    %slice3A_989 = vector.extract_strided_slice %get3A_1 {offsets = [0, 126464], sizes = [8, 128], strides = [1, 1]} : vector<8x172032xf32> to vector<8x128xf32>
    %slice3A_990 = vector.extract_strided_slice %get3A_1 {offsets = [0, 126592], sizes = [8, 128], strides = [1, 1]} : vector<8x172032xf32> to vector<8x128xf32>
    %slice3A_991 = vector.extract_strided_slice %get3A_1 {offsets = [0, 126720], sizes = [8, 128], strides = [1, 1]} : vector<8x172032xf32> to vector<8x128xf32>
    %slice3A_992 = vector.extract_strided_slice %get3A_1 {offsets = [0, 126848], sizes = [8, 128], strides = [1, 1]} : vector<8x172032xf32> to vector<8x128xf32>
    %slice3A_993 = vector.extract_strided_slice %get3A_1 {offsets = [0, 126976], sizes = [8, 128], strides = [1, 1]} : vector<8x172032xf32> to vector<8x128xf32>
    %slice3A_994 = vector.extract_strided_slice %get3A_1 {offsets = [0, 127104], sizes = [8, 128], strides = [1, 1]} : vector<8x172032xf32> to vector<8x128xf32>
    %slice3A_995 = vector.extract_strided_slice %get3A_1 {offsets = [0, 127232], sizes = [8, 128], strides = [1, 1]} : vector<8x172032xf32> to vector<8x128xf32>
    %slice3A_996 = vector.extract_strided_slice %get3A_1 {offsets = [0, 127360], sizes = [8, 128], strides = [1, 1]} : vector<8x172032xf32> to vector<8x128xf32>
    %slice3A_997 = vector.extract_strided_slice %get3A_1 {offsets = [0, 127488], sizes = [8, 128], strides = [1, 1]} : vector<8x172032xf32> to vector<8x128xf32>
    %slice3A_998 = vector.extract_strided_slice %get3A_1 {offsets = [0, 127616], sizes = [8, 128], strides = [1, 1]} : vector<8x172032xf32> to vector<8x128xf32>
    %slice3A_999 = vector.extract_strided_slice %get3A_1 {offsets = [0, 127744], sizes = [8, 128], strides = [1, 1]} : vector<8x172032xf32> to vector<8x128xf32>
    %slice3A_1000 = vector.extract_strided_slice %get3A_1 {offsets = [0, 127872], sizes = [8, 128], strides = [1, 1]} : vector<8x172032xf32> to vector<8x128xf32>
    %slice3A_1001 = vector.extract_strided_slice %get3A_1 {offsets = [0, 128000], sizes = [8, 128], strides = [1, 1]} : vector<8x172032xf32> to vector<8x128xf32>
    %slice3A_1002 = vector.extract_strided_slice %get3A_1 {offsets = [0, 128128], sizes = [8, 128], strides = [1, 1]} : vector<8x172032xf32> to vector<8x128xf32>
    %slice3A_1003 = vector.extract_strided_slice %get3A_1 {offsets = [0, 128256], sizes = [8, 128], strides = [1, 1]} : vector<8x172032xf32> to vector<8x128xf32>
    %slice3A_1004 = vector.extract_strided_slice %get3A_1 {offsets = [0, 128384], sizes = [8, 128], strides = [1, 1]} : vector<8x172032xf32> to vector<8x128xf32>
    %slice3A_1005 = vector.extract_strided_slice %get3A_1 {offsets = [0, 128512], sizes = [8, 128], strides = [1, 1]} : vector<8x172032xf32> to vector<8x128xf32>
    %slice3A_1006 = vector.extract_strided_slice %get3A_1 {offsets = [0, 128640], sizes = [8, 128], strides = [1, 1]} : vector<8x172032xf32> to vector<8x128xf32>
    %slice3A_1007 = vector.extract_strided_slice %get3A_1 {offsets = [0, 128768], sizes = [8, 128], strides = [1, 1]} : vector<8x172032xf32> to vector<8x128xf32>
    %slice3A_1008 = vector.extract_strided_slice %get3A_1 {offsets = [0, 128896], sizes = [8, 128], strides = [1, 1]} : vector<8x172032xf32> to vector<8x128xf32>
    %slice3A_1009 = vector.extract_strided_slice %get3A_1 {offsets = [0, 129024], sizes = [8, 128], strides = [1, 1]} : vector<8x172032xf32> to vector<8x128xf32>
    %slice3A_1010 = vector.extract_strided_slice %get3A_1 {offsets = [0, 129152], sizes = [8, 128], strides = [1, 1]} : vector<8x172032xf32> to vector<8x128xf32>
    %slice3A_1011 = vector.extract_strided_slice %get3A_1 {offsets = [0, 129280], sizes = [8, 128], strides = [1, 1]} : vector<8x172032xf32> to vector<8x128xf32>
    %slice3A_1012 = vector.extract_strided_slice %get3A_1 {offsets = [0, 129408], sizes = [8, 128], strides = [1, 1]} : vector<8x172032xf32> to vector<8x128xf32>
    %slice3A_1013 = vector.extract_strided_slice %get3A_1 {offsets = [0, 129536], sizes = [8, 128], strides = [1, 1]} : vector<8x172032xf32> to vector<8x128xf32>
    %slice3A_1014 = vector.extract_strided_slice %get3A_1 {offsets = [0, 129664], sizes = [8, 128], strides = [1, 1]} : vector<8x172032xf32> to vector<8x128xf32>
    %slice3A_1015 = vector.extract_strided_slice %get3A_1 {offsets = [0, 129792], sizes = [8, 128], strides = [1, 1]} : vector<8x172032xf32> to vector<8x128xf32>
    %slice3A_1016 = vector.extract_strided_slice %get3A_1 {offsets = [0, 129920], sizes = [8, 128], strides = [1, 1]} : vector<8x172032xf32> to vector<8x128xf32>
    %slice3A_1017 = vector.extract_strided_slice %get3A_1 {offsets = [0, 130048], sizes = [8, 128], strides = [1, 1]} : vector<8x172032xf32> to vector<8x128xf32>
    %slice3A_1018 = vector.extract_strided_slice %get3A_1 {offsets = [0, 130176], sizes = [8, 128], strides = [1, 1]} : vector<8x172032xf32> to vector<8x128xf32>
    %slice3A_1019 = vector.extract_strided_slice %get3A_1 {offsets = [0, 130304], sizes = [8, 128], strides = [1, 1]} : vector<8x172032xf32> to vector<8x128xf32>
    %slice3A_1020 = vector.extract_strided_slice %get3A_1 {offsets = [0, 130432], sizes = [8, 128], strides = [1, 1]} : vector<8x172032xf32> to vector<8x128xf32>
    %slice3A_1021 = vector.extract_strided_slice %get3A_1 {offsets = [0, 130560], sizes = [8, 128], strides = [1, 1]} : vector<8x172032xf32> to vector<8x128xf32>
    %slice3A_1022 = vector.extract_strided_slice %get3A_1 {offsets = [0, 130688], sizes = [8, 128], strides = [1, 1]} : vector<8x172032xf32> to vector<8x128xf32>
    %slice3A_1023 = vector.extract_strided_slice %get3A_1 {offsets = [0, 130816], sizes = [8, 128], strides = [1, 1]} : vector<8x172032xf32> to vector<8x128xf32>
    %slice3A_1024 = vector.extract_strided_slice %get3A_1 {offsets = [0, 130944], sizes = [8, 128], strides = [1, 1]} : vector<8x172032xf32> to vector<8x128xf32>
    %slice3A_1025 = vector.extract_strided_slice %get3A_1 {offsets = [0, 131072], sizes = [8, 128], strides = [1, 1]} : vector<8x172032xf32> to vector<8x128xf32>
    %slice3A_1026 = vector.extract_strided_slice %get3A_1 {offsets = [0, 131200], sizes = [8, 128], strides = [1, 1]} : vector<8x172032xf32> to vector<8x128xf32>
    %slice3A_1027 = vector.extract_strided_slice %get3A_1 {offsets = [0, 131328], sizes = [8, 128], strides = [1, 1]} : vector<8x172032xf32> to vector<8x128xf32>
    %slice3A_1028 = vector.extract_strided_slice %get3A_1 {offsets = [0, 131456], sizes = [8, 128], strides = [1, 1]} : vector<8x172032xf32> to vector<8x128xf32>
    %slice3A_1029 = vector.extract_strided_slice %get3A_1 {offsets = [0, 131584], sizes = [8, 128], strides = [1, 1]} : vector<8x172032xf32> to vector<8x128xf32>
    %slice3A_1030 = vector.extract_strided_slice %get3A_1 {offsets = [0, 131712], sizes = [8, 128], strides = [1, 1]} : vector<8x172032xf32> to vector<8x128xf32>
    %slice3A_1031 = vector.extract_strided_slice %get3A_1 {offsets = [0, 131840], sizes = [8, 128], strides = [1, 1]} : vector<8x172032xf32> to vector<8x128xf32>
    %slice3A_1032 = vector.extract_strided_slice %get3A_1 {offsets = [0, 131968], sizes = [8, 128], strides = [1, 1]} : vector<8x172032xf32> to vector<8x128xf32>
    %slice3A_1033 = vector.extract_strided_slice %get3A_1 {offsets = [0, 132096], sizes = [8, 128], strides = [1, 1]} : vector<8x172032xf32> to vector<8x128xf32>
    %slice3A_1034 = vector.extract_strided_slice %get3A_1 {offsets = [0, 132224], sizes = [8, 128], strides = [1, 1]} : vector<8x172032xf32> to vector<8x128xf32>
    %slice3A_1035 = vector.extract_strided_slice %get3A_1 {offsets = [0, 132352], sizes = [8, 128], strides = [1, 1]} : vector<8x172032xf32> to vector<8x128xf32>
    %slice3A_1036 = vector.extract_strided_slice %get3A_1 {offsets = [0, 132480], sizes = [8, 128], strides = [1, 1]} : vector<8x172032xf32> to vector<8x128xf32>
    %slice3A_1037 = vector.extract_strided_slice %get3A_1 {offsets = [0, 132608], sizes = [8, 128], strides = [1, 1]} : vector<8x172032xf32> to vector<8x128xf32>
    %slice3A_1038 = vector.extract_strided_slice %get3A_1 {offsets = [0, 132736], sizes = [8, 128], strides = [1, 1]} : vector<8x172032xf32> to vector<8x128xf32>
    %slice3A_1039 = vector.extract_strided_slice %get3A_1 {offsets = [0, 132864], sizes = [8, 128], strides = [1, 1]} : vector<8x172032xf32> to vector<8x128xf32>
    %slice3A_1040 = vector.extract_strided_slice %get3A_1 {offsets = [0, 132992], sizes = [8, 128], strides = [1, 1]} : vector<8x172032xf32> to vector<8x128xf32>
    %slice3A_1041 = vector.extract_strided_slice %get3A_1 {offsets = [0, 133120], sizes = [8, 128], strides = [1, 1]} : vector<8x172032xf32> to vector<8x128xf32>
    %slice3A_1042 = vector.extract_strided_slice %get3A_1 {offsets = [0, 133248], sizes = [8, 128], strides = [1, 1]} : vector<8x172032xf32> to vector<8x128xf32>
    %slice3A_1043 = vector.extract_strided_slice %get3A_1 {offsets = [0, 133376], sizes = [8, 128], strides = [1, 1]} : vector<8x172032xf32> to vector<8x128xf32>
    %slice3A_1044 = vector.extract_strided_slice %get3A_1 {offsets = [0, 133504], sizes = [8, 128], strides = [1, 1]} : vector<8x172032xf32> to vector<8x128xf32>
    %slice3A_1045 = vector.extract_strided_slice %get3A_1 {offsets = [0, 133632], sizes = [8, 128], strides = [1, 1]} : vector<8x172032xf32> to vector<8x128xf32>
    %slice3A_1046 = vector.extract_strided_slice %get3A_1 {offsets = [0, 133760], sizes = [8, 128], strides = [1, 1]} : vector<8x172032xf32> to vector<8x128xf32>
    %slice3A_1047 = vector.extract_strided_slice %get3A_1 {offsets = [0, 133888], sizes = [8, 128], strides = [1, 1]} : vector<8x172032xf32> to vector<8x128xf32>
    %slice3A_1048 = vector.extract_strided_slice %get3A_1 {offsets = [0, 134016], sizes = [8, 128], strides = [1, 1]} : vector<8x172032xf32> to vector<8x128xf32>
    %slice3A_1049 = vector.extract_strided_slice %get3A_1 {offsets = [0, 134144], sizes = [8, 128], strides = [1, 1]} : vector<8x172032xf32> to vector<8x128xf32>
    %slice3A_1050 = vector.extract_strided_slice %get3A_1 {offsets = [0, 134272], sizes = [8, 128], strides = [1, 1]} : vector<8x172032xf32> to vector<8x128xf32>
    %slice3A_1051 = vector.extract_strided_slice %get3A_1 {offsets = [0, 134400], sizes = [8, 128], strides = [1, 1]} : vector<8x172032xf32> to vector<8x128xf32>
    %slice3A_1052 = vector.extract_strided_slice %get3A_1 {offsets = [0, 134528], sizes = [8, 128], strides = [1, 1]} : vector<8x172032xf32> to vector<8x128xf32>
    %slice3A_1053 = vector.extract_strided_slice %get3A_1 {offsets = [0, 134656], sizes = [8, 128], strides = [1, 1]} : vector<8x172032xf32> to vector<8x128xf32>
    %slice3A_1054 = vector.extract_strided_slice %get3A_1 {offsets = [0, 134784], sizes = [8, 128], strides = [1, 1]} : vector<8x172032xf32> to vector<8x128xf32>
    %slice3A_1055 = vector.extract_strided_slice %get3A_1 {offsets = [0, 134912], sizes = [8, 128], strides = [1, 1]} : vector<8x172032xf32> to vector<8x128xf32>
    %slice3A_1056 = vector.extract_strided_slice %get3A_1 {offsets = [0, 135040], sizes = [8, 128], strides = [1, 1]} : vector<8x172032xf32> to vector<8x128xf32>
    %slice3A_1057 = vector.extract_strided_slice %get3A_1 {offsets = [0, 135168], sizes = [8, 128], strides = [1, 1]} : vector<8x172032xf32> to vector<8x128xf32>
    %slice3A_1058 = vector.extract_strided_slice %get3A_1 {offsets = [0, 135296], sizes = [8, 128], strides = [1, 1]} : vector<8x172032xf32> to vector<8x128xf32>
    %slice3A_1059 = vector.extract_strided_slice %get3A_1 {offsets = [0, 135424], sizes = [8, 128], strides = [1, 1]} : vector<8x172032xf32> to vector<8x128xf32>
    %slice3A_1060 = vector.extract_strided_slice %get3A_1 {offsets = [0, 135552], sizes = [8, 128], strides = [1, 1]} : vector<8x172032xf32> to vector<8x128xf32>
    %slice3A_1061 = vector.extract_strided_slice %get3A_1 {offsets = [0, 135680], sizes = [8, 128], strides = [1, 1]} : vector<8x172032xf32> to vector<8x128xf32>
    %slice3A_1062 = vector.extract_strided_slice %get3A_1 {offsets = [0, 135808], sizes = [8, 128], strides = [1, 1]} : vector<8x172032xf32> to vector<8x128xf32>
    %slice3A_1063 = vector.extract_strided_slice %get3A_1 {offsets = [0, 135936], sizes = [8, 128], strides = [1, 1]} : vector<8x172032xf32> to vector<8x128xf32>
    %slice3A_1064 = vector.extract_strided_slice %get3A_1 {offsets = [0, 136064], sizes = [8, 128], strides = [1, 1]} : vector<8x172032xf32> to vector<8x128xf32>
    %slice3A_1065 = vector.extract_strided_slice %get3A_1 {offsets = [0, 136192], sizes = [8, 128], strides = [1, 1]} : vector<8x172032xf32> to vector<8x128xf32>
    %slice3A_1066 = vector.extract_strided_slice %get3A_1 {offsets = [0, 136320], sizes = [8, 128], strides = [1, 1]} : vector<8x172032xf32> to vector<8x128xf32>
    %slice3A_1067 = vector.extract_strided_slice %get3A_1 {offsets = [0, 136448], sizes = [8, 128], strides = [1, 1]} : vector<8x172032xf32> to vector<8x128xf32>
    %slice3A_1068 = vector.extract_strided_slice %get3A_1 {offsets = [0, 136576], sizes = [8, 128], strides = [1, 1]} : vector<8x172032xf32> to vector<8x128xf32>
    %slice3A_1069 = vector.extract_strided_slice %get3A_1 {offsets = [0, 136704], sizes = [8, 128], strides = [1, 1]} : vector<8x172032xf32> to vector<8x128xf32>
    %slice3A_1070 = vector.extract_strided_slice %get3A_1 {offsets = [0, 136832], sizes = [8, 128], strides = [1, 1]} : vector<8x172032xf32> to vector<8x128xf32>
    %slice3A_1071 = vector.extract_strided_slice %get3A_1 {offsets = [0, 136960], sizes = [8, 128], strides = [1, 1]} : vector<8x172032xf32> to vector<8x128xf32>
    %slice3A_1072 = vector.extract_strided_slice %get3A_1 {offsets = [0, 137088], sizes = [8, 128], strides = [1, 1]} : vector<8x172032xf32> to vector<8x128xf32>
    %slice3A_1073 = vector.extract_strided_slice %get3A_1 {offsets = [0, 137216], sizes = [8, 128], strides = [1, 1]} : vector<8x172032xf32> to vector<8x128xf32>
    %slice3A_1074 = vector.extract_strided_slice %get3A_1 {offsets = [0, 137344], sizes = [8, 128], strides = [1, 1]} : vector<8x172032xf32> to vector<8x128xf32>
    %slice3A_1075 = vector.extract_strided_slice %get3A_1 {offsets = [0, 137472], sizes = [8, 128], strides = [1, 1]} : vector<8x172032xf32> to vector<8x128xf32>
    %slice3A_1076 = vector.extract_strided_slice %get3A_1 {offsets = [0, 137600], sizes = [8, 128], strides = [1, 1]} : vector<8x172032xf32> to vector<8x128xf32>
    %slice3A_1077 = vector.extract_strided_slice %get3A_1 {offsets = [0, 137728], sizes = [8, 128], strides = [1, 1]} : vector<8x172032xf32> to vector<8x128xf32>
    %slice3A_1078 = vector.extract_strided_slice %get3A_1 {offsets = [0, 137856], sizes = [8, 128], strides = [1, 1]} : vector<8x172032xf32> to vector<8x128xf32>
    %slice3A_1079 = vector.extract_strided_slice %get3A_1 {offsets = [0, 137984], sizes = [8, 128], strides = [1, 1]} : vector<8x172032xf32> to vector<8x128xf32>
    %slice3A_1080 = vector.extract_strided_slice %get3A_1 {offsets = [0, 138112], sizes = [8, 128], strides = [1, 1]} : vector<8x172032xf32> to vector<8x128xf32>
    %slice3A_1081 = vector.extract_strided_slice %get3A_1 {offsets = [0, 138240], sizes = [8, 128], strides = [1, 1]} : vector<8x172032xf32> to vector<8x128xf32>
    %slice3A_1082 = vector.extract_strided_slice %get3A_1 {offsets = [0, 138368], sizes = [8, 128], strides = [1, 1]} : vector<8x172032xf32> to vector<8x128xf32>
    %slice3A_1083 = vector.extract_strided_slice %get3A_1 {offsets = [0, 138496], sizes = [8, 128], strides = [1, 1]} : vector<8x172032xf32> to vector<8x128xf32>
    %slice3A_1084 = vector.extract_strided_slice %get3A_1 {offsets = [0, 138624], sizes = [8, 128], strides = [1, 1]} : vector<8x172032xf32> to vector<8x128xf32>
    %slice3A_1085 = vector.extract_strided_slice %get3A_1 {offsets = [0, 138752], sizes = [8, 128], strides = [1, 1]} : vector<8x172032xf32> to vector<8x128xf32>
    %slice3A_1086 = vector.extract_strided_slice %get3A_1 {offsets = [0, 138880], sizes = [8, 128], strides = [1, 1]} : vector<8x172032xf32> to vector<8x128xf32>
    %slice3A_1087 = vector.extract_strided_slice %get3A_1 {offsets = [0, 139008], sizes = [8, 128], strides = [1, 1]} : vector<8x172032xf32> to vector<8x128xf32>
    %slice3A_1088 = vector.extract_strided_slice %get3A_1 {offsets = [0, 139136], sizes = [8, 128], strides = [1, 1]} : vector<8x172032xf32> to vector<8x128xf32>
    %slice3A_1089 = vector.extract_strided_slice %get3A_1 {offsets = [0, 139264], sizes = [8, 128], strides = [1, 1]} : vector<8x172032xf32> to vector<8x128xf32>
    %slice3A_1090 = vector.extract_strided_slice %get3A_1 {offsets = [0, 139392], sizes = [8, 128], strides = [1, 1]} : vector<8x172032xf32> to vector<8x128xf32>
    %slice3A_1091 = vector.extract_strided_slice %get3A_1 {offsets = [0, 139520], sizes = [8, 128], strides = [1, 1]} : vector<8x172032xf32> to vector<8x128xf32>
    %slice3A_1092 = vector.extract_strided_slice %get3A_1 {offsets = [0, 139648], sizes = [8, 128], strides = [1, 1]} : vector<8x172032xf32> to vector<8x128xf32>
    %slice3A_1093 = vector.extract_strided_slice %get3A_1 {offsets = [0, 139776], sizes = [8, 128], strides = [1, 1]} : vector<8x172032xf32> to vector<8x128xf32>
    %slice3A_1094 = vector.extract_strided_slice %get3A_1 {offsets = [0, 139904], sizes = [8, 128], strides = [1, 1]} : vector<8x172032xf32> to vector<8x128xf32>
    %slice3A_1095 = vector.extract_strided_slice %get3A_1 {offsets = [0, 140032], sizes = [8, 128], strides = [1, 1]} : vector<8x172032xf32> to vector<8x128xf32>
    %slice3A_1096 = vector.extract_strided_slice %get3A_1 {offsets = [0, 140160], sizes = [8, 128], strides = [1, 1]} : vector<8x172032xf32> to vector<8x128xf32>
    %slice3A_1097 = vector.extract_strided_slice %get3A_1 {offsets = [0, 140288], sizes = [8, 128], strides = [1, 1]} : vector<8x172032xf32> to vector<8x128xf32>
    %slice3A_1098 = vector.extract_strided_slice %get3A_1 {offsets = [0, 140416], sizes = [8, 128], strides = [1, 1]} : vector<8x172032xf32> to vector<8x128xf32>
    %slice3A_1099 = vector.extract_strided_slice %get3A_1 {offsets = [0, 140544], sizes = [8, 128], strides = [1, 1]} : vector<8x172032xf32> to vector<8x128xf32>
    %slice3A_1100 = vector.extract_strided_slice %get3A_1 {offsets = [0, 140672], sizes = [8, 128], strides = [1, 1]} : vector<8x172032xf32> to vector<8x128xf32>
    %slice3A_1101 = vector.extract_strided_slice %get3A_1 {offsets = [0, 140800], sizes = [8, 128], strides = [1, 1]} : vector<8x172032xf32> to vector<8x128xf32>
    %slice3A_1102 = vector.extract_strided_slice %get3A_1 {offsets = [0, 140928], sizes = [8, 128], strides = [1, 1]} : vector<8x172032xf32> to vector<8x128xf32>
    %slice3A_1103 = vector.extract_strided_slice %get3A_1 {offsets = [0, 141056], sizes = [8, 128], strides = [1, 1]} : vector<8x172032xf32> to vector<8x128xf32>
    %slice3A_1104 = vector.extract_strided_slice %get3A_1 {offsets = [0, 141184], sizes = [8, 128], strides = [1, 1]} : vector<8x172032xf32> to vector<8x128xf32>
    %slice3A_1105 = vector.extract_strided_slice %get3A_1 {offsets = [0, 141312], sizes = [8, 128], strides = [1, 1]} : vector<8x172032xf32> to vector<8x128xf32>
    %slice3A_1106 = vector.extract_strided_slice %get3A_1 {offsets = [0, 141440], sizes = [8, 128], strides = [1, 1]} : vector<8x172032xf32> to vector<8x128xf32>
    %slice3A_1107 = vector.extract_strided_slice %get3A_1 {offsets = [0, 141568], sizes = [8, 128], strides = [1, 1]} : vector<8x172032xf32> to vector<8x128xf32>
    %slice3A_1108 = vector.extract_strided_slice %get3A_1 {offsets = [0, 141696], sizes = [8, 128], strides = [1, 1]} : vector<8x172032xf32> to vector<8x128xf32>
    %slice3A_1109 = vector.extract_strided_slice %get3A_1 {offsets = [0, 141824], sizes = [8, 128], strides = [1, 1]} : vector<8x172032xf32> to vector<8x128xf32>
    %slice3A_1110 = vector.extract_strided_slice %get3A_1 {offsets = [0, 141952], sizes = [8, 128], strides = [1, 1]} : vector<8x172032xf32> to vector<8x128xf32>
    %slice3A_1111 = vector.extract_strided_slice %get3A_1 {offsets = [0, 142080], sizes = [8, 128], strides = [1, 1]} : vector<8x172032xf32> to vector<8x128xf32>
    %slice3A_1112 = vector.extract_strided_slice %get3A_1 {offsets = [0, 142208], sizes = [8, 128], strides = [1, 1]} : vector<8x172032xf32> to vector<8x128xf32>
    %slice3A_1113 = vector.extract_strided_slice %get3A_1 {offsets = [0, 142336], sizes = [8, 128], strides = [1, 1]} : vector<8x172032xf32> to vector<8x128xf32>
    %slice3A_1114 = vector.extract_strided_slice %get3A_1 {offsets = [0, 142464], sizes = [8, 128], strides = [1, 1]} : vector<8x172032xf32> to vector<8x128xf32>
    %slice3A_1115 = vector.extract_strided_slice %get3A_1 {offsets = [0, 142592], sizes = [8, 128], strides = [1, 1]} : vector<8x172032xf32> to vector<8x128xf32>
    %slice3A_1116 = vector.extract_strided_slice %get3A_1 {offsets = [0, 142720], sizes = [8, 128], strides = [1, 1]} : vector<8x172032xf32> to vector<8x128xf32>
    %slice3A_1117 = vector.extract_strided_slice %get3A_1 {offsets = [0, 142848], sizes = [8, 128], strides = [1, 1]} : vector<8x172032xf32> to vector<8x128xf32>
    %slice3A_1118 = vector.extract_strided_slice %get3A_1 {offsets = [0, 142976], sizes = [8, 128], strides = [1, 1]} : vector<8x172032xf32> to vector<8x128xf32>
    %slice3A_1119 = vector.extract_strided_slice %get3A_1 {offsets = [0, 143104], sizes = [8, 128], strides = [1, 1]} : vector<8x172032xf32> to vector<8x128xf32>
    %slice3A_1120 = vector.extract_strided_slice %get3A_1 {offsets = [0, 143232], sizes = [8, 128], strides = [1, 1]} : vector<8x172032xf32> to vector<8x128xf32>
    %slice3A_1121 = vector.extract_strided_slice %get3A_1 {offsets = [0, 143360], sizes = [8, 128], strides = [1, 1]} : vector<8x172032xf32> to vector<8x128xf32>
    %slice3A_1122 = vector.extract_strided_slice %get3A_1 {offsets = [0, 143488], sizes = [8, 128], strides = [1, 1]} : vector<8x172032xf32> to vector<8x128xf32>
    %slice3A_1123 = vector.extract_strided_slice %get3A_1 {offsets = [0, 143616], sizes = [8, 128], strides = [1, 1]} : vector<8x172032xf32> to vector<8x128xf32>
    %slice3A_1124 = vector.extract_strided_slice %get3A_1 {offsets = [0, 143744], sizes = [8, 128], strides = [1, 1]} : vector<8x172032xf32> to vector<8x128xf32>
    %slice3A_1125 = vector.extract_strided_slice %get3A_1 {offsets = [0, 143872], sizes = [8, 128], strides = [1, 1]} : vector<8x172032xf32> to vector<8x128xf32>
    %slice3A_1126 = vector.extract_strided_slice %get3A_1 {offsets = [0, 144000], sizes = [8, 128], strides = [1, 1]} : vector<8x172032xf32> to vector<8x128xf32>
    %slice3A_1127 = vector.extract_strided_slice %get3A_1 {offsets = [0, 144128], sizes = [8, 128], strides = [1, 1]} : vector<8x172032xf32> to vector<8x128xf32>
    %slice3A_1128 = vector.extract_strided_slice %get3A_1 {offsets = [0, 144256], sizes = [8, 128], strides = [1, 1]} : vector<8x172032xf32> to vector<8x128xf32>
    %slice3A_1129 = vector.extract_strided_slice %get3A_1 {offsets = [0, 144384], sizes = [8, 128], strides = [1, 1]} : vector<8x172032xf32> to vector<8x128xf32>
    %slice3A_1130 = vector.extract_strided_slice %get3A_1 {offsets = [0, 144512], sizes = [8, 128], strides = [1, 1]} : vector<8x172032xf32> to vector<8x128xf32>
    %slice3A_1131 = vector.extract_strided_slice %get3A_1 {offsets = [0, 144640], sizes = [8, 128], strides = [1, 1]} : vector<8x172032xf32> to vector<8x128xf32>
    %slice3A_1132 = vector.extract_strided_slice %get3A_1 {offsets = [0, 144768], sizes = [8, 128], strides = [1, 1]} : vector<8x172032xf32> to vector<8x128xf32>
    %slice3A_1133 = vector.extract_strided_slice %get3A_1 {offsets = [0, 144896], sizes = [8, 128], strides = [1, 1]} : vector<8x172032xf32> to vector<8x128xf32>
    %slice3A_1134 = vector.extract_strided_slice %get3A_1 {offsets = [0, 145024], sizes = [8, 128], strides = [1, 1]} : vector<8x172032xf32> to vector<8x128xf32>
    %slice3A_1135 = vector.extract_strided_slice %get3A_1 {offsets = [0, 145152], sizes = [8, 128], strides = [1, 1]} : vector<8x172032xf32> to vector<8x128xf32>
    %slice3A_1136 = vector.extract_strided_slice %get3A_1 {offsets = [0, 145280], sizes = [8, 128], strides = [1, 1]} : vector<8x172032xf32> to vector<8x128xf32>
    %slice3A_1137 = vector.extract_strided_slice %get3A_1 {offsets = [0, 145408], sizes = [8, 128], strides = [1, 1]} : vector<8x172032xf32> to vector<8x128xf32>
    %slice3A_1138 = vector.extract_strided_slice %get3A_1 {offsets = [0, 145536], sizes = [8, 128], strides = [1, 1]} : vector<8x172032xf32> to vector<8x128xf32>
    %slice3A_1139 = vector.extract_strided_slice %get3A_1 {offsets = [0, 145664], sizes = [8, 128], strides = [1, 1]} : vector<8x172032xf32> to vector<8x128xf32>
    %slice3A_1140 = vector.extract_strided_slice %get3A_1 {offsets = [0, 145792], sizes = [8, 128], strides = [1, 1]} : vector<8x172032xf32> to vector<8x128xf32>
    %slice3A_1141 = vector.extract_strided_slice %get3A_1 {offsets = [0, 145920], sizes = [8, 128], strides = [1, 1]} : vector<8x172032xf32> to vector<8x128xf32>
    %slice3A_1142 = vector.extract_strided_slice %get3A_1 {offsets = [0, 146048], sizes = [8, 128], strides = [1, 1]} : vector<8x172032xf32> to vector<8x128xf32>
    %slice3A_1143 = vector.extract_strided_slice %get3A_1 {offsets = [0, 146176], sizes = [8, 128], strides = [1, 1]} : vector<8x172032xf32> to vector<8x128xf32>
    %slice3A_1144 = vector.extract_strided_slice %get3A_1 {offsets = [0, 146304], sizes = [8, 128], strides = [1, 1]} : vector<8x172032xf32> to vector<8x128xf32>
    %slice3A_1145 = vector.extract_strided_slice %get3A_1 {offsets = [0, 146432], sizes = [8, 128], strides = [1, 1]} : vector<8x172032xf32> to vector<8x128xf32>
    %slice3A_1146 = vector.extract_strided_slice %get3A_1 {offsets = [0, 146560], sizes = [8, 128], strides = [1, 1]} : vector<8x172032xf32> to vector<8x128xf32>
    %slice3A_1147 = vector.extract_strided_slice %get3A_1 {offsets = [0, 146688], sizes = [8, 128], strides = [1, 1]} : vector<8x172032xf32> to vector<8x128xf32>
    %slice3A_1148 = vector.extract_strided_slice %get3A_1 {offsets = [0, 146816], sizes = [8, 128], strides = [1, 1]} : vector<8x172032xf32> to vector<8x128xf32>
    %slice3A_1149 = vector.extract_strided_slice %get3A_1 {offsets = [0, 146944], sizes = [8, 128], strides = [1, 1]} : vector<8x172032xf32> to vector<8x128xf32>
    %slice3A_1150 = vector.extract_strided_slice %get3A_1 {offsets = [0, 147072], sizes = [8, 128], strides = [1, 1]} : vector<8x172032xf32> to vector<8x128xf32>
    %slice3A_1151 = vector.extract_strided_slice %get3A_1 {offsets = [0, 147200], sizes = [8, 128], strides = [1, 1]} : vector<8x172032xf32> to vector<8x128xf32>
    %slice3A_1152 = vector.extract_strided_slice %get3A_1 {offsets = [0, 147328], sizes = [8, 128], strides = [1, 1]} : vector<8x172032xf32> to vector<8x128xf32>
    %slice3A_1153 = vector.extract_strided_slice %get3A_1 {offsets = [0, 147456], sizes = [8, 128], strides = [1, 1]} : vector<8x172032xf32> to vector<8x128xf32>
    %slice3A_1154 = vector.extract_strided_slice %get3A_1 {offsets = [0, 147584], sizes = [8, 128], strides = [1, 1]} : vector<8x172032xf32> to vector<8x128xf32>
    %slice3A_1155 = vector.extract_strided_slice %get3A_1 {offsets = [0, 147712], sizes = [8, 128], strides = [1, 1]} : vector<8x172032xf32> to vector<8x128xf32>
    %slice3A_1156 = vector.extract_strided_slice %get3A_1 {offsets = [0, 147840], sizes = [8, 128], strides = [1, 1]} : vector<8x172032xf32> to vector<8x128xf32>
    %slice3A_1157 = vector.extract_strided_slice %get3A_1 {offsets = [0, 147968], sizes = [8, 128], strides = [1, 1]} : vector<8x172032xf32> to vector<8x128xf32>
    %slice3A_1158 = vector.extract_strided_slice %get3A_1 {offsets = [0, 148096], sizes = [8, 128], strides = [1, 1]} : vector<8x172032xf32> to vector<8x128xf32>
    %slice3A_1159 = vector.extract_strided_slice %get3A_1 {offsets = [0, 148224], sizes = [8, 128], strides = [1, 1]} : vector<8x172032xf32> to vector<8x128xf32>
    %slice3A_1160 = vector.extract_strided_slice %get3A_1 {offsets = [0, 148352], sizes = [8, 128], strides = [1, 1]} : vector<8x172032xf32> to vector<8x128xf32>
    %slice3A_1161 = vector.extract_strided_slice %get3A_1 {offsets = [0, 148480], sizes = [8, 128], strides = [1, 1]} : vector<8x172032xf32> to vector<8x128xf32>
    %slice3A_1162 = vector.extract_strided_slice %get3A_1 {offsets = [0, 148608], sizes = [8, 128], strides = [1, 1]} : vector<8x172032xf32> to vector<8x128xf32>
    %slice3A_1163 = vector.extract_strided_slice %get3A_1 {offsets = [0, 148736], sizes = [8, 128], strides = [1, 1]} : vector<8x172032xf32> to vector<8x128xf32>
    %slice3A_1164 = vector.extract_strided_slice %get3A_1 {offsets = [0, 148864], sizes = [8, 128], strides = [1, 1]} : vector<8x172032xf32> to vector<8x128xf32>
    %slice3A_1165 = vector.extract_strided_slice %get3A_1 {offsets = [0, 148992], sizes = [8, 128], strides = [1, 1]} : vector<8x172032xf32> to vector<8x128xf32>
    %slice3A_1166 = vector.extract_strided_slice %get3A_1 {offsets = [0, 149120], sizes = [8, 128], strides = [1, 1]} : vector<8x172032xf32> to vector<8x128xf32>
    %slice3A_1167 = vector.extract_strided_slice %get3A_1 {offsets = [0, 149248], sizes = [8, 128], strides = [1, 1]} : vector<8x172032xf32> to vector<8x128xf32>
    %slice3A_1168 = vector.extract_strided_slice %get3A_1 {offsets = [0, 149376], sizes = [8, 128], strides = [1, 1]} : vector<8x172032xf32> to vector<8x128xf32>
    %slice3A_1169 = vector.extract_strided_slice %get3A_1 {offsets = [0, 149504], sizes = [8, 128], strides = [1, 1]} : vector<8x172032xf32> to vector<8x128xf32>
    %slice3A_1170 = vector.extract_strided_slice %get3A_1 {offsets = [0, 149632], sizes = [8, 128], strides = [1, 1]} : vector<8x172032xf32> to vector<8x128xf32>
    %slice3A_1171 = vector.extract_strided_slice %get3A_1 {offsets = [0, 149760], sizes = [8, 128], strides = [1, 1]} : vector<8x172032xf32> to vector<8x128xf32>
    %slice3A_1172 = vector.extract_strided_slice %get3A_1 {offsets = [0, 149888], sizes = [8, 128], strides = [1, 1]} : vector<8x172032xf32> to vector<8x128xf32>
    %slice3A_1173 = vector.extract_strided_slice %get3A_1 {offsets = [0, 150016], sizes = [8, 128], strides = [1, 1]} : vector<8x172032xf32> to vector<8x128xf32>
    %slice3A_1174 = vector.extract_strided_slice %get3A_1 {offsets = [0, 150144], sizes = [8, 128], strides = [1, 1]} : vector<8x172032xf32> to vector<8x128xf32>
    %slice3A_1175 = vector.extract_strided_slice %get3A_1 {offsets = [0, 150272], sizes = [8, 128], strides = [1, 1]} : vector<8x172032xf32> to vector<8x128xf32>
    %slice3A_1176 = vector.extract_strided_slice %get3A_1 {offsets = [0, 150400], sizes = [8, 128], strides = [1, 1]} : vector<8x172032xf32> to vector<8x128xf32>
    %slice3A_1177 = vector.extract_strided_slice %get3A_1 {offsets = [0, 150528], sizes = [8, 128], strides = [1, 1]} : vector<8x172032xf32> to vector<8x128xf32>
    %slice3A_1178 = vector.extract_strided_slice %get3A_1 {offsets = [0, 150656], sizes = [8, 128], strides = [1, 1]} : vector<8x172032xf32> to vector<8x128xf32>
    %slice3A_1179 = vector.extract_strided_slice %get3A_1 {offsets = [0, 150784], sizes = [8, 128], strides = [1, 1]} : vector<8x172032xf32> to vector<8x128xf32>
    %slice3A_1180 = vector.extract_strided_slice %get3A_1 {offsets = [0, 150912], sizes = [8, 128], strides = [1, 1]} : vector<8x172032xf32> to vector<8x128xf32>
    %slice3A_1181 = vector.extract_strided_slice %get3A_1 {offsets = [0, 151040], sizes = [8, 128], strides = [1, 1]} : vector<8x172032xf32> to vector<8x128xf32>
    %slice3A_1182 = vector.extract_strided_slice %get3A_1 {offsets = [0, 151168], sizes = [8, 128], strides = [1, 1]} : vector<8x172032xf32> to vector<8x128xf32>
    %slice3A_1183 = vector.extract_strided_slice %get3A_1 {offsets = [0, 151296], sizes = [8, 128], strides = [1, 1]} : vector<8x172032xf32> to vector<8x128xf32>
    %slice3A_1184 = vector.extract_strided_slice %get3A_1 {offsets = [0, 151424], sizes = [8, 128], strides = [1, 1]} : vector<8x172032xf32> to vector<8x128xf32>
    %slice3A_1185 = vector.extract_strided_slice %get3A_1 {offsets = [0, 151552], sizes = [8, 128], strides = [1, 1]} : vector<8x172032xf32> to vector<8x128xf32>
    %slice3A_1186 = vector.extract_strided_slice %get3A_1 {offsets = [0, 151680], sizes = [8, 128], strides = [1, 1]} : vector<8x172032xf32> to vector<8x128xf32>
    %slice3A_1187 = vector.extract_strided_slice %get3A_1 {offsets = [0, 151808], sizes = [8, 128], strides = [1, 1]} : vector<8x172032xf32> to vector<8x128xf32>
    %slice3A_1188 = vector.extract_strided_slice %get3A_1 {offsets = [0, 151936], sizes = [8, 128], strides = [1, 1]} : vector<8x172032xf32> to vector<8x128xf32>
    %slice3A_1189 = vector.extract_strided_slice %get3A_1 {offsets = [0, 152064], sizes = [8, 128], strides = [1, 1]} : vector<8x172032xf32> to vector<8x128xf32>
    %slice3A_1190 = vector.extract_strided_slice %get3A_1 {offsets = [0, 152192], sizes = [8, 128], strides = [1, 1]} : vector<8x172032xf32> to vector<8x128xf32>
    %slice3A_1191 = vector.extract_strided_slice %get3A_1 {offsets = [0, 152320], sizes = [8, 128], strides = [1, 1]} : vector<8x172032xf32> to vector<8x128xf32>
    %slice3A_1192 = vector.extract_strided_slice %get3A_1 {offsets = [0, 152448], sizes = [8, 128], strides = [1, 1]} : vector<8x172032xf32> to vector<8x128xf32>
    %slice3A_1193 = vector.extract_strided_slice %get3A_1 {offsets = [0, 152576], sizes = [8, 128], strides = [1, 1]} : vector<8x172032xf32> to vector<8x128xf32>
    %slice3A_1194 = vector.extract_strided_slice %get3A_1 {offsets = [0, 152704], sizes = [8, 128], strides = [1, 1]} : vector<8x172032xf32> to vector<8x128xf32>
    %slice3A_1195 = vector.extract_strided_slice %get3A_1 {offsets = [0, 152832], sizes = [8, 128], strides = [1, 1]} : vector<8x172032xf32> to vector<8x128xf32>
    %slice3A_1196 = vector.extract_strided_slice %get3A_1 {offsets = [0, 152960], sizes = [8, 128], strides = [1, 1]} : vector<8x172032xf32> to vector<8x128xf32>
    %slice3A_1197 = vector.extract_strided_slice %get3A_1 {offsets = [0, 153088], sizes = [8, 128], strides = [1, 1]} : vector<8x172032xf32> to vector<8x128xf32>
    %slice3A_1198 = vector.extract_strided_slice %get3A_1 {offsets = [0, 153216], sizes = [8, 128], strides = [1, 1]} : vector<8x172032xf32> to vector<8x128xf32>
    %slice3A_1199 = vector.extract_strided_slice %get3A_1 {offsets = [0, 153344], sizes = [8, 128], strides = [1, 1]} : vector<8x172032xf32> to vector<8x128xf32>
    %slice3A_1200 = vector.extract_strided_slice %get3A_1 {offsets = [0, 153472], sizes = [8, 128], strides = [1, 1]} : vector<8x172032xf32> to vector<8x128xf32>
    %slice3A_1201 = vector.extract_strided_slice %get3A_1 {offsets = [0, 153600], sizes = [8, 128], strides = [1, 1]} : vector<8x172032xf32> to vector<8x128xf32>
    %slice3A_1202 = vector.extract_strided_slice %get3A_1 {offsets = [0, 153728], sizes = [8, 128], strides = [1, 1]} : vector<8x172032xf32> to vector<8x128xf32>
    %slice3A_1203 = vector.extract_strided_slice %get3A_1 {offsets = [0, 153856], sizes = [8, 128], strides = [1, 1]} : vector<8x172032xf32> to vector<8x128xf32>
    %slice3A_1204 = vector.extract_strided_slice %get3A_1 {offsets = [0, 153984], sizes = [8, 128], strides = [1, 1]} : vector<8x172032xf32> to vector<8x128xf32>
    %slice3A_1205 = vector.extract_strided_slice %get3A_1 {offsets = [0, 154112], sizes = [8, 128], strides = [1, 1]} : vector<8x172032xf32> to vector<8x128xf32>
    %slice3A_1206 = vector.extract_strided_slice %get3A_1 {offsets = [0, 154240], sizes = [8, 128], strides = [1, 1]} : vector<8x172032xf32> to vector<8x128xf32>
    %slice3A_1207 = vector.extract_strided_slice %get3A_1 {offsets = [0, 154368], sizes = [8, 128], strides = [1, 1]} : vector<8x172032xf32> to vector<8x128xf32>
    %slice3A_1208 = vector.extract_strided_slice %get3A_1 {offsets = [0, 154496], sizes = [8, 128], strides = [1, 1]} : vector<8x172032xf32> to vector<8x128xf32>
    %slice3A_1209 = vector.extract_strided_slice %get3A_1 {offsets = [0, 154624], sizes = [8, 128], strides = [1, 1]} : vector<8x172032xf32> to vector<8x128xf32>
    %slice3A_1210 = vector.extract_strided_slice %get3A_1 {offsets = [0, 154752], sizes = [8, 128], strides = [1, 1]} : vector<8x172032xf32> to vector<8x128xf32>
    %slice3A_1211 = vector.extract_strided_slice %get3A_1 {offsets = [0, 154880], sizes = [8, 128], strides = [1, 1]} : vector<8x172032xf32> to vector<8x128xf32>
    %slice3A_1212 = vector.extract_strided_slice %get3A_1 {offsets = [0, 155008], sizes = [8, 128], strides = [1, 1]} : vector<8x172032xf32> to vector<8x128xf32>
    %slice3A_1213 = vector.extract_strided_slice %get3A_1 {offsets = [0, 155136], sizes = [8, 128], strides = [1, 1]} : vector<8x172032xf32> to vector<8x128xf32>
    %slice3A_1214 = vector.extract_strided_slice %get3A_1 {offsets = [0, 155264], sizes = [8, 128], strides = [1, 1]} : vector<8x172032xf32> to vector<8x128xf32>
    %slice3A_1215 = vector.extract_strided_slice %get3A_1 {offsets = [0, 155392], sizes = [8, 128], strides = [1, 1]} : vector<8x172032xf32> to vector<8x128xf32>
    %slice3A_1216 = vector.extract_strided_slice %get3A_1 {offsets = [0, 155520], sizes = [8, 128], strides = [1, 1]} : vector<8x172032xf32> to vector<8x128xf32>
    %slice3A_1217 = vector.extract_strided_slice %get3A_1 {offsets = [0, 155648], sizes = [8, 128], strides = [1, 1]} : vector<8x172032xf32> to vector<8x128xf32>
    %slice3A_1218 = vector.extract_strided_slice %get3A_1 {offsets = [0, 155776], sizes = [8, 128], strides = [1, 1]} : vector<8x172032xf32> to vector<8x128xf32>
    %slice3A_1219 = vector.extract_strided_slice %get3A_1 {offsets = [0, 155904], sizes = [8, 128], strides = [1, 1]} : vector<8x172032xf32> to vector<8x128xf32>
    %slice3A_1220 = vector.extract_strided_slice %get3A_1 {offsets = [0, 156032], sizes = [8, 128], strides = [1, 1]} : vector<8x172032xf32> to vector<8x128xf32>
    %slice3A_1221 = vector.extract_strided_slice %get3A_1 {offsets = [0, 156160], sizes = [8, 128], strides = [1, 1]} : vector<8x172032xf32> to vector<8x128xf32>
    %slice3A_1222 = vector.extract_strided_slice %get3A_1 {offsets = [0, 156288], sizes = [8, 128], strides = [1, 1]} : vector<8x172032xf32> to vector<8x128xf32>
    %slice3A_1223 = vector.extract_strided_slice %get3A_1 {offsets = [0, 156416], sizes = [8, 128], strides = [1, 1]} : vector<8x172032xf32> to vector<8x128xf32>
    %slice3A_1224 = vector.extract_strided_slice %get3A_1 {offsets = [0, 156544], sizes = [8, 128], strides = [1, 1]} : vector<8x172032xf32> to vector<8x128xf32>
    %slice3A_1225 = vector.extract_strided_slice %get3A_1 {offsets = [0, 156672], sizes = [8, 128], strides = [1, 1]} : vector<8x172032xf32> to vector<8x128xf32>
    %slice3A_1226 = vector.extract_strided_slice %get3A_1 {offsets = [0, 156800], sizes = [8, 128], strides = [1, 1]} : vector<8x172032xf32> to vector<8x128xf32>
    %slice3A_1227 = vector.extract_strided_slice %get3A_1 {offsets = [0, 156928], sizes = [8, 128], strides = [1, 1]} : vector<8x172032xf32> to vector<8x128xf32>
    %slice3A_1228 = vector.extract_strided_slice %get3A_1 {offsets = [0, 157056], sizes = [8, 128], strides = [1, 1]} : vector<8x172032xf32> to vector<8x128xf32>
    %slice3A_1229 = vector.extract_strided_slice %get3A_1 {offsets = [0, 157184], sizes = [8, 128], strides = [1, 1]} : vector<8x172032xf32> to vector<8x128xf32>
    %slice3A_1230 = vector.extract_strided_slice %get3A_1 {offsets = [0, 157312], sizes = [8, 128], strides = [1, 1]} : vector<8x172032xf32> to vector<8x128xf32>
    %slice3A_1231 = vector.extract_strided_slice %get3A_1 {offsets = [0, 157440], sizes = [8, 128], strides = [1, 1]} : vector<8x172032xf32> to vector<8x128xf32>
    %slice3A_1232 = vector.extract_strided_slice %get3A_1 {offsets = [0, 157568], sizes = [8, 128], strides = [1, 1]} : vector<8x172032xf32> to vector<8x128xf32>
    %slice3A_1233 = vector.extract_strided_slice %get3A_1 {offsets = [0, 157696], sizes = [8, 128], strides = [1, 1]} : vector<8x172032xf32> to vector<8x128xf32>
    %slice3A_1234 = vector.extract_strided_slice %get3A_1 {offsets = [0, 157824], sizes = [8, 128], strides = [1, 1]} : vector<8x172032xf32> to vector<8x128xf32>
    %slice3A_1235 = vector.extract_strided_slice %get3A_1 {offsets = [0, 157952], sizes = [8, 128], strides = [1, 1]} : vector<8x172032xf32> to vector<8x128xf32>
    %slice3A_1236 = vector.extract_strided_slice %get3A_1 {offsets = [0, 158080], sizes = [8, 128], strides = [1, 1]} : vector<8x172032xf32> to vector<8x128xf32>
    %slice3A_1237 = vector.extract_strided_slice %get3A_1 {offsets = [0, 158208], sizes = [8, 128], strides = [1, 1]} : vector<8x172032xf32> to vector<8x128xf32>
    %slice3A_1238 = vector.extract_strided_slice %get3A_1 {offsets = [0, 158336], sizes = [8, 128], strides = [1, 1]} : vector<8x172032xf32> to vector<8x128xf32>
    %slice3A_1239 = vector.extract_strided_slice %get3A_1 {offsets = [0, 158464], sizes = [8, 128], strides = [1, 1]} : vector<8x172032xf32> to vector<8x128xf32>
    %slice3A_1240 = vector.extract_strided_slice %get3A_1 {offsets = [0, 158592], sizes = [8, 128], strides = [1, 1]} : vector<8x172032xf32> to vector<8x128xf32>
    %slice3A_1241 = vector.extract_strided_slice %get3A_1 {offsets = [0, 158720], sizes = [8, 128], strides = [1, 1]} : vector<8x172032xf32> to vector<8x128xf32>
    %slice3A_1242 = vector.extract_strided_slice %get3A_1 {offsets = [0, 158848], sizes = [8, 128], strides = [1, 1]} : vector<8x172032xf32> to vector<8x128xf32>
    %slice3A_1243 = vector.extract_strided_slice %get3A_1 {offsets = [0, 158976], sizes = [8, 128], strides = [1, 1]} : vector<8x172032xf32> to vector<8x128xf32>
    %slice3A_1244 = vector.extract_strided_slice %get3A_1 {offsets = [0, 159104], sizes = [8, 128], strides = [1, 1]} : vector<8x172032xf32> to vector<8x128xf32>
    %slice3A_1245 = vector.extract_strided_slice %get3A_1 {offsets = [0, 159232], sizes = [8, 128], strides = [1, 1]} : vector<8x172032xf32> to vector<8x128xf32>
    %slice3A_1246 = vector.extract_strided_slice %get3A_1 {offsets = [0, 159360], sizes = [8, 128], strides = [1, 1]} : vector<8x172032xf32> to vector<8x128xf32>
    %slice3A_1247 = vector.extract_strided_slice %get3A_1 {offsets = [0, 159488], sizes = [8, 128], strides = [1, 1]} : vector<8x172032xf32> to vector<8x128xf32>
    %slice3A_1248 = vector.extract_strided_slice %get3A_1 {offsets = [0, 159616], sizes = [8, 128], strides = [1, 1]} : vector<8x172032xf32> to vector<8x128xf32>
    %slice3A_1249 = vector.extract_strided_slice %get3A_1 {offsets = [0, 159744], sizes = [8, 128], strides = [1, 1]} : vector<8x172032xf32> to vector<8x128xf32>
    %slice3A_1250 = vector.extract_strided_slice %get3A_1 {offsets = [0, 159872], sizes = [8, 128], strides = [1, 1]} : vector<8x172032xf32> to vector<8x128xf32>
    %slice3A_1251 = vector.extract_strided_slice %get3A_1 {offsets = [0, 160000], sizes = [8, 128], strides = [1, 1]} : vector<8x172032xf32> to vector<8x128xf32>
    %slice3A_1252 = vector.extract_strided_slice %get3A_1 {offsets = [0, 160128], sizes = [8, 128], strides = [1, 1]} : vector<8x172032xf32> to vector<8x128xf32>
    %slice3A_1253 = vector.extract_strided_slice %get3A_1 {offsets = [0, 160256], sizes = [8, 128], strides = [1, 1]} : vector<8x172032xf32> to vector<8x128xf32>
    %slice3A_1254 = vector.extract_strided_slice %get3A_1 {offsets = [0, 160384], sizes = [8, 128], strides = [1, 1]} : vector<8x172032xf32> to vector<8x128xf32>
    %slice3A_1255 = vector.extract_strided_slice %get3A_1 {offsets = [0, 160512], sizes = [8, 128], strides = [1, 1]} : vector<8x172032xf32> to vector<8x128xf32>
    %slice3A_1256 = vector.extract_strided_slice %get3A_1 {offsets = [0, 160640], sizes = [8, 128], strides = [1, 1]} : vector<8x172032xf32> to vector<8x128xf32>
    %slice3A_1257 = vector.extract_strided_slice %get3A_1 {offsets = [0, 160768], sizes = [8, 128], strides = [1, 1]} : vector<8x172032xf32> to vector<8x128xf32>
    %slice3A_1258 = vector.extract_strided_slice %get3A_1 {offsets = [0, 160896], sizes = [8, 128], strides = [1, 1]} : vector<8x172032xf32> to vector<8x128xf32>
    %slice3A_1259 = vector.extract_strided_slice %get3A_1 {offsets = [0, 161024], sizes = [8, 128], strides = [1, 1]} : vector<8x172032xf32> to vector<8x128xf32>
    %slice3A_1260 = vector.extract_strided_slice %get3A_1 {offsets = [0, 161152], sizes = [8, 128], strides = [1, 1]} : vector<8x172032xf32> to vector<8x128xf32>
    %slice3A_1261 = vector.extract_strided_slice %get3A_1 {offsets = [0, 161280], sizes = [8, 128], strides = [1, 1]} : vector<8x172032xf32> to vector<8x128xf32>
    %slice3A_1262 = vector.extract_strided_slice %get3A_1 {offsets = [0, 161408], sizes = [8, 128], strides = [1, 1]} : vector<8x172032xf32> to vector<8x128xf32>
    %slice3A_1263 = vector.extract_strided_slice %get3A_1 {offsets = [0, 161536], sizes = [8, 128], strides = [1, 1]} : vector<8x172032xf32> to vector<8x128xf32>
    %slice3A_1264 = vector.extract_strided_slice %get3A_1 {offsets = [0, 161664], sizes = [8, 128], strides = [1, 1]} : vector<8x172032xf32> to vector<8x128xf32>
    %slice3A_1265 = vector.extract_strided_slice %get3A_1 {offsets = [0, 161792], sizes = [8, 128], strides = [1, 1]} : vector<8x172032xf32> to vector<8x128xf32>
    %slice3A_1266 = vector.extract_strided_slice %get3A_1 {offsets = [0, 161920], sizes = [8, 128], strides = [1, 1]} : vector<8x172032xf32> to vector<8x128xf32>
    %slice3A_1267 = vector.extract_strided_slice %get3A_1 {offsets = [0, 162048], sizes = [8, 128], strides = [1, 1]} : vector<8x172032xf32> to vector<8x128xf32>
    %slice3A_1268 = vector.extract_strided_slice %get3A_1 {offsets = [0, 162176], sizes = [8, 128], strides = [1, 1]} : vector<8x172032xf32> to vector<8x128xf32>
    %slice3A_1269 = vector.extract_strided_slice %get3A_1 {offsets = [0, 162304], sizes = [8, 128], strides = [1, 1]} : vector<8x172032xf32> to vector<8x128xf32>
    %slice3A_1270 = vector.extract_strided_slice %get3A_1 {offsets = [0, 162432], sizes = [8, 128], strides = [1, 1]} : vector<8x172032xf32> to vector<8x128xf32>
    %slice3A_1271 = vector.extract_strided_slice %get3A_1 {offsets = [0, 162560], sizes = [8, 128], strides = [1, 1]} : vector<8x172032xf32> to vector<8x128xf32>
    %slice3A_1272 = vector.extract_strided_slice %get3A_1 {offsets = [0, 162688], sizes = [8, 128], strides = [1, 1]} : vector<8x172032xf32> to vector<8x128xf32>
    %slice3A_1273 = vector.extract_strided_slice %get3A_1 {offsets = [0, 162816], sizes = [8, 128], strides = [1, 1]} : vector<8x172032xf32> to vector<8x128xf32>
    %slice3A_1274 = vector.extract_strided_slice %get3A_1 {offsets = [0, 162944], sizes = [8, 128], strides = [1, 1]} : vector<8x172032xf32> to vector<8x128xf32>
    %slice3A_1275 = vector.extract_strided_slice %get3A_1 {offsets = [0, 163072], sizes = [8, 128], strides = [1, 1]} : vector<8x172032xf32> to vector<8x128xf32>
    %slice3A_1276 = vector.extract_strided_slice %get3A_1 {offsets = [0, 163200], sizes = [8, 128], strides = [1, 1]} : vector<8x172032xf32> to vector<8x128xf32>
    %slice3A_1277 = vector.extract_strided_slice %get3A_1 {offsets = [0, 163328], sizes = [8, 128], strides = [1, 1]} : vector<8x172032xf32> to vector<8x128xf32>
    %slice3A_1278 = vector.extract_strided_slice %get3A_1 {offsets = [0, 163456], sizes = [8, 128], strides = [1, 1]} : vector<8x172032xf32> to vector<8x128xf32>
    %slice3A_1279 = vector.extract_strided_slice %get3A_1 {offsets = [0, 163584], sizes = [8, 128], strides = [1, 1]} : vector<8x172032xf32> to vector<8x128xf32>
    %slice3A_1280 = vector.extract_strided_slice %get3A_1 {offsets = [0, 163712], sizes = [8, 128], strides = [1, 1]} : vector<8x172032xf32> to vector<8x128xf32>
    %slice3A_1281 = vector.extract_strided_slice %get3A_1 {offsets = [0, 163840], sizes = [8, 128], strides = [1, 1]} : vector<8x172032xf32> to vector<8x128xf32>
    %slice3A_1282 = vector.extract_strided_slice %get3A_1 {offsets = [0, 163968], sizes = [8, 128], strides = [1, 1]} : vector<8x172032xf32> to vector<8x128xf32>
    %slice3A_1283 = vector.extract_strided_slice %get3A_1 {offsets = [0, 164096], sizes = [8, 128], strides = [1, 1]} : vector<8x172032xf32> to vector<8x128xf32>
    %slice3A_1284 = vector.extract_strided_slice %get3A_1 {offsets = [0, 164224], sizes = [8, 128], strides = [1, 1]} : vector<8x172032xf32> to vector<8x128xf32>
    %slice3A_1285 = vector.extract_strided_slice %get3A_1 {offsets = [0, 164352], sizes = [8, 128], strides = [1, 1]} : vector<8x172032xf32> to vector<8x128xf32>
    %slice3A_1286 = vector.extract_strided_slice %get3A_1 {offsets = [0, 164480], sizes = [8, 128], strides = [1, 1]} : vector<8x172032xf32> to vector<8x128xf32>
    %slice3A_1287 = vector.extract_strided_slice %get3A_1 {offsets = [0, 164608], sizes = [8, 128], strides = [1, 1]} : vector<8x172032xf32> to vector<8x128xf32>
    %slice3A_1288 = vector.extract_strided_slice %get3A_1 {offsets = [0, 164736], sizes = [8, 128], strides = [1, 1]} : vector<8x172032xf32> to vector<8x128xf32>
    %slice3A_1289 = vector.extract_strided_slice %get3A_1 {offsets = [0, 164864], sizes = [8, 128], strides = [1, 1]} : vector<8x172032xf32> to vector<8x128xf32>
    %slice3A_1290 = vector.extract_strided_slice %get3A_1 {offsets = [0, 164992], sizes = [8, 128], strides = [1, 1]} : vector<8x172032xf32> to vector<8x128xf32>
    %slice3A_1291 = vector.extract_strided_slice %get3A_1 {offsets = [0, 165120], sizes = [8, 128], strides = [1, 1]} : vector<8x172032xf32> to vector<8x128xf32>
    %slice3A_1292 = vector.extract_strided_slice %get3A_1 {offsets = [0, 165248], sizes = [8, 128], strides = [1, 1]} : vector<8x172032xf32> to vector<8x128xf32>
    %slice3A_1293 = vector.extract_strided_slice %get3A_1 {offsets = [0, 165376], sizes = [8, 128], strides = [1, 1]} : vector<8x172032xf32> to vector<8x128xf32>
    %slice3A_1294 = vector.extract_strided_slice %get3A_1 {offsets = [0, 165504], sizes = [8, 128], strides = [1, 1]} : vector<8x172032xf32> to vector<8x128xf32>
    %slice3A_1295 = vector.extract_strided_slice %get3A_1 {offsets = [0, 165632], sizes = [8, 128], strides = [1, 1]} : vector<8x172032xf32> to vector<8x128xf32>
    %slice3A_1296 = vector.extract_strided_slice %get3A_1 {offsets = [0, 165760], sizes = [8, 128], strides = [1, 1]} : vector<8x172032xf32> to vector<8x128xf32>
    %slice3A_1297 = vector.extract_strided_slice %get3A_1 {offsets = [0, 165888], sizes = [8, 128], strides = [1, 1]} : vector<8x172032xf32> to vector<8x128xf32>
    %slice3A_1298 = vector.extract_strided_slice %get3A_1 {offsets = [0, 166016], sizes = [8, 128], strides = [1, 1]} : vector<8x172032xf32> to vector<8x128xf32>
    %slice3A_1299 = vector.extract_strided_slice %get3A_1 {offsets = [0, 166144], sizes = [8, 128], strides = [1, 1]} : vector<8x172032xf32> to vector<8x128xf32>
    %slice3A_1300 = vector.extract_strided_slice %get3A_1 {offsets = [0, 166272], sizes = [8, 128], strides = [1, 1]} : vector<8x172032xf32> to vector<8x128xf32>
    %slice3A_1301 = vector.extract_strided_slice %get3A_1 {offsets = [0, 166400], sizes = [8, 128], strides = [1, 1]} : vector<8x172032xf32> to vector<8x128xf32>
    %slice3A_1302 = vector.extract_strided_slice %get3A_1 {offsets = [0, 166528], sizes = [8, 128], strides = [1, 1]} : vector<8x172032xf32> to vector<8x128xf32>
    %slice3A_1303 = vector.extract_strided_slice %get3A_1 {offsets = [0, 166656], sizes = [8, 128], strides = [1, 1]} : vector<8x172032xf32> to vector<8x128xf32>
    %slice3A_1304 = vector.extract_strided_slice %get3A_1 {offsets = [0, 166784], sizes = [8, 128], strides = [1, 1]} : vector<8x172032xf32> to vector<8x128xf32>
    %slice3A_1305 = vector.extract_strided_slice %get3A_1 {offsets = [0, 166912], sizes = [8, 128], strides = [1, 1]} : vector<8x172032xf32> to vector<8x128xf32>
    %slice3A_1306 = vector.extract_strided_slice %get3A_1 {offsets = [0, 167040], sizes = [8, 128], strides = [1, 1]} : vector<8x172032xf32> to vector<8x128xf32>
    %slice3A_1307 = vector.extract_strided_slice %get3A_1 {offsets = [0, 167168], sizes = [8, 128], strides = [1, 1]} : vector<8x172032xf32> to vector<8x128xf32>
    %slice3A_1308 = vector.extract_strided_slice %get3A_1 {offsets = [0, 167296], sizes = [8, 128], strides = [1, 1]} : vector<8x172032xf32> to vector<8x128xf32>
    %slice3A_1309 = vector.extract_strided_slice %get3A_1 {offsets = [0, 167424], sizes = [8, 128], strides = [1, 1]} : vector<8x172032xf32> to vector<8x128xf32>
    %slice3A_1310 = vector.extract_strided_slice %get3A_1 {offsets = [0, 167552], sizes = [8, 128], strides = [1, 1]} : vector<8x172032xf32> to vector<8x128xf32>
    %slice3A_1311 = vector.extract_strided_slice %get3A_1 {offsets = [0, 167680], sizes = [8, 128], strides = [1, 1]} : vector<8x172032xf32> to vector<8x128xf32>
    %slice3A_1312 = vector.extract_strided_slice %get3A_1 {offsets = [0, 167808], sizes = [8, 128], strides = [1, 1]} : vector<8x172032xf32> to vector<8x128xf32>
    %slice3A_1313 = vector.extract_strided_slice %get3A_1 {offsets = [0, 167936], sizes = [8, 128], strides = [1, 1]} : vector<8x172032xf32> to vector<8x128xf32>
    %slice3A_1314 = vector.extract_strided_slice %get3A_1 {offsets = [0, 168064], sizes = [8, 128], strides = [1, 1]} : vector<8x172032xf32> to vector<8x128xf32>
    %slice3A_1315 = vector.extract_strided_slice %get3A_1 {offsets = [0, 168192], sizes = [8, 128], strides = [1, 1]} : vector<8x172032xf32> to vector<8x128xf32>
    %slice3A_1316 = vector.extract_strided_slice %get3A_1 {offsets = [0, 168320], sizes = [8, 128], strides = [1, 1]} : vector<8x172032xf32> to vector<8x128xf32>
    %slice3A_1317 = vector.extract_strided_slice %get3A_1 {offsets = [0, 168448], sizes = [8, 128], strides = [1, 1]} : vector<8x172032xf32> to vector<8x128xf32>
    %slice3A_1318 = vector.extract_strided_slice %get3A_1 {offsets = [0, 168576], sizes = [8, 128], strides = [1, 1]} : vector<8x172032xf32> to vector<8x128xf32>
    %slice3A_1319 = vector.extract_strided_slice %get3A_1 {offsets = [0, 168704], sizes = [8, 128], strides = [1, 1]} : vector<8x172032xf32> to vector<8x128xf32>
    %slice3A_1320 = vector.extract_strided_slice %get3A_1 {offsets = [0, 168832], sizes = [8, 128], strides = [1, 1]} : vector<8x172032xf32> to vector<8x128xf32>
    %slice3A_1321 = vector.extract_strided_slice %get3A_1 {offsets = [0, 168960], sizes = [8, 128], strides = [1, 1]} : vector<8x172032xf32> to vector<8x128xf32>
    %slice3A_1322 = vector.extract_strided_slice %get3A_1 {offsets = [0, 169088], sizes = [8, 128], strides = [1, 1]} : vector<8x172032xf32> to vector<8x128xf32>
    %slice3A_1323 = vector.extract_strided_slice %get3A_1 {offsets = [0, 169216], sizes = [8, 128], strides = [1, 1]} : vector<8x172032xf32> to vector<8x128xf32>
    %slice3A_1324 = vector.extract_strided_slice %get3A_1 {offsets = [0, 169344], sizes = [8, 128], strides = [1, 1]} : vector<8x172032xf32> to vector<8x128xf32>
    %slice3A_1325 = vector.extract_strided_slice %get3A_1 {offsets = [0, 169472], sizes = [8, 128], strides = [1, 1]} : vector<8x172032xf32> to vector<8x128xf32>
    %slice3A_1326 = vector.extract_strided_slice %get3A_1 {offsets = [0, 169600], sizes = [8, 128], strides = [1, 1]} : vector<8x172032xf32> to vector<8x128xf32>
    %slice3A_1327 = vector.extract_strided_slice %get3A_1 {offsets = [0, 169728], sizes = [8, 128], strides = [1, 1]} : vector<8x172032xf32> to vector<8x128xf32>
    %slice3A_1328 = vector.extract_strided_slice %get3A_1 {offsets = [0, 169856], sizes = [8, 128], strides = [1, 1]} : vector<8x172032xf32> to vector<8x128xf32>
    %slice3A_1329 = vector.extract_strided_slice %get3A_1 {offsets = [0, 169984], sizes = [8, 128], strides = [1, 1]} : vector<8x172032xf32> to vector<8x128xf32>
    %slice3A_1330 = vector.extract_strided_slice %get3A_1 {offsets = [0, 170112], sizes = [8, 128], strides = [1, 1]} : vector<8x172032xf32> to vector<8x128xf32>
    %slice3A_1331 = vector.extract_strided_slice %get3A_1 {offsets = [0, 170240], sizes = [8, 128], strides = [1, 1]} : vector<8x172032xf32> to vector<8x128xf32>
    %slice3A_1332 = vector.extract_strided_slice %get3A_1 {offsets = [0, 170368], sizes = [8, 128], strides = [1, 1]} : vector<8x172032xf32> to vector<8x128xf32>
    %slice3A_1333 = vector.extract_strided_slice %get3A_1 {offsets = [0, 170496], sizes = [8, 128], strides = [1, 1]} : vector<8x172032xf32> to vector<8x128xf32>
    %slice3A_1334 = vector.extract_strided_slice %get3A_1 {offsets = [0, 170624], sizes = [8, 128], strides = [1, 1]} : vector<8x172032xf32> to vector<8x128xf32>
    %slice3A_1335 = vector.extract_strided_slice %get3A_1 {offsets = [0, 170752], sizes = [8, 128], strides = [1, 1]} : vector<8x172032xf32> to vector<8x128xf32>
    %slice3A_1336 = vector.extract_strided_slice %get3A_1 {offsets = [0, 170880], sizes = [8, 128], strides = [1, 1]} : vector<8x172032xf32> to vector<8x128xf32>
    %slice3A_1337 = vector.extract_strided_slice %get3A_1 {offsets = [0, 171008], sizes = [8, 128], strides = [1, 1]} : vector<8x172032xf32> to vector<8x128xf32>
    %slice3A_1338 = vector.extract_strided_slice %get3A_1 {offsets = [0, 171136], sizes = [8, 128], strides = [1, 1]} : vector<8x172032xf32> to vector<8x128xf32>
    %slice3A_1339 = vector.extract_strided_slice %get3A_1 {offsets = [0, 171264], sizes = [8, 128], strides = [1, 1]} : vector<8x172032xf32> to vector<8x128xf32>
    %slice3A_1340 = vector.extract_strided_slice %get3A_1 {offsets = [0, 171392], sizes = [8, 128], strides = [1, 1]} : vector<8x172032xf32> to vector<8x128xf32>
    %slice3A_1341 = vector.extract_strided_slice %get3A_1 {offsets = [0, 171520], sizes = [8, 128], strides = [1, 1]} : vector<8x172032xf32> to vector<8x128xf32>
    %slice3A_1342 = vector.extract_strided_slice %get3A_1 {offsets = [0, 171648], sizes = [8, 128], strides = [1, 1]} : vector<8x172032xf32> to vector<8x128xf32>
    %slice3A_1343 = vector.extract_strided_slice %get3A_1 {offsets = [0, 171776], sizes = [8, 128], strides = [1, 1]} : vector<8x172032xf32> to vector<8x128xf32>
    %slice3A_1344 = vector.extract_strided_slice %get3A_1 {offsets = [0, 171904], sizes = [8, 128], strides = [1, 1]} : vector<8x172032xf32> to vector<8x128xf32>
    %concatenate3A = tpu.concatenate %slice3A, %slice3A_2, %slice3A_3, %slice3A_4, %slice3A_5, %slice3A_6, %slice3A_7, %slice3A_8, %slice3A_9, %slice3A_10, %slice3A_11, %slice3A_12, %slice3A_13, %slice3A_14, %slice3A_15, %slice3A_16, %slice3A_17, %slice3A_18, %slice3A_19, %slice3A_20, %slice3A_21, %slice3A_22, %slice3A_23, %slice3A_24, %slice3A_25, %slice3A_26, %slice3A_27, %slice3A_28, %slice3A_29, %slice3A_30, %slice3A_31, %slice3A_32, %slice3A_33, %slice3A_34, %slice3A_35, %slice3A_36, %slice3A_37, %slice3A_38, %slice3A_39, %slice3A_40, %slice3A_41, %slice3A_42, %slice3A_43, %slice3A_44, %slice3A_45, %slice3A_46, %slice3A_47, %slice3A_48, %slice3A_49, %slice3A_50, %slice3A_51, %slice3A_52, %slice3A_53, %slice3A_54, %slice3A_55, %slice3A_56, %slice3A_57, %slice3A_58, %slice3A_59, %slice3A_60, %slice3A_61, %slice3A_62, %slice3A_63, %slice3A_64, %slice3A_65, %slice3A_66, %slice3A_67, %slice3A_68, %slice3A_69, %slice3A_70, %slice3A_71, %slice3A_72, %slice3A_73, %slice3A_74, %slice3A_75, %slice3A_76, %slice3A_77, %slice3A_78, %slice3A_79, %slice3A_80, %slice3A_81, %slice3A_82, %slice3A_83, %slice3A_84, %slice3A_85, %slice3A_86, %slice3A_87, %slice3A_88, %slice3A_89, %slice3A_90, %slice3A_91, %slice3A_92, %slice3A_93, %slice3A_94, %slice3A_95, %slice3A_96, %slice3A_97, %slice3A_98, %slice3A_99, %slice3A_100, %slice3A_101, %slice3A_102, %slice3A_103, %slice3A_104, %slice3A_105, %slice3A_106, %slice3A_107, %slice3A_108, %slice3A_109, %slice3A_110, %slice3A_111, %slice3A_112, %slice3A_113, %slice3A_114, %slice3A_115, %slice3A_116, %slice3A_117, %slice3A_118, %slice3A_119, %slice3A_120, %slice3A_121, %slice3A_122, %slice3A_123, %slice3A_124, %slice3A_125, %slice3A_126, %slice3A_127, %slice3A_128, %slice3A_129, %slice3A_130, %slice3A_131, %slice3A_132, %slice3A_133, %slice3A_134, %slice3A_135, %slice3A_136, %slice3A_137, %slice3A_138, %slice3A_139, %slice3A_140, %slice3A_141, %slice3A_142, %slice3A_143, %slice3A_144, %slice3A_145, %slice3A_146, %slice3A_147, %slice3A_148, %slice3A_149, %slice3A_150, %slice3A_151, %slice3A_152, %slice3A_153, %slice3A_154, %slice3A_155, %slice3A_156, %slice3A_157, %slice3A_158, %slice3A_159, %slice3A_160, %slice3A_161, %slice3A_162, %slice3A_163, %slice3A_164, %slice3A_165, %slice3A_166, %slice3A_167, %slice3A_168, %slice3A_169, %slice3A_170, %slice3A_171, %slice3A_172, %slice3A_173, %slice3A_174, %slice3A_175, %slice3A_176, %slice3A_177, %slice3A_178, %slice3A_179, %slice3A_180, %slice3A_181, %slice3A_182, %slice3A_183, %slice3A_184, %slice3A_185, %slice3A_186, %slice3A_187, %slice3A_188, %slice3A_189, %slice3A_190, %slice3A_191, %slice3A_192, %slice3A_193, %slice3A_194, %slice3A_195, %slice3A_196, %slice3A_197, %slice3A_198, %slice3A_199, %slice3A_200, %slice3A_201, %slice3A_202, %slice3A_203, %slice3A_204, %slice3A_205, %slice3A_206, %slice3A_207, %slice3A_208, %slice3A_209, %slice3A_210, %slice3A_211, %slice3A_212, %slice3A_213, %slice3A_214, %slice3A_215, %slice3A_216, %slice3A_217, %slice3A_218, %slice3A_219, %slice3A_220, %slice3A_221, %slice3A_222, %slice3A_223, %slice3A_224, %slice3A_225, %slice3A_226, %slice3A_227, %slice3A_228, %slice3A_229, %slice3A_230, %slice3A_231, %slice3A_232, %slice3A_233, %slice3A_234, %slice3A_235, %slice3A_236, %slice3A_237, %slice3A_238, %slice3A_239, %slice3A_240, %slice3A_241, %slice3A_242, %slice3A_243, %slice3A_244, %slice3A_245, %slice3A_246, %slice3A_247, %slice3A_248, %slice3A_249, %slice3A_250, %slice3A_251, %slice3A_252, %slice3A_253, %slice3A_254, %slice3A_255, %slice3A_256, %slice3A_257, %slice3A_258, %slice3A_259, %slice3A_260, %slice3A_261, %slice3A_262, %slice3A_263, %slice3A_264, %slice3A_265, %slice3A_266, %slice3A_267, %slice3A_268, %slice3A_269, %slice3A_270, %slice3A_271, %slice3A_272, %slice3A_273, %slice3A_274, %slice3A_275, %slice3A_276, %slice3A_277, %slice3A_278, %slice3A_279, %slice3A_280, %slice3A_281, %slice3A_282, %slice3A_283, %slice3A_284, %slice3A_285, %slice3A_286, %slice3A_287, %slice3A_288, %slice3A_289, %slice3A_290, %slice3A_291, %slice3A_292, %slice3A_293, %slice3A_294, %slice3A_295, %slice3A_296, %slice3A_297, %slice3A_298, %slice3A_299, %slice3A_300, %slice3A_301, %slice3A_302, %slice3A_303, %slice3A_304, %slice3A_305, %slice3A_306, %slice3A_307, %slice3A_308, %slice3A_309, %slice3A_310, %slice3A_311, %slice3A_312, %slice3A_313, %slice3A_314, %slice3A_315, %slice3A_316, %slice3A_317, %slice3A_318, %slice3A_319, %slice3A_320, %slice3A_321, %slice3A_322, %slice3A_323, %slice3A_324, %slice3A_325, %slice3A_326, %slice3A_327, %slice3A_328, %slice3A_329, %slice3A_330, %slice3A_331, %slice3A_332, %slice3A_333, %slice3A_334, %slice3A_335, %slice3A_336, %slice3A_337, %slice3A_338, %slice3A_339, %slice3A_340, %slice3A_341, %slice3A_342, %slice3A_343, %slice3A_344, %slice3A_345, %slice3A_346, %slice3A_347, %slice3A_348, %slice3A_349, %slice3A_350, %slice3A_351, %slice3A_352, %slice3A_353, %slice3A_354, %slice3A_355, %slice3A_356, %slice3A_357, %slice3A_358, %slice3A_359, %slice3A_360, %slice3A_361, %slice3A_362, %slice3A_363, %slice3A_364, %slice3A_365, %slice3A_366, %slice3A_367, %slice3A_368, %slice3A_369, %slice3A_370, %slice3A_371, %slice3A_372, %slice3A_373, %slice3A_374, %slice3A_375, %slice3A_376, %slice3A_377, %slice3A_378, %slice3A_379, %slice3A_380, %slice3A_381, %slice3A_382, %slice3A_383, %slice3A_384, %slice3A_385, %slice3A_386, %slice3A_387, %slice3A_388, %slice3A_389, %slice3A_390, %slice3A_391, %slice3A_392, %slice3A_393, %slice3A_394, %slice3A_395, %slice3A_396, %slice3A_397, %slice3A_398, %slice3A_399, %slice3A_400, %slice3A_401, %slice3A_402, %slice3A_403, %slice3A_404, %slice3A_405, %slice3A_406, %slice3A_407, %slice3A_408, %slice3A_409, %slice3A_410, %slice3A_411, %slice3A_412, %slice3A_413, %slice3A_414, %slice3A_415, %slice3A_416, %slice3A_417, %slice3A_418, %slice3A_419, %slice3A_420, %slice3A_421, %slice3A_422, %slice3A_423, %slice3A_424, %slice3A_425, %slice3A_426, %slice3A_427, %slice3A_428, %slice3A_429, %slice3A_430, %slice3A_431, %slice3A_432, %slice3A_433, %slice3A_434, %slice3A_435, %slice3A_436, %slice3A_437, %slice3A_438, %slice3A_439, %slice3A_440, %slice3A_441, %slice3A_442, %slice3A_443, %slice3A_444, %slice3A_445, %slice3A_446, %slice3A_447, %slice3A_448, %slice3A_449, %slice3A_450, %slice3A_451, %slice3A_452, %slice3A_453, %slice3A_454, %slice3A_455, %slice3A_456, %slice3A_457, %slice3A_458, %slice3A_459, %slice3A_460, %slice3A_461, %slice3A_462, %slice3A_463, %slice3A_464, %slice3A_465, %slice3A_466, %slice3A_467, %slice3A_468, %slice3A_469, %slice3A_470, %slice3A_471, %slice3A_472, %slice3A_473, %slice3A_474, %slice3A_475, %slice3A_476, %slice3A_477, %slice3A_478, %slice3A_479, %slice3A_480, %slice3A_481, %slice3A_482, %slice3A_483, %slice3A_484, %slice3A_485, %slice3A_486, %slice3A_487, %slice3A_488, %slice3A_489, %slice3A_490, %slice3A_491, %slice3A_492, %slice3A_493, %slice3A_494, %slice3A_495, %slice3A_496, %slice3A_497, %slice3A_498, %slice3A_499, %slice3A_500, %slice3A_501, %slice3A_502, %slice3A_503, %slice3A_504, %slice3A_505, %slice3A_506, %slice3A_507, %slice3A_508, %slice3A_509, %slice3A_510, %slice3A_511, %slice3A_512, %slice3A_513, %slice3A_514, %slice3A_515, %slice3A_516, %slice3A_517, %slice3A_518, %slice3A_519, %slice3A_520, %slice3A_521, %slice3A_522, %slice3A_523, %slice3A_524, %slice3A_525, %slice3A_526, %slice3A_527, %slice3A_528, %slice3A_529, %slice3A_530, %slice3A_531, %slice3A_532, %slice3A_533, %slice3A_534, %slice3A_535, %slice3A_536, %slice3A_537, %slice3A_538, %slice3A_539, %slice3A_540, %slice3A_541, %slice3A_542, %slice3A_543, %slice3A_544, %slice3A_545, %slice3A_546, %slice3A_547, %slice3A_548, %slice3A_549, %slice3A_550, %slice3A_551, %slice3A_552, %slice3A_553, %slice3A_554, %slice3A_555, %slice3A_556, %slice3A_557, %slice3A_558, %slice3A_559, %slice3A_560, %slice3A_561, %slice3A_562, %slice3A_563, %slice3A_564, %slice3A_565, %slice3A_566, %slice3A_567, %slice3A_568, %slice3A_569, %slice3A_570, %slice3A_571, %slice3A_572, %slice3A_573, %slice3A_574, %slice3A_575, %slice3A_576, %slice3A_577, %slice3A_578, %slice3A_579, %slice3A_580, %slice3A_581, %slice3A_582, %slice3A_583, %slice3A_584, %slice3A_585, %slice3A_586, %slice3A_587, %slice3A_588, %slice3A_589, %slice3A_590, %slice3A_591, %slice3A_592, %slice3A_593, %slice3A_594, %slice3A_595, %slice3A_596, %slice3A_597, %slice3A_598, %slice3A_599, %slice3A_600, %slice3A_601, %slice3A_602, %slice3A_603, %slice3A_604, %slice3A_605, %slice3A_606, %slice3A_607, %slice3A_608, %slice3A_609, %slice3A_610, %slice3A_611, %slice3A_612, %slice3A_613, %slice3A_614, %slice3A_615, %slice3A_616, %slice3A_617, %slice3A_618, %slice3A_619, %slice3A_620, %slice3A_621, %slice3A_622, %slice3A_623, %slice3A_624, %slice3A_625, %slice3A_626, %slice3A_627, %slice3A_628, %slice3A_629, %slice3A_630, %slice3A_631, %slice3A_632, %slice3A_633, %slice3A_634, %slice3A_635, %slice3A_636, %slice3A_637, %slice3A_638, %slice3A_639, %slice3A_640, %slice3A_641, %slice3A_642, %slice3A_643, %slice3A_644, %slice3A_645, %slice3A_646, %slice3A_647, %slice3A_648, %slice3A_649, %slice3A_650, %slice3A_651, %slice3A_652, %slice3A_653, %slice3A_654, %slice3A_655, %slice3A_656, %slice3A_657, %slice3A_658, %slice3A_659, %slice3A_660, %slice3A_661, %slice3A_662, %slice3A_663, %slice3A_664, %slice3A_665, %slice3A_666, %slice3A_667, %slice3A_668, %slice3A_669, %slice3A_670, %slice3A_671, %slice3A_672, %slice3A_673, %slice3A_674, %slice3A_675, %slice3A_676, %slice3A_677, %slice3A_678, %slice3A_679, %slice3A_680, %slice3A_681, %slice3A_682, %slice3A_683, %slice3A_684, %slice3A_685, %slice3A_686, %slice3A_687, %slice3A_688, %slice3A_689, %slice3A_690, %slice3A_691, %slice3A_692, %slice3A_693, %slice3A_694, %slice3A_695, %slice3A_696, %slice3A_697, %slice3A_698, %slice3A_699, %slice3A_700, %slice3A_701, %slice3A_702, %slice3A_703, %slice3A_704, %slice3A_705, %slice3A_706, %slice3A_707, %slice3A_708, %slice3A_709, %slice3A_710, %slice3A_711, %slice3A_712, %slice3A_713, %slice3A_714, %slice3A_715, %slice3A_716, %slice3A_717, %slice3A_718, %slice3A_719, %slice3A_720, %slice3A_721, %slice3A_722, %slice3A_723, %slice3A_724, %slice3A_725, %slice3A_726, %slice3A_727, %slice3A_728, %slice3A_729, %slice3A_730, %slice3A_731, %slice3A_732, %slice3A_733, %slice3A_734, %slice3A_735, %slice3A_736, %slice3A_737, %slice3A_738, %slice3A_739, %slice3A_740, %slice3A_741, %slice3A_742, %slice3A_743, %slice3A_744, %slice3A_745, %slice3A_746, %slice3A_747, %slice3A_748, %slice3A_749, %slice3A_750, %slice3A_751, %slice3A_752, %slice3A_753, %slice3A_754, %slice3A_755, %slice3A_756, %slice3A_757, %slice3A_758, %slice3A_759, %slice3A_760, %slice3A_761, %slice3A_762, %slice3A_763, %slice3A_764, %slice3A_765, %slice3A_766, %slice3A_767, %slice3A_768, %slice3A_769, %slice3A_770, %slice3A_771, %slice3A_772, %slice3A_773, %slice3A_774, %slice3A_775, %slice3A_776, %slice3A_777, %slice3A_778, %slice3A_779, %slice3A_780, %slice3A_781, %slice3A_782, %slice3A_783, %slice3A_784, %slice3A_785, %slice3A_786, %slice3A_787, %slice3A_788, %slice3A_789, %slice3A_790, %slice3A_791, %slice3A_792, %slice3A_793, %slice3A_794, %slice3A_795, %slice3A_796, %slice3A_797, %slice3A_798, %slice3A_799, %slice3A_800, %slice3A_801, %slice3A_802, %slice3A_803, %slice3A_804, %slice3A_805, %slice3A_806, %slice3A_807, %slice3A_808, %slice3A_809, %slice3A_810, %slice3A_811, %slice3A_812, %slice3A_813, %slice3A_814, %slice3A_815, %slice3A_816, %slice3A_817, %slice3A_818, %slice3A_819, %slice3A_820, %slice3A_821, %slice3A_822, %slice3A_823, %slice3A_824, %slice3A_825, %slice3A_826, %slice3A_827, %slice3A_828, %slice3A_829, %slice3A_830, %slice3A_831, %slice3A_832, %slice3A_833, %slice3A_834, %slice3A_835, %slice3A_836, %slice3A_837, %slice3A_838, %slice3A_839, %slice3A_840, %slice3A_841, %slice3A_842, %slice3A_843, %slice3A_844, %slice3A_845, %slice3A_846, %slice3A_847, %slice3A_848, %slice3A_849, %slice3A_850, %slice3A_851, %slice3A_852, %slice3A_853, %slice3A_854, %slice3A_855, %slice3A_856, %slice3A_857, %slice3A_858, %slice3A_859, %slice3A_860, %slice3A_861, %slice3A_862, %slice3A_863, %slice3A_864, %slice3A_865, %slice3A_866, %slice3A_867, %slice3A_868, %slice3A_869, %slice3A_870, %slice3A_871, %slice3A_872, %slice3A_873, %slice3A_874, %slice3A_875, %slice3A_876, %slice3A_877, %slice3A_878, %slice3A_879, %slice3A_880, %slice3A_881, %slice3A_882, %slice3A_883, %slice3A_884, %slice3A_885, %slice3A_886, %slice3A_887, %slice3A_888, %slice3A_889, %slice3A_890, %slice3A_891, %slice3A_892, %slice3A_893, %slice3A_894, %slice3A_895, %slice3A_896, %slice3A_897, %slice3A_898, %slice3A_899, %slice3A_900, %slice3A_901, %slice3A_902, %slice3A_903, %slice3A_904, %slice3A_905, %slice3A_906, %slice3A_907, %slice3A_908, %slice3A_909, %slice3A_910, %slice3A_911, %slice3A_912, %slice3A_913, %slice3A_914, %slice3A_915, %slice3A_916, %slice3A_917, %slice3A_918, %slice3A_919, %slice3A_920, %slice3A_921, %slice3A_922, %slice3A_923, %slice3A_924, %slice3A_925, %slice3A_926, %slice3A_927, %slice3A_928, %slice3A_929, %slice3A_930, %slice3A_931, %slice3A_932, %slice3A_933, %slice3A_934, %slice3A_935, %slice3A_936, %slice3A_937, %slice3A_938, %slice3A_939, %slice3A_940, %slice3A_941, %slice3A_942, %slice3A_943, %slice3A_944, %slice3A_945, %slice3A_946, %slice3A_947, %slice3A_948, %slice3A_949, %slice3A_950, %slice3A_951, %slice3A_952, %slice3A_953, %slice3A_954, %slice3A_955, %slice3A_956, %slice3A_957, %slice3A_958, %slice3A_959, %slice3A_960, %slice3A_961, %slice3A_962, %slice3A_963, %slice3A_964, %slice3A_965, %slice3A_966, %slice3A_967, %slice3A_968, %slice3A_969, %slice3A_970, %slice3A_971, %slice3A_972, %slice3A_973, %slice3A_974, %slice3A_975, %slice3A_976, %slice3A_977, %slice3A_978, %slice3A_979, %slice3A_980, %slice3A_981, %slice3A_982, %slice3A_983, %slice3A_984, %slice3A_985, %slice3A_986, %slice3A_987, %slice3A_988, %slice3A_989, %slice3A_990, %slice3A_991, %slice3A_992, %slice3A_993, %slice3A_994, %slice3A_995, %slice3A_996, %slice3A_997, %slice3A_998, %slice3A_999, %slice3A_1000, %slice3A_1001, %slice3A_1002, %slice3A_1003, %slice3A_1004, %slice3A_1005, %slice3A_1006, %slice3A_1007, %slice3A_1008, %slice3A_1009, %slice3A_1010, %slice3A_1011, %slice3A_1012, %slice3A_1013, %slice3A_1014, %slice3A_1015, %slice3A_1016, %slice3A_1017, %slice3A_1018, %slice3A_1019, %slice3A_1020, %slice3A_1021, %slice3A_1022, %slice3A_1023, %slice3A_1024, %slice3A_1025, %slice3A_1026, %slice3A_1027, %slice3A_1028, %slice3A_1029, %slice3A_1030, %slice3A_1031, %slice3A_1032, %slice3A_1033, %slice3A_1034, %slice3A_1035, %slice3A_1036, %slice3A_1037, %slice3A_1038, %slice3A_1039, %slice3A_1040, %slice3A_1041, %slice3A_1042, %slice3A_1043, %slice3A_1044, %slice3A_1045, %slice3A_1046, %slice3A_1047, %slice3A_1048, %slice3A_1049, %slice3A_1050, %slice3A_1051, %slice3A_1052, %slice3A_1053, %slice3A_1054, %slice3A_1055, %slice3A_1056, %slice3A_1057, %slice3A_1058, %slice3A_1059, %slice3A_1060, %slice3A_1061, %slice3A_1062, %slice3A_1063, %slice3A_1064, %slice3A_1065, %slice3A_1066, %slice3A_1067, %slice3A_1068, %slice3A_1069, %slice3A_1070, %slice3A_1071, %slice3A_1072, %slice3A_1073, %slice3A_1074, %slice3A_1075, %slice3A_1076, %slice3A_1077, %slice3A_1078, %slice3A_1079, %slice3A_1080, %slice3A_1081, %slice3A_1082, %slice3A_1083, %slice3A_1084, %slice3A_1085, %slice3A_1086, %slice3A_1087, %slice3A_1088, %slice3A_1089, %slice3A_1090, %slice3A_1091, %slice3A_1092, %slice3A_1093, %slice3A_1094, %slice3A_1095, %slice3A_1096, %slice3A_1097, %slice3A_1098, %slice3A_1099, %slice3A_1100, %slice3A_1101, %slice3A_1102, %slice3A_1103, %slice3A_1104, %slice3A_1105, %slice3A_1106, %slice3A_1107, %slice3A_1108, %slice3A_1109, %slice3A_1110, %slice3A_1111, %slice3A_1112, %slice3A_1113, %slice3A_1114, %slice3A_1115, %slice3A_1116, %slice3A_1117, %slice3A_1118, %slice3A_1119, %slice3A_1120, %slice3A_1121, %slice3A_1122, %slice3A_1123, %slice3A_1124, %slice3A_1125, %slice3A_1126, %slice3A_1127, %slice3A_1128, %slice3A_1129, %slice3A_1130, %slice3A_1131, %slice3A_1132, %slice3A_1133, %slice3A_1134, %slice3A_1135, %slice3A_1136, %slice3A_1137, %slice3A_1138, %slice3A_1139, %slice3A_1140, %slice3A_1141, %slice3A_1142, %slice3A_1143, %slice3A_1144, %slice3A_1145, %slice3A_1146, %slice3A_1147, %slice3A_1148, %slice3A_1149, %slice3A_1150, %slice3A_1151, %slice3A_1152, %slice3A_1153, %slice3A_1154, %slice3A_1155, %slice3A_1156, %slice3A_1157, %slice3A_1158, %slice3A_1159, %slice3A_1160, %slice3A_1161, %slice3A_1162, %slice3A_1163, %slice3A_1164, %slice3A_1165, %slice3A_1166, %slice3A_1167, %slice3A_1168, %slice3A_1169, %slice3A_1170, %slice3A_1171, %slice3A_1172, %slice3A_1173, %slice3A_1174, %slice3A_1175, %slice3A_1176, %slice3A_1177, %slice3A_1178, %slice3A_1179, %slice3A_1180, %slice3A_1181, %slice3A_1182, %slice3A_1183, %slice3A_1184, %slice3A_1185, %slice3A_1186, %slice3A_1187, %slice3A_1188, %slice3A_1189, %slice3A_1190, %slice3A_1191, %slice3A_1192, %slice3A_1193, %slice3A_1194, %slice3A_1195, %slice3A_1196, %slice3A_1197, %slice3A_1198, %slice3A_1199, %slice3A_1200, %slice3A_1201, %slice3A_1202, %slice3A_1203, %slice3A_1204, %slice3A_1205, %slice3A_1206, %slice3A_1207, %slice3A_1208, %slice3A_1209, %slice3A_1210, %slice3A_1211, %slice3A_1212, %slice3A_1213, %slice3A_1214, %slice3A_1215, %slice3A_1216, %slice3A_1217, %slice3A_1218, %slice3A_1219, %slice3A_1220, %slice3A_1221, %slice3A_1222, %slice3A_1223, %slice3A_1224, %slice3A_1225, %slice3A_1226, %slice3A_1227, %slice3A_1228, %slice3A_1229, %slice3A_1230, %slice3A_1231, %slice3A_1232, %slice3A_1233, %slice3A_1234, %slice3A_1235, %slice3A_1236, %slice3A_1237, %slice3A_1238, %slice3A_1239, %slice3A_1240, %slice3A_1241, %slice3A_1242, %slice3A_1243, %slice3A_1244, %slice3A_1245, %slice3A_1246, %slice3A_1247, %slice3A_1248, %slice3A_1249, %slice3A_1250, %slice3A_1251, %slice3A_1252, %slice3A_1253, %slice3A_1254, %slice3A_1255, %slice3A_1256, %slice3A_1257, %slice3A_1258, %slice3A_1259, %slice3A_1260, %slice3A_1261, %slice3A_1262, %slice3A_1263, %slice3A_1264, %slice3A_1265, %slice3A_1266, %slice3A_1267, %slice3A_1268, %slice3A_1269, %slice3A_1270, %slice3A_1271, %slice3A_1272, %slice3A_1273, %slice3A_1274, %slice3A_1275, %slice3A_1276, %slice3A_1277, %slice3A_1278, %slice3A_1279, %slice3A_1280, %slice3A_1281, %slice3A_1282, %slice3A_1283, %slice3A_1284, %slice3A_1285, %slice3A_1286, %slice3A_1287, %slice3A_1288, %slice3A_1289, %slice3A_1290, %slice3A_1291, %slice3A_1292, %slice3A_1293, %slice3A_1294, %slice3A_1295, %slice3A_1296, %slice3A_1297, %slice3A_1298, %slice3A_1299, %slice3A_1300, %slice3A_1301, %slice3A_1302, %slice3A_1303, %slice3A_1304, %slice3A_1305, %slice3A_1306, %slice3A_1307, %slice3A_1308, %slice3A_1309, %slice3A_1310, %slice3A_1311, %slice3A_1312, %slice3A_1313, %slice3A_1314, %slice3A_1315, %slice3A_1316, %slice3A_1317, %slice3A_1318, %slice3A_1319, %slice3A_1320, %slice3A_1321, %slice3A_1322, %slice3A_1323, %slice3A_1324, %slice3A_1325, %slice3A_1326, %slice3A_1327, %slice3A_1328, %slice3A_1329, %slice3A_1330, %slice3A_1331, %slice3A_1332, %slice3A_1333, %slice3A_1334, %slice3A_1335, %slice3A_1336, %slice3A_1337, %slice3A_1338, %slice3A_1339, %slice3A_1340, %slice3A_1341, %slice3A_1342, %slice3A_1343, %slice3A_1344 in 0 : vector<8x128xf32>, vector<8x128xf32>, vector<8x128xf32>, vector<8x128xf32>, vector<8x128xf32>, vector<8x128xf32>, vector<8x128xf32>, vector<8x128xf32>, vector<8x128xf32>, vector<8x128xf32>, vector<8x128xf32>, vector<8x128xf32>, vector<8x128xf32>, vector<8x128xf32>, vector<8x128xf32>, vector<8x128xf32>, vector<8x128xf32>, vector<8x128xf32>, vector<8x128xf32>, vector<8x128xf32>, vector<8x128xf32>, vector<8x128xf32>, vector<8x128xf32>, vector<8x128xf32>, vector<8x128xf32>, vector<8x128xf32>, vector<8x128xf32>, vector<8x128xf32>, vector<8x128xf32>, vector<8x128xf32>, vector<8x128xf32>, vector<8x128xf32>, vector<8x128xf32>, vector<8x128xf32>, vector<8x128xf32>, vector<8x128xf32>, vector<8x128xf32>, vector<8x128xf32>, vector<8x128xf32>, vector<8x128xf32>, vector<8x128xf32>, vector<8x128xf32>, vector<8x128xf32>, vector<8x128xf32>, vector<8x128xf32>, vector<8x128xf32>, vector<8x128xf32>, vector<8x128xf32>, vector<8x128xf32>, vector<8x128xf32>, vector<8x128xf32>, vector<8x128xf32>, vector<8x128xf32>, vector<8x128xf32>, vector<8x128xf32>, vector<8x128xf32>, vector<8x128xf32>, vector<8x128xf32>, vector<8x128xf32>, vector<8x128xf32>, vector<8x128xf32>, vector<8x128xf32>, vector<8x128xf32>, vector<8x128xf32>, vector<8x128xf32>, vector<8x128xf32>, vector<8x128xf32>, vector<8x128xf32>, vector<8x128xf32>, vector<8x128xf32>, vector<8x128xf32>, vector<8x128xf32>, vector<8x128xf32>, vector<8x128xf32>, vector<8x128xf32>, vector<8x128xf32>, vector<8x128xf32>, vector<8x128xf32>, vector<8x128xf32>, vector<8x128xf32>, vector<8x128xf32>, vector<8x128xf32>, vector<8x128xf32>, vector<8x128xf32>, vector<8x128xf32>, vector<8x128xf32>, vector<8x128xf32>, vector<8x128xf32>, vector<8x128xf32>, vector<8x128xf32>, vector<8x128xf32>, vector<8x128xf32>, vector<8x128xf32>, vector<8x128xf32>, vector<8x128xf32>, vector<8x128xf32>, vector<8x128xf32>, vector<8x128xf32>, vector<8x128xf32>, vector<8x128xf32>, vector<8x128xf32>, vector<8x128xf32>, vector<8x128xf32>, vector<8x128xf32>, vector<8x128xf32>, vector<8x128xf32>, vector<8x128xf32>, vector<8x128xf32>, vector<8x128xf32>, vector<8x128xf32>, vector<8x128xf32>, vector<8x128xf32>, vector<8x128xf32>, vector<8x128xf32>, vector<8x128xf32>, vector<8x128xf32>, vector<8x128xf32>, vector<8x128xf32>, vector<8x128xf32>, vector<8x128xf32>, vector<8x128xf32>, vector<8x128xf32>, vector<8x128xf32>, vector<8x128xf32>, vector<8x128xf32>, vector<8x128xf32>, vector<8x128xf32>, vector<8x128xf32>, vector<8x128xf32>, vector<8x128xf32>, vector<8x128xf32>, vector<8x128xf32>, vector<8x128xf32>, vector<8x128xf32>, vector<8x128xf32>, vector<8x128xf32>, vector<8x128xf32>, vector<8x128xf32>, vector<8x128xf32>, vector<8x128xf32>, vector<8x128xf32>, vector<8x128xf32>, vector<8x128xf32>, vector<8x128xf32>, vector<8x128xf32>, vector<8x128xf32>, vector<8x128xf32>, vector<8x128xf32>, vector<8x128xf32>, vector<8x128xf32>, vector<8x128xf32>, vector<8x128xf32>, vector<8x128xf32>, vector<8x128xf32>, vector<8x128xf32>, vector<8x128xf32>, vector<8x128xf32>, vector<8x128xf32>, vector<8x128xf32>, vector<8x128xf32>, vector<8x128xf32>, vector<8x128xf32>, vector<8x128xf32>, vector<8x128xf32>, vector<8x128xf32>, vector<8x128xf32>, vector<8x128xf32>, vector<8x128xf32>, vector<8x128xf32>, vector<8x128xf32>, vector<8x128xf32>, vector<8x128xf32>, vector<8x128xf32>, vector<8x128xf32>, vector<8x128xf32>, vector<8x128xf32>, vector<8x128xf32>, vector<8x128xf32>, vector<8x128xf32>, vector<8x128xf32>, vector<8x128xf32>, vector<8x128xf32>, vector<8x128xf32>, vector<8x128xf32>, vector<8x128xf32>, vector<8x128xf32>, vector<8x128xf32>, vector<8x128xf32>, vector<8x128xf32>, vector<8x128xf32>, vector<8x128xf32>, vector<8x128xf32>, vector<8x128xf32>, vector<8x128xf32>, vector<8x128xf32>, vector<8x128xf32>, vector<8x128xf32>, vector<8x128xf32>, vector<8x128xf32>, vector<8x128xf32>, vector<8x128xf32>, vector<8x128xf32>, vector<8x128xf32>, vector<8x128xf32>, vector<8x128xf32>, vector<8x128xf32>, vector<8x128xf32>, vector<8x128xf32>, vector<8x128xf32>, vector<8x128xf32>, vector<8x128xf32>, vector<8x128xf32>, vector<8x128xf32>, vector<8x128xf32>, vector<8x128xf32>, vector<8x128xf32>, vector<8x128xf32>, vector<8x128xf32>, vector<8x128xf32>, vector<8x128xf32>, vector<8x128xf32>, vector<8x128xf32>, vector<8x128xf32>, vector<8x128xf32>, vector<8x128xf32>, vector<8x128xf32>, vector<8x128xf32>, vector<8x128xf32>, vector<8x128xf32>, vector<8x128xf32>, vector<8x128xf32>, vector<8x128xf32>, vector<8x128xf32>, vector<8x128xf32>, vector<8x128xf32>, vector<8x128xf32>, vector<8x128xf32>, vector<8x128xf32>, vector<8x128xf32>, vector<8x128xf32>, vector<8x128xf32>, vector<8x128xf32>, vector<8x128xf32>, vector<8x128xf32>, vector<8x128xf32>, vector<8x128xf32>, vector<8x128xf32>, vector<8x128xf32>, vector<8x128xf32>, vector<8x128xf32>, vector<8x128xf32>, vector<8x128xf32>, vector<8x128xf32>, vector<8x128xf32>, vector<8x128xf32>, vector<8x128xf32>, vector<8x128xf32>, vector<8x128xf32>, vector<8x128xf32>, vector<8x128xf32>, vector<8x128xf32>, vector<8x128xf32>, vector<8x128xf32>, vector<8x128xf32>, vector<8x128xf32>, vector<8x128xf32>, vector<8x128xf32>, vector<8x128xf32>, vector<8x128xf32>, vector<8x128xf32>, vector<8x128xf32>, vector<8x128xf32>, vector<8x128xf32>, vector<8x128xf32>, vector<8x128xf32>, vector<8x128xf32>, vector<8x128xf32>, vector<8x128xf32>, vector<8x128xf32>, vector<8x128xf32>, vector<8x128xf32>, vector<8x128xf32>, vector<8x128xf32>, vector<8x128xf32>, vector<8x128xf32>, vector<8x128xf32>, vector<8x128xf32>, vector<8x128xf32>, vector<8x128xf32>, vector<8x128xf32>, vector<8x128xf32>, vector<8x128xf32>, vector<8x128xf32>, vector<8x128xf32>, vector<8x128xf32>, vector<8x128xf32>, vector<8x128xf32>, vector<8x128xf32>, vector<8x128xf32>, vector<8x128xf32>, vector<8x128xf32>, vector<8x128xf32>, vector<8x128xf32>, vector<8x128xf32>, vector<8x128xf32>, vector<8x128xf32>, vector<8x128xf32>, vector<8x128xf32>, vector<8x128xf32>, vector<8x128xf32>, vector<8x128xf32>, vector<8x128xf32>, vector<8x128xf32>, vector<8x128xf32>, vector<8x128xf32>, vector<8x128xf32>, vector<8x128xf32>, vector<8x128xf32>, vector<8x128xf32>, vector<8x128xf32>, vector<8x128xf32>, vector<8x128xf32>, vector<8x128xf32>, vector<8x128xf32>, vector<8x128xf32>, vector<8x128xf32>, vector<8x128xf32>, vector<8x128xf32>, vector<8x128xf32>, vector<8x128xf32>, vector<8x128xf32>, vector<8x128xf32>, vector<8x128xf32>, vector<8x128xf32>, vector<8x128xf32>, vector<8x128xf32>, vector<8x128xf32>, vector<8x128xf32>, vector<8x128xf32>, vector<8x128xf32>, vector<8x128xf32>, vector<8x128xf32>, vector<8x128xf32>, vector<8x128xf32>, vector<8x128xf32>, vector<8x128xf32>, vector<8x128xf32>, vector<8x128xf32>, vector<8x128xf32>, vector<8x128xf32>, vector<8x128xf32>, vector<8x128xf32>, vector<8x128xf32>, vector<8x128xf32>, vector<8x128xf32>, vector<8x128xf32>, vector<8x128xf32>, vector<8x128xf32>, vector<8x128xf32>, vector<8x128xf32>, vector<8x128xf32>, vector<8x128xf32>, vector<8x128xf32>, vector<8x128xf32>, vector<8x128xf32>, vector<8x128xf32>, vector<8x128xf32>, vector<8x128xf32>, vector<8x128xf32>, vector<8x128xf32>, vector<8x128xf32>, vector<8x128xf32>, vector<8x128xf32>, vector<8x128xf32>, vector<8x128xf32>, vector<8x128xf32>, vector<8x128xf32>, vector<8x128xf32>, vector<8x128xf32>, vector<8x128xf32>, vector<8x128xf32>, vector<8x128xf32>, vector<8x128xf32>, vector<8x128xf32>, vector<8x128xf32>, vector<8x128xf32>, vector<8x128xf32>, vector<8x128xf32>, vector<8x128xf32>, vector<8x128xf32>, vector<8x128xf32>, vector<8x128xf32>, vector<8x128xf32>, vector<8x128xf32>, vector<8x128xf32>, vector<8x128xf32>, vector<8x128xf32>, vector<8x128xf32>, vector<8x128xf32>, vector<8x128xf32>, vector<8x128xf32>, vector<8x128xf32>, vector<8x128xf32>, vector<8x128xf32>, vector<8x128xf32>, vector<8x128xf32>, vector<8x128xf32>, vector<8x128xf32>, vector<8x128xf32>, vector<8x128xf32>, vector<8x128xf32>, vector<8x128xf32>, vector<8x128xf32>, vector<8x128xf32>, vector<8x128xf32>, vector<8x128xf32>, vector<8x128xf32>, vector<8x128xf32>, vector<8x128xf32>, vector<8x128xf32>, vector<8x128xf32>, vector<8x128xf32>, vector<8x128xf32>, vector<8x128xf32>, vector<8x128xf32>, vector<8x128xf32>, vector<8x128xf32>, vector<8x128xf32>, vector<8x128xf32>, vector<8x128xf32>, vector<8x128xf32>, vector<8x128xf32>, vector<8x128xf32>, vector<8x128xf32>, vector<8x128xf32>, vector<8x128xf32>, vector<8x128xf32>, vector<8x128xf32>, vector<8x128xf32>, vector<8x128xf32>, vector<8x128xf32>, vector<8x128xf32>, vector<8x128xf32>, vector<8x128xf32>, vector<8x128xf32>, vector<8x128xf32>, vector<8x128xf32>, vector<8x128xf32>, vector<8x128xf32>, vector<8x128xf32>, vector<8x128xf32>, vector<8x128xf32>, vector<8x128xf32>, vector<8x128xf32>, vector<8x128xf32>, vector<8x128xf32>, vector<8x128xf32>, vector<8x128xf32>, vector<8x128xf32>, vector<8x128xf32>, vector<8x128xf32>, vector<8x128xf32>, vector<8x128xf32>, vector<8x128xf32>, vector<8x128xf32>, vector<8x128xf32>, vector<8x128xf32>, vector<8x128xf32>, vector<8x128xf32>, vector<8x128xf32>, vector<8x128xf32>, vector<8x128xf32>, vector<8x128xf32>, vector<8x128xf32>, vector<8x128xf32>, vector<8x128xf32>, vector<8x128xf32>, vector<8x128xf32>, vector<8x128xf32>, vector<8x128xf32>, vector<8x128xf32>, vector<8x128xf32>, vector<8x128xf32>, vector<8x128xf32>, vector<8x128xf32>, vector<8x128xf32>, vector<8x128xf32>, vector<8x128xf32>, vector<8x128xf32>, vector<8x128xf32>, vector<8x128xf32>, vector<8x128xf32>, vector<8x128xf32>, vector<8x128xf32>, vector<8x128xf32>, vector<8x128xf32>, vector<8x128xf32>, vector<8x128xf32>, vector<8x128xf32>, vector<8x128xf32>, vector<8x128xf32>, vector<8x128xf32>, vector<8x128xf32>, vector<8x128xf32>, vector<8x128xf32>, vector<8x128xf32>, vector<8x128xf32>, vector<8x128xf32>, vector<8x128xf32>, vector<8x128xf32>, vector<8x128xf32>, vector<8x128xf32>, vector<8x128xf32>, vector<8x128xf32>, vector<8x128xf32>, vector<8x128xf32>, vector<8x128xf32>, vector<8x128xf32>, vector<8x128xf32>, vector<8x128xf32>, vector<8x128xf32>, vector<8x128xf32>, vector<8x128xf32>, vector<8x128xf32>, vector<8x128xf32>, vector<8x128xf32>, vector<8x128xf32>, vector<8x128xf32>, vector<8x128xf32>, vector<8x128xf32>, vector<8x128xf32>, vector<8x128xf32>, vector<8x128xf32>, vector<8x128xf32>, vector<8x128xf32>, vector<8x128xf32>, vector<8x128xf32>, vector<8x128xf32>, vector<8x128xf32>, vector<8x128xf32>, vector<8x128xf32>, vector<8x128xf32>, vector<8x128xf32>, vector<8x128xf32>, vector<8x128xf32>, vector<8x128xf32>, vector<8x128xf32>, vector<8x128xf32>, vector<8x128xf32>, vector<8x128xf32>, vector<8x128xf32>, vector<8x128xf32>, vector<8x128xf32>, vector<8x128xf32>, vector<8x128xf32>, vector<8x128xf32>, vector<8x128xf32>, vector<8x128xf32>, vector<8x128xf32>, vector<8x128xf32>, vector<8x128xf32>, vector<8x128xf32>, vector<8x128xf32>, vector<8x128xf32>, vector<8x128xf32>, vector<8x128xf32>, vector<8x128xf32>, vector<8x128xf32>, vector<8x128xf32>, vector<8x128xf32>, vector<8x128xf32>, vector<8x128xf32>, vector<8x128xf32>, vector<8x128xf32>, vector<8x128xf32>, vector<8x128xf32>, vector<8x128xf32>, vector<8x128xf32>, vector<8x128xf32>, vector<8x128xf32>, vector<8x128xf32>, vector<8x128xf32>, vector<8x128xf32>, vector<8x128xf32>, vector<8x128xf32>, vector<8x128xf32>, vector<8x128xf32>, vector<8x128xf32>, vector<8x128xf32>, vector<8x128xf32>, vector<8x128xf32>, vector<8x128xf32>, vector<8x128xf32>, vector<8x128xf32>, vector<8x128xf32>, vector<8x128xf32>, vector<8x128xf32>, vector<8x128xf32>, vector<8x128xf32>, vector<8x128xf32>, vector<8x128xf32>, vector<8x128xf32>, vector<8x128xf32>, vector<8x128xf32>, vector<8x128xf32>, vector<8x128xf32>, vector<8x128xf32>, vector<8x128xf32>, vector<8x128xf32>, vector<8x128xf32>, vector<8x128xf32>, vector<8x128xf32>, vector<8x128xf32>, vector<8x128xf32>, vector<8x128xf32>, vector<8x128xf32>, vector<8x128xf32>, vector<8x128xf32>, vector<8x128xf32>, vector<8x128xf32>, vector<8x128xf32>, vector<8x128xf32>, vector<8x128xf32>, vector<8x128xf32>, vector<8x128xf32>, vector<8x128xf32>, vector<8x128xf32>, vector<8x128xf32>, vector<8x128xf32>, vector<8x128xf32>, vector<8x128xf32>, vector<8x128xf32>, vector<8x128xf32>, vector<8x128xf32>, vector<8x128xf32>, vector<8x128xf32>, vector<8x128xf32>, vector<8x128xf32>, vector<8x128xf32>, vector<8x128xf32>, vector<8x128xf32>, vector<8x128xf32>, vector<8x128xf32>, vector<8x128xf32>, vector<8x128xf32>, vector<8x128xf32>, vector<8x128xf32>, vector<8x128xf32>, vector<8x128xf32>, vector<8x128xf32>, vector<8x128xf32>, vector<8x128xf32>, vector<8x128xf32>, vector<8x128xf32>, vector<8x128xf32>, vector<8x128xf32>, vector<8x128xf32>, vector<8x128xf32>, vector<8x128xf32>, vector<8x128xf32>, vector<8x128xf32>, vector<8x128xf32>, vector<8x128xf32>, vector<8x128xf32>, vector<8x128xf32>, vector<8x128xf32>, vector<8x128xf32>, vector<8x128xf32>, vector<8x128xf32>, vector<8x128xf32>, vector<8x128xf32>, vector<8x128xf32>, vector<8x128xf32>, vector<8x128xf32>, vector<8x128xf32>, vector<8x128xf32>, vector<8x128xf32>, vector<8x128xf32>, vector<8x128xf32>, vector<8x128xf32>, vector<8x128xf32>, vector<8x128xf32>, vector<8x128xf32>, vector<8x128xf32>, vector<8x128xf32>, vector<8x128xf32>, vector<8x128xf32>, vector<8x128xf32>, vector<8x128xf32>, vector<8x128xf32>, vector<8x128xf32>, vector<8x128xf32>, vector<8x128xf32>, vector<8x128xf32>, vector<8x128xf32>, vector<8x128xf32>, vector<8x128xf32>, vector<8x128xf32>, vector<8x128xf32>, vector<8x128xf32>, vector<8x128xf32>, vector<8x128xf32>, vector<8x128xf32>, vector<8x128xf32>, vector<8x128xf32>, vector<8x128xf32>, vector<8x128xf32>, vector<8x128xf32>, vector<8x128xf32>, vector<8x128xf32>, vector<8x128xf32>, vector<8x128xf32>, vector<8x128xf32>, vector<8x128xf32>, vector<8x128xf32>, vector<8x128xf32>, vector<8x128xf32>, vector<8x128xf32>, vector<8x128xf32>, vector<8x128xf32>, vector<8x128xf32>, vector<8x128xf32>, vector<8x128xf32>, vector<8x128xf32>, vector<8x128xf32>, vector<8x128xf32>, vector<8x128xf32>, vector<8x128xf32>, vector<8x128xf32>, vector<8x128xf32>, vector<8x128xf32>, vector<8x128xf32>, vector<8x128xf32>, vector<8x128xf32>, vector<8x128xf32>, vector<8x128xf32>, vector<8x128xf32>, vector<8x128xf32>, vector<8x128xf32>, vector<8x128xf32>, vector<8x128xf32>, vector<8x128xf32>, vector<8x128xf32>, vector<8x128xf32>, vector<8x128xf32>, vector<8x128xf32>, vector<8x128xf32>, vector<8x128xf32>, vector<8x128xf32>, vector<8x128xf32>, vector<8x128xf32>, vector<8x128xf32>, vector<8x128xf32>, vector<8x128xf32>, vector<8x128xf32>, vector<8x128xf32>, vector<8x128xf32>, vector<8x128xf32>, vector<8x128xf32>, vector<8x128xf32>, vector<8x128xf32>, vector<8x128xf32>, vector<8x128xf32>, vector<8x128xf32>, vector<8x128xf32>, vector<8x128xf32>, vector<8x128xf32>, vector<8x128xf32>, vector<8x128xf32>, vector<8x128xf32>, vector<8x128xf32>, vector<8x128xf32>, vector<8x128xf32>, vector<8x128xf32>, vector<8x128xf32>, vector<8x128xf32>, vector<8x128xf32>, vector<8x128xf32>, vector<8x128xf32>, vector<8x128xf32>, vector<8x128xf32>, vector<8x128xf32>, vector<8x128xf32>, vector<8x128xf32>, vector<8x128xf32>, vector<8x128xf32>, vector<8x128xf32>, vector<8x128xf32>, vector<8x128xf32>, vector<8x128xf32>, vector<8x128xf32>, vector<8x128xf32>, vector<8x128xf32>, vector<8x128xf32>, vector<8x128xf32>, vector<8x128xf32>, vector<8x128xf32>, vector<8x128xf32>, vector<8x128xf32>, vector<8x128xf32>, vector<8x128xf32>, vector<8x128xf32>, vector<8x128xf32>, vector<8x128xf32>, vector<8x128xf32>, vector<8x128xf32>, vector<8x128xf32>, vector<8x128xf32>, vector<8x128xf32>, vector<8x128xf32>, vector<8x128xf32>, vector<8x128xf32>, vector<8x128xf32>, vector<8x128xf32>, vector<8x128xf32>, vector<8x128xf32>, vector<8x128xf32>, vector<8x128xf32>, vector<8x128xf32>, vector<8x128xf32>, vector<8x128xf32>, vector<8x128xf32>, vector<8x128xf32>, vector<8x128xf32>, vector<8x128xf32>, vector<8x128xf32>, vector<8x128xf32>, vector<8x128xf32>, vector<8x128xf32>, vector<8x128xf32>, vector<8x128xf32>, vector<8x128xf32>, vector<8x128xf32>, vector<8x128xf32>, vector<8x128xf32>, vector<8x128xf32>, vector<8x128xf32>, vector<8x128xf32>, vector<8x128xf32>, vector<8x128xf32>, vector<8x128xf32>, vector<8x128xf32>, vector<8x128xf32>, vector<8x128xf32>, vector<8x128xf32>, vector<8x128xf32>, vector<8x128xf32>, vector<8x128xf32>, vector<8x128xf32>, vector<8x128xf32>, vector<8x128xf32>, vector<8x128xf32>, vector<8x128xf32>, vector<8x128xf32>, vector<8x128xf32>, vector<8x128xf32>, vector<8x128xf32>, vector<8x128xf32>, vector<8x128xf32>, vector<8x128xf32>, vector<8x128xf32>, vector<8x128xf32>, vector<8x128xf32>, vector<8x128xf32>, vector<8x128xf32>, vector<8x128xf32>, vector<8x128xf32>, vector<8x128xf32>, vector<8x128xf32>, vector<8x128xf32>, vector<8x128xf32>, vector<8x128xf32>, vector<8x128xf32>, vector<8x128xf32>, vector<8x128xf32>, vector<8x128xf32>, vector<8x128xf32>, vector<8x128xf32>, vector<8x128xf32>, vector<8x128xf32>, vector<8x128xf32>, vector<8x128xf32>, vector<8x128xf32>, vector<8x128xf32>, vector<8x128xf32>, vector<8x128xf32>, vector<8x128xf32>, vector<8x128xf32>, vector<8x128xf32>, vector<8x128xf32>, vector<8x128xf32>, vector<8x128xf32>, vector<8x128xf32>, vector<8x128xf32>, vector<8x128xf32>, vector<8x128xf32>, vector<8x128xf32>, vector<8x128xf32>, vector<8x128xf32>, vector<8x128xf32>, vector<8x128xf32>, vector<8x128xf32>, vector<8x128xf32>, vector<8x128xf32>, vector<8x128xf32>, vector<8x128xf32>, vector<8x128xf32>, vector<8x128xf32>, vector<8x128xf32>, vector<8x128xf32>, vector<8x128xf32>, vector<8x128xf32>, vector<8x128xf32>, vector<8x128xf32>, vector<8x128xf32>, vector<8x128xf32>, vector<8x128xf32>, vector<8x128xf32>, vector<8x128xf32>, vector<8x128xf32>, vector<8x128xf32>, vector<8x128xf32>, vector<8x128xf32>, vector<8x128xf32>, vector<8x128xf32>, vector<8x128xf32>, vector<8x128xf32>, vector<8x128xf32>, vector<8x128xf32>, vector<8x128xf32>, vector<8x128xf32>, vector<8x128xf32>, vector<8x128xf32>, vector<8x128xf32>, vector<8x128xf32>, vector<8x128xf32>, vector<8x128xf32>, vector<8x128xf32>, vector<8x128xf32>, vector<8x128xf32>, vector<8x128xf32>, vector<8x128xf32>, vector<8x128xf32>, vector<8x128xf32>, vector<8x128xf32>, vector<8x128xf32>, vector<8x128xf32>, vector<8x128xf32>, vector<8x128xf32>, vector<8x128xf32>, vector<8x128xf32>, vector<8x128xf32>, vector<8x128xf32>, vector<8x128xf32>, vector<8x128xf32>, vector<8x128xf32>, vector<8x128xf32>, vector<8x128xf32>, vector<8x128xf32>, vector<8x128xf32>, vector<8x128xf32>, vector<8x128xf32>, vector<8x128xf32>, vector<8x128xf32>, vector<8x128xf32>, vector<8x128xf32>, vector<8x128xf32>, vector<8x128xf32>, vector<8x128xf32>, vector<8x128xf32>, vector<8x128xf32>, vector<8x128xf32>, vector<8x128xf32>, vector<8x128xf32>, vector<8x128xf32>, vector<8x128xf32>, vector<8x128xf32>, vector<8x128xf32>, vector<8x128xf32>, vector<8x128xf32>, vector<8x128xf32>, vector<8x128xf32>, vector<8x128xf32>, vector<8x128xf32>, vector<8x128xf32>, vector<8x128xf32>, vector<8x128xf32>, vector<8x128xf32>, vector<8x128xf32>, vector<8x128xf32>, vector<8x128xf32>, vector<8x128xf32>, vector<8x128xf32>, vector<8x128xf32>, vector<8x128xf32>, vector<8x128xf32>, vector<8x128xf32>, vector<8x128xf32>, vector<8x128xf32>, vector<8x128xf32>, vector<8x128xf32>, vector<8x128xf32>, vector<8x128xf32>, vector<8x128xf32>, vector<8x128xf32>, vector<8x128xf32>, vector<8x128xf32>, vector<8x128xf32>, vector<8x128xf32>, vector<8x128xf32>, vector<8x128xf32>, vector<8x128xf32>, vector<8x128xf32>, vector<8x128xf32>, vector<8x128xf32>, vector<8x128xf32>, vector<8x128xf32>, vector<8x128xf32>, vector<8x128xf32>, vector<8x128xf32>, vector<8x128xf32>, vector<8x128xf32>, vector<8x128xf32>, vector<8x128xf32>, vector<8x128xf32>, vector<8x128xf32>, vector<8x128xf32>, vector<8x128xf32>, vector<8x128xf32>, vector<8x128xf32>, vector<8x128xf32>, vector<8x128xf32>, vector<8x128xf32>, vector<8x128xf32>, vector<8x128xf32>, vector<8x128xf32>, vector<8x128xf32>, vector<8x128xf32>, vector<8x128xf32>, vector<8x128xf32>, vector<8x128xf32>, vector<8x128xf32>, vector<8x128xf32>, vector<8x128xf32>, vector<8x128xf32>, vector<8x128xf32>, vector<8x128xf32>, vector<8x128xf32>, vector<8x128xf32>, vector<8x128xf32>, vector<8x128xf32>, vector<8x128xf32>, vector<8x128xf32>, vector<8x128xf32>, vector<8x128xf32>, vector<8x128xf32>, vector<8x128xf32>, vector<8x128xf32>, vector<8x128xf32>, vector<8x128xf32>, vector<8x128xf32>, vector<8x128xf32>, vector<8x128xf32>, vector<8x128xf32>, vector<8x128xf32>, vector<8x128xf32>, vector<8x128xf32>, vector<8x128xf32>, vector<8x128xf32>, vector<8x128xf32>, vector<8x128xf32>, vector<8x128xf32>, vector<8x128xf32>, vector<8x128xf32>, vector<8x128xf32>, vector<8x128xf32>, vector<8x128xf32>, vector<8x128xf32>, vector<8x128xf32>, vector<8x128xf32>, vector<8x128xf32>, vector<8x128xf32>, vector<8x128xf32>, vector<8x128xf32>, vector<8x128xf32>, vector<8x128xf32>, vector<8x128xf32>, vector<8x128xf32>, vector<8x128xf32>, vector<8x128xf32>, vector<8x128xf32>, vector<8x128xf32>, vector<8x128xf32>, vector<8x128xf32>, vector<8x128xf32>, vector<8x128xf32>, vector<8x128xf32>, vector<8x128xf32>, vector<8x128xf32>, vector<8x128xf32>, vector<8x128xf32>, vector<8x128xf32>, vector<8x128xf32>, vector<8x128xf32>, vector<8x128xf32>, vector<8x128xf32>, vector<8x128xf32>, vector<8x128xf32>, vector<8x128xf32>, vector<8x128xf32>, vector<8x128xf32>, vector<8x128xf32>, vector<8x128xf32>, vector<8x128xf32>, vector<8x128xf32>, vector<8x128xf32>, vector<8x128xf32>, vector<8x128xf32>, vector<8x128xf32>, vector<8x128xf32>, vector<8x128xf32>, vector<8x128xf32>, vector<8x128xf32>, vector<8x128xf32>, vector<8x128xf32>, vector<8x128xf32>, vector<8x128xf32>, vector<8x128xf32>, vector<8x128xf32>, vector<8x128xf32>, vector<8x128xf32>, vector<8x128xf32>, vector<8x128xf32>, vector<8x128xf32>, vector<8x128xf32>, vector<8x128xf32>, vector<8x128xf32>, vector<8x128xf32>, vector<8x128xf32>, vector<8x128xf32>, vector<8x128xf32>, vector<8x128xf32>, vector<8x128xf32>, vector<8x128xf32>, vector<8x128xf32>, vector<8x128xf32>, vector<8x128xf32>, vector<8x128xf32>, vector<8x128xf32>, vector<8x128xf32>, vector<8x128xf32>, vector<8x128xf32>, vector<8x128xf32>, vector<8x128xf32>, vector<8x128xf32>, vector<8x128xf32>, vector<8x128xf32>, vector<8x128xf32>, vector<8x128xf32>, vector<8x128xf32>, vector<8x128xf32>, vector<8x128xf32>, vector<8x128xf32>, vector<8x128xf32>, vector<8x128xf32>, vector<8x128xf32>, vector<8x128xf32>, vector<8x128xf32>, vector<8x128xf32>, vector<8x128xf32>, vector<8x128xf32>, vector<8x128xf32>, vector<8x128xf32>, vector<8x128xf32>, vector<8x128xf32>, vector<8x128xf32>, vector<8x128xf32>, vector<8x128xf32>, vector<8x128xf32>, vector<8x128xf32>, vector<8x128xf32>, vector<8x128xf32>, vector<8x128xf32>, vector<8x128xf32>, vector<8x128xf32>, vector<8x128xf32>, vector<8x128xf32>, vector<8x128xf32>, vector<8x128xf32>, vector<8x128xf32>, vector<8x128xf32>, vector<8x128xf32>, vector<8x128xf32>, vector<8x128xf32>, vector<8x128xf32>, vector<8x128xf32>, vector<8x128xf32>, vector<8x128xf32>, vector<8x128xf32>, vector<8x128xf32>, vector<8x128xf32>, vector<8x128xf32>, vector<8x128xf32>, vector<8x128xf32>, vector<8x128xf32>, vector<8x128xf32>, vector<8x128xf32>, vector<8x128xf32>, vector<8x128xf32>, vector<8x128xf32>, vector<8x128xf32>, vector<8x128xf32>, vector<8x128xf32>, vector<8x128xf32>, vector<8x128xf32>, vector<8x128xf32>, vector<8x128xf32>, vector<8x128xf32>, vector<8x128xf32>, vector<8x128xf32>, vector<8x128xf32>, vector<8x128xf32>, vector<8x128xf32>, vector<8x128xf32>, vector<8x128xf32>, vector<8x128xf32>, vector<8x128xf32>, vector<8x128xf32>, vector<8x128xf32>, vector<8x128xf32>, vector<8x128xf32>, vector<8x128xf32>, vector<8x128xf32>, vector<8x128xf32>, vector<8x128xf32>, vector<8x128xf32>, vector<8x128xf32>, vector<8x128xf32>, vector<8x128xf32>, vector<8x128xf32>, vector<8x128xf32>, vector<8x128xf32>, vector<8x128xf32>, vector<8x128xf32>, vector<8x128xf32>, vector<8x128xf32>, vector<8x128xf32>, vector<8x128xf32>, vector<8x128xf32>, vector<8x128xf32>, vector<8x128xf32>, vector<8x128xf32>, vector<8x128xf32>, vector<8x128xf32>, vector<8x128xf32>, vector<8x128xf32>, vector<8x128xf32>, vector<8x128xf32>, vector<8x128xf32>, vector<8x128xf32>, vector<8x128xf32>, vector<8x128xf32>, vector<8x128xf32>, vector<8x128xf32>, vector<8x128xf32>, vector<8x128xf32>, vector<8x128xf32>, vector<8x128xf32>, vector<8x128xf32>, vector<8x128xf32>, vector<8x128xf32>, vector<8x128xf32>, vector<8x128xf32>, vector<8x128xf32>, vector<8x128xf32>, vector<8x128xf32>, vector<8x128xf32>, vector<8x128xf32>, vector<8x128xf32>, vector<8x128xf32>, vector<8x128xf32>, vector<8x128xf32>, vector<8x128xf32>, vector<8x128xf32>, vector<8x128xf32>, vector<8x128xf32>, vector<8x128xf32>, vector<8x128xf32>, vector<8x128xf32>, vector<8x128xf32>, vector<8x128xf32>, vector<8x128xf32>, vector<8x128xf32>, vector<8x128xf32>, vector<8x128xf32>, vector<8x128xf32>, vector<8x128xf32>, vector<8x128xf32>, vector<8x128xf32>, vector<8x128xf32>, vector<8x128xf32>, vector<8x128xf32>, vector<8x128xf32>, vector<8x128xf32>, vector<8x128xf32>, vector<8x128xf32>, vector<8x128xf32>, vector<8x128xf32>, vector<8x128xf32>, vector<8x128xf32>, vector<8x128xf32>, vector<8x128xf32>, vector<8x128xf32>, vector<8x128xf32>, vector<8x128xf32>, vector<8x128xf32>, vector<8x128xf32>, vector<8x128xf32>, vector<8x128xf32>, vector<8x128xf32>, vector<8x128xf32>, vector<8x128xf32>, vector<8x128xf32>, vector<8x128xf32>, vector<8x128xf32>, vector<8x128xf32>, vector<8x128xf32>, vector<8x128xf32>, vector<8x128xf32>, vector<8x128xf32>, vector<8x128xf32>, vector<8x128xf32>, vector<8x128xf32>, vector<8x128xf32>, vector<8x128xf32>, vector<8x128xf32>, vector<8x128xf32>, vector<8x128xf32>, vector<8x128xf32>, vector<8x128xf32>, vector<8x128xf32>, vector<8x128xf32>, vector<8x128xf32>, vector<8x128xf32> -> vector<10752x128xf32>
    %swap3A = arith.constant 0 : index
    %swap3A_1345 = arith.constant 0 : index
    %swap3A_1346 = vector.load %arg3[%swap3A, %swap3A_1345] : memref<10752x128xf32, #tpu.memory_space<vmem>>, vector<10752x128xf32>
    tpu.vector_store %arg3[%swap3A, %swap3A_1345], %concatenate3A {strides = array<i32>} : memref<10752x128xf32, #tpu.memory_space<vmem>>, vector<10752x128xf32>,
    return
  }
  func.func @transform_0(%arg0: i32, %arg1: i32) -> (i32, i32) {
    %c0_i32 = arith.constant 0 : i32
    return %arg0, %arg1 : i32, i32
  }
  func.func @transform_1(%arg0: i32, %arg1: i32) -> (i32, i32) {
    %mul3A = arith.constant 6 : i32
    %mul3A_0 = arith.muli %arg0, %mul3A : i32
    %add3A = arith.addi %mul3A_0, %arg1 : i32
    %c0_i32 = arith.constant 0 : i32
    %c0_i32_1 = arith.constant 0 : i32
    return %add3A, %c0_i32 : i32, i32
  }
}

</mosaic_0001>

<sc_bundles>
// kernel: _relayout.4.cloned.1.call-start
scs
__scs_entry_jumppad:
0x0: {  	(pc) =	sbr.rel $0x88, $3  }
0x1: {  	(tag) =	ssettag $0x0;
	lr =	simm.s32 $0x1  }
0x2: {  	[smem:$0x3FA0] =	sst lr;
	_ =	strace $0xD0000000  }
0x3: {  	_ = 	snop  }
0x4: {  	_ = 	snop  }
0x5: {  	_ = 	snop  }
0x6: {  	_ = 	snop  }
0x7: {  	_ = 	snop  }
__scs_overlays_trampoline_lowered:
0x8: {  	[smem:$0x3FAF] =	sst s0  }
0x9: {  	[smem:$0x3FB0] =	sst s1  }
0xa: {  	[smem:$0x3FB1] =	sst s2  }
0xb: {  	[smem:$0x3FB2] =	sst s3  }
0xc: {  	[smem:$0x3FB3] =	sst s4  }
0xd: {  	[smem:$0x3FB4] =	sst s5  }
0xe: {  	[smem:$0x3FB5] =	sst s6  }
0xf: {  	[smem:$0x3FB6] =	sst s7  }
0x10: {  	[smem:$0x3FB7] =	sst s8  }
0x11: {  	[smem:$0x3FB8] =	sst s9;
	s0 =	simm.s32 @!p0 $0x0  }
0x12: {  	s1 =	sld [smem:$0x3F9E];
	s0 =	simm.s32 @p0 $0x1  }
0x13: {  	[smem:$0x3FB9] =	sst s0;
	s0 =	simm.s32 @!p1 $0x0  }
0x14: {  	s2 =	sld [smem:$0x3F9D];
	s0 =	simm.s32 @p1 $0x1  }
0x15: {  	[smem:$0x3FBA] =	sst s0;
	s0 =	simm.s32 @!p2 $0x0  }
0x16: {  	s3 =	sld [smem:$0x3FDB];
	s0 =	simm.s32 @p2 $0x1  }
0x17: {  	s4 =	simm.s32 $0x1BF5;
	[smem:$0x3FBC] =	sst s0  }
0x18: {  	s0 =	sld [smem:$0x3F9F];
	_ =	swait.ge [sflag:s4], $0x0  }
0x19: {  	s7 =	sld [smem:$0x3FA0]  }
0x1a: {  	s8 =	sadd.s32 $0xFFFFE003, lr  }
0x1b: {  	s9 =	sadd.s32 $0xFFFFFEF7, lr;
	s5 =	simm.s32 $0xFFFFFFFF;
	p2 =	slt.u32 s8, $0xFFFFF086  }
0x1c: {  	p1 =	slt.u32 s9, $0xF7A;
	s5 =	simm.s32 @!p2 $0x0  }
0x1d: {  	s5 =	simm.s32 @p1 $0x1;
	p0 =	seq.s32 s7, s2  }
0x1e: {  	s7 =	smul.u32 @!p0 $0xF7A, s2;
	p2 =	seq.s32 @!p0 s5, $0x0  }
0x1f: {  	s9 =	smul.u32 $0xF7A, s1;
	s8 =	simm.s32 @!p0 $0x1BF5;
	p2 =	por !p2, p0  }
0x20: {  	[sflag:s8] =	ssyncset.s32 @!p0 $0xFFFFF086;
	s6 =	sadd.s32 @!p0 s3, s7;
	s7 =	simm.s32 @!p0 $0x108  }
0x21: {  	s3 =	sadd.s32 s3, s9;
	s6 =	sadd.s32 @!p0 $0x88, s6;
	s7 =	simm.s32 @p2 $0x1082  }
0x22: {  	[simem:s7], [sflag:s8] =	dma.local @!p0 [hbm:s6], $0xF7A  }
0x23: {  	s9 =	sor.u32 $0xD0000000, s2;
	s6 =	simm.s32 $0x108;
	_ =	swait.ge @!p0 [sflag:s8], $0x0  }
0x24: {  	s3 =	sadd.s32 $0x88, s3;
	s6 =	simm.s32 @!p1 $0x1082;
	[sflag:s4] =	ssyncset.s32 $0xFFFFF086  }
0x25: {  	[simem:s6], [sflag:s4] =	dma.local [hbm:s3], $0xF7A  }
0x26: {  	[smem:$0x3FA0] =	sst s1;
	(tag) =	ssettag s2;
	_ =	strace s9  }
0x27: {  	s1 =	sld [smem:$0x3FB0]  }
0x28: {  	s2 =	sld [smem:$0x3FB1]  }
0x29: {  	s4 =	sld [smem:$0x3FB3]  }
0x2a: {  	p0 =	seq.s32 s5, $0x0;
	s5 =	sld [smem:$0x3FB4]  }
0x2b: {  	s6 =	sld [smem:$0x3FB5]  }
0x2c: {  	s7 =	sld [smem:$0x3FB6]  }
0x2d: {  	s3 =	simm.s32 $0x108;
	s8 =	sld [smem:$0x3FB7]  }
0x2e: {  	s3 =	simm.s32 @!p0 $0x1082;
	s9 =	sld [smem:$0x3FB8]  }
0x2f: {  	lr =	sadd.s32 s0, s3;
	s0 =	sld [smem:$0x3FAF]  }
0x30: {  	s3 =	sld [smem:$0x3FB2]  }
0x31: {  	[smem:$0x3FBB] =	sst s10  }
0x32: {  	s10 =	sld [smem:$0x3FB9];
	_ =	sdelay $0x3  }
0x33: {  	p0 =	seq.s32 s10, $0x1;
	s10 =	sld [smem:$0x3FBB];
	_ =	sdelay $0x3  }
0x34: {  	[smem:$0x3FBB] =	sst s10  }
0x35: {  	s10 =	sld [smem:$0x3FBA];
	_ =	sdelay $0x3  }
0x36: {  	p1 =	seq.s32 s10, $0x1;
	s10 =	sld [smem:$0x3FBB];
	_ =	sdelay $0x3  }
0x37: {  	[smem:$0x3FBB] =	sst s10  }
0x38: {  	s10 =	sld [smem:$0x3FBC]  }
0x39: {  	_ = 	snop;
	(pc) =	sbr.ind lr, $3  }
0x3a: {  	_ = 	snop  }
0x3b: {  	_ = 	snop  }
0x3c: {  	p2 =	seq.s32 s10, $0x1;
	s10 =	sld [smem:$0x3FBB]  }
0x3d: {  	_ =	shalt  }
0x3e: {  	_ =	shalt  }
0x3f: {  	_ =	shalt  }
0x40: {  	_ =	shalt  }
0x41: {  	_ =	shalt  }
0x42: {  	_ =	shalt  }
0x43: {  	_ =	shalt  }
0x44: {  	_ =	shalt  }
0x45: {  	_ =	shalt  }
0x46: {  	_ =	shalt  }
0x47: {  	_ =	shalt  }
0x48: {  	_ =	shalt  }
0x49: {  	_ =	shalt  }
0x4a: {  	_ =	shalt  }
0x4b: {  	_ =	shalt  }
0x4c: {  	_ =	shalt  }
0x4d: {  	_ =	shalt  }
0x4e: {  	_ =	shalt  }
0x4f: {  	_ =	shalt  }
0x50: {  	_ =	shalt  }
0x51: {  	_ =	shalt  }
0x52: {  	_ =	shalt  }
0x53: {  	_ =	shalt  }
0x54: {  	_ =	shalt  }
0x55: {  	_ =	shalt  }
0x56: {  	_ =	shalt  }
0x57: {  	_ =	shalt  }
0x58: {  	_ =	shalt  }
0x59: {  	_ =	shalt  }
0x5a: {  	_ =	shalt  }
0x5b: {  	_ =	shalt  }
0x5c: {  	_ =	shalt  }
0x5d: {  	_ =	shalt  }
0x5e: {  	_ =	shalt  }
0x5f: {  	_ =	shalt  }
0x60: {  	_ =	shalt  }
0x61: {  	_ =	shalt  }
0x62: {  	_ =	shalt  }
0x63: {  	_ =	shalt  }
0x64: {  	_ =	shalt  }
0x65: {  	_ =	shalt  }
0x66: {  	_ =	shalt  }
0x67: {  	_ =	shalt  }
0x68: {  	_ =	shalt  }
0x69: {  	_ =	shalt  }
0x6a: {  	_ =	shalt  }
0x6b: {  	_ =	shalt  }
0x6c: {  	_ =	shalt  }
0x6d: {  	_ =	shalt  }
0x6e: {  	_ =	shalt  }
0x6f: {  	_ =	shalt  }
0x70: {  	_ =	shalt  }
0x71: {  	_ =	shalt  }
0x72: {  	_ =	shalt  }
0x73: {  	_ =	shalt  }
0x74: {  	_ =	shalt  }
0x75: {  	_ =	shalt  }
0x76: {  	_ =	shalt  }
0x77: {  	_ =	shalt  }
0x78: {  	_ =	shalt  }
0x79: {  	_ =	shalt  }
0x7a: {  	_ =	shalt  }
0x7b: {  	_ =	shalt  }
0x7c: {  	_ =	shalt  }
0x7d: {  	_ =	shalt  }
0x7e: {  	_ =	shalt  }
0x7f: {  	_ =	shalt  }
0x80: {  	_ =	shalt  }
0x81: {  	_ =	shalt  }
0x82: {  	_ =	shalt  }
0x83: {  	_ =	shalt  }
0x84: {  	_ =	shalt  }
0x85: {  	_ =	shalt  }
0x86: {  	_ =	shalt  }
0x87: {  	_ =	shalt  }
.Lfunc_end0:
.L_simem_size_0:
called_computation_lowered:
.L_overlay_start_0:
0x88: {  	s2 =	sld [smem:$0x3FD9]  }
0x89: {  	s3 =	sld [smem:$0x3FFE];
	_ =	sdelay $0x1  }
0x8a: {  	s1 =	srdreg.scid  }
0x8b: {  	s0 =	sand.u32 $0x1, s1  }
0x8c: {  	s17 =	sshll.u32 s0, $0xA;
	s2 =	sadd.s32 s3, s2  }
0x8d: {  	s2 =	sadd.s32 s2, s17  }
0x8e: {  	[smem:$0x3FC7] =	sst s2  }
0x8f: {  	_ = 	snop  }
0x90: {  	s2 =	sld [smem:$0x3FD0];
	(tm) =	ssettm $0x1  }
0x91: {  	s18 =	sld [smem:$0x3FFB];
	_ =	sdelay $0x3  }
0x92: {  	_ =	strace s18  }
0x93: {  	s3 =	sld [smem:$0x3FFC];
	_ =	sdelay $0x3  }
0x94: {  	_ =	strace s3  }
0x95: {  	s3 =	sld [smem:$0x3FFD];
	_ =	sdelay $0x3  }
0x96: {  	_ =	strace s3  }
0x97: {  	_ =	strace $0x8FFFFFFF  }
0x98: {  	s19 =	sld [smem:$0x3FDB];
	_ =	sdelay $0x1  }
0x99: {  	s4 =	simm.s32 $_scs_section_size  }
0x9a: {  	s5 =	simm.s32 $_size__tile_overlayer_lowered;
	s6 =	simm.s32 $_tile_overlayer_lowered  }
0x9b: {  	s22 =	simm.s32 $0x1BFF;
	s21 =	sshll.u32 s6, $0x1;
	s3 =	sadd.s32 s4, s19  }
0x9c: {  	s7 =	simm.s32 $0x0;
	s20 =	sshll.u32 s5, $0x1;
	s5 =	sadd.s32 s21, s3  }
0x9d: {  	[timem:s7], [sflag:s22] =	dma.local [hbm:s5], s20  }
0x9e: {  	_ =	swait.ge [sflag:s22], s20  }
0x9f: {  	s4 =	ssub.s32 $0x0, s20;
	[sflag:s22] =	ssyncset.done $0x0  }
0xa0: {  	[sflag:s22] =	ssyncadd.s32 s4;
	_ =	sdelay $0x1  }
0xa1: {  	s23 =	simm.s32 $0x1B8B  }
0xa2: {  	_ =	swait.ge [sflag:s23], $0x1  }
0xa3: {  	[sflag:s23] =	ssyncset.done $0x0  }
0xa4: {  	s25 =	simm.s32 $0x1B8E;
	s24 =	sld [smem:$0x3FFE];
	[sflag:s23] =	ssyncadd.s32 $0xFFFFFFFF  }
0xa5: {  	s26 =	simm.s32 $execute0_lowered;
	[smem:$0x3FD2] =	sst s25  }
0xa6: {  	s5 =	sshll.u32 s26, $0x1;
	_ =	strace $0x80000046;
	[dreg:$0x1] =	wrdreg $0xFFFFFFFF  }
0xa7: {  	s28 =	simm.s32 $_size_execute0_lowered;
	s3 =	sadd.s32 s3, s5;
	[dreg:$0x0] =	wrdreg $0x0  }
0xa8: {  	s5 =	sshll.u32 s28, $0x1;
	[dreg:$0x2] =	wrdreg s3  }
0xa9: {  	[dreg:$0x3] =	wrdreg s5  }
0xaa: {  	[dreg:$0x4] =	wrdreg $0xC0  }
0xab: {  	_ =	task [dreg:s7], $0x5FFFF  }
0xac: {  	[dreg:$0x1] =	wrdreg $0xFFFFFFFF  }
0xad: {  	[dreg:$0x0] =	wrdreg $0x60  }
0xae: {  	[dreg:$0x2] =	wrdreg s24  }
0xaf: {  	[dreg:$0x3] =	wrdreg s2  }
0xb0: {  	[dreg:$0x4] =	wrdreg $0x9  }
0xb1: {  	_ =	task.clear_ibuf [dreg:s7], $0x5FFFF;
	_ =	strace $0x90000046  }
0xb2: {  	s29 =	simm.s32 $0x9;
	_ =	strace $0x80000048  }
0xb3: {  	_ =	swait.ge [sflag:s29], $0x1  }
0xb4: {  	[sflag:s29] =	ssyncadd.s32 $0xFFFFFFFF  }
0xb5: {  	_ =	strace $0x90000048  }
0xb6: {  	_ =	sfence  }
0xb7: {  	s30 =	sld [smem:$0x0];
	_ =	sdelay $0x2  }
0xb8: {  	s31 =	sshll.u32 s1, $0xD;
	s1 =	sshrl.u32 s1, $0x2  }
0xb9: {  	s3 =	sand.u32 $0x4000, s31;
	s1 =	sadd.s32 s1, s30  }
0xba: {  	s0 =	sor.u32 s3, s0;
	s1 =	sshll.u32 s1, $0x11  }
0xbb: {  	s0 =	sor.u32 s1, s0  }
0xbc: {  	s0 =	sadd.s32 $0x8F2B, s0  }
0xbd: {  	[sflag:s0] =	ssyncadd.remote.s32 $0x1  }
0xbe: {  	_ =	sfence.sel $0xFFFF  }
0xbf: {  	[dreg:$0x0] =	wrdreg $0xFFFFFFFF;
	(pc) =	sbr.abs _section_cstart, $3  }
0xc0: {  	[dreg:$0x1] =	wrdreg $0xFFFFFFFF  }
0xc1: {  	_ =	task.clear_ibuf [dreg:s7], $0x2FFFF;
	_ =	strace $0x9FFFFFFF  }
0xc2: {  	(tm) =	ssettm $0x7FFFFFFF  }
0xc3: {  	_ =	shalt  }
tec
execute0_lowered:
.L_overlay_start_1:
0x0: {  	(tag) =	ssettag $0x1  }
0x1: {  	s0 =	rddreg [dreg:$0x0];
	s2 =	srdreg.scid  }
0x2: {  	s1 =	rddreg [dreg:$0x1];
	s2 =	sand.u32 $0x1, s2  }
0x3: {  	s5 =	stileid.u32;
	s4 =	sshll.u32 s2, $0x4;
	s2 =	ssub.s32 $0x2, s2  }
0x4: {  	s3 =	simm.s32 $0x0;
	s8 =	sor.u32 s5, s4;
	s10 =	sshrl.u32 s2, $0x1  }
0x5: {  	s4 =	sadd.s32 $0x400, s0;
	s5 =	sshll.u32 s8, $0x7;
	s0 =	ssub.s32 s2, s10  }
0x6: {  	[smem:$0x7FF] =	sst s3;
	s7 =	sadd.s32 s4, s5;
	s0 =	smax.u32 s0, $0x1  }
0x7: {  	_ =	strace $0x80000047;
	s9 =	sadd.s32 $0xFC000, s7;
	[dreg:$0x11] =	wrdreg s0  }
0x8: {  	s12 =	sadd.s32 $0x1F8000, s7;
	[dreg:$0x3] =	wrdreg s9  }
0x9: {  	s13 =	sadd.s32 $0x2F4000, s7;
	[dreg:$0x4] =	wrdreg s12  }
0xa: {  	s14 =	sadd.s32 $0x50, s7;
	[dreg:$0x5] =	wrdreg s13  }
0xb: {  	s15 =	sadd.s32 $0x70, s7;
	[dreg:$0x6] =	wrdreg s14  }
0xc: {  	s16 =	sadd.s32 $0xFC010, s7;
	[dreg:$0x7] =	wrdreg s15  }
0xd: {  	s17 =	sadd.s32 $0xFC020, s7;
	[dreg:$0x8] =	wrdreg s16  }
0xe: {  	s18 =	sadd.s32 $0xFC030, s7;
	[dreg:$0x9] =	wrdreg s17  }
0xf: {  	s19 =	sadd.s32 $0xFC040, s7;
	[dreg:$0xa] =	wrdreg s18  }
0x10: {  	s20 =	sadd.s32 $0xFC050, s7;
	[dreg:$0xb] =	wrdreg s19  }
0x11: {  	s21 =	sadd.s32 $0xFC060, s7;
	[dreg:$0xc] =	wrdreg s20  }
0x12: {  	s6 =	simm.s32 $0xF5;
	s22 =	sadd.s32 $0xFC070, s7;
	[dreg:$0xd] =	wrdreg s21  }
0x13: {  	p0 =	slt.u32 s8, $0x5;
	s23 =	sadd.s32 $0x1F8010, s7;
	[dreg:$0xe] =	wrdreg s22  }
0x14: {  	s11 =	sshll.u32 s8, $0xC;
	s24 =	sadd.s32 $0x1F8020, s7;
	[dreg:$0xf] =	wrdreg s23  }
0x15: {  	s6 =	simm.s32 @!p0 $0xF4;
	s25 =	sadd.s32 $0x1F8030, s7;
	[dreg:$0x10] =	wrdreg s24  }
0x16: {  	v0 =	vlaneseq.u32;
	s26 =	sadd.s32 $0x1F8040, s7;
	s28 =	sadd.s32 $0x10, s7;
	[dreg:$0x12] =	wrdreg s25  }
0x17: {  	v1 =	vimm.s32 $0x0;
	vm0 =	vcmask $0x300;
	v0 =	vmul.u32 $0x88, v0;
	s29 =	sadd.s32 $0x1F8050, s7;
	s30 =	sadd.s32 $0x1F8060, s7;
	[dreg:$0x13] =	wrdreg s26  }
0x18: {  	v1 =	vsel vm0, $0x3, v1;
	s31 =	sadd.s32 $0x20, s7;
	s0 =	sadd.s32 $0x1F8070, s7;
	[dreg:$0x14] =	wrdreg s28  }
0x19: {  	v2 =	vor.u32 $0x1, v0;
	v3 =	vor.u32 $0x2, v0;
	v4 =	vor.u32 $0x3, v0;
	s2 =	sadd.s32 $0x2F4010, s7;
	s8 =	sadd.s32 $0x30, s7;
	[dreg:$0x15] =	wrdreg s29  }
0x1a: {  	v5 =	vor.u32 $0x4, v0;
	v6 =	vor.u32 $0x5, v0;
	v9 =	vadd.s32 $0x880, v0;
	s10 =	sadd.s32 $0x2F4030, s7;
	s12 =	sadd.s32 $0xFFFFFFFE, s6;
	[dreg:$0x16] =	wrdreg s30  }
0x1b: {  	v7 =	vor.u32 $0x6, v0;
	v10 =	vadd.s32 $0x881, v0;
	v11 =	vadd.s32 $0x882, v0;
	s9 =	sadd.s32 $0x2F4020, s7;
	s13 =	sadd.s32 $0x40, s7;
	s14 =	sadd.s32 $0x2F4040, s7  }
0x1c: {  	v8 =	vor.u32 $0x7, v0;
	v12 =	vadd.s32 $0x883, v0;
	v13 =	vadd.s32 $0x884, v0;
	s15 =	sadd.s32 $0x2F4050, s7;
	s16 =	sadd.s32 $0x60, s7;
	s17 =	sadd.s32 $0x2F4060, s7  }
0x1d: {  	v14 =	vadd.s32 $0x885, v0;
	v15 =	vadd.s32 $0x886, v0;
	v16 =	vadd.s32 $0x887, v0;
	s18 =	sadd.s32 $0x2F4070, s7;
	s19 =	simm.s32 $0x1;
	s20 =	simm.s32 $0x0  }
.LBB2_1:
0x1e: {  	[tilespmem:s3], [sflag:$0x1] =	stream.linear.gather [hbm4b:s7+s3], $0x80, $0x38;
	[tilespmem:$0x4200] =	vst v63  }
0x1f: {  	s21 =	rddreg [dreg:$0x14];
	s22 =	simm.s32 $0x88  }
0x20: {  	[tilespmem:s22], [sflag:$0x1] =	stream.linear.gather [hbm4b:s21+s3], $0x80, $0x38;
	[tilespmem:$0x4200] =	vst v63  }
0x21: {  	s29 =	simm.s32 $0x110  }
0x22: {  	[tilespmem:s29], [sflag:$0x1] =	stream.linear.gather [hbm4b:s31+s3], $0x80, $0x38;
	[tilespmem:$0x4200] =	vst v63  }
0x23: {  	s30 =	simm.s32 $0x198  }
0x24: {  	[tilespmem:s30], [sflag:$0x1] =	stream.linear.gather [hbm4b:s8+s3], $0x80, $0x38;
	[tilespmem:$0x4200] =	vst v63  }
0x25: {  	s22 =	simm.s32 $0x220  }
0x26: {  	[tilespmem:s22], [sflag:$0x1] =	stream.linear.gather [hbm4b:s13+s3], $0x80, $0x38;
	[tilespmem:$0x4200] =	vst v63  }
0x27: {  	s23 =	rddreg [dreg:$0x6];
	s24 =	simm.s32 $0x2A8  }
0x28: {  	[tilespmem:s24], [sflag:$0x1] =	stream.linear.gather [hbm4b:s23+s3], $0x80, $0x38;
	[tilespmem:$0x4200] =	vst v63  }
0x29: {  	s25 =	simm.s32 $0x330  }
0x2a: {  	[tilespmem:s25], [sflag:$0x1] =	stream.linear.gather [hbm4b:s16+s3], $0x80, $0x38;
	[tilespmem:$0x4200] =	vst v63  }
0x2b: {  	s26 =	rddreg [dreg:$0x7];
	s28 =	simm.s32 $0x3B8  }
0x2c: {  	[tilespmem:s28], [sflag:$0x1] =	stream.linear.gather [hbm4b:s26+s3], $0x80, $0x38;
	[tilespmem:$0x4200] =	vst v63  }
0x2d: {  	s29 =	rddreg [dreg:$0x3];
	s30 =	simm.s32 $0x440  }
0x2e: {  	[tilespmem:s30], [sflag:$0x1] =	stream.linear.gather [hbm4b:s29+s3], $0x80, $0x38;
	[tilespmem:$0x4200] =	vst v63  }
0x2f: {  	s22 =	rddreg [dreg:$0x8];
	s23 =	simm.s32 $0x4C8  }
0x30: {  	[tilespmem:s23], [sflag:$0x1] =	stream.linear.gather [hbm4b:s22+s3], $0x80, $0x38;
	[tilespmem:$0x4200] =	vst v63  }
0x31: {  	s24 =	rddreg [dreg:$0x9];
	s25 =	simm.s32 $0x550  }
0x32: {  	[tilespmem:s25], [sflag:$0x1] =	stream.linear.gather [hbm4b:s24+s3], $0x80, $0x38;
	[tilespmem:$0x4200] =	vst v63  }
0x33: {  	s26 =	rddreg [dreg:$0xa];
	s28 =	simm.s32 $0x5D8  }
0x34: {  	[tilespmem:s28], [sflag:$0x1] =	stream.linear.gather [hbm4b:s26+s3], $0x80, $0x38;
	[tilespmem:$0x4200] =	vst v63  }
0x35: {  	s29 =	rddreg [dreg:$0xb];
	s30 =	simm.s32 $0x660  }
0x36: {  	[tilespmem:s30], [sflag:$0x1] =	stream.linear.gather [hbm4b:s29+s3], $0x80, $0x38;
	[tilespmem:$0x4200] =	vst v63  }
0x37: {  	s22 =	rddreg [dreg:$0xc];
	s23 =	simm.s32 $0x6E8  }
0x38: {  	[tilespmem:s23], [sflag:$0x1] =	stream.linear.gather [hbm4b:s22+s3], $0x80, $0x38;
	[tilespmem:$0x4200] =	vst v63  }
0x39: {  	s24 =	rddreg [dreg:$0xd];
	s25 =	simm.s32 $0x770  }
0x3a: {  	[tilespmem:s25], [sflag:$0x1] =	stream.linear.gather [hbm4b:s24+s3], $0x80, $0x38;
	[tilespmem:$0x4200] =	vst v63  }
0x3b: {  	s26 =	rddreg [dreg:$0xe];
	s28 =	simm.s32 $0x7F8  }
0x3c: {  	[tilespmem:s28], [sflag:$0x1] =	stream.linear.gather [hbm4b:s26+s3], $0x80, $0x38;
	[tilespmem:$0x4200] =	vst v63  }
0x3d: {  	s29 =	rddreg [dreg:$0x4];
	s30 =	simm.s32 $0x880  }
0x3e: {  	[tilespmem:s30], [sflag:$0x1] =	stream.linear.gather [hbm4b:s29+s3], $0x80, $0x38;
	[tilespmem:$0x4200] =	vst v63  }
0x3f: {  	s22 =	rddreg [dreg:$0xf];
	s23 =	simm.s32 $0x908  }
0x40: {  	[tilespmem:s23], [sflag:$0x1] =	stream.linear.gather [hbm4b:s22+s3], $0x80, $0x38;
	[tilespmem:$0x4200] =	vst v63  }
0x41: {  	s24 =	rddreg [dreg:$0x10];
	s25 =	simm.s32 $0x990  }
0x42: {  	[tilespmem:s25], [sflag:$0x1] =	stream.linear.gather [hbm4b:s24+s3], $0x80, $0x38;
	[tilespmem:$0x4200] =	vst v63  }
0x43: {  	s26 =	rddreg [dreg:$0x12];
	s28 =	simm.s32 $0xA18  }
0x44: {  	[tilespmem:s28], [sflag:$0x1] =	stream.linear.gather [hbm4b:s26+s3], $0x80, $0x38;
	[tilespmem:$0x4200] =	vst v63  }
0x45: {  	s29 =	rddreg [dreg:$0x13];
	s30 =	simm.s32 $0xAA0  }
0x46: {  	[tilespmem:s30], [sflag:$0x1] =	stream.linear.gather [hbm4b:s29+s3], $0x80, $0x38;
	[tilespmem:$0x4200] =	vst v63  }
0x47: {  	s23 =	rddreg [dreg:$0x15];
	s24 =	simm.s32 $0xB28  }
0x48: {  	[tilespmem:s24], [sflag:$0x1] =	stream.linear.gather [hbm4b:s23+s3], $0x80, $0x38;
	[tilespmem:$0x4200] =	vst v63  }
0x49: {  	s25 =	rddreg [dreg:$0x16];
	s26 =	simm.s32 $0xBB0  }
0x4a: {  	[tilespmem:s26], [sflag:$0x1] =	stream.linear.gather [hbm4b:s25+s3], $0x80, $0x38;
	[tilespmem:$0x4200] =	vst v63  }
0x4b: {  	s28 =	simm.s32 $0xC38  }
0x4c: {  	[tilespmem:s28], [sflag:$0x1] =	stream.linear.gather [hbm4b:s0+s3], $0x80, $0x38;
	[tilespmem:$0x4200] =	vst v63  }
0x4d: {  	s29 =	rddreg [dreg:$0x5];
	s30 =	simm.s32 $0xCC0  }
0x4e: {  	[tilespmem:s30], [sflag:$0x1] =	stream.linear.gather [hbm4b:s29+s3], $0x80, $0x38;
	[tilespmem:$0x4200] =	vst v63  }
0x4f: {  	s23 =	simm.s32 $0xD48  }
0x50: {  	[tilespmem:s23], [sflag:$0x1] =	stream.linear.gather [hbm4b:s2+s3], $0x80, $0x38;
	[tilespmem:$0x4200] =	vst v63  }
0x51: {  	s24 =	simm.s32 $0xDD0  }
0x52: {  	[tilespmem:s24], [sflag:$0x1] =	stream.linear.gather [hbm4b:s9+s3], $0x80, $0x38;
	[tilespmem:$0x4200] =	vst v63  }
0x53: {  	s25 =	simm.s32 $0xE58  }
0x54: {  	[tilespmem:s25], [sflag:$0x1] =	stream.linear.gather [hbm4b:s10+s3], $0x80, $0x38;
	[tilespmem:$0x4200] =	vst v63  }
0x55: {  	s26 =	simm.s32 $0xEE0  }
0x56: {  	[tilespmem:s26], [sflag:$0x1] =	stream.linear.gather [hbm4b:s14+s3], $0x80, $0x38;
	[tilespmem:$0x4200] =	vst v63  }
0x57: {  	s28 =	simm.s32 $0xF68  }
0x58: {  	[tilespmem:s28], [sflag:$0x1] =	stream.linear.gather [hbm4b:s15+s3], $0x80, $0x38;
	[tilespmem:$0x4200] =	vst v63  }
0x59: {  	s29 =	simm.s32 $0xFF0  }
0x5a: {  	[tilespmem:s29], [sflag:$0x1] =	stream.linear.gather [hbm4b:s17+s3], $0x80, $0x38;
	[tilespmem:$0x4200] =	vst v63  }
0x5b: {  	p0 =	por $0x0, $0x0;
	s21 =	simm.s32 $0x0;
	s30 =	simm.s32 $0x1078  }
0x5c: {  	[tilespmem:s30], [sflag:$0x1] =	stream.linear.gather [hbm4b:s18+s3], $0x80, $0x38;
	[tilespmem:$0x4200] =	vst v63  }
.LBB2_2:
0x5d: {  	s22 =	sadd.s32 $0x1, s21  }
0x5e: {  	p1 =	sge.u32 s22, s6  }
.Ltmp0:
0x5f: {  	_ = 	snop;
	(pc) =	sbr.rel @p1 .LBB2_4-.Ltmp0, $2  }
0x60: {  	_ =	sdelay $0x2  }
0x61: {  	s23 =	sand.u32 $0x1, s21  }
0x62: {  	s24 =	sxor.u32 $0x1, s23;
	s25 =	sshll.u32 s22, $0xC  }
0x63: {  	s24 =	smul.u32 $0x4400, s24;
	s25 =	sor.u32 s5, s25  }
0x64: {  	s25 =	sand.u32 $0x1FFFFF80, s25  }
0x65: {  	s24 =	sshrl.u32 s24, $0x2;
	s25 =	sadd.s32 s4, s25  }
0x66: {  	[tilespmem:s24], [sflag:$0x1] =	stream.linear.gather [hbm4b:s25+s3], $0x80, $0x38;
	[tilespmem:$0x4200] =	vst v63  }
0x67: {  	s26 =	sadd.s32 $0x10, s25;
	s28 =	sor.u32 $0x88, s24  }
0x68: {  	[tilespmem:s28], [sflag:$0x1] =	stream.linear.gather [hbm4b:s26+s3], $0x80, $0x38;
	[tilespmem:$0x4200] =	vst v63  }
0x69: {  	s29 =	sadd.s32 $0x20, s25;
	s30 =	sadd.s32 $0x110, s24  }
0x6a: {  	[tilespmem:s30], [sflag:$0x1] =	stream.linear.gather [hbm4b:s29+s3], $0x80, $0x38;
	[tilespmem:$0x4200] =	vst v63  }
0x6b: {  	s29 =	sadd.s32 $0x30, s25;
	s30 =	sadd.s32 $0x198, s24  }
0x6c: {  	[tilespmem:s30], [sflag:$0x1] =	stream.linear.gather [hbm4b:s29+s3], $0x80, $0x38;
	[tilespmem:$0x4200] =	vst v63  }
0x6d: {  	s29 =	sadd.s32 $0x40, s25;
	s30 =	sadd.s32 $0x220, s24  }
0x6e: {  	[tilespmem:s30], [sflag:$0x1] =	stream.linear.gather [hbm4b:s29+s3], $0x80, $0x38;
	[tilespmem:$0x4200] =	vst v63  }
0x6f: {  	s29 =	sadd.s32 $0x50, s25;
	s30 =	sadd.s32 $0x2A8, s24  }
0x70: {  	[tilespmem:s30], [sflag:$0x1] =	stream.linear.gather [hbm4b:s29+s3], $0x80, $0x38;
	[tilespmem:$0x4200] =	vst v63  }
0x71: {  	s29 =	sadd.s32 $0x60, s25;
	s30 =	sadd.s32 $0x330, s24  }
0x72: {  	[tilespmem:s30], [sflag:$0x1] =	stream.linear.gather [hbm4b:s29+s3], $0x80, $0x38;
	[tilespmem:$0x4200] =	vst v63  }
0x73: {  	s29 =	sadd.s32 $0x70, s25;
	s30 =	sadd.s32 $0x3B8, s24  }
0x74: {  	[tilespmem:s30], [sflag:$0x1] =	stream.linear.gather [hbm4b:s29+s3], $0x80, $0x38;
	[tilespmem:$0x4200] =	vst v63  }
0x75: {  	s28 =	sadd.s32 $0xFC000, s25;
	s29 =	sadd.s32 $0x440, s24  }
0x76: {  	[tilespmem:s29], [sflag:$0x1] =	stream.linear.gather [hbm4b:s28+s3], $0x80, $0x38;
	[tilespmem:$0x4200] =	vst v63  }
0x77: {  	s30 =	sadd.s32 $0x10, s28;
	s29 =	sadd.s32 $0x4C8, s24  }
0x78: {  	[tilespmem:s29], [sflag:$0x1] =	stream.linear.gather [hbm4b:s30+s3], $0x80, $0x38;
	[tilespmem:$0x4200] =	vst v63  }
0x79: {  	s26 =	sadd.s32 $0x20, s28;
	s30 =	sadd.s32 $0x550, s24  }
0x7a: {  	[tilespmem:s30], [sflag:$0x1] =	stream.linear.gather [hbm4b:s26+s3], $0x80, $0x38;
	[tilespmem:$0x4200] =	vst v63  }
0x7b: {  	s26 =	sadd.s32 $0x30, s28;
	s30 =	sadd.s32 $0x5D8, s24  }
0x7c: {  	[tilespmem:s30], [sflag:$0x1] =	stream.linear.gather [hbm4b:s26+s3], $0x80, $0x38;
	[tilespmem:$0x4200] =	vst v63  }
0x7d: {  	s26 =	sadd.s32 $0x40, s28;
	s30 =	sadd.s32 $0x660, s24  }
0x7e: {  	[tilespmem:s30], [sflag:$0x1] =	stream.linear.gather [hbm4b:s26+s3], $0x80, $0x38;
	[tilespmem:$0x4200] =	vst v63  }
0x7f: {  	s26 =	sadd.s32 $0x50, s28;
	s30 =	sadd.s32 $0x6E8, s24  }
0x80: {  	[tilespmem:s30], [sflag:$0x1] =	stream.linear.gather [hbm4b:s26+s3], $0x80, $0x38;
	[tilespmem:$0x4200] =	vst v63  }
0x81: {  	s26 =	sadd.s32 $0x60, s28;
	s30 =	sadd.s32 $0x770, s24  }
0x82: {  	[tilespmem:s30], [sflag:$0x1] =	stream.linear.gather [hbm4b:s26+s3], $0x80, $0x38;
	[tilespmem:$0x4200] =	vst v63  }
0x83: {  	s29 =	sadd.s32 $0x70, s28;
	s30 =	sadd.s32 $0x7F8, s24  }
0x84: {  	[tilespmem:s30], [sflag:$0x1] =	stream.linear.gather [hbm4b:s29+s3], $0x80, $0x38;
	[tilespmem:$0x4200] =	vst v63  }
0x85: {  	s28 =	sadd.s32 $0x1F8000, s25;
	s29 =	sadd.s32 $0x880, s24  }
0x86: {  	[tilespmem:s29], [sflag:$0x1] =	stream.linear.gather [hbm4b:s28+s3], $0x80, $0x38;
	[tilespmem:$0x4200] =	vst v63  }
0x87: {  	s26 =	sadd.s32 $0x10, s28;
	s30 =	sadd.s32 $0x908, s24  }
0x88: {  	[tilespmem:s30], [sflag:$0x1] =	stream.linear.gather [hbm4b:s26+s3], $0x80, $0x38;
	[tilespmem:$0x4200] =	vst v63  }
0x89: {  	s26 =	sadd.s32 $0x20, s28;
	s30 =	sadd.s32 $0x990, s24  }
0x8a: {  	[tilespmem:s30], [sflag:$0x1] =	stream.linear.gather [hbm4b:s26+s3], $0x80, $0x38;
	[tilespmem:$0x4200] =	vst v63  }
0x8b: {  	s26 =	sadd.s32 $0x30, s28;
	s30 =	sadd.s32 $0xA18, s24  }
0x8c: {  	[tilespmem:s30], [sflag:$0x1] =	stream.linear.gather [hbm4b:s26+s3], $0x80, $0x38;
	[tilespmem:$0x4200] =	vst v63  }
0x8d: {  	s26 =	sadd.s32 $0x40, s28;
	s30 =	sadd.s32 $0xAA0, s24  }
0x8e: {  	[tilespmem:s30], [sflag:$0x1] =	stream.linear.gather [hbm4b:s26+s3], $0x80, $0x38;
	[tilespmem:$0x4200] =	vst v63  }
0x8f: {  	s26 =	sadd.s32 $0x50, s28;
	s30 =	sadd.s32 $0xB28, s24  }
0x90: {  	[tilespmem:s30], [sflag:$0x1] =	stream.linear.gather [hbm4b:s26+s3], $0x80, $0x38;
	[tilespmem:$0x4200] =	vst v63  }
0x91: {  	s26 =	sadd.s32 $0x60, s28;
	s30 =	sadd.s32 $0xBB0, s24  }
0x92: {  	[tilespmem:s30], [sflag:$0x1] =	stream.linear.gather [hbm4b:s26+s3], $0x80, $0x38;
	[tilespmem:$0x4200] =	vst v63  }
0x93: {  	s29 =	sadd.s32 $0x70, s28;
	s30 =	sadd.s32 $0xC38, s24  }
0x94: {  	[tilespmem:s30], [sflag:$0x1] =	stream.linear.gather [hbm4b:s29+s3], $0x80, $0x38;
	[tilespmem:$0x4200] =	vst v63  }
0x95: {  	s25 =	sadd.s32 $0x2F4000, s25;
	s28 =	sadd.s32 $0xCC0, s24  }
0x96: {  	[tilespmem:s28], [sflag:$0x1] =	stream.linear.gather [hbm4b:s25+s3], $0x80, $0x38;
	[tilespmem:$0x4200] =	vst v63  }
0x97: {  	s29 =	sadd.s32 $0x10, s25;
	s30 =	sadd.s32 $0xD48, s24  }
0x98: {  	[tilespmem:s30], [sflag:$0x1] =	stream.linear.gather [hbm4b:s29+s3], $0x80, $0x38;
	[tilespmem:$0x4200] =	vst v63  }
0x99: {  	s29 =	sadd.s32 $0x20, s25;
	s30 =	sadd.s32 $0xDD0, s24  }
0x9a: {  	[tilespmem:s30], [sflag:$0x1] =	stream.linear.gather [hbm4b:s29+s3], $0x80, $0x38;
	[tilespmem:$0x4200] =	vst v63  }
0x9b: {  	s29 =	sadd.s32 $0x30, s25;
	s30 =	sadd.s32 $0xE58, s24  }
0x9c: {  	[tilespmem:s30], [sflag:$0x1] =	stream.linear.gather [hbm4b:s29+s3], $0x80, $0x38;
	[tilespmem:$0x4200] =	vst v63  }
0x9d: {  	s29 =	sadd.s32 $0x40, s25;
	s30 =	sadd.s32 $0xEE0, s24  }
0x9e: {  	[tilespmem:s30], [sflag:$0x1] =	stream.linear.gather [hbm4b:s29+s3], $0x80, $0x38;
	[tilespmem:$0x4200] =	vst v63  }
0x9f: {  	s29 =	sadd.s32 $0x50, s25;
	s30 =	sadd.s32 $0xF68, s24  }
0xa0: {  	[tilespmem:s30], [sflag:$0x1] =	stream.linear.gather [hbm4b:s29+s3], $0x80, $0x38;
	[tilespmem:$0x4200] =	vst v63  }
0xa1: {  	s29 =	sadd.s32 $0x60, s25;
	s30 =	sadd.s32 $0xFF0, s24  }
0xa2: {  	[tilespmem:s30], [sflag:$0x1] =	stream.linear.gather [hbm4b:s29+s3], $0x80, $0x38;
	[tilespmem:$0x4200] =	vst v63  }
0xa3: {  	s25 =	sadd.s32 $0x70, s25;
	s24 =	sadd.s32 $0x1078, s24  }
0xa4: {  	[tilespmem:s24], [sflag:$0x1] =	stream.linear.gather [hbm4b:s25+s3], $0x80, $0x38;
	[tilespmem:$0x4200] =	vst v63  }
.LBB2_4:
0xa5: {  	_ =	swait.ge [sflag:s19], $0x400  }
0xa6: {  	[sflag:s19] =	ssyncset.done $0x0  }
0xa7: {  	[sflag:s19] =	ssyncadd.s32 $0xFFFFFC00  }
0xa8: {  	_ =	swait.ge [sflag:s19], $0x400  }
0xa9: {  	[sflag:s19] =	ssyncset.done $0x0  }
0xaa: {  	[sflag:s19] =	ssyncadd.s32 $0xFFFFFC00  }
0xab: {  	_ =	swait.ge [sflag:s19], $0x400  }
0xac: {  	[sflag:s19] =	ssyncset.done $0x0  }
0xad: {  	[sflag:s19] =	ssyncadd.s32 $0xFFFFFC00  }
0xae: {  	p1 =	slt.u32 s21, $0x2;
	_ =	swait.ge [sflag:s19], $0x400  }
0xaf: {  	s24 =	simm.s32 $0x1;
	s26 =	smul.u32 $0x4400, s23;
	[sflag:s19] =	ssyncset.done $0x0  }
0xb0: {  	s25 =	simm.s32 @!p1 $0x2;
	s24 =	simm.s32 @!p0 $0x0;
	[sflag:s19] =	ssyncadd.s32 $0xFFFFFC00  }
0xb1: {  	s30 =	sshll.u32 s23, $0xC;
	s24 =	sshll.u32 s24, $0xC;
	_ =	swait.ge @!p1 [sflag:s25], $0x1000  }
0xb2: {  	s23 =	sor.u32 $0x2200, s30;
	s24 =	sor.u32 $0x2300, s24;
	[sflag:s25] =	ssyncset.done @!p1 $0x0  }
0xb3: {  	[sflag:s25] =	ssyncadd.s32 @!p1 $0xFFFFF000;
	s25 =	sshrl.u32 s26, $0x2;
	s26 =	simm.s32 $0xF  }
.LBB2_5:
0xb4: {  	s28 =	sadd.s32 $0xFFFFFFF1, s26  }
0xb5: {  	s29 =	sadd.s32 $0xFFFFFFF3, s26;
	v17 =	vmov s28  }
0xb6: {  	s30 =	sadd.s32 $0xFFFFFFF4, s26;
	v19 =	vmov s29;
	v17 =	vshrl.u32 v17, $0x3  }
0xb7: {  	v20 =	vmov s30;
	v19 =	vshrl.u32 v19, $0x3;
	v17 =	vshll.u32 v17, v1  }
0xb8: {  	v20 =	vshrl.u32 v20, $0x3;
	v19 =	vshll.u32 v19, v1;
	v17 =	vbroadcast v17, $0x0  }
0xb9: {  	s28 =	sadd.s32 $0xFFFFFFF2, s26;
	v20 =	vshll.u32 v20, v1;
	v19 =	vbroadcast v19, $0x0  }
0xba: {  	s29 =	sadd.s32 $0xFFFFFFF5, s26;
	s30 =	sadd.s32 $0xFFFFFFF6, s26;
	v18 =	vmov s28;
	v20 =	vbroadcast v20, $0x0;
	v21 =	vadd.s32 v0, v17  }
0xbb: {  	v22 =	vmov s29;
	v26 =	vmov s30;
	v24 =	vadd.s32 v3, v19  }
0xbc: {  	v18 =	vshrl.u32 v18, $0x3;
	v22 =	vshrl.u32 v22, $0x3;
	v25 =	vadd.s32 v4, v20  }
0xbd: {  	v26 =	vshrl.u32 v26, $0x3;
	v18 =	vshll.u32 v18, v1;
	v17 =	vadd.s32 v9, v17  }
0xbe: {  	v22 =	vshll.u32 v22, v1;
	v18 =	vbroadcast v18, $0x0;
	v19 =	vadd.s32 v11, v19  }
0xbf: {  	v26 =	vshll.u32 v26, v1;
	v22 =	vbroadcast v22, $0x0;
	v20 =	vadd.s32 v12, v20;
	v21 =	vld.idx.msk [tilespmem:v21+s25+$0x0], $0xffff  }
0xc0: {  	s29 =	sadd.s32 $0xFFFFFFF7, s26;
	v26 =	vbroadcast v26, $0x0;
	v23 =	vadd.s32 v2, v18;
	v24 =	vld.idx.msk [tilespmem:v24+s25+$0x0], $0xffff  }
0xc1: {  	s30 =	sadd.s32 $0xFFFFFFF8, s26;
	v27 =	vmov s29;
	v29 =	vadd.s32 v5, v22;
	v25 =	vld.idx.msk [tilespmem:v25+s25+$0x0], $0xffff  }
0xc2: {  	v28 =	vmov s30;
	v27 =	vshrl.u32 v27, $0x3;
	v30 =	vadd.s32 v6, v26;
	v17 =	vld.idx.msk [tilespmem:v17+s25+$0x0], $0xffff  }
0xc3: {  	v28 =	vshrl.u32 v28, $0x3;
	v27 =	vshll.u32 v27, v1;
	v18 =	vadd.s32 v10, v18;
	v19 =	vld.idx.msk [tilespmem:v19+s25+$0x0], $0xffff  }
0xc4: {  	v28 =	vshll.u32 v28, v1;
	v27 =	vbroadcast v27, $0x0;
	v22 =	vadd.s32 v13, v22;
	v20 =	vld.idx.msk [tilespmem:v20+s25+$0x0], $0xffff  }
0xc5: {  	v28 =	vbroadcast v28, $0x0;
	v26 =	vadd.s32 v14, v26;
	v23 =	vld.idx.msk [tilespmem:v23+s25+$0x0], $0xffff  }
0xc6: {  	v31 =	vadd.s32 v7, v27;
	v29 =	vld.idx.msk [tilespmem:v29+s25+$0x0], $0xffff  }
0xc7: {  	v32 =	vadd.s32 v8, v28;
	v30 =	vld.idx.msk [tilespmem:v30+s25+$0x0], $0xffff  }
0xc8: {  	v27 =	vadd.s32 v15, v27;
	v18 =	vld.idx.msk [tilespmem:v18+s25+$0x0], $0xffff  }
0xc9: {  	v28 =	vadd.s32 v16, v28;
	v22 =	vld.idx.msk [tilespmem:v22+s25+$0x0], $0xffff  }
0xca: {  	v26 =	vld.idx.msk [tilespmem:v26+s25+$0x0], $0xffff  }
0xcb: {  	v31 =	vld.idx.msk [tilespmem:v31+s25+$0x0], $0xffff  }
0xcc: {  	v32 =	vld.idx.msk [tilespmem:v32+s25+$0x0], $0xffff  }
0xcd: {  	v27 =	vld.idx.msk [tilespmem:v27+s25+$0x0], $0xffff  }
0xce: {  	v28 =	vld.idx.msk [tilespmem:v28+s25+$0x0], $0xffff;
	[tilespmem:s24+$0xFFFFFF00] =	vst v21  }
0xcf: {  	[tilespmem:s24+$0xFFFFFF10] =	vst v17  }
0xd0: {  	[tilespmem:s24+$0xFFFFFF40] =	vst v24  }
0xd1: {  	[tilespmem:s24+$0xFFFFFF50] =	vst v19  }
0xd2: {  	[tilespmem:s24+$0xFFFFFF60] =	vst v25  }
0xd3: {  	s30 =	sadd.s32 $0xFFFFFFF9, s26;
	[tilespmem:s24+$0xFFFFFF70] =	vst v20  }
0xd4: {  	s29 =	sadd.s32 $0xFFFFFFFB, s26;
	v17 =	vmov s30;
	[tilespmem:s24+$0xFFFFFF20] =	vst v23  }
0xd5: {  	v19 =	vmov s29;
	[tilespmem:s24+$0xFFFFFF30] =	vst v18;
	v17 =	vshrl.u32 v17, $0x3  }
0xd6: {  	v59 =	vmov s26;
	v19 =	vshrl.u32 v19, $0x3;
	[tilespmem:s24+$0xFFFFFF80] =	vst v29;
	v17 =	vshll.u32 v17, v1  }
0xd7: {  	[tilespmem:s24+$0xFFFFFF90] =	vst v22;
	v29 =	vshrl.u32 v59, $0x3;
	v19 =	vshll.u32 v19, v1;
	v17 =	vbroadcast v17, $0x0  }
0xd8: {  	s28 =	sadd.s32 $0xFFFFFFFA, s26;
	[tilespmem:s24+$0xFFFFFFA0] =	vst v30;
	v29 =	vshll.u32 v29, v1;
	v19 =	vbroadcast v19, $0x0  }
0xd9: {  	s30 =	sadd.s32 $0xFFFFFFFC, s26;
	s29 =	sadd.s32 $0xFFFFFFFD, s26;
	v18 =	vmov s28;
	[tilespmem:s24+$0xFFFFFFB0] =	vst v26;
	v29 =	vbroadcast v29, $0x0;
	v51 =	vadd.s32 v0, v17  }
0xda: {  	v49 =	vmov s30;
	v52 =	vmov s29;
	[tilespmem:s24+$0xFFFFFFC0] =	vst v31;
	v54 =	vadd.s32 v3, v19  }
0xdb: {  	v18 =	vshrl.u32 v18, $0x3;
	v50 =	vshrl.u32 v49, $0x3;
	[tilespmem:s24+$0xFFFFFFD0] =	vst v27;
	v63 =	vadd.s32 v8, v29  }
0xdc: {  	v22 =	vshrl.u32 v52, $0x3;
	[tilespmem:s24+$0xFFFFFFE0] =	vst v32;
	v18 =	vshll.u32 v18, v1;
	v17 =	vadd.s32 v9, v17  }
0xdd: {  	[tilespmem:s24+$0xFFFFFFF0] =	vst v28;
	v20 =	vshll.u32 v50, v1;
	v18 =	vbroadcast v18, $0x0;
	v19 =	vadd.s32 v11, v19  }
0xde: {  	v22 =	vshll.u32 v22, v1;
	v20 =	vbroadcast v20, $0x0;
	v29 =	vadd.s32 v16, v29;
	v21 =	vld.idx.msk [tilespmem:v51+s25+$0x0], $0xffff  }
0xdf: {  	s28 =	sadd.s32 $0xFFFFFFFE, s26;
	v22 =	vbroadcast v22, $0x0;
	v53 =	vadd.s32 v2, v18;
	v24 =	vld.idx.msk [tilespmem:v54+s25+$0x0], $0xffff  }
0xe0: {  	s30 =	sadd.s32 $0xFFFFFFFF, s26;
	v56 =	vmov s28;
	v55 =	vadd.s32 v4, v20;
	v32 =	vld.idx.msk [tilespmem:v63+s25+$0x0], $0xffff  }
0xe1: {  	v57 =	vmov s30;
	v26 =	vshrl.u32 v56, $0x3;
	v60 =	vadd.s32 v5, v22;
	v17 =	vld.idx.msk [tilespmem:v17+s25+$0x0], $0xffff  }
0xe2: {  	v58 =	vshrl.u32 v57, $0x3;
	v26 =	vshll.u32 v26, v1;
	v18 =	vadd.s32 v10, v18;
	v19 =	vld.idx.msk [tilespmem:v19+s25+$0x0], $0xffff  }
0xe3: {  	v27 =	vshll.u32 v58, v1;
	v26 =	vbroadcast v26, $0x0;
	v20 =	vadd.s32 v12, v20;
	v29 =	vld.idx.msk [tilespmem:v29+s25+$0x0], $0xffff  }
0xe4: {  	v27 =	vbroadcast v27, $0x0;
	v22 =	vadd.s32 v13, v22;
	v23 =	vld.idx.msk [tilespmem:v53+s25+$0x0], $0xffff  }
0xe5: {  	v61 =	vadd.s32 v6, v26;
	v25 =	vld.idx.msk [tilespmem:v55+s25+$0x0], $0xffff  }
0xe6: {  	v62 =	vadd.s32 v7, v27;
	v28 =	vld.idx.msk [tilespmem:v60+s25+$0x0], $0xffff  }
0xe7: {  	v26 =	vadd.s32 v14, v26;
	v18 =	vld.idx.msk [tilespmem:v18+s25+$0x0], $0xffff  }
0xe8: {  	v27 =	vadd.s32 v15, v27;
	v20 =	vld.idx.msk [tilespmem:v20+s25+$0x0], $0xffff  }
0xe9: {  	v22 =	vld.idx.msk [tilespmem:v22+s25+$0x0], $0xffff  }
0xea: {  	v30 =	vld.idx.msk [tilespmem:v61+s25+$0x0], $0xffff  }
0xeb: {  	v31 =	vld.idx.msk [tilespmem:v62+s25+$0x0], $0xffff  }
0xec: {  	v26 =	vld.idx.msk [tilespmem:v26+s25+$0x0], $0xffff  }
0xed: {  	v27 =	vld.idx.msk [tilespmem:v27+s25+$0x0], $0xffff;
	[tilespmem:s24+$0x0] =	vst v21  }
0xee: {  	[tilespmem:s24+$0x10] =	vst v17  }
0xef: {  	[tilespmem:s24+$0x40] =	vst v24  }
0xf0: {  	[tilespmem:s24+$0x50] =	vst v19  }
0xf1: {  	[tilespmem:s24+$0xE0] =	vst v32  }
0xf2: {  	[tilespmem:s24+$0xF0] =	vst v29  }
0xf3: {  	[tilespmem:s24+$0x20] =	vst v23  }
0xf4: {  	[tilespmem:s24+$0x30] =	vst v18  }
0xf5: {  	[tilespmem:s24+$0x60] =	vst v25  }
0xf6: {  	[tilespmem:s24+$0x70] =	vst v20  }
0xf7: {  	p1 =	sne.s32 s26, $0x7F;
	[tilespmem:s24+$0x80] =	vst v28  }
.Ltmp1:
0xf8: {  	[tilespmem:s24+$0x90] =	vst v22;
	(pc) =	sbr.rel @p1 .LBB2_5-.Ltmp1, $4  }
0xf9: {  	[tilespmem:s24+$0xA0] =	vst v30  }
0xfa: {  	[tilespmem:s24+$0xB0] =	vst v26  }
0xfb: {  	[tilespmem:s24+$0xC0] =	vst v31  }
0xfc: {  	s26 =	sadd.s32 $0x10, s26;
	[tilespmem:s24+$0xD0] =	vst v27;
	s24 =	sadd.s32 $0x200, s24  }
0xfd: {  	s21 =	sshll.u32 s21, $0x11;
	p1 =	sne.s32 s22, s6  }
.Ltmp2:
0xfe: {  	s21 =	sor.u32 s11, s21;
	(pc) =	sbr.rel @p1 .LBB2_2-.Ltmp2, $4  }
0xff: {  	s21 =	sshrl.u32 s21, $0x3  }
0x100: {  	s24 =	simm.s32 $0x0;
	s21 =	sadd.s32 s1, s21  }
0x101: {  	[hbm4b:s21+s24] =	stream.linear.scatter [tilespmem:s23], [sflag:$0x2], $0x1000, $0x38;
	[tilespmem:$0x4200] =	vst v63  }
0x102: {  	p0 =	por !p0, !p0;
	s21 =	smov.u32 s22  }
0x103: {  	p1 =	sne.s32 s6, $0x1  }
.Ltmp3:
0x104: {  	_ = 	snop;
	(pc) =	sbr.rel @!p1 .LBB2_9-.Ltmp3, $4  }
0x105: {  	p0 =	sgt.u32 s12, $0x0  }
0x106: {  	s22 =	simm.s32 @!p0 $0x2  }
0x107: {  	_ =	swait.ge @!p0 [sflag:s22], $0x1000  }
0x108: {  	s21 =	simm.s32 $0x1;
	[sflag:s22] =	ssyncset.done @!p0 $0x0  }
.LBB2_8:
0x109: {  	[sflag:s22] =	ssyncadd.s32 @!p0 $0xFFFFF000;
	s22 =	smov.u32 s21;
	s21 =	sadd.s32 $0x1, s21  }
0x10a: {  	p1 =	sne.s32 s6, s21  }
.Ltmp4:
0x10b: {  	(pc) =	sbr.rel @p1 .LBB2_8-.Ltmp4, $4  }
0x10c: {  	p0 =	slt.u32 s22, s12  }
0x10d: {  	s22 =	simm.s32 @!p0 $0x2  }
0x10e: {  	_ =	swait.ge @!p0 [sflag:s22], $0x1000  }
0x10f: {  	[sflag:s22] =	ssyncset.done @!p0 $0x0  }
.LBB2_9:
0x110: {  	s20 =	sadd.s32 $0x1, s20;
	s21 =	rddreg [dreg:$0x11]  }
0x111: {  	p1 =	sne.s32 s20, s21  }
.Ltmp5:
0x112: {  	_ = 	snop;
	(pc) =	sbr.rel @p1 .LBB2_1-.Ltmp5, $2  }
0x113: {  	_ =	sdelay $0x2  }
0x114: {  	[sflag:s22] =	ssyncadd.s32 @!p0 $0xFFFFF000  }
0x115: {  	_ =	sfence.sel $0x180000  }
0x116: {  	[bflag:$0x0] =	sbarrier.arrive $0xFFFF  }
0x117: {  	_ =	strace $0x90000047  }
0x118: {  	s0 =	stileid.u32;
	[bflag:$0x2] =	sbarrier.arrive $0xFFFF  }
0x119: {  	p0 =	sne.s32 s0, $0x0;
	s0 =	rddreg [dreg:$0x2]  }
0x11a: {  	s0 =	sadd.s32 @!p0 $0x100000, s0  }
0x11b: {  	[sflag:s0] =	ssyncadd.tile.s32 @!p0 $0x1;
	_ =	shalt  }
.Lfunc_end2:
_tile_overlayer_lowered:
.L_overlay_start_2:
0x11c: {  	(tag) =	ssettag $0x2  }
0x11d: {  	s0 =	rddreg [dreg:$0x0];
	s2 =	stileid.u32  }
0x11e: {  	s1 =	rddreg [dreg:$0x1];
	p0 =	sne.s32 s2, $0x0  }
0x11f: {  	s3 =	rddreg [dreg:$0x2];
	[bflag:$0x3] =	sbarrier.arrive $0xFFFF;
	s2 =	simm.s32 @!p0 $0x1C03  }
0x120: {  	[timem:s3], [sflag:s2] =	dma.local @!p0 [hbm:s0], s1  }
0x121: {  	s0 =	simm.s32 @!p0 $0x3  }
0x122: {  	_ =	swait.ge @!p0 [sflag:s0], s1  }
0x123: {  	s1 =	ssub.s32 @!p0 $0x0, s1;
	[sflag:s0] =	ssyncset.done @!p0 $0x0  }
0x124: {  	[sflag:s0] =	ssyncadd.s32 @!p0 s1  }
0x125: {  	[bflag:$0x3] =	sbarrier.arrive $0xFFFF  }
0x126: {  	_ =	shalt  }

</sc_bundles>
